<compile_context>
chip_gen: v7x
topology: tpu7x:2x2x1
jax: 0.10.2.dev20260603
libtpu: 0.0.44.dev20260713+nightly
codegen_flags: <defaults>
</compile_context>

<pallas_src>
import numpy as np

import jax
import jax.numpy as jnp
from jax import lax
from jax.experimental import pallas as pl
from jax.experimental.pallas import tpu as pltpu
from jax.experimental.pallas import tpu_sc as plsc

_N = 10000
_E = 320000
_D = 128
_G = 256
_NF = 9
_BN_EPS = 1e-5

_NPAD = 10240
_NCHUNK = _NPAD // 128
_NC, _NS = 2, 16
_NW = _NC * _NS
_EPW = _NPAD
_ECH = _EPW // 128
_EPAD = _NW * _EPW
_BLK = 512
_GRID = _NPAD // _BLK
_GP = 264
_STRIPE = _NPAD // _NS

_f32 = jnp.float32


def _sc_mesh():
    return plsc.VectorSubcoreMesh(core_axis_name="c", subcore_axis_name="s")



_DW = 128


def _deg_body(row3, onesc, zcol, out, rowv, onesv, deg_sh, dsem):
    cid = lax.axis_index("c")
    sid = lax.axis_index("s")
    wid = cid * _NS + sid
    for k in range(_STRIPE // 128):
        pltpu.async_copy(zcol, deg_sh.at[pl.ds(sid * _STRIPE + k * 128, 128)],
                         dsem)
    pltpu.sync_copy(onesc, onesv)
    pltpu.sync_copy(row3.at[wid], rowv)
    for k in range(_STRIPE // 128):
        pltpu.make_async_copy(zcol, deg_sh.at[pl.ds(0, 128)], dsem).wait()
    plsc.subcore_barrier()

    def body(j, _):
        pltpu.async_copy(onesv, deg_sh.at[rowv.at[j]], dsem, add=True)
        return ()

    lax.fori_loop(0, _ECH, body, ())

    def drain(j, _):
        pltpu.make_async_copy(onesv, deg_sh.at[pl.ds(0, 128)], dsem).wait()
        return ()

    lax.fori_loop(0, _ECH, drain, ())
    plsc.subcore_barrier()

    @pl.when(sid == 0)
    def _():
        pltpu.sync_copy(deg_sh, out.at[cid])


_s_deg = pl.kernel(
    _deg_body,
    out_type=jax.ShapeDtypeStruct((_NC, _NPAD, _DW), _f32),
    mesh=_sc_mesh(),
    scratch_types=[
        pltpu.VMEM((_ECH, 128), jnp.int32),
        pltpu.VMEM((128, _DW), _f32),
        pltpu.VMEM_SHARED((_NPAD, _DW), _f32),
        pltpu.SemaphoreType.DMA,
    ],
)


_W = 40
_RW = _ECH // _W



def _edge_body(g, row3, col3, z128, out,
               rw, cw, b0, b1, aggr_sh,
               g0, g1, s0, s1):
    cid = lax.axis_index("c")
    sid = lax.axis_index("s")
    wid = cid * _NS + sid
    bufs = [b0, b1]
    gsem = [g0, g1]
    ssem = [s0, s1]
    for k in range(_STRIPE // 128):
        pltpu.async_copy(z128, aggr_sh.at[pl.ds(sid * _STRIPE + k * 128, 128)],
                         g0)
    for k in range(_STRIPE // 128):
        pltpu.make_async_copy(z128, aggr_sh.at[pl.ds(0, 128)], g0).wait()
    plsc.subcore_barrier()

    for r in range(_RW):
        pltpu.sync_copy(row3.at[wid, pl.ds(r * _W, _W)], rw)
        pltpu.sync_copy(col3.at[wid, pl.ds(r * _W, _W)], cw)
        pltpu.async_copy(g.at[rw.at[0]], b0, g0)
        pltpu.async_copy(g.at[rw.at[1]], b1, g1)

        def pair(t, _):
            for b in (0, 1):
                k = 2 * t + b
                pltpu.make_async_copy(g.at[pl.ds(0, 128)], bufs[b],
                                      gsem[b]).wait()
                pltpu.async_copy(bufs[b], aggr_sh.at[cw.at[k]], ssem[b],
                                 add=True)
                pltpu.make_async_copy(bufs[b], aggr_sh.at[pl.ds(0, 128)],
                                      ssem[b]).wait()

                @pl.when(k + 2 < _W)
                def _():
                    pltpu.async_copy(g.at[rw.at[k + 2]], bufs[b], gsem[b])

            return ()

        lax.fori_loop(0, _W // 2, pair, ())

    plsc.subcore_barrier()
    for k in range(_STRIPE // 128):
        sl = pl.ds(sid * _STRIPE + k * 128, 128)
        pltpu.async_copy(aggr_sh.at[sl], out.at[cid, sl, :], g0)
    for k in range(_STRIPE // 128):
        pltpu.make_async_copy(aggr_sh.at[pl.ds(0, 128)],
                              out.at[cid, pl.ds(0, 128), :], g0).wait()


_s_edge = pl.kernel(
    _edge_body,
    out_type=jax.ShapeDtypeStruct((_NC, _NPAD, _D), _f32),
    mesh=_sc_mesh(),
    scratch_types=[
        pltpu.VMEM((_W, 128), jnp.int32),
        pltpu.VMEM((_W, 128), jnp.int32),
        pltpu.VMEM((128, _D), _f32),
        pltpu.VMEM((128, _D), _f32),
        pltpu.VMEM_SHARED((_NPAD, _D), _f32),
        pltpu.SemaphoreType.DMA,
        pltpu.SemaphoreType.DMA,
        pltpu.SemaphoreType.DMA,
        pltpu.SemaphoreType.DMA,
    ],
)


def _pool_body(h3, batch3, z128, zcol, onesc, outp, outc,
               bv, rbuf, onesv, pool_sh, cnt_sh):
    cid = lax.axis_index("c")
    sid = lax.axis_index("s")
    wid = cid * _NS + sid

    @pl.when(sid == 0)
    def _():
        pltpu.sync_copy(z128, pool_sh.at[pl.ds(0, 128)])
        pltpu.sync_copy(z128, pool_sh.at[pl.ds(128, 128)])
        pltpu.sync_copy(z128.at[pl.ds(0, 8), :], pool_sh.at[pl.ds(256, 8)])

    @pl.when(sid == 1)
    def _():
        pltpu.sync_copy(zcol, cnt_sh.at[pl.ds(0, 128)])
        pltpu.sync_copy(zcol, cnt_sh.at[pl.ds(128, 128)])
        pltpu.sync_copy(zcol.at[pl.ds(0, 8), :], cnt_sh.at[pl.ds(256, 8)])

    pltpu.sync_copy(onesc, onesv)
    plsc.subcore_barrier()
    for k in range(3):
        c = wid + _NW * k

        @pl.when(c < _NCHUNK)
        def _():
            pltpu.sync_copy(batch3.at[c], bv.at[k])
            pltpu.sync_copy(h3.at[pl.ds(c * 128, 128), :], rbuf)
            pltpu.sync_copy(rbuf, pool_sh.at[bv.at[k]], add=True)
            pltpu.sync_copy(onesv, cnt_sh.at[bv.at[k]], add=True)

    plsc.subcore_barrier()

    @pl.when(sid == 0)
    def _():
        pltpu.sync_copy(pool_sh.at[pl.ds(0, _G)], outp.at[cid])

    @pl.when(sid == 1)
    def _():
        pltpu.sync_copy(cnt_sh.at[pl.ds(0, _G)], outc.at[cid])


_s_pool = pl.kernel(
    _pool_body,
    out_type=(
        jax.ShapeDtypeStruct((_NC, _G, _D), _f32),
        jax.ShapeDtypeStruct((_NC, _G, _DW), _f32),
    ),
    mesh=_sc_mesh(),
    scratch_types=[
        pltpu.VMEM((3, 128), jnp.int32),
        pltpu.VMEM((128, _D), _f32),
        pltpu.VMEM((128, _DW), _f32),
        pltpu.VMEM_SHARED((_GP, _D), _f32),
        pltpu.VMEM_SHARED((_GP, _DW), _f32),
    ],
)



def _t0a_body(xp, emb, W, b, hh_out):
    xb = xp[...]
    embv = emb[...]
    iot = lax.broadcasted_iota(jnp.int32, (_BLK, 128), 1)
    h0 = jnp.zeros((_BLK, _D), _f32)
    for i in range(_NF):
        oh = jnp.where(iot == xb[:, i:i + 1], 1.0, 0.0)
        h0 = h0 + lax.dot_general(oh, embv[i * 128:(i + 1) * 128],
                                  (((1,), (0,)), ((), ())),
                                  preferred_element_type=_f32)
    hh_out[...] = lax.dot_general(h0, W[...], (((1,), (1,)), ((), ())),
                                  preferred_element_type=_f32) + b[...]


_t0a = pl.pallas_call(
    _t0a_body,
    grid=(_GRID,),
    in_specs=[
        pl.BlockSpec((_BLK, 16), lambda i: (i, 0)),
        pl.BlockSpec((_NF * 128, _D), lambda i: (0, 0)),
        pl.BlockSpec((_D, _D), lambda i: (0, 0)),
        pl.BlockSpec((1, _D), lambda i: (0, 0)),
    ],
    out_specs=pl.BlockSpec((_BLK, _D), lambda i: (i, 0)),
    out_shape=jax.ShapeDtypeStruct((_NPAD, _D), _f32),
)


def _t0b_body(hhp, dp, root, g_out, self_out, deg_out, dis_out):
    degp = dp[...]
    deg = degp[0, :, 0:1] + degp[1, :, 0:1] + 1.0
    dis = lax.rsqrt(deg)
    hh = hhp[...]
    g_out[...] = dis * jnp.maximum(hh, 0.0)
    self_out[...] = jnp.maximum(hh + root[...], 0.0) / deg
    deg_out[...] = deg
    dis_out[...] = dis


_t0b = pl.pallas_call(
    _t0b_body,
    grid=(_GRID,),
    in_specs=[
        pl.BlockSpec((_BLK, _D), lambda i: (i, 0)),
        pl.BlockSpec((_NC, _BLK, _DW), lambda i: (0, i, 0)),
        pl.BlockSpec((1, _D), lambda i: (0, 0)),
    ],
    out_specs=[
        pl.BlockSpec((_BLK, _D), lambda i: (i, 0)),
        pl.BlockSpec((_BLK, _D), lambda i: (i, 0)),
        pl.BlockSpec((_BLK, 1), lambda i: (i, 0)),
        pl.BlockSpec((_BLK, 1), lambda i: (i, 0)),
    ],
    out_shape=[
        jax.ShapeDtypeStruct((_NPAD, _D), _f32),
        jax.ShapeDtypeStruct((_NPAD, _D), _f32),
        jax.ShapeDtypeStruct((_NPAD, 1), _f32),
        jax.ShapeDtypeStruct((_NPAD, 1), _f32),
    ],
)


def _tmid_body(ap, sp, dis, deg, gam, bet, W, b, root, g_out, self_out):
    a = ap[...]
    h = dis[...] * (a[0] + a[1]) + sp[...]
    h = gam[...] * h + bet[...]
    h = jnp.maximum(h, 0.0)
    hh = lax.dot_general(h, W[...], (((1,), (1,)), ((), ())),
                         preferred_element_type=_f32) + b[...]
    g_out[...] = dis[...] * jnp.maximum(hh, 0.0)
    self_out[...] = jnp.maximum(hh + root[...], 0.0) / deg[...]


_tmid = pl.pallas_call(
    _tmid_body,
    grid=(_GRID,),
    in_specs=[
        pl.BlockSpec((_NC, _BLK, _D), lambda i: (0, i, 0)),
        pl.BlockSpec((_BLK, _D), lambda i: (i, 0)),
        pl.BlockSpec((_BLK, 1), lambda i: (i, 0)),
        pl.BlockSpec((_BLK, 1), lambda i: (i, 0)),
        pl.BlockSpec((1, _D), lambda i: (0, 0)),
        pl.BlockSpec((1, _D), lambda i: (0, 0)),
        pl.BlockSpec((_D, _D), lambda i: (0, 0)),
        pl.BlockSpec((1, _D), lambda i: (0, 0)),
        pl.BlockSpec((1, _D), lambda i: (0, 0)),
    ],
    out_specs=[
        pl.BlockSpec((_BLK, _D), lambda i: (i, 0)),
        pl.BlockSpec((_BLK, _D), lambda i: (i, 0)),
    ],
    out_shape=[
        jax.ShapeDtypeStruct((_NPAD, _D), _f32),
        jax.ShapeDtypeStruct((_NPAD, _D), _f32),
    ],
)


def _t3_body(ap, sp, dis, h_out):
    a = ap[...]
    h_out[...] = dis[...] * (a[0] + a[1]) + sp[...]


_t3 = pl.pallas_call(
    _t3_body,
    grid=(_GRID,),
    in_specs=[
        pl.BlockSpec((_NC, _BLK, _D), lambda i: (0, i, 0)),
        pl.BlockSpec((_BLK, _D), lambda i: (i, 0)),
        pl.BlockSpec((_BLK, 1), lambda i: (i, 0)),
    ],
    out_specs=pl.BlockSpec((_BLK, _D), lambda i: (i, 0)),
    out_shape=jax.ShapeDtypeStruct((_NPAD, _D), _f32),
)


def _t4_body(pp, cc, W1, b1, W2, b2, o_out):
    p = pp[...]
    c = cc[...]
    cnt = jnp.maximum(c[0, :, 0:1] + c[1, :, 0:1], 1.0)
    pooled = jnp.maximum((p[0] + p[1]) / cnt, 0.0)
    o = lax.dot_general(pooled, W1[...], (((1,), (1,)), ((), ())),
                        preferred_element_type=_f32) + b1[...]
    o = jnp.maximum(o, 0.0)
    o_out[...] = lax.dot_general(o, W2[...], (((1,), (1,)), ((), ())),
                                 preferred_element_type=_f32) + b2[...]


_t4 = pl.pallas_call(
    _t4_body,
    out_shape=jax.ShapeDtypeStruct((_G, _D), _f32),
)



def kernel(x, edge_index, batch, atom_emb, lin_W, lin_b, root_emb,
           bn_gamma, bn_beta, W1, b1, W2, b2):
    xp = jnp.zeros((_NPAD, 16), jnp.int32).at[:_N, :_NF].set(x)
    emb = jnp.pad(atom_emb, ((0, 0), (0, 128 - atom_emb.shape[1]), (0, 0))
                  ).reshape(_NF * 128, _D)
    row = edge_index[0]
    col = edge_index[1]
    pad_e = _N + jnp.arange(_EPAD - _E, dtype=jnp.int32) % (_NPAD - _N)
    row3 = jnp.concatenate([row, pad_e]).reshape(_NW, _ECH, 128)
    col3 = jnp.concatenate([col, pad_e]).reshape(_NW, _ECH, 128)
    batch3 = jnp.concatenate(
        [batch, jnp.full((_NPAD - _N,), _G, jnp.int32)]).reshape(_NCHUNK, 128)
    onesc = jnp.ones((128, _DW), _f32)
    zcol = jnp.zeros((128, _DW), _f32)
    z128 = jnp.zeros((128, _D), _f32)
    bn_scale = 1.0 / np.sqrt(1.0 + _BN_EPS)

    deg_parts = _s_deg(row3, onesc, zcol)
    hh = _t0a(xp, emb, lin_W[0], lin_b[0][None])
    g, selfv, deg, dis = _t0b(hh, deg_parts, root_emb[0][None])
    for l in (0, 1):
        aggr = _s_edge(g, row3, col3, z128)
        g, selfv = _tmid(aggr, selfv, dis, deg,
                         (bn_gamma[l] * bn_scale)[None], bn_beta[l][None],
                         lin_W[l + 1], lin_b[l + 1][None],
                         root_emb[l + 1][None])
    aggr = _s_edge(g, row3, col3, z128)
    h3 = _t3(aggr, selfv, dis)
    pooled_p, cnt_p = _s_pool(h3, batch3, z128, zcol, onesc)
    return _t4(pooled_p, cnt_p, W1, b1[None], W2, b2[None])

# --- scband reference (transcript-rebuilt; emitter-appended) ---
"""Pipeline reference for scband-egnn-22574348108108 (READ-ONLY COPY).

The authoritative reference and input builder live on the scoring server;
editing this copy changes nothing except your own understanding.
"""

import jax, jax.numpy as jnp
import numpy as np

N = 10000
E = 320000
D = 128
L = 3
G = 256
T = 128
NF = 9
VOCAB = 119
BN_EPS = 1e-5


def setup_inputs(seed: int = 0) -> dict:
    key = jax.random.key(seed)
    ks = jax.random.split(key, 16)
    x = jax.random.randint(ks[0], (N, NF), 0, VOCAB, dtype=jnp.int32)
    edge_index = jax.random.randint(ks[1], (2, E), 0, N, dtype=jnp.int32)
    batch = jnp.sort(jax.random.randint(ks[2], (N,), 0, G, dtype=jnp.int32))
    atom_emb = jax.random.normal(ks[3], (NF, VOCAB, D), dtype=jnp.float32) * 0.02
    lin_W = jax.random.normal(ks[4], (L, D, D), dtype=jnp.float32) * (1.0 / np.sqrt(D))
    lin_b = jnp.zeros((L, D), dtype=jnp.float32)
    root_emb = jax.random.normal(ks[5], (L, D), dtype=jnp.float32) * 0.02
    bn_gamma = jnp.ones((L, D), dtype=jnp.float32)
    bn_beta = jnp.zeros((L, D), dtype=jnp.float32)
    W1 = jax.random.normal(ks[6], (D, D), dtype=jnp.float32) * (1.0 / np.sqrt(D))
    b1 = jnp.zeros((D,), dtype=jnp.float32)
    W2 = jax.random.normal(ks[7], (T, D), dtype=jnp.float32) * (1.0 / np.sqrt(D))
    b2 = jnp.zeros((T,), dtype=jnp.float32)
    return {"x": x, "edge_index": edge_index, "batch": batch,
            "atom_emb": atom_emb, "lin_W": lin_W, "lin_b": lin_b,
            "root_emb": root_emb, "bn_gamma": bn_gamma, "bn_beta": bn_beta,
            "W1": W1, "b1": b1, "W2": W2, "b2": b2}


def reference(x, edge_index, batch, atom_emb, lin_W, lin_b, root_emb, bn_gamma, bn_beta, W1, b1, W2, b2):
    # AtomEncoder: sum of 9 categorical feature embeddings
    h = jnp.zeros((N, D), dtype=jnp.float32)
    for i in range(NF):
        h = h + jnp.take(atom_emb[i], x[:, i], axis=0)
    row = edge_index[0]
    col = edge_index[1]
    deg = jax.ops.segment_sum(jnp.ones((E,), dtype=jnp.float32), row, num_segments=N) + 1.0
    deg_inv_sqrt = deg ** -0.5
    deg_inv_sqrt = jnp.where(jnp.isinf(deg_inv_sqrt), 0.0, deg_inv_sqrt)
    norm = deg_inv_sqrt[row] * deg_inv_sqrt[col]
    for l in range(L):
        hh = h @ lin_W[l].T + lin_b[l]
        # edge_attr is None in the original forward -> edge embedding contributes 0
        msg = norm[:, None] * jax.nn.relu(hh[row])
        aggr = jax.ops.segment_sum(msg, col, num_segments=N)
        h = aggr + jax.nn.relu(hh + root_emb[l][None, :]) / deg[:, None]
        if l < L - 1:
            # BatchNorm1d in eval mode (running_mean=0, running_var=1)
            h = bn_gamma[l] * (h / jnp.sqrt(1.0 + BN_EPS)) + bn_beta[l]
            h = jax.nn.relu(h)
            # dropout in eval mode: identity
    # global_mean_pool
    counts = jax.ops.segment_sum(jnp.ones((N,), dtype=jnp.float32), batch, num_segments=G)
    pooled = jax.ops.segment_sum(h, batch, num_segments=G) / jnp.maximum(counts, 1.0)[:, None]
    o = jax.nn.relu(pooled)
    o = o @ W1.T + b1
    o = jax.nn.relu(o)
    o = o @ W2.T + b2
    return o

if __name__ == "__main__":
    import jax
    _d = setup_inputs()
    print(jax.jit(kernel)(*tuple(_d.values())))

</pallas_src>

<mosaic_0001>
#map = affine_map<(d0, d1) -> (0, 0)>
#map1 = affine_map<(d0, d1) -> (0, 0, 0)>
module attributes {stable_mosaic.version = 14 : i64} {
  func.func @_edge_body(%arg0: i32, %arg1: i32, %arg2: memref<10240x128xf32, #tpu.memory_space<hbm>>, %arg3: memref<32x80x128xi32, #tpu.memory_space<hbm>>, %arg4: memref<32x80x128xi32, #tpu.memory_space<hbm>>, %arg5: memref<128x128xf32, #tpu.memory_space<hbm>>, %arg6: memref<2x10240x128xf32, #tpu.memory_space<hbm>>, %arg7: memref<40x128xi32, #tpu.memory_space<vmem>>, %arg8: memref<40x128xi32, #tpu.memory_space<vmem>>, %arg9: memref<128x128xf32, #tpu.memory_space<vmem>>, %arg10: memref<128x128xf32, #tpu.memory_space<vmem>>, %arg11: memref<10240x128xf32, #tpu.memory_space<vmem_shared>>, %arg12: memref<!tpu.dma_semaphore, #tpu.memory_space<semaphore_mem>>, %arg13: memref<!tpu.dma_semaphore, #tpu.memory_space<semaphore_mem>>, %arg14: memref<!tpu.dma_semaphore, #tpu.memory_space<semaphore_mem>>, %arg15: memref<!tpu.dma_semaphore, #tpu.memory_space<semaphore_mem>>) attributes {dimension_semantics = [#tpu.dimension_semantics<core_parallel>, #tpu.dimension_semantics<subcore_parallel>], iteration_bounds = array<i64: 2, 16>, scalar_prefetch = 0 : i64, scratch_operands = 9 : i64, tpu.core_type = #tpu.core_type<sc_vector_subcore>, window_params = [{transform_indices = #map}, {transform_indices = #map1}, {transform_indices = #map1}, {transform_indices = #map}, {transform_indices = #map1}]} {
    %mul3A = arith.constant 16 : i32
    %mul3A_0 = arith.muli %arg0, %mul3A : i32
    %add3A = arith.addi %mul3A_0, %arg1 : i32
    %mul3A_1 = arith.constant 640 : i32
    %mul3A_2 = arith.muli %arg1, %mul3A_1 : i32
    %add3A_3 = arith.constant 0 : i32
    %add3A_4 = arith.addi %mul3A_2, %add3A_3 : i32
    %dma_start3A = arith.constant 0 : i32
    %dma_start3A_5 = tpu.memref_slice %arg11[%add3A_4, %dma_start3A] : memref<10240x128xf32, #tpu.memory_space<vmem_shared>> -> memref<128x128xf32, #tpu.memory_space<vmem_shared>>
    tpu.enqueue_dma source(%arg5 : memref<128x128xf32, #tpu.memory_space<hbm>>) target(%dma_start3A_5 : memref<128x128xf32, #tpu.memory_space<vmem_shared>>) target_semaphore(%arg12 : memref<!tpu.dma_semaphore, #tpu.memory_space<semaphore_mem>>)
    %mul3A_6 = arith.constant 640 : i32
    %mul3A_7 = arith.muli %arg1, %mul3A_6 : i32
    %add3A_8 = arith.constant 128 : i32
    %add3A_9 = arith.addi %mul3A_7, %add3A_8 : i32
    %dma_start3A_10 = arith.constant 0 : i32
    %dma_start3A_11 = tpu.memref_slice %arg11[%add3A_9, %dma_start3A_10] : memref<10240x128xf32, #tpu.memory_space<vmem_shared>> -> memref<128x128xf32, #tpu.memory_space<vmem_shared>>
    tpu.enqueue_dma source(%arg5 : memref<128x128xf32, #tpu.memory_space<hbm>>) target(%dma_start3A_11 : memref<128x128xf32, #tpu.memory_space<vmem_shared>>) target_semaphore(%arg12 : memref<!tpu.dma_semaphore, #tpu.memory_space<semaphore_mem>>)
    %mul3A_12 = arith.constant 640 : i32
    %mul3A_13 = arith.muli %arg1, %mul3A_12 : i32
    %add3A_14 = arith.constant 256 : i32
    %add3A_15 = arith.addi %mul3A_13, %add3A_14 : i32
    %dma_start3A_16 = arith.constant 0 : i32
    %dma_start3A_17 = tpu.memref_slice %arg11[%add3A_15, %dma_start3A_16] : memref<10240x128xf32, #tpu.memory_space<vmem_shared>> -> memref<128x128xf32, #tpu.memory_space<vmem_shared>>
    tpu.enqueue_dma source(%arg5 : memref<128x128xf32, #tpu.memory_space<hbm>>) target(%dma_start3A_17 : memref<128x128xf32, #tpu.memory_space<vmem_shared>>) target_semaphore(%arg12 : memref<!tpu.dma_semaphore, #tpu.memory_space<semaphore_mem>>)
    %mul3A_18 = arith.constant 640 : i32
    %mul3A_19 = arith.muli %arg1, %mul3A_18 : i32
    %add3A_20 = arith.constant 384 : i32
    %add3A_21 = arith.addi %mul3A_19, %add3A_20 : i32
    %dma_start3A_22 = arith.constant 0 : i32
    %dma_start3A_23 = tpu.memref_slice %arg11[%add3A_21, %dma_start3A_22] : memref<10240x128xf32, #tpu.memory_space<vmem_shared>> -> memref<128x128xf32, #tpu.memory_space<vmem_shared>>
    tpu.enqueue_dma source(%arg5 : memref<128x128xf32, #tpu.memory_space<hbm>>) target(%dma_start3A_23 : memref<128x128xf32, #tpu.memory_space<vmem_shared>>) target_semaphore(%arg12 : memref<!tpu.dma_semaphore, #tpu.memory_space<semaphore_mem>>)
    %mul3A_24 = arith.constant 640 : i32
    %mul3A_25 = arith.muli %arg1, %mul3A_24 : i32
    %add3A_26 = arith.constant 512 : i32
    %add3A_27 = arith.addi %mul3A_25, %add3A_26 : i32
    %dma_start3A_28 = arith.constant 0 : i32
    %dma_start3A_29 = tpu.memref_slice %arg11[%add3A_27, %dma_start3A_28] : memref<10240x128xf32, #tpu.memory_space<vmem_shared>> -> memref<128x128xf32, #tpu.memory_space<vmem_shared>>
    tpu.enqueue_dma source(%arg5 : memref<128x128xf32, #tpu.memory_space<hbm>>) target(%dma_start3A_29 : memref<128x128xf32, #tpu.memory_space<vmem_shared>>) target_semaphore(%arg12 : memref<!tpu.dma_semaphore, #tpu.memory_space<semaphore_mem>>)
    %dma_wait3A = arith.constant 0 : i32
    %dma_wait3A_30 = arith.constant 0 : i32
    %dma_wait3A_31 = tpu.memref_slice %arg11[%dma_wait3A, %dma_wait3A_30] : memref<10240x128xf32, #tpu.memory_space<vmem_shared>> -> memref<128x128xf32, #tpu.memory_space<vmem_shared>>
    tpu.wait_dma2 semaphore(%arg12 : memref<!tpu.dma_semaphore, #tpu.memory_space<semaphore_mem>>) src(%arg5 : memref<128x128xf32, #tpu.memory_space<hbm>>) dst(%dma_wait3A_31 : memref<128x128xf32, #tpu.memory_space<vmem_shared>>)
    %dma_wait3A_32 = arith.constant 0 : i32
    %dma_wait3A_33 = arith.constant 0 : i32
    %dma_wait3A_34 = tpu.memref_slice %arg11[%dma_wait3A_32, %dma_wait3A_33] : memref<10240x128xf32, #tpu.memory_space<vmem_shared>> -> memref<128x128xf32, #tpu.memory_space<vmem_shared>>
    tpu.wait_dma2 semaphore(%arg12 : memref<!tpu.dma_semaphore, #tpu.memory_space<semaphore_mem>>) src(%arg5 : memref<128x128xf32, #tpu.memory_space<hbm>>) dst(%dma_wait3A_34 : memref<128x128xf32, #tpu.memory_space<vmem_shared>>)
    %dma_wait3A_35 = arith.constant 0 : i32
    %dma_wait3A_36 = arith.constant 0 : i32
    %dma_wait3A_37 = tpu.memref_slice %arg11[%dma_wait3A_35, %dma_wait3A_36] : memref<10240x128xf32, #tpu.memory_space<vmem_shared>> -> memref<128x128xf32, #tpu.memory_space<vmem_shared>>
    tpu.wait_dma2 semaphore(%arg12 : memref<!tpu.dma_semaphore, #tpu.memory_space<semaphore_mem>>) src(%arg5 : memref<128x128xf32, #tpu.memory_space<hbm>>) dst(%dma_wait3A_37 : memref<128x128xf32, #tpu.memory_space<vmem_shared>>)
    %dma_wait3A_38 = arith.constant 0 : i32
    %dma_wait3A_39 = arith.constant 0 : i32
    %dma_wait3A_40 = tpu.memref_slice %arg11[%dma_wait3A_38, %dma_wait3A_39] : memref<10240x128xf32, #tpu.memory_space<vmem_shared>> -> memref<128x128xf32, #tpu.memory_space<vmem_shared>>
    tpu.wait_dma2 semaphore(%arg12 : memref<!tpu.dma_semaphore, #tpu.memory_space<semaphore_mem>>) src(%arg5 : memref<128x128xf32, #tpu.memory_space<hbm>>) dst(%dma_wait3A_40 : memref<128x128xf32, #tpu.memory_space<vmem_shared>>)
    %dma_wait3A_41 = arith.constant 0 : i32
    %dma_wait3A_42 = arith.constant 0 : i32
    %dma_wait3A_43 = tpu.memref_slice %arg11[%dma_wait3A_41, %dma_wait3A_42] : memref<10240x128xf32, #tpu.memory_space<vmem_shared>> -> memref<128x128xf32, #tpu.memory_space<vmem_shared>>
    tpu.wait_dma2 semaphore(%arg12 : memref<!tpu.dma_semaphore, #tpu.memory_space<semaphore_mem>>) src(%arg5 : memref<128x128xf32, #tpu.memory_space<hbm>>) dst(%dma_wait3A_43 : memref<128x128xf32, #tpu.memory_space<vmem_shared>>)
    %barrier3A = arith.constant 0 : index
    tpu.barrier barrier_id(%barrier3A)
    "tpu.region"() ({
      %run_scoped3A = tpu.sem_alloc : memref<!tpu.dma_semaphore, #tpu.memory_space<semaphore_mem>>
      %dma_start3A_162 = arith.constant 0 : i32
      %dma_start3A_163 = arith.constant 0 : i32
      %dma_start3A_164 = tpu.memref_slice %arg3[%add3A, %dma_start3A_162, %dma_start3A_163] : memref<32x80x128xi32, #tpu.memory_space<hbm>> -> memref<1x40x128xi32, #tpu.memory_space<hbm>>
      %dma_start3A_165 = tpu.memref_squeeze %dma_start3A_164 : memref<1x40x128xi32, #tpu.memory_space<hbm>> -> memref<40x128xi32, #tpu.memory_space<hbm>>
      %dma_start3A_166 = arith.constant 0 : i32
      %dma_start3A_167 = arith.constant 0 : i32
      %dma_start3A_168 = tpu.memref_slice %arg3[%add3A, %dma_start3A_166, %dma_start3A_167] : memref<32x80x128xi32, #tpu.memory_space<hbm>> -> memref<1x40x128xi32, #tpu.memory_space<hbm>>
      %dma_start3A_169 = tpu.memref_squeeze %dma_start3A_168 : memref<1x40x128xi32, #tpu.memory_space<hbm>> -> memref<40x128xi32, #tpu.memory_space<hbm>>
      tpu.enqueue_dma source(%dma_start3A_169 : memref<40x128xi32, #tpu.memory_space<hbm>>) target(%arg7 : memref<40x128xi32, #tpu.memory_space<vmem>>) target_semaphore(%run_scoped3A : memref<!tpu.dma_semaphore, #tpu.memory_space<semaphore_mem>>)
      %dma_wait3A_170 = arith.constant 0 : i32
      %dma_wait3A_171 = arith.constant 0 : i32
      %dma_wait3A_172 = tpu.memref_slice %arg3[%add3A, %dma_wait3A_170, %dma_wait3A_171] : memref<32x80x128xi32, #tpu.memory_space<hbm>> -> memref<1x40x128xi32, #tpu.memory_space<hbm>>
      %dma_wait3A_173 = tpu.memref_squeeze %dma_wait3A_172 : memref<1x40x128xi32, #tpu.memory_space<hbm>> -> memref<40x128xi32, #tpu.memory_space<hbm>>
      %dma_wait3A_174 = arith.constant 0 : i32
      %dma_wait3A_175 = arith.constant 0 : i32
      %dma_wait3A_176 = tpu.memref_slice %arg3[%add3A, %dma_wait3A_174, %dma_wait3A_175] : memref<32x80x128xi32, #tpu.memory_space<hbm>> -> memref<1x40x128xi32, #tpu.memory_space<hbm>>
      %dma_wait3A_177 = tpu.memref_squeeze %dma_wait3A_176 : memref<1x40x128xi32, #tpu.memory_space<hbm>> -> memref<40x128xi32, #tpu.memory_space<hbm>>
      tpu.wait_dma2 semaphore(%run_scoped3A : memref<!tpu.dma_semaphore, #tpu.memory_space<semaphore_mem>>) src(%dma_wait3A_177 : memref<40x128xi32, #tpu.memory_space<hbm>>) dst(%arg7 : memref<40x128xi32, #tpu.memory_space<vmem>>)
      tpu.yield
    }) : () -> ()
    "tpu.region"() ({
      %run_scoped3A = tpu.sem_alloc : memref<!tpu.dma_semaphore, #tpu.memory_space<semaphore_mem>>
      %dma_start3A_162 = arith.constant 0 : i32
      %dma_start3A_163 = arith.constant 0 : i32
      %dma_start3A_164 = tpu.memref_slice %arg4[%add3A, %dma_start3A_162, %dma_start3A_163] : memref<32x80x128xi32, #tpu.memory_space<hbm>> -> memref<1x40x128xi32, #tpu.memory_space<hbm>>
      %dma_start3A_165 = tpu.memref_squeeze %dma_start3A_164 : memref<1x40x128xi32, #tpu.memory_space<hbm>> -> memref<40x128xi32, #tpu.memory_space<hbm>>
      %dma_start3A_166 = arith.constant 0 : i32
      %dma_start3A_167 = arith.constant 0 : i32
      %dma_start3A_168 = tpu.memref_slice %arg4[%add3A, %dma_start3A_166, %dma_start3A_167] : memref<32x80x128xi32, #tpu.memory_space<hbm>> -> memref<1x40x128xi32, #tpu.memory_space<hbm>>
      %dma_start3A_169 = tpu.memref_squeeze %dma_start3A_168 : memref<1x40x128xi32, #tpu.memory_space<hbm>> -> memref<40x128xi32, #tpu.memory_space<hbm>>
      tpu.enqueue_dma source(%dma_start3A_169 : memref<40x128xi32, #tpu.memory_space<hbm>>) target(%arg8 : memref<40x128xi32, #tpu.memory_space<vmem>>) target_semaphore(%run_scoped3A : memref<!tpu.dma_semaphore, #tpu.memory_space<semaphore_mem>>)
      %dma_wait3A_170 = arith.constant 0 : i32
      %dma_wait3A_171 = arith.constant 0 : i32
      %dma_wait3A_172 = tpu.memref_slice %arg4[%add3A, %dma_wait3A_170, %dma_wait3A_171] : memref<32x80x128xi32, #tpu.memory_space<hbm>> -> memref<1x40x128xi32, #tpu.memory_space<hbm>>
      %dma_wait3A_173 = tpu.memref_squeeze %dma_wait3A_172 : memref<1x40x128xi32, #tpu.memory_space<hbm>> -> memref<40x128xi32, #tpu.memory_space<hbm>>
      %dma_wait3A_174 = arith.constant 0 : i32
      %dma_wait3A_175 = arith.constant 0 : i32
      %dma_wait3A_176 = tpu.memref_slice %arg4[%add3A, %dma_wait3A_174, %dma_wait3A_175] : memref<32x80x128xi32, #tpu.memory_space<hbm>> -> memref<1x40x128xi32, #tpu.memory_space<hbm>>
      %dma_wait3A_177 = tpu.memref_squeeze %dma_wait3A_176 : memref<1x40x128xi32, #tpu.memory_space<hbm>> -> memref<40x128xi32, #tpu.memory_space<hbm>>
      tpu.wait_dma2 semaphore(%run_scoped3A : memref<!tpu.dma_semaphore, #tpu.memory_space<semaphore_mem>>) src(%dma_wait3A_177 : memref<40x128xi32, #tpu.memory_space<hbm>>) dst(%arg8 : memref<40x128xi32, #tpu.memory_space<vmem>>)
      tpu.yield
    }) : () -> ()
    %dma_start3A_44 = arith.constant 0 : i32
    %dma_start3A_45 = arith.constant 0 : i32
    %dma_start3A_46 = tpu.memref_slice %arg7[%dma_start3A_44, %dma_start3A_45] : memref<40x128xi32, #tpu.memory_space<vmem>> -> memref<1x128xi32, #tpu.memory_space<vmem>>
    %dma_start3A_47 = tpu.memref_squeeze %dma_start3A_46 : memref<1x128xi32, #tpu.memory_space<vmem>> -> memref<128xi32, #tpu.memory_space<vmem>>
    %dma_start3A_48 = arith.constant 0 : i32
    %dma_start3A_49 = arith.constant 0 : i32
    %dma_start3A_50 = tpu.memref_slice %arg2[%dma_start3A_48, %dma_start3A_49] : memref<10240x128xf32, #tpu.memory_space<hbm>> -> memref<10240x128xf32, #tpu.memory_space<hbm>>
    tpu.enqueue_indirect_dma source(%dma_start3A_50 : memref<10240x128xf32, #tpu.memory_space<hbm>>) target(%arg9 : memref<128x128xf32, #tpu.memory_space<vmem>>) offsets(%dma_start3A_47 : memref<128xi32, #tpu.memory_space<vmem>>) semaphore(%arg12 : memref<!tpu.dma_semaphore, #tpu.memory_space<semaphore_mem>>)
    %dma_start3A_51 = arith.constant 1 : i32
    %dma_start3A_52 = arith.constant 0 : i32
    %dma_start3A_53 = tpu.memref_slice %arg7[%dma_start3A_51, %dma_start3A_52] : memref<40x128xi32, #tpu.memory_space<vmem>> -> memref<1x128xi32, #tpu.memory_space<vmem>>
    %dma_start3A_54 = tpu.memref_squeeze %dma_start3A_53 : memref<1x128xi32, #tpu.memory_space<vmem>> -> memref<128xi32, #tpu.memory_space<vmem>>
    %dma_start3A_55 = arith.constant 0 : i32
    %dma_start3A_56 = arith.constant 0 : i32
    %dma_start3A_57 = tpu.memref_slice %arg2[%dma_start3A_55, %dma_start3A_56] : memref<10240x128xf32, #tpu.memory_space<hbm>> -> memref<10240x128xf32, #tpu.memory_space<hbm>>
    tpu.enqueue_indirect_dma source(%dma_start3A_57 : memref<10240x128xf32, #tpu.memory_space<hbm>>) target(%arg10 : memref<128x128xf32, #tpu.memory_space<vmem>>) offsets(%dma_start3A_54 : memref<128xi32, #tpu.memory_space<vmem>>) semaphore(%arg13 : memref<!tpu.dma_semaphore, #tpu.memory_space<semaphore_mem>>)
    %scan3A = arith.constant 0 : i32
    %scan3A_58 = arith.constant 20 : i32
    %scan3A_59 = arith.addi %scan3A, %scan3A_58 : i32
    %scan3A_60 = arith.constant 1 : i32
    scf.for %scan3A_162 = %scan3A to %scan3A_59 step %scan3A_60  : i32 {
      %mul3A_163 = arith.constant 2 : i32
      %mul3A_164 = arith.muli %mul3A_163, %scan3A_162 : i32
      %add3A_165 = arith.constant 0 : i32
      %add3A_166 = arith.addi %mul3A_164, %add3A_165 : i32
      %dma_wait3A_167 = arith.constant 0 : i32
      %dma_wait3A_168 = arith.constant 0 : i32
      %dma_wait3A_169 = tpu.memref_slice %arg2[%dma_wait3A_167, %dma_wait3A_168] : memref<10240x128xf32, #tpu.memory_space<hbm>> -> memref<128x128xf32, #tpu.memory_space<hbm>>
      %dma_wait3A_170 = arith.constant 0 : i32
      %dma_wait3A_171 = arith.constant 0 : i32
      %dma_wait3A_172 = tpu.memref_slice %arg2[%dma_wait3A_170, %dma_wait3A_171] : memref<10240x128xf32, #tpu.memory_space<hbm>> -> memref<128x128xf32, #tpu.memory_space<hbm>>
      tpu.wait_dma2 semaphore(%arg12 : memref<!tpu.dma_semaphore, #tpu.memory_space<semaphore_mem>>) src(%dma_wait3A_172 : memref<128x128xf32, #tpu.memory_space<hbm>>) dst(%arg9 : memref<128x128xf32, #tpu.memory_space<vmem>>)
      %dma_start3A_173 = arith.constant 0 : i32
      %dma_start3A_174 = tpu.memref_slice %arg8[%add3A_166, %dma_start3A_173] : memref<40x128xi32, #tpu.memory_space<vmem>> -> memref<1x128xi32, #tpu.memory_space<vmem>>
      %dma_start3A_175 = tpu.memref_squeeze %dma_start3A_174 : memref<1x128xi32, #tpu.memory_space<vmem>> -> memref<128xi32, #tpu.memory_space<vmem>>
      %dma_start3A_176 = arith.constant 0 : i32
      %dma_start3A_177 = arith.constant 0 : i32
      %dma_start3A_178 = tpu.memref_slice %arg11[%dma_start3A_176, %dma_start3A_177] : memref<10240x128xf32, #tpu.memory_space<vmem_shared>> -> memref<10240x128xf32, #tpu.memory_space<vmem_shared>>
      tpu.enqueue_indirect_dma source(%arg9 : memref<128x128xf32, #tpu.memory_space<vmem>>) target(%dma_start3A_178 : memref<10240x128xf32, #tpu.memory_space<vmem_shared>>) offsets(%dma_start3A_175 : memref<128xi32, #tpu.memory_space<vmem>>) semaphore(%arg14 : memref<!tpu.dma_semaphore, #tpu.memory_space<semaphore_mem>>) {add = true}
      %dma_wait3A_179 = arith.constant 0 : i32
      %dma_wait3A_180 = arith.constant 0 : i32
      %dma_wait3A_181 = tpu.memref_slice %arg11[%dma_wait3A_179, %dma_wait3A_180] : memref<10240x128xf32, #tpu.memory_space<vmem_shared>> -> memref<128x128xf32, #tpu.memory_space<vmem_shared>>
      %dma_wait3A_182 = arith.constant 0 : i32
      %dma_wait3A_183 = arith.constant 0 : i32
      %dma_wait3A_184 = tpu.memref_slice %arg11[%dma_wait3A_182, %dma_wait3A_183] : memref<10240x128xf32, #tpu.memory_space<vmem_shared>> -> memref<128x128xf32, #tpu.memory_space<vmem_shared>>
      tpu.wait_dma2 semaphore(%arg14 : memref<!tpu.dma_semaphore, #tpu.memory_space<semaphore_mem>>) src(%arg9 : memref<128x128xf32, #tpu.memory_space<vmem>>) dst(%dma_wait3A_184 : memref<128x128xf32, #tpu.memory_space<vmem_shared>>)
      %add3A_185 = arith.constant 2 : i32
      %add3A_186 = arith.addi %add3A_166, %add3A_185 : i32
      %lt3A = arith.constant 40 : i32
      %lt3A_187 = arith.cmpi slt, %add3A_186, %lt3A : i32
      %convert_element_type3A = arith.extui %lt3A_187 : i1 to i32
      %cond3A = arith.constant 0 : i32
      %cond3A_188 = arith.cmpi ne, %convert_element_type3A, %cond3A : i32
      scf.if %cond3A_188 {
        %add3A_218 = arith.constant 2 : i32
        %add3A_219 = arith.addi %add3A_166, %add3A_218 : i32
        %dma_start3A_220 = arith.constant 0 : i32
        %dma_start3A_221 = tpu.memref_slice %arg7[%add3A_219, %dma_start3A_220] : memref<40x128xi32, #tpu.memory_space<vmem>> -> memref<1x128xi32, #tpu.memory_space<vmem>>
        %dma_start3A_222 = tpu.memref_squeeze %dma_start3A_221 : memref<1x128xi32, #tpu.memory_space<vmem>> -> memref<128xi32, #tpu.memory_space<vmem>>
        %dma_start3A_223 = arith.constant 0 : i32
        %dma_start3A_224 = arith.constant 0 : i32
        %dma_start3A_225 = tpu.memref_slice %arg2[%dma_start3A_223, %dma_start3A_224] : memref<10240x128xf32, #tpu.memory_space<hbm>> -> memref<10240x128xf32, #tpu.memory_space<hbm>>
        tpu.enqueue_indirect_dma source(%dma_start3A_225 : memref<10240x128xf32, #tpu.memory_space<hbm>>) target(%arg9 : memref<128x128xf32, #tpu.memory_space<vmem>>) offsets(%dma_start3A_222 : memref<128xi32, #tpu.memory_space<vmem>>) semaphore(%arg12 : memref<!tpu.dma_semaphore, #tpu.memory_space<semaphore_mem>>)
      } else {
      }
      %mul3A_189 = arith.constant 2 : i32
      %mul3A_190 = arith.muli %mul3A_189, %scan3A_162 : i32
      %add3A_191 = arith.constant 1 : i32
      %add3A_192 = arith.addi %mul3A_190, %add3A_191 : i32
      %dma_wait3A_193 = arith.constant 0 : i32
      %dma_wait3A_194 = arith.constant 0 : i32
      %dma_wait3A_195 = tpu.memref_slice %arg2[%dma_wait3A_193, %dma_wait3A_194] : memref<10240x128xf32, #tpu.memory_space<hbm>> -> memref<128x128xf32, #tpu.memory_space<hbm>>
      %dma_wait3A_196 = arith.constant 0 : i32
      %dma_wait3A_197 = arith.constant 0 : i32
      %dma_wait3A_198 = tpu.memref_slice %arg2[%dma_wait3A_196, %dma_wait3A_197] : memref<10240x128xf32, #tpu.memory_space<hbm>> -> memref<128x128xf32, #tpu.memory_space<hbm>>
      tpu.wait_dma2 semaphore(%arg13 : memref<!tpu.dma_semaphore, #tpu.memory_space<semaphore_mem>>) src(%dma_wait3A_198 : memref<128x128xf32, #tpu.memory_space<hbm>>) dst(%arg10 : memref<128x128xf32, #tpu.memory_space<vmem>>)
      %dma_start3A_199 = arith.constant 0 : i32
      %dma_start3A_200 = tpu.memref_slice %arg8[%add3A_192, %dma_start3A_199] : memref<40x128xi32, #tpu.memory_space<vmem>> -> memref<1x128xi32, #tpu.memory_space<vmem>>
      %dma_start3A_201 = tpu.memref_squeeze %dma_start3A_200 : memref<1x128xi32, #tpu.memory_space<vmem>> -> memref<128xi32, #tpu.memory_space<vmem>>
      %dma_start3A_202 = arith.constant 0 : i32
      %dma_start3A_203 = arith.constant 0 : i32
      %dma_start3A_204 = tpu.memref_slice %arg11[%dma_start3A_202, %dma_start3A_203] : memref<10240x128xf32, #tpu.memory_space<vmem_shared>> -> memref<10240x128xf32, #tpu.memory_space<vmem_shared>>
      tpu.enqueue_indirect_dma source(%arg10 : memref<128x128xf32, #tpu.memory_space<vmem>>) target(%dma_start3A_204 : memref<10240x128xf32, #tpu.memory_space<vmem_shared>>) offsets(%dma_start3A_201 : memref<128xi32, #tpu.memory_space<vmem>>) semaphore(%arg15 : memref<!tpu.dma_semaphore, #tpu.memory_space<semaphore_mem>>) {add = true}
      %dma_wait3A_205 = arith.constant 0 : i32
      %dma_wait3A_206 = arith.constant 0 : i32
      %dma_wait3A_207 = tpu.memref_slice %arg11[%dma_wait3A_205, %dma_wait3A_206] : memref<10240x128xf32, #tpu.memory_space<vmem_shared>> -> memref<128x128xf32, #tpu.memory_space<vmem_shared>>
      %dma_wait3A_208 = arith.constant 0 : i32
      %dma_wait3A_209 = arith.constant 0 : i32
      %dma_wait3A_210 = tpu.memref_slice %arg11[%dma_wait3A_208, %dma_wait3A_209] : memref<10240x128xf32, #tpu.memory_space<vmem_shared>> -> memref<128x128xf32, #tpu.memory_space<vmem_shared>>
      tpu.wait_dma2 semaphore(%arg15 : memref<!tpu.dma_semaphore, #tpu.memory_space<semaphore_mem>>) src(%arg10 : memref<128x128xf32, #tpu.memory_space<vmem>>) dst(%dma_wait3A_210 : memref<128x128xf32, #tpu.memory_space<vmem_shared>>)
      %add3A_211 = arith.constant 2 : i32
      %add3A_212 = arith.addi %add3A_192, %add3A_211 : i32
      %lt3A_213 = arith.constant 40 : i32
      %lt3A_214 = arith.cmpi slt, %add3A_212, %lt3A_213 : i32
      %convert_element_type3A_215 = arith.extui %lt3A_214 : i1 to i32
      %cond3A_216 = arith.constant 0 : i32
      %cond3A_217 = arith.cmpi ne, %convert_element_type3A_215, %cond3A_216 : i32
      scf.if %cond3A_217 {
        %add3A_218 = arith.constant 2 : i32
        %add3A_219 = arith.addi %add3A_192, %add3A_218 : i32
        %dma_start3A_220 = arith.constant 0 : i32
        %dma_start3A_221 = tpu.memref_slice %arg7[%add3A_219, %dma_start3A_220] : memref<40x128xi32, #tpu.memory_space<vmem>> -> memref<1x128xi32, #tpu.memory_space<vmem>>
        %dma_start3A_222 = tpu.memref_squeeze %dma_start3A_221 : memref<1x128xi32, #tpu.memory_space<vmem>> -> memref<128xi32, #tpu.memory_space<vmem>>
        %dma_start3A_223 = arith.constant 0 : i32
        %dma_start3A_224 = arith.constant 0 : i32
        %dma_start3A_225 = tpu.memref_slice %arg2[%dma_start3A_223, %dma_start3A_224] : memref<10240x128xf32, #tpu.memory_space<hbm>> -> memref<10240x128xf32, #tpu.memory_space<hbm>>
        tpu.enqueue_indirect_dma source(%dma_start3A_225 : memref<10240x128xf32, #tpu.memory_space<hbm>>) target(%arg10 : memref<128x128xf32, #tpu.memory_space<vmem>>) offsets(%dma_start3A_222 : memref<128xi32, #tpu.memory_space<vmem>>) semaphore(%arg13 : memref<!tpu.dma_semaphore, #tpu.memory_space<semaphore_mem>>)
      } else {
      }
    }
    %scan3A_61 = arith.constant 20 : i32
    "tpu.region"() ({
      %run_scoped3A = tpu.sem_alloc : memref<!tpu.dma_semaphore, #tpu.memory_space<semaphore_mem>>
      %dma_start3A_162 = arith.constant 40 : i32
      %dma_start3A_163 = arith.constant 0 : i32
      %dma_start3A_164 = tpu.memref_slice %arg3[%add3A, %dma_start3A_162, %dma_start3A_163] : memref<32x80x128xi32, #tpu.memory_space<hbm>> -> memref<1x40x128xi32, #tpu.memory_space<hbm>>
      %dma_start3A_165 = tpu.memref_squeeze %dma_start3A_164 : memref<1x40x128xi32, #tpu.memory_space<hbm>> -> memref<40x128xi32, #tpu.memory_space<hbm>>
      %dma_start3A_166 = arith.constant 40 : i32
      %dma_start3A_167 = arith.constant 0 : i32
      %dma_start3A_168 = tpu.memref_slice %arg3[%add3A, %dma_start3A_166, %dma_start3A_167] : memref<32x80x128xi32, #tpu.memory_space<hbm>> -> memref<1x40x128xi32, #tpu.memory_space<hbm>>
      %dma_start3A_169 = tpu.memref_squeeze %dma_start3A_168 : memref<1x40x128xi32, #tpu.memory_space<hbm>> -> memref<40x128xi32, #tpu.memory_space<hbm>>
      tpu.enqueue_dma source(%dma_start3A_169 : memref<40x128xi32, #tpu.memory_space<hbm>>) target(%arg7 : memref<40x128xi32, #tpu.memory_space<vmem>>) target_semaphore(%run_scoped3A : memref<!tpu.dma_semaphore, #tpu.memory_space<semaphore_mem>>)
      %dma_wait3A_170 = arith.constant 40 : i32
      %dma_wait3A_171 = arith.constant 0 : i32
      %dma_wait3A_172 = tpu.memref_slice %arg3[%add3A, %dma_wait3A_170, %dma_wait3A_171] : memref<32x80x128xi32, #tpu.memory_space<hbm>> -> memref<1x40x128xi32, #tpu.memory_space<hbm>>
      %dma_wait3A_173 = tpu.memref_squeeze %dma_wait3A_172 : memref<1x40x128xi32, #tpu.memory_space<hbm>> -> memref<40x128xi32, #tpu.memory_space<hbm>>
      %dma_wait3A_174 = arith.constant 40 : i32
      %dma_wait3A_175 = arith.constant 0 : i32
      %dma_wait3A_176 = tpu.memref_slice %arg3[%add3A, %dma_wait3A_174, %dma_wait3A_175] : memref<32x80x128xi32, #tpu.memory_space<hbm>> -> memref<1x40x128xi32, #tpu.memory_space<hbm>>
      %dma_wait3A_177 = tpu.memref_squeeze %dma_wait3A_176 : memref<1x40x128xi32, #tpu.memory_space<hbm>> -> memref<40x128xi32, #tpu.memory_space<hbm>>
      tpu.wait_dma2 semaphore(%run_scoped3A : memref<!tpu.dma_semaphore, #tpu.memory_space<semaphore_mem>>) src(%dma_wait3A_177 : memref<40x128xi32, #tpu.memory_space<hbm>>) dst(%arg7 : memref<40x128xi32, #tpu.memory_space<vmem>>)
      tpu.yield
    }) : () -> ()
    "tpu.region"() ({
      %run_scoped3A = tpu.sem_alloc : memref<!tpu.dma_semaphore, #tpu.memory_space<semaphore_mem>>
      %dma_start3A_162 = arith.constant 40 : i32
      %dma_start3A_163 = arith.constant 0 : i32
      %dma_start3A_164 = tpu.memref_slice %arg4[%add3A, %dma_start3A_162, %dma_start3A_163] : memref<32x80x128xi32, #tpu.memory_space<hbm>> -> memref<1x40x128xi32, #tpu.memory_space<hbm>>
      %dma_start3A_165 = tpu.memref_squeeze %dma_start3A_164 : memref<1x40x128xi32, #tpu.memory_space<hbm>> -> memref<40x128xi32, #tpu.memory_space<hbm>>
      %dma_start3A_166 = arith.constant 40 : i32
      %dma_start3A_167 = arith.constant 0 : i32
      %dma_start3A_168 = tpu.memref_slice %arg4[%add3A, %dma_start3A_166, %dma_start3A_167] : memref<32x80x128xi32, #tpu.memory_space<hbm>> -> memref<1x40x128xi32, #tpu.memory_space<hbm>>
      %dma_start3A_169 = tpu.memref_squeeze %dma_start3A_168 : memref<1x40x128xi32, #tpu.memory_space<hbm>> -> memref<40x128xi32, #tpu.memory_space<hbm>>
      tpu.enqueue_dma source(%dma_start3A_169 : memref<40x128xi32, #tpu.memory_space<hbm>>) target(%arg8 : memref<40x128xi32, #tpu.memory_space<vmem>>) target_semaphore(%run_scoped3A : memref<!tpu.dma_semaphore, #tpu.memory_space<semaphore_mem>>)
      %dma_wait3A_170 = arith.constant 40 : i32
      %dma_wait3A_171 = arith.constant 0 : i32
      %dma_wait3A_172 = tpu.memref_slice %arg4[%add3A, %dma_wait3A_170, %dma_wait3A_171] : memref<32x80x128xi32, #tpu.memory_space<hbm>> -> memref<1x40x128xi32, #tpu.memory_space<hbm>>
      %dma_wait3A_173 = tpu.memref_squeeze %dma_wait3A_172 : memref<1x40x128xi32, #tpu.memory_space<hbm>> -> memref<40x128xi32, #tpu.memory_space<hbm>>
      %dma_wait3A_174 = arith.constant 40 : i32
      %dma_wait3A_175 = arith.constant 0 : i32
      %dma_wait3A_176 = tpu.memref_slice %arg4[%add3A, %dma_wait3A_174, %dma_wait3A_175] : memref<32x80x128xi32, #tpu.memory_space<hbm>> -> memref<1x40x128xi32, #tpu.memory_space<hbm>>
      %dma_wait3A_177 = tpu.memref_squeeze %dma_wait3A_176 : memref<1x40x128xi32, #tpu.memory_space<hbm>> -> memref<40x128xi32, #tpu.memory_space<hbm>>
      tpu.wait_dma2 semaphore(%run_scoped3A : memref<!tpu.dma_semaphore, #tpu.memory_space<semaphore_mem>>) src(%dma_wait3A_177 : memref<40x128xi32, #tpu.memory_space<hbm>>) dst(%arg8 : memref<40x128xi32, #tpu.memory_space<vmem>>)
      tpu.yield
    }) : () -> ()
    %dma_start3A_62 = arith.constant 0 : i32
    %dma_start3A_63 = arith.constant 0 : i32
    %dma_start3A_64 = tpu.memref_slice %arg7[%dma_start3A_62, %dma_start3A_63] : memref<40x128xi32, #tpu.memory_space<vmem>> -> memref<1x128xi32, #tpu.memory_space<vmem>>
    %dma_start3A_65 = tpu.memref_squeeze %dma_start3A_64 : memref<1x128xi32, #tpu.memory_space<vmem>> -> memref<128xi32, #tpu.memory_space<vmem>>
    %dma_start3A_66 = arith.constant 0 : i32
    %dma_start3A_67 = arith.constant 0 : i32
    %dma_start3A_68 = tpu.memref_slice %arg2[%dma_start3A_66, %dma_start3A_67] : memref<10240x128xf32, #tpu.memory_space<hbm>> -> memref<10240x128xf32, #tpu.memory_space<hbm>>
    tpu.enqueue_indirect_dma source(%dma_start3A_68 : memref<10240x128xf32, #tpu.memory_space<hbm>>) target(%arg9 : memref<128x128xf32, #tpu.memory_space<vmem>>) offsets(%dma_start3A_65 : memref<128xi32, #tpu.memory_space<vmem>>) semaphore(%arg12 : memref<!tpu.dma_semaphore, #tpu.memory_space<semaphore_mem>>)
    %dma_start3A_69 = arith.constant 1 : i32
    %dma_start3A_70 = arith.constant 0 : i32
    %dma_start3A_71 = tpu.memref_slice %arg7[%dma_start3A_69, %dma_start3A_70] : memref<40x128xi32, #tpu.memory_space<vmem>> -> memref<1x128xi32, #tpu.memory_space<vmem>>
    %dma_start3A_72 = tpu.memref_squeeze %dma_start3A_71 : memref<1x128xi32, #tpu.memory_space<vmem>> -> memref<128xi32, #tpu.memory_space<vmem>>
    %dma_start3A_73 = arith.constant 0 : i32
    %dma_start3A_74 = arith.constant 0 : i32
    %dma_start3A_75 = tpu.memref_slice %arg2[%dma_start3A_73, %dma_start3A_74] : memref<10240x128xf32, #tpu.memory_space<hbm>> -> memref<10240x128xf32, #tpu.memory_space<hbm>>
    tpu.enqueue_indirect_dma source(%dma_start3A_75 : memref<10240x128xf32, #tpu.memory_space<hbm>>) target(%arg10 : memref<128x128xf32, #tpu.memory_space<vmem>>) offsets(%dma_start3A_72 : memref<128xi32, #tpu.memory_space<vmem>>) semaphore(%arg13 : memref<!tpu.dma_semaphore, #tpu.memory_space<semaphore_mem>>)
    %scan3A_76 = arith.constant 0 : i32
    %scan3A_77 = arith.constant 20 : i32
    %scan3A_78 = arith.addi %scan3A_76, %scan3A_77 : i32
    %scan3A_79 = arith.constant 1 : i32
    scf.for %scan3A_162 = %scan3A_76 to %scan3A_78 step %scan3A_79  : i32 {
      %mul3A_163 = arith.constant 2 : i32
      %mul3A_164 = arith.muli %mul3A_163, %scan3A_162 : i32
      %add3A_165 = arith.constant 0 : i32
      %add3A_166 = arith.addi %mul3A_164, %add3A_165 : i32
      %dma_wait3A_167 = arith.constant 0 : i32
      %dma_wait3A_168 = arith.constant 0 : i32
      %dma_wait3A_169 = tpu.memref_slice %arg2[%dma_wait3A_167, %dma_wait3A_168] : memref<10240x128xf32, #tpu.memory_space<hbm>> -> memref<128x128xf32, #tpu.memory_space<hbm>>
      %dma_wait3A_170 = arith.constant 0 : i32
      %dma_wait3A_171 = arith.constant 0 : i32
      %dma_wait3A_172 = tpu.memref_slice %arg2[%dma_wait3A_170, %dma_wait3A_171] : memref<10240x128xf32, #tpu.memory_space<hbm>> -> memref<128x128xf32, #tpu.memory_space<hbm>>
      tpu.wait_dma2 semaphore(%arg12 : memref<!tpu.dma_semaphore, #tpu.memory_space<semaphore_mem>>) src(%dma_wait3A_172 : memref<128x128xf32, #tpu.memory_space<hbm>>) dst(%arg9 : memref<128x128xf32, #tpu.memory_space<vmem>>)
      %dma_start3A_173 = arith.constant 0 : i32
      %dma_start3A_174 = tpu.memref_slice %arg8[%add3A_166, %dma_start3A_173] : memref<40x128xi32, #tpu.memory_space<vmem>> -> memref<1x128xi32, #tpu.memory_space<vmem>>
      %dma_start3A_175 = tpu.memref_squeeze %dma_start3A_174 : memref<1x128xi32, #tpu.memory_space<vmem>> -> memref<128xi32, #tpu.memory_space<vmem>>
      %dma_start3A_176 = arith.constant 0 : i32
      %dma_start3A_177 = arith.constant 0 : i32
      %dma_start3A_178 = tpu.memref_slice %arg11[%dma_start3A_176, %dma_start3A_177] : memref<10240x128xf32, #tpu.memory_space<vmem_shared>> -> memref<10240x128xf32, #tpu.memory_space<vmem_shared>>
      tpu.enqueue_indirect_dma source(%arg9 : memref<128x128xf32, #tpu.memory_space<vmem>>) target(%dma_start3A_178 : memref<10240x128xf32, #tpu.memory_space<vmem_shared>>) offsets(%dma_start3A_175 : memref<128xi32, #tpu.memory_space<vmem>>) semaphore(%arg14 : memref<!tpu.dma_semaphore, #tpu.memory_space<semaphore_mem>>) {add = true}
      %dma_wait3A_179 = arith.constant 0 : i32
      %dma_wait3A_180 = arith.constant 0 : i32
      %dma_wait3A_181 = tpu.memref_slice %arg11[%dma_wait3A_179, %dma_wait3A_180] : memref<10240x128xf32, #tpu.memory_space<vmem_shared>> -> memref<128x128xf32, #tpu.memory_space<vmem_shared>>
      %dma_wait3A_182 = arith.constant 0 : i32
      %dma_wait3A_183 = arith.constant 0 : i32
      %dma_wait3A_184 = tpu.memref_slice %arg11[%dma_wait3A_182, %dma_wait3A_183] : memref<10240x128xf32, #tpu.memory_space<vmem_shared>> -> memref<128x128xf32, #tpu.memory_space<vmem_shared>>
      tpu.wait_dma2 semaphore(%arg14 : memref<!tpu.dma_semaphore, #tpu.memory_space<semaphore_mem>>) src(%arg9 : memref<128x128xf32, #tpu.memory_space<vmem>>) dst(%dma_wait3A_184 : memref<128x128xf32, #tpu.memory_space<vmem_shared>>)
      %add3A_185 = arith.constant 2 : i32
      %add3A_186 = arith.addi %add3A_166, %add3A_185 : i32
      %lt3A = arith.constant 40 : i32
      %lt3A_187 = arith.cmpi slt, %add3A_186, %lt3A : i32
      %convert_element_type3A = arith.extui %lt3A_187 : i1 to i32
      %cond3A = arith.constant 0 : i32
      %cond3A_188 = arith.cmpi ne, %convert_element_type3A, %cond3A : i32
      scf.if %cond3A_188 {
        %add3A_218 = arith.constant 2 : i32
        %add3A_219 = arith.addi %add3A_166, %add3A_218 : i32
        %dma_start3A_220 = arith.constant 0 : i32
        %dma_start3A_221 = tpu.memref_slice %arg7[%add3A_219, %dma_start3A_220] : memref<40x128xi32, #tpu.memory_space<vmem>> -> memref<1x128xi32, #tpu.memory_space<vmem>>
        %dma_start3A_222 = tpu.memref_squeeze %dma_start3A_221 : memref<1x128xi32, #tpu.memory_space<vmem>> -> memref<128xi32, #tpu.memory_space<vmem>>
        %dma_start3A_223 = arith.constant 0 : i32
        %dma_start3A_224 = arith.constant 0 : i32
        %dma_start3A_225 = tpu.memref_slice %arg2[%dma_start3A_223, %dma_start3A_224] : memref<10240x128xf32, #tpu.memory_space<hbm>> -> memref<10240x128xf32, #tpu.memory_space<hbm>>
        tpu.enqueue_indirect_dma source(%dma_start3A_225 : memref<10240x128xf32, #tpu.memory_space<hbm>>) target(%arg9 : memref<128x128xf32, #tpu.memory_space<vmem>>) offsets(%dma_start3A_222 : memref<128xi32, #tpu.memory_space<vmem>>) semaphore(%arg12 : memref<!tpu.dma_semaphore, #tpu.memory_space<semaphore_mem>>)
      } else {
      }
      %mul3A_189 = arith.constant 2 : i32
      %mul3A_190 = arith.muli %mul3A_189, %scan3A_162 : i32
      %add3A_191 = arith.constant 1 : i32
      %add3A_192 = arith.addi %mul3A_190, %add3A_191 : i32
      %dma_wait3A_193 = arith.constant 0 : i32
      %dma_wait3A_194 = arith.constant 0 : i32
      %dma_wait3A_195 = tpu.memref_slice %arg2[%dma_wait3A_193, %dma_wait3A_194] : memref<10240x128xf32, #tpu.memory_space<hbm>> -> memref<128x128xf32, #tpu.memory_space<hbm>>
      %dma_wait3A_196 = arith.constant 0 : i32
      %dma_wait3A_197 = arith.constant 0 : i32
      %dma_wait3A_198 = tpu.memref_slice %arg2[%dma_wait3A_196, %dma_wait3A_197] : memref<10240x128xf32, #tpu.memory_space<hbm>> -> memref<128x128xf32, #tpu.memory_space<hbm>>
      tpu.wait_dma2 semaphore(%arg13 : memref<!tpu.dma_semaphore, #tpu.memory_space<semaphore_mem>>) src(%dma_wait3A_198 : memref<128x128xf32, #tpu.memory_space<hbm>>) dst(%arg10 : memref<128x128xf32, #tpu.memory_space<vmem>>)
      %dma_start3A_199 = arith.constant 0 : i32
      %dma_start3A_200 = tpu.memref_slice %arg8[%add3A_192, %dma_start3A_199] : memref<40x128xi32, #tpu.memory_space<vmem>> -> memref<1x128xi32, #tpu.memory_space<vmem>>
      %dma_start3A_201 = tpu.memref_squeeze %dma_start3A_200 : memref<1x128xi32, #tpu.memory_space<vmem>> -> memref<128xi32, #tpu.memory_space<vmem>>
      %dma_start3A_202 = arith.constant 0 : i32
      %dma_start3A_203 = arith.constant 0 : i32
      %dma_start3A_204 = tpu.memref_slice %arg11[%dma_start3A_202, %dma_start3A_203] : memref<10240x128xf32, #tpu.memory_space<vmem_shared>> -> memref<10240x128xf32, #tpu.memory_space<vmem_shared>>
      tpu.enqueue_indirect_dma source(%arg10 : memref<128x128xf32, #tpu.memory_space<vmem>>) target(%dma_start3A_204 : memref<10240x128xf32, #tpu.memory_space<vmem_shared>>) offsets(%dma_start3A_201 : memref<128xi32, #tpu.memory_space<vmem>>) semaphore(%arg15 : memref<!tpu.dma_semaphore, #tpu.memory_space<semaphore_mem>>) {add = true}
      %dma_wait3A_205 = arith.constant 0 : i32
      %dma_wait3A_206 = arith.constant 0 : i32
      %dma_wait3A_207 = tpu.memref_slice %arg11[%dma_wait3A_205, %dma_wait3A_206] : memref<10240x128xf32, #tpu.memory_space<vmem_shared>> -> memref<128x128xf32, #tpu.memory_space<vmem_shared>>
      %dma_wait3A_208 = arith.constant 0 : i32
      %dma_wait3A_209 = arith.constant 0 : i32
      %dma_wait3A_210 = tpu.memref_slice %arg11[%dma_wait3A_208, %dma_wait3A_209] : memref<10240x128xf32, #tpu.memory_space<vmem_shared>> -> memref<128x128xf32, #tpu.memory_space<vmem_shared>>
      tpu.wait_dma2 semaphore(%arg15 : memref<!tpu.dma_semaphore, #tpu.memory_space<semaphore_mem>>) src(%arg10 : memref<128x128xf32, #tpu.memory_space<vmem>>) dst(%dma_wait3A_210 : memref<128x128xf32, #tpu.memory_space<vmem_shared>>)
      %add3A_211 = arith.constant 2 : i32
      %add3A_212 = arith.addi %add3A_192, %add3A_211 : i32
      %lt3A_213 = arith.constant 40 : i32
      %lt3A_214 = arith.cmpi slt, %add3A_212, %lt3A_213 : i32
      %convert_element_type3A_215 = arith.extui %lt3A_214 : i1 to i32
      %cond3A_216 = arith.constant 0 : i32
      %cond3A_217 = arith.cmpi ne, %convert_element_type3A_215, %cond3A_216 : i32
      scf.if %cond3A_217 {
        %add3A_218 = arith.constant 2 : i32
        %add3A_219 = arith.addi %add3A_192, %add3A_218 : i32
        %dma_start3A_220 = arith.constant 0 : i32
        %dma_start3A_221 = tpu.memref_slice %arg7[%add3A_219, %dma_start3A_220] : memref<40x128xi32, #tpu.memory_space<vmem>> -> memref<1x128xi32, #tpu.memory_space<vmem>>
        %dma_start3A_222 = tpu.memref_squeeze %dma_start3A_221 : memref<1x128xi32, #tpu.memory_space<vmem>> -> memref<128xi32, #tpu.memory_space<vmem>>
        %dma_start3A_223 = arith.constant 0 : i32
        %dma_start3A_224 = arith.constant 0 : i32
        %dma_start3A_225 = tpu.memref_slice %arg2[%dma_start3A_223, %dma_start3A_224] : memref<10240x128xf32, #tpu.memory_space<hbm>> -> memref<10240x128xf32, #tpu.memory_space<hbm>>
        tpu.enqueue_indirect_dma source(%dma_start3A_225 : memref<10240x128xf32, #tpu.memory_space<hbm>>) target(%arg10 : memref<128x128xf32, #tpu.memory_space<vmem>>) offsets(%dma_start3A_222 : memref<128xi32, #tpu.memory_space<vmem>>) semaphore(%arg13 : memref<!tpu.dma_semaphore, #tpu.memory_space<semaphore_mem>>)
      } else {
      }
    }
    %scan3A_80 = arith.constant 20 : i32
    %barrier3A_81 = arith.constant 0 : index
    tpu.barrier barrier_id(%barrier3A_81)
    %mul3A_82 = arith.constant 640 : i32
    %mul3A_83 = arith.muli %arg1, %mul3A_82 : i32
    %add3A_84 = arith.constant 0 : i32
    %add3A_85 = arith.addi %mul3A_83, %add3A_84 : i32
    %dma_start3A_86 = arith.constant 0 : i32
    %dma_start3A_87 = tpu.memref_slice %arg6[%arg0, %add3A_85, %dma_start3A_86] : memref<2x10240x128xf32, #tpu.memory_space<hbm>> -> memref<1x128x128xf32, #tpu.memory_space<hbm>>
    %dma_start3A_88 = tpu.memref_squeeze %dma_start3A_87 : memref<1x128x128xf32, #tpu.memory_space<hbm>> -> memref<128x128xf32, #tpu.memory_space<hbm>>
    %dma_start3A_89 = arith.constant 0 : i32
    %dma_start3A_90 = tpu.memref_slice %arg11[%add3A_85, %dma_start3A_89] : memref<10240x128xf32, #tpu.memory_space<vmem_shared>> -> memref<128x128xf32, #tpu.memory_space<vmem_shared>>
    tpu.enqueue_dma source(%dma_start3A_90 : memref<128x128xf32, #tpu.memory_space<vmem_shared>>) target(%dma_start3A_88 : memref<128x128xf32, #tpu.memory_space<hbm>>) target_semaphore(%arg12 : memref<!tpu.dma_semaphore, #tpu.memory_space<semaphore_mem>>)
    %mul3A_91 = arith.constant 640 : i32
    %mul3A_92 = arith.muli %arg1, %mul3A_91 : i32
    %add3A_93 = arith.constant 128 : i32
    %add3A_94 = arith.addi %mul3A_92, %add3A_93 : i32
    %dma_start3A_95 = arith.constant 0 : i32
    %dma_start3A_96 = tpu.memref_slice %arg6[%arg0, %add3A_94, %dma_start3A_95] : memref<2x10240x128xf32, #tpu.memory_space<hbm>> -> memref<1x128x128xf32, #tpu.memory_space<hbm>>
    %dma_start3A_97 = tpu.memref_squeeze %dma_start3A_96 : memref<1x128x128xf32, #tpu.memory_space<hbm>> -> memref<128x128xf32, #tpu.memory_space<hbm>>
    %dma_start3A_98 = arith.constant 0 : i32
    %dma_start3A_99 = tpu.memref_slice %arg11[%add3A_94, %dma_start3A_98] : memref<10240x128xf32, #tpu.memory_space<vmem_shared>> -> memref<128x128xf32, #tpu.memory_space<vmem_shared>>
    tpu.enqueue_dma source(%dma_start3A_99 : memref<128x128xf32, #tpu.memory_space<vmem_shared>>) target(%dma_start3A_97 : memref<128x128xf32, #tpu.memory_space<hbm>>) target_semaphore(%arg12 : memref<!tpu.dma_semaphore, #tpu.memory_space<semaphore_mem>>)
    %mul3A_100 = arith.constant 640 : i32
    %mul3A_101 = arith.muli %arg1, %mul3A_100 : i32
    %add3A_102 = arith.constant 256 : i32
    %add3A_103 = arith.addi %mul3A_101, %add3A_102 : i32
    %dma_start3A_104 = arith.constant 0 : i32
    %dma_start3A_105 = tpu.memref_slice %arg6[%arg0, %add3A_103, %dma_start3A_104] : memref<2x10240x128xf32, #tpu.memory_space<hbm>> -> memref<1x128x128xf32, #tpu.memory_space<hbm>>
    %dma_start3A_106 = tpu.memref_squeeze %dma_start3A_105 : memref<1x128x128xf32, #tpu.memory_space<hbm>> -> memref<128x128xf32, #tpu.memory_space<hbm>>
    %dma_start3A_107 = arith.constant 0 : i32
    %dma_start3A_108 = tpu.memref_slice %arg11[%add3A_103, %dma_start3A_107] : memref<10240x128xf32, #tpu.memory_space<vmem_shared>> -> memref<128x128xf32, #tpu.memory_space<vmem_shared>>
    tpu.enqueue_dma source(%dma_start3A_108 : memref<128x128xf32, #tpu.memory_space<vmem_shared>>) target(%dma_start3A_106 : memref<128x128xf32, #tpu.memory_space<hbm>>) target_semaphore(%arg12 : memref<!tpu.dma_semaphore, #tpu.memory_space<semaphore_mem>>)
    %mul3A_109 = arith.constant 640 : i32
    %mul3A_110 = arith.muli %arg1, %mul3A_109 : i32
    %add3A_111 = arith.constant 384 : i32
    %add3A_112 = arith.addi %mul3A_110, %add3A_111 : i32
    %dma_start3A_113 = arith.constant 0 : i32
    %dma_start3A_114 = tpu.memref_slice %arg6[%arg0, %add3A_112, %dma_start3A_113] : memref<2x10240x128xf32, #tpu.memory_space<hbm>> -> memref<1x128x128xf32, #tpu.memory_space<hbm>>
    %dma_start3A_115 = tpu.memref_squeeze %dma_start3A_114 : memref<1x128x128xf32, #tpu.memory_space<hbm>> -> memref<128x128xf32, #tpu.memory_space<hbm>>
    %dma_start3A_116 = arith.constant 0 : i32
    %dma_start3A_117 = tpu.memref_slice %arg11[%add3A_112, %dma_start3A_116] : memref<10240x128xf32, #tpu.memory_space<vmem_shared>> -> memref<128x128xf32, #tpu.memory_space<vmem_shared>>
    tpu.enqueue_dma source(%dma_start3A_117 : memref<128x128xf32, #tpu.memory_space<vmem_shared>>) target(%dma_start3A_115 : memref<128x128xf32, #tpu.memory_space<hbm>>) target_semaphore(%arg12 : memref<!tpu.dma_semaphore, #tpu.memory_space<semaphore_mem>>)
    %mul3A_118 = arith.constant 640 : i32
    %mul3A_119 = arith.muli %arg1, %mul3A_118 : i32
    %add3A_120 = arith.constant 512 : i32
    %add3A_121 = arith.addi %mul3A_119, %add3A_120 : i32
    %dma_start3A_122 = arith.constant 0 : i32
    %dma_start3A_123 = tpu.memref_slice %arg6[%arg0, %add3A_121, %dma_start3A_122] : memref<2x10240x128xf32, #tpu.memory_space<hbm>> -> memref<1x128x128xf32, #tpu.memory_space<hbm>>
    %dma_start3A_124 = tpu.memref_squeeze %dma_start3A_123 : memref<1x128x128xf32, #tpu.memory_space<hbm>> -> memref<128x128xf32, #tpu.memory_space<hbm>>
    %dma_start3A_125 = arith.constant 0 : i32
    %dma_start3A_126 = tpu.memref_slice %arg11[%add3A_121, %dma_start3A_125] : memref<10240x128xf32, #tpu.memory_space<vmem_shared>> -> memref<128x128xf32, #tpu.memory_space<vmem_shared>>
    tpu.enqueue_dma source(%dma_start3A_126 : memref<128x128xf32, #tpu.memory_space<vmem_shared>>) target(%dma_start3A_124 : memref<128x128xf32, #tpu.memory_space<hbm>>) target_semaphore(%arg12 : memref<!tpu.dma_semaphore, #tpu.memory_space<semaphore_mem>>)
    %dma_wait3A_127 = arith.constant 0 : i32
    %dma_wait3A_128 = arith.constant 0 : i32
    %dma_wait3A_129 = tpu.memref_slice %arg6[%arg0, %dma_wait3A_127, %dma_wait3A_128] : memref<2x10240x128xf32, #tpu.memory_space<hbm>> -> memref<1x128x128xf32, #tpu.memory_space<hbm>>
    %dma_wait3A_130 = tpu.memref_squeeze %dma_wait3A_129 : memref<1x128x128xf32, #tpu.memory_space<hbm>> -> memref<128x128xf32, #tpu.memory_space<hbm>>
    %dma_wait3A_131 = arith.constant 0 : i32
    %dma_wait3A_132 = arith.constant 0 : i32
    %dma_wait3A_133 = tpu.memref_slice %arg11[%dma_wait3A_131, %dma_wait3A_132] : memref<10240x128xf32, #tpu.memory_space<vmem_shared>> -> memref<128x128xf32, #tpu.memory_space<vmem_shared>>
    tpu.wait_dma2 semaphore(%arg12 : memref<!tpu.dma_semaphore, #tpu.memory_space<semaphore_mem>>) src(%dma_wait3A_133 : memref<128x128xf32, #tpu.memory_space<vmem_shared>>) dst(%dma_wait3A_130 : memref<128x128xf32, #tpu.memory_space<hbm>>)
    %dma_wait3A_134 = arith.constant 0 : i32
    %dma_wait3A_135 = arith.constant 0 : i32
    %dma_wait3A_136 = tpu.memref_slice %arg6[%arg0, %dma_wait3A_134, %dma_wait3A_135] : memref<2x10240x128xf32, #tpu.memory_space<hbm>> -> memref<1x128x128xf32, #tpu.memory_space<hbm>>
    %dma_wait3A_137 = tpu.memref_squeeze %dma_wait3A_136 : memref<1x128x128xf32, #tpu.memory_space<hbm>> -> memref<128x128xf32, #tpu.memory_space<hbm>>
    %dma_wait3A_138 = arith.constant 0 : i32
    %dma_wait3A_139 = arith.constant 0 : i32
    %dma_wait3A_140 = tpu.memref_slice %arg11[%dma_wait3A_138, %dma_wait3A_139] : memref<10240x128xf32, #tpu.memory_space<vmem_shared>> -> memref<128x128xf32, #tpu.memory_space<vmem_shared>>
    tpu.wait_dma2 semaphore(%arg12 : memref<!tpu.dma_semaphore, #tpu.memory_space<semaphore_mem>>) src(%dma_wait3A_140 : memref<128x128xf32, #tpu.memory_space<vmem_shared>>) dst(%dma_wait3A_137 : memref<128x128xf32, #tpu.memory_space<hbm>>)
    %dma_wait3A_141 = arith.constant 0 : i32
    %dma_wait3A_142 = arith.constant 0 : i32
    %dma_wait3A_143 = tpu.memref_slice %arg6[%arg0, %dma_wait3A_141, %dma_wait3A_142] : memref<2x10240x128xf32, #tpu.memory_space<hbm>> -> memref<1x128x128xf32, #tpu.memory_space<hbm>>
    %dma_wait3A_144 = tpu.memref_squeeze %dma_wait3A_143 : memref<1x128x128xf32, #tpu.memory_space<hbm>> -> memref<128x128xf32, #tpu.memory_space<hbm>>
    %dma_wait3A_145 = arith.constant 0 : i32
    %dma_wait3A_146 = arith.constant 0 : i32
    %dma_wait3A_147 = tpu.memref_slice %arg11[%dma_wait3A_145, %dma_wait3A_146] : memref<10240x128xf32, #tpu.memory_space<vmem_shared>> -> memref<128x128xf32, #tpu.memory_space<vmem_shared>>
    tpu.wait_dma2 semaphore(%arg12 : memref<!tpu.dma_semaphore, #tpu.memory_space<semaphore_mem>>) src(%dma_wait3A_147 : memref<128x128xf32, #tpu.memory_space<vmem_shared>>) dst(%dma_wait3A_144 : memref<128x128xf32, #tpu.memory_space<hbm>>)
    %dma_wait3A_148 = arith.constant 0 : i32
    %dma_wait3A_149 = arith.constant 0 : i32
    %dma_wait3A_150 = tpu.memref_slice %arg6[%arg0, %dma_wait3A_148, %dma_wait3A_149] : memref<2x10240x128xf32, #tpu.memory_space<hbm>> -> memref<1x128x128xf32, #tpu.memory_space<hbm>>
    %dma_wait3A_151 = tpu.memref_squeeze %dma_wait3A_150 : memref<1x128x128xf32, #tpu.memory_space<hbm>> -> memref<128x128xf32, #tpu.memory_space<hbm>>
    %dma_wait3A_152 = arith.constant 0 : i32
    %dma_wait3A_153 = arith.constant 0 : i32
    %dma_wait3A_154 = tpu.memref_slice %arg11[%dma_wait3A_152, %dma_wait3A_153] : memref<10240x128xf32, #tpu.memory_space<vmem_shared>> -> memref<128x128xf32, #tpu.memory_space<vmem_shared>>
    tpu.wait_dma2 semaphore(%arg12 : memref<!tpu.dma_semaphore, #tpu.memory_space<semaphore_mem>>) src(%dma_wait3A_154 : memref<128x128xf32, #tpu.memory_space<vmem_shared>>) dst(%dma_wait3A_151 : memref<128x128xf32, #tpu.memory_space<hbm>>)
    %dma_wait3A_155 = arith.constant 0 : i32
    %dma_wait3A_156 = arith.constant 0 : i32
    %dma_wait3A_157 = tpu.memref_slice %arg6[%arg0, %dma_wait3A_155, %dma_wait3A_156] : memref<2x10240x128xf32, #tpu.memory_space<hbm>> -> memref<1x128x128xf32, #tpu.memory_space<hbm>>
    %dma_wait3A_158 = tpu.memref_squeeze %dma_wait3A_157 : memref<1x128x128xf32, #tpu.memory_space<hbm>> -> memref<128x128xf32, #tpu.memory_space<hbm>>
    %dma_wait3A_159 = arith.constant 0 : i32
    %dma_wait3A_160 = arith.constant 0 : i32
    %dma_wait3A_161 = tpu.memref_slice %arg11[%dma_wait3A_159, %dma_wait3A_160] : memref<10240x128xf32, #tpu.memory_space<vmem_shared>> -> memref<128x128xf32, #tpu.memory_space<vmem_shared>>
    tpu.wait_dma2 semaphore(%arg12 : memref<!tpu.dma_semaphore, #tpu.memory_space<semaphore_mem>>) src(%dma_wait3A_161 : memref<128x128xf32, #tpu.memory_space<vmem_shared>>) dst(%dma_wait3A_158 : memref<128x128xf32, #tpu.memory_space<hbm>>)
    return
  }
}

#map = affine_map<(d0, d1) -> (0, 0)>
#map1 = affine_map<(d0, d1) -> (0, 0, 0)>
module attributes {stable_mosaic.version = 14 : i64} {
  func.func @_edge_body(%arg0: i32, %arg1: i32, %arg2: memref<10240x128xf32, #tpu.memory_space<hbm>>, %arg3: memref<32x80x128xi32, #tpu.memory_space<hbm>>, %arg4: memref<32x80x128xi32, #tpu.memory_space<hbm>>, %arg5: memref<128x128xf32, #tpu.memory_space<hbm>>, %arg6: memref<2x10240x128xf32, #tpu.memory_space<hbm>>, %arg7: memref<40x128xi32, #tpu.memory_space<vmem>>, %arg8: memref<40x128xi32, #tpu.memory_space<vmem>>, %arg9: memref<128x128xf32, #tpu.memory_space<vmem>>, %arg10: memref<128x128xf32, #tpu.memory_space<vmem>>, %arg11: memref<10240x128xf32, #tpu.memory_space<vmem_shared>>, %arg12: memref<!tpu.dma_semaphore, #tpu.memory_space<semaphore_mem>>, %arg13: memref<!tpu.dma_semaphore, #tpu.memory_space<semaphore_mem>>, %arg14: memref<!tpu.dma_semaphore, #tpu.memory_space<semaphore_mem>>, %arg15: memref<!tpu.dma_semaphore, #tpu.memory_space<semaphore_mem>>) attributes {dimension_semantics = [#tpu.dimension_semantics<core_parallel>, #tpu.dimension_semantics<subcore_parallel>], iteration_bounds = array<i64: 2, 16>, scalar_prefetch = 0 : i64, scratch_operands = 9 : i64, tpu.core_type = #tpu.core_type<sc_vector_subcore>, window_params = [{transform_indices = #map}, {transform_indices = #map1}, {transform_indices = #map1}, {transform_indices = #map}, {transform_indices = #map1}]} {
    %mul3A = arith.constant 16 : i32
    %mul3A_0 = arith.muli %arg0, %mul3A : i32
    %add3A = arith.addi %mul3A_0, %arg1 : i32
    %mul3A_1 = arith.constant 640 : i32
    %mul3A_2 = arith.muli %arg1, %mul3A_1 : i32
    %add3A_3 = arith.constant 0 : i32
    %add3A_4 = arith.addi %mul3A_2, %add3A_3 : i32
    %dma_start3A = arith.constant 0 : i32
    %dma_start3A_5 = tpu.memref_slice %arg11[%add3A_4, %dma_start3A] : memref<10240x128xf32, #tpu.memory_space<vmem_shared>> -> memref<128x128xf32, #tpu.memory_space<vmem_shared>>
    tpu.enqueue_dma source(%arg5 : memref<128x128xf32, #tpu.memory_space<hbm>>) target(%dma_start3A_5 : memref<128x128xf32, #tpu.memory_space<vmem_shared>>) target_semaphore(%arg12 : memref<!tpu.dma_semaphore, #tpu.memory_space<semaphore_mem>>)
    %mul3A_6 = arith.constant 640 : i32
    %mul3A_7 = arith.muli %arg1, %mul3A_6 : i32
    %add3A_8 = arith.constant 128 : i32
    %add3A_9 = arith.addi %mul3A_7, %add3A_8 : i32
    %dma_start3A_10 = arith.constant 0 : i32
    %dma_start3A_11 = tpu.memref_slice %arg11[%add3A_9, %dma_start3A_10] : memref<10240x128xf32, #tpu.memory_space<vmem_shared>> -> memref<128x128xf32, #tpu.memory_space<vmem_shared>>
    tpu.enqueue_dma source(%arg5 : memref<128x128xf32, #tpu.memory_space<hbm>>) target(%dma_start3A_11 : memref<128x128xf32, #tpu.memory_space<vmem_shared>>) target_semaphore(%arg12 : memref<!tpu.dma_semaphore, #tpu.memory_space<semaphore_mem>>)
    %mul3A_12 = arith.constant 640 : i32
    %mul3A_13 = arith.muli %arg1, %mul3A_12 : i32
    %add3A_14 = arith.constant 256 : i32
    %add3A_15 = arith.addi %mul3A_13, %add3A_14 : i32
    %dma_start3A_16 = arith.constant 0 : i32
    %dma_start3A_17 = tpu.memref_slice %arg11[%add3A_15, %dma_start3A_16] : memref<10240x128xf32, #tpu.memory_space<vmem_shared>> -> memref<128x128xf32, #tpu.memory_space<vmem_shared>>
    tpu.enqueue_dma source(%arg5 : memref<128x128xf32, #tpu.memory_space<hbm>>) target(%dma_start3A_17 : memref<128x128xf32, #tpu.memory_space<vmem_shared>>) target_semaphore(%arg12 : memref<!tpu.dma_semaphore, #tpu.memory_space<semaphore_mem>>)
    %mul3A_18 = arith.constant 640 : i32
    %mul3A_19 = arith.muli %arg1, %mul3A_18 : i32
    %add3A_20 = arith.constant 384 : i32
    %add3A_21 = arith.addi %mul3A_19, %add3A_20 : i32
    %dma_start3A_22 = arith.constant 0 : i32
    %dma_start3A_23 = tpu.memref_slice %arg11[%add3A_21, %dma_start3A_22] : memref<10240x128xf32, #tpu.memory_space<vmem_shared>> -> memref<128x128xf32, #tpu.memory_space<vmem_shared>>
    tpu.enqueue_dma source(%arg5 : memref<128x128xf32, #tpu.memory_space<hbm>>) target(%dma_start3A_23 : memref<128x128xf32, #tpu.memory_space<vmem_shared>>) target_semaphore(%arg12 : memref<!tpu.dma_semaphore, #tpu.memory_space<semaphore_mem>>)
    %mul3A_24 = arith.constant 640 : i32
    %mul3A_25 = arith.muli %arg1, %mul3A_24 : i32
    %add3A_26 = arith.constant 512 : i32
    %add3A_27 = arith.addi %mul3A_25, %add3A_26 : i32
    %dma_start3A_28 = arith.constant 0 : i32
    %dma_start3A_29 = tpu.memref_slice %arg11[%add3A_27, %dma_start3A_28] : memref<10240x128xf32, #tpu.memory_space<vmem_shared>> -> memref<128x128xf32, #tpu.memory_space<vmem_shared>>
    tpu.enqueue_dma source(%arg5 : memref<128x128xf32, #tpu.memory_space<hbm>>) target(%dma_start3A_29 : memref<128x128xf32, #tpu.memory_space<vmem_shared>>) target_semaphore(%arg12 : memref<!tpu.dma_semaphore, #tpu.memory_space<semaphore_mem>>)
    %dma_wait3A = arith.constant 0 : i32
    %dma_wait3A_30 = arith.constant 0 : i32
    %dma_wait3A_31 = tpu.memref_slice %arg11[%dma_wait3A, %dma_wait3A_30] : memref<10240x128xf32, #tpu.memory_space<vmem_shared>> -> memref<128x128xf32, #tpu.memory_space<vmem_shared>>
    tpu.wait_dma2 semaphore(%arg12 : memref<!tpu.dma_semaphore, #tpu.memory_space<semaphore_mem>>) src(%arg5 : memref<128x128xf32, #tpu.memory_space<hbm>>) dst(%dma_wait3A_31 : memref<128x128xf32, #tpu.memory_space<vmem_shared>>)
    %dma_wait3A_32 = arith.constant 0 : i32
    %dma_wait3A_33 = arith.constant 0 : i32
    %dma_wait3A_34 = tpu.memref_slice %arg11[%dma_wait3A_32, %dma_wait3A_33] : memref<10240x128xf32, #tpu.memory_space<vmem_shared>> -> memref<128x128xf32, #tpu.memory_space<vmem_shared>>
    tpu.wait_dma2 semaphore(%arg12 : memref<!tpu.dma_semaphore, #tpu.memory_space<semaphore_mem>>) src(%arg5 : memref<128x128xf32, #tpu.memory_space<hbm>>) dst(%dma_wait3A_34 : memref<128x128xf32, #tpu.memory_space<vmem_shared>>)
    %dma_wait3A_35 = arith.constant 0 : i32
    %dma_wait3A_36 = arith.constant 0 : i32
    %dma_wait3A_37 = tpu.memref_slice %arg11[%dma_wait3A_35, %dma_wait3A_36] : memref<10240x128xf32, #tpu.memory_space<vmem_shared>> -> memref<128x128xf32, #tpu.memory_space<vmem_shared>>
    tpu.wait_dma2 semaphore(%arg12 : memref<!tpu.dma_semaphore, #tpu.memory_space<semaphore_mem>>) src(%arg5 : memref<128x128xf32, #tpu.memory_space<hbm>>) dst(%dma_wait3A_37 : memref<128x128xf32, #tpu.memory_space<vmem_shared>>)
    %dma_wait3A_38 = arith.constant 0 : i32
    %dma_wait3A_39 = arith.constant 0 : i32
    %dma_wait3A_40 = tpu.memref_slice %arg11[%dma_wait3A_38, %dma_wait3A_39] : memref<10240x128xf32, #tpu.memory_space<vmem_shared>> -> memref<128x128xf32, #tpu.memory_space<vmem_shared>>
    tpu.wait_dma2 semaphore(%arg12 : memref<!tpu.dma_semaphore, #tpu.memory_space<semaphore_mem>>) src(%arg5 : memref<128x128xf32, #tpu.memory_space<hbm>>) dst(%dma_wait3A_40 : memref<128x128xf32, #tpu.memory_space<vmem_shared>>)
    %dma_wait3A_41 = arith.constant 0 : i32
    %dma_wait3A_42 = arith.constant 0 : i32
    %dma_wait3A_43 = tpu.memref_slice %arg11[%dma_wait3A_41, %dma_wait3A_42] : memref<10240x128xf32, #tpu.memory_space<vmem_shared>> -> memref<128x128xf32, #tpu.memory_space<vmem_shared>>
    tpu.wait_dma2 semaphore(%arg12 : memref<!tpu.dma_semaphore, #tpu.memory_space<semaphore_mem>>) src(%arg5 : memref<128x128xf32, #tpu.memory_space<hbm>>) dst(%dma_wait3A_43 : memref<128x128xf32, #tpu.memory_space<vmem_shared>>)
    %barrier3A = arith.constant 0 : index
    tpu.barrier barrier_id(%barrier3A)
    "tpu.region"() ({
      %run_scoped3A = tpu.sem_alloc : memref<!tpu.dma_semaphore, #tpu.memory_space<semaphore_mem>>
      %dma_start3A_162 = arith.constant 0 : i32
      %dma_start3A_163 = arith.constant 0 : i32
      %dma_start3A_164 = tpu.memref_slice %arg3[%add3A, %dma_start3A_162, %dma_start3A_163] : memref<32x80x128xi32, #tpu.memory_space<hbm>> -> memref<1x40x128xi32, #tpu.memory_space<hbm>>
      %dma_start3A_165 = tpu.memref_squeeze %dma_start3A_164 : memref<1x40x128xi32, #tpu.memory_space<hbm>> -> memref<40x128xi32, #tpu.memory_space<hbm>>
      %dma_start3A_166 = arith.constant 0 : i32
      %dma_start3A_167 = arith.constant 0 : i32
      %dma_start3A_168 = tpu.memref_slice %arg3[%add3A, %dma_start3A_166, %dma_start3A_167] : memref<32x80x128xi32, #tpu.memory_space<hbm>> -> memref<1x40x128xi32, #tpu.memory_space<hbm>>
      %dma_start3A_169 = tpu.memref_squeeze %dma_start3A_168 : memref<1x40x128xi32, #tpu.memory_space<hbm>> -> memref<40x128xi32, #tpu.memory_space<hbm>>
      tpu.enqueue_dma source(%dma_start3A_169 : memref<40x128xi32, #tpu.memory_space<hbm>>) target(%arg7 : memref<40x128xi32, #tpu.memory_space<vmem>>) target_semaphore(%run_scoped3A : memref<!tpu.dma_semaphore, #tpu.memory_space<semaphore_mem>>)
      %dma_wait3A_170 = arith.constant 0 : i32
      %dma_wait3A_171 = arith.constant 0 : i32
      %dma_wait3A_172 = tpu.memref_slice %arg3[%add3A, %dma_wait3A_170, %dma_wait3A_171] : memref<32x80x128xi32, #tpu.memory_space<hbm>> -> memref<1x40x128xi32, #tpu.memory_space<hbm>>
      %dma_wait3A_173 = tpu.memref_squeeze %dma_wait3A_172 : memref<1x40x128xi32, #tpu.memory_space<hbm>> -> memref<40x128xi32, #tpu.memory_space<hbm>>
      %dma_wait3A_174 = arith.constant 0 : i32
      %dma_wait3A_175 = arith.constant 0 : i32
      %dma_wait3A_176 = tpu.memref_slice %arg3[%add3A, %dma_wait3A_174, %dma_wait3A_175] : memref<32x80x128xi32, #tpu.memory_space<hbm>> -> memref<1x40x128xi32, #tpu.memory_space<hbm>>
      %dma_wait3A_177 = tpu.memref_squeeze %dma_wait3A_176 : memref<1x40x128xi32, #tpu.memory_space<hbm>> -> memref<40x128xi32, #tpu.memory_space<hbm>>
      tpu.wait_dma2 semaphore(%run_scoped3A : memref<!tpu.dma_semaphore, #tpu.memory_space<semaphore_mem>>) src(%dma_wait3A_177 : memref<40x128xi32, #tpu.memory_space<hbm>>) dst(%arg7 : memref<40x128xi32, #tpu.memory_space<vmem>>)
      tpu.yield
    }) : () -> ()
    "tpu.region"() ({
      %run_scoped3A = tpu.sem_alloc : memref<!tpu.dma_semaphore, #tpu.memory_space<semaphore_mem>>
      %dma_start3A_162 = arith.constant 0 : i32
      %dma_start3A_163 = arith.constant 0 : i32
      %dma_start3A_164 = tpu.memref_slice %arg4[%add3A, %dma_start3A_162, %dma_start3A_163] : memref<32x80x128xi32, #tpu.memory_space<hbm>> -> memref<1x40x128xi32, #tpu.memory_space<hbm>>
      %dma_start3A_165 = tpu.memref_squeeze %dma_start3A_164 : memref<1x40x128xi32, #tpu.memory_space<hbm>> -> memref<40x128xi32, #tpu.memory_space<hbm>>
      %dma_start3A_166 = arith.constant 0 : i32
      %dma_start3A_167 = arith.constant 0 : i32
      %dma_start3A_168 = tpu.memref_slice %arg4[%add3A, %dma_start3A_166, %dma_start3A_167] : memref<32x80x128xi32, #tpu.memory_space<hbm>> -> memref<1x40x128xi32, #tpu.memory_space<hbm>>
      %dma_start3A_169 = tpu.memref_squeeze %dma_start3A_168 : memref<1x40x128xi32, #tpu.memory_space<hbm>> -> memref<40x128xi32, #tpu.memory_space<hbm>>
      tpu.enqueue_dma source(%dma_start3A_169 : memref<40x128xi32, #tpu.memory_space<hbm>>) target(%arg8 : memref<40x128xi32, #tpu.memory_space<vmem>>) target_semaphore(%run_scoped3A : memref<!tpu.dma_semaphore, #tpu.memory_space<semaphore_mem>>)
      %dma_wait3A_170 = arith.constant 0 : i32
      %dma_wait3A_171 = arith.constant 0 : i32
      %dma_wait3A_172 = tpu.memref_slice %arg4[%add3A, %dma_wait3A_170, %dma_wait3A_171] : memref<32x80x128xi32, #tpu.memory_space<hbm>> -> memref<1x40x128xi32, #tpu.memory_space<hbm>>
      %dma_wait3A_173 = tpu.memref_squeeze %dma_wait3A_172 : memref<1x40x128xi32, #tpu.memory_space<hbm>> -> memref<40x128xi32, #tpu.memory_space<hbm>>
      %dma_wait3A_174 = arith.constant 0 : i32
      %dma_wait3A_175 = arith.constant 0 : i32
      %dma_wait3A_176 = tpu.memref_slice %arg4[%add3A, %dma_wait3A_174, %dma_wait3A_175] : memref<32x80x128xi32, #tpu.memory_space<hbm>> -> memref<1x40x128xi32, #tpu.memory_space<hbm>>
      %dma_wait3A_177 = tpu.memref_squeeze %dma_wait3A_176 : memref<1x40x128xi32, #tpu.memory_space<hbm>> -> memref<40x128xi32, #tpu.memory_space<hbm>>
      tpu.wait_dma2 semaphore(%run_scoped3A : memref<!tpu.dma_semaphore, #tpu.memory_space<semaphore_mem>>) src(%dma_wait3A_177 : memref<40x128xi32, #tpu.memory_space<hbm>>) dst(%arg8 : memref<40x128xi32, #tpu.memory_space<vmem>>)
      tpu.yield
    }) : () -> ()
    %dma_start3A_44 = arith.constant 0 : i32
    %dma_start3A_45 = arith.constant 0 : i32
    %dma_start3A_46 = tpu.memref_slice %arg7[%dma_start3A_44, %dma_start3A_45] : memref<40x128xi32, #tpu.memory_space<vmem>> -> memref<1x128xi32, #tpu.memory_space<vmem>>
    %dma_start3A_47 = tpu.memref_squeeze %dma_start3A_46 : memref<1x128xi32, #tpu.memory_space<vmem>> -> memref<128xi32, #tpu.memory_space<vmem>>
    %dma_start3A_48 = arith.constant 0 : i32
    %dma_start3A_49 = arith.constant 0 : i32
    %dma_start3A_50 = tpu.memref_slice %arg2[%dma_start3A_48, %dma_start3A_49] : memref<10240x128xf32, #tpu.memory_space<hbm>> -> memref<10240x128xf32, #tpu.memory_space<hbm>>
    tpu.enqueue_indirect_dma source(%dma_start3A_50 : memref<10240x128xf32, #tpu.memory_space<hbm>>) target(%arg9 : memref<128x128xf32, #tpu.memory_space<vmem>>) offsets(%dma_start3A_47 : memref<128xi32, #tpu.memory_space<vmem>>) semaphore(%arg12 : memref<!tpu.dma_semaphore, #tpu.memory_space<semaphore_mem>>)
    %dma_start3A_51 = arith.constant 1 : i32
    %dma_start3A_52 = arith.constant 0 : i32
    %dma_start3A_53 = tpu.memref_slice %arg7[%dma_start3A_51, %dma_start3A_52] : memref<40x128xi32, #tpu.memory_space<vmem>> -> memref<1x128xi32, #tpu.memory_space<vmem>>
    %dma_start3A_54 = tpu.memref_squeeze %dma_start3A_53 : memref<1x128xi32, #tpu.memory_space<vmem>> -> memref<128xi32, #tpu.memory_space<vmem>>
    %dma_start3A_55 = arith.constant 0 : i32
    %dma_start3A_56 = arith.constant 0 : i32
    %dma_start3A_57 = tpu.memref_slice %arg2[%dma_start3A_55, %dma_start3A_56] : memref<10240x128xf32, #tpu.memory_space<hbm>> -> memref<10240x128xf32, #tpu.memory_space<hbm>>
    tpu.enqueue_indirect_dma source(%dma_start3A_57 : memref<10240x128xf32, #tpu.memory_space<hbm>>) target(%arg10 : memref<128x128xf32, #tpu.memory_space<vmem>>) offsets(%dma_start3A_54 : memref<128xi32, #tpu.memory_space<vmem>>) semaphore(%arg13 : memref<!tpu.dma_semaphore, #tpu.memory_space<semaphore_mem>>)
    %scan3A = arith.constant 0 : i32
    %scan3A_58 = arith.constant 20 : i32
    %scan3A_59 = arith.addi %scan3A, %scan3A_58 : i32
    %scan3A_60 = arith.constant 1 : i32
    scf.for %scan3A_162 = %scan3A to %scan3A_59 step %scan3A_60  : i32 {
      %mul3A_163 = arith.constant 2 : i32
      %mul3A_164 = arith.muli %mul3A_163, %scan3A_162 : i32
      %add3A_165 = arith.constant 0 : i32
      %add3A_166 = arith.addi %mul3A_164, %add3A_165 : i32
      %dma_wait3A_167 = arith.constant 0 : i32
      %dma_wait3A_168 = arith.constant 0 : i32
      %dma_wait3A_169 = tpu.memref_slice %arg2[%dma_wait3A_167, %dma_wait3A_168] : memref<10240x128xf32, #tpu.memory_space<hbm>> -> memref<128x128xf32, #tpu.memory_space<hbm>>
      %dma_wait3A_170 = arith.constant 0 : i32
      %dma_wait3A_171 = arith.constant 0 : i32
      %dma_wait3A_172 = tpu.memref_slice %arg2[%dma_wait3A_170, %dma_wait3A_171] : memref<10240x128xf32, #tpu.memory_space<hbm>> -> memref<128x128xf32, #tpu.memory_space<hbm>>
      tpu.wait_dma2 semaphore(%arg12 : memref<!tpu.dma_semaphore, #tpu.memory_space<semaphore_mem>>) src(%dma_wait3A_172 : memref<128x128xf32, #tpu.memory_space<hbm>>) dst(%arg9 : memref<128x128xf32, #tpu.memory_space<vmem>>)
      %dma_start3A_173 = arith.constant 0 : i32
      %dma_start3A_174 = tpu.memref_slice %arg8[%add3A_166, %dma_start3A_173] : memref<40x128xi32, #tpu.memory_space<vmem>> -> memref<1x128xi32, #tpu.memory_space<vmem>>
      %dma_start3A_175 = tpu.memref_squeeze %dma_start3A_174 : memref<1x128xi32, #tpu.memory_space<vmem>> -> memref<128xi32, #tpu.memory_space<vmem>>
      %dma_start3A_176 = arith.constant 0 : i32
      %dma_start3A_177 = arith.constant 0 : i32
      %dma_start3A_178 = tpu.memref_slice %arg11[%dma_start3A_176, %dma_start3A_177] : memref<10240x128xf32, #tpu.memory_space<vmem_shared>> -> memref<10240x128xf32, #tpu.memory_space<vmem_shared>>
      tpu.enqueue_indirect_dma source(%arg9 : memref<128x128xf32, #tpu.memory_space<vmem>>) target(%dma_start3A_178 : memref<10240x128xf32, #tpu.memory_space<vmem_shared>>) offsets(%dma_start3A_175 : memref<128xi32, #tpu.memory_space<vmem>>) semaphore(%arg14 : memref<!tpu.dma_semaphore, #tpu.memory_space<semaphore_mem>>) {add = true}
      %dma_wait3A_179 = arith.constant 0 : i32
      %dma_wait3A_180 = arith.constant 0 : i32
      %dma_wait3A_181 = tpu.memref_slice %arg11[%dma_wait3A_179, %dma_wait3A_180] : memref<10240x128xf32, #tpu.memory_space<vmem_shared>> -> memref<128x128xf32, #tpu.memory_space<vmem_shared>>
      %dma_wait3A_182 = arith.constant 0 : i32
      %dma_wait3A_183 = arith.constant 0 : i32
      %dma_wait3A_184 = tpu.memref_slice %arg11[%dma_wait3A_182, %dma_wait3A_183] : memref<10240x128xf32, #tpu.memory_space<vmem_shared>> -> memref<128x128xf32, #tpu.memory_space<vmem_shared>>
      tpu.wait_dma2 semaphore(%arg14 : memref<!tpu.dma_semaphore, #tpu.memory_space<semaphore_mem>>) src(%arg9 : memref<128x128xf32, #tpu.memory_space<vmem>>) dst(%dma_wait3A_184 : memref<128x128xf32, #tpu.memory_space<vmem_shared>>)
      %add3A_185 = arith.constant 2 : i32
      %add3A_186 = arith.addi %add3A_166, %add3A_185 : i32
      %lt3A = arith.constant 40 : i32
      %lt3A_187 = arith.cmpi slt, %add3A_186, %lt3A : i32
      %convert_element_type3A = arith.extui %lt3A_187 : i1 to i32
      %cond3A = arith.constant 0 : i32
      %cond3A_188 = arith.cmpi ne, %convert_element_type3A, %cond3A : i32
      scf.if %cond3A_188 {
        %add3A_218 = arith.constant 2 : i32
        %add3A_219 = arith.addi %add3A_166, %add3A_218 : i32
        %dma_start3A_220 = arith.constant 0 : i32
        %dma_start3A_221 = tpu.memref_slice %arg7[%add3A_219, %dma_start3A_220] : memref<40x128xi32, #tpu.memory_space<vmem>> -> memref<1x128xi32, #tpu.memory_space<vmem>>
        %dma_start3A_222 = tpu.memref_squeeze %dma_start3A_221 : memref<1x128xi32, #tpu.memory_space<vmem>> -> memref<128xi32, #tpu.memory_space<vmem>>
        %dma_start3A_223 = arith.constant 0 : i32
        %dma_start3A_224 = arith.constant 0 : i32
        %dma_start3A_225 = tpu.memref_slice %arg2[%dma_start3A_223, %dma_start3A_224] : memref<10240x128xf32, #tpu.memory_space<hbm>> -> memref<10240x128xf32, #tpu.memory_space<hbm>>
        tpu.enqueue_indirect_dma source(%dma_start3A_225 : memref<10240x128xf32, #tpu.memory_space<hbm>>) target(%arg9 : memref<128x128xf32, #tpu.memory_space<vmem>>) offsets(%dma_start3A_222 : memref<128xi32, #tpu.memory_space<vmem>>) semaphore(%arg12 : memref<!tpu.dma_semaphore, #tpu.memory_space<semaphore_mem>>)
      } else {
      }
      %mul3A_189 = arith.constant 2 : i32
      %mul3A_190 = arith.muli %mul3A_189, %scan3A_162 : i32
      %add3A_191 = arith.constant 1 : i32
      %add3A_192 = arith.addi %mul3A_190, %add3A_191 : i32
      %dma_wait3A_193 = arith.constant 0 : i32
      %dma_wait3A_194 = arith.constant 0 : i32
      %dma_wait3A_195 = tpu.memref_slice %arg2[%dma_wait3A_193, %dma_wait3A_194] : memref<10240x128xf32, #tpu.memory_space<hbm>> -> memref<128x128xf32, #tpu.memory_space<hbm>>
      %dma_wait3A_196 = arith.constant 0 : i32
      %dma_wait3A_197 = arith.constant 0 : i32
      %dma_wait3A_198 = tpu.memref_slice %arg2[%dma_wait3A_196, %dma_wait3A_197] : memref<10240x128xf32, #tpu.memory_space<hbm>> -> memref<128x128xf32, #tpu.memory_space<hbm>>
      tpu.wait_dma2 semaphore(%arg13 : memref<!tpu.dma_semaphore, #tpu.memory_space<semaphore_mem>>) src(%dma_wait3A_198 : memref<128x128xf32, #tpu.memory_space<hbm>>) dst(%arg10 : memref<128x128xf32, #tpu.memory_space<vmem>>)
      %dma_start3A_199 = arith.constant 0 : i32
      %dma_start3A_200 = tpu.memref_slice %arg8[%add3A_192, %dma_start3A_199] : memref<40x128xi32, #tpu.memory_space<vmem>> -> memref<1x128xi32, #tpu.memory_space<vmem>>
      %dma_start3A_201 = tpu.memref_squeeze %dma_start3A_200 : memref<1x128xi32, #tpu.memory_space<vmem>> -> memref<128xi32, #tpu.memory_space<vmem>>
      %dma_start3A_202 = arith.constant 0 : i32
      %dma_start3A_203 = arith.constant 0 : i32
      %dma_start3A_204 = tpu.memref_slice %arg11[%dma_start3A_202, %dma_start3A_203] : memref<10240x128xf32, #tpu.memory_space<vmem_shared>> -> memref<10240x128xf32, #tpu.memory_space<vmem_shared>>
      tpu.enqueue_indirect_dma source(%arg10 : memref<128x128xf32, #tpu.memory_space<vmem>>) target(%dma_start3A_204 : memref<10240x128xf32, #tpu.memory_space<vmem_shared>>) offsets(%dma_start3A_201 : memref<128xi32, #tpu.memory_space<vmem>>) semaphore(%arg15 : memref<!tpu.dma_semaphore, #tpu.memory_space<semaphore_mem>>) {add = true}
      %dma_wait3A_205 = arith.constant 0 : i32
      %dma_wait3A_206 = arith.constant 0 : i32
      %dma_wait3A_207 = tpu.memref_slice %arg11[%dma_wait3A_205, %dma_wait3A_206] : memref<10240x128xf32, #tpu.memory_space<vmem_shared>> -> memref<128x128xf32, #tpu.memory_space<vmem_shared>>
      %dma_wait3A_208 = arith.constant 0 : i32
      %dma_wait3A_209 = arith.constant 0 : i32
      %dma_wait3A_210 = tpu.memref_slice %arg11[%dma_wait3A_208, %dma_wait3A_209] : memref<10240x128xf32, #tpu.memory_space<vmem_shared>> -> memref<128x128xf32, #tpu.memory_space<vmem_shared>>
      tpu.wait_dma2 semaphore(%arg15 : memref<!tpu.dma_semaphore, #tpu.memory_space<semaphore_mem>>) src(%arg10 : memref<128x128xf32, #tpu.memory_space<vmem>>) dst(%dma_wait3A_210 : memref<128x128xf32, #tpu.memory_space<vmem_shared>>)
      %add3A_211 = arith.constant 2 : i32
      %add3A_212 = arith.addi %add3A_192, %add3A_211 : i32
      %lt3A_213 = arith.constant 40 : i32
      %lt3A_214 = arith.cmpi slt, %add3A_212, %lt3A_213 : i32
      %convert_element_type3A_215 = arith.extui %lt3A_214 : i1 to i32
      %cond3A_216 = arith.constant 0 : i32
      %cond3A_217 = arith.cmpi ne, %convert_element_type3A_215, %cond3A_216 : i32
      scf.if %cond3A_217 {
        %add3A_218 = arith.constant 2 : i32
        %add3A_219 = arith.addi %add3A_192, %add3A_218 : i32
        %dma_start3A_220 = arith.constant 0 : i32
        %dma_start3A_221 = tpu.memref_slice %arg7[%add3A_219, %dma_start3A_220] : memref<40x128xi32, #tpu.memory_space<vmem>> -> memref<1x128xi32, #tpu.memory_space<vmem>>
        %dma_start3A_222 = tpu.memref_squeeze %dma_start3A_221 : memref<1x128xi32, #tpu.memory_space<vmem>> -> memref<128xi32, #tpu.memory_space<vmem>>
        %dma_start3A_223 = arith.constant 0 : i32
        %dma_start3A_224 = arith.constant 0 : i32
        %dma_start3A_225 = tpu.memref_slice %arg2[%dma_start3A_223, %dma_start3A_224] : memref<10240x128xf32, #tpu.memory_space<hbm>> -> memref<10240x128xf32, #tpu.memory_space<hbm>>
        tpu.enqueue_indirect_dma source(%dma_start3A_225 : memref<10240x128xf32, #tpu.memory_space<hbm>>) target(%arg10 : memref<128x128xf32, #tpu.memory_space<vmem>>) offsets(%dma_start3A_222 : memref<128xi32, #tpu.memory_space<vmem>>) semaphore(%arg13 : memref<!tpu.dma_semaphore, #tpu.memory_space<semaphore_mem>>)
      } else {
      }
    }
    %scan3A_61 = arith.constant 20 : i32
    "tpu.region"() ({
      %run_scoped3A = tpu.sem_alloc : memref<!tpu.dma_semaphore, #tpu.memory_space<semaphore_mem>>
      %dma_start3A_162 = arith.constant 40 : i32
      %dma_start3A_163 = arith.constant 0 : i32
      %dma_start3A_164 = tpu.memref_slice %arg3[%add3A, %dma_start3A_162, %dma_start3A_163] : memref<32x80x128xi32, #tpu.memory_space<hbm>> -> memref<1x40x128xi32, #tpu.memory_space<hbm>>
      %dma_start3A_165 = tpu.memref_squeeze %dma_start3A_164 : memref<1x40x128xi32, #tpu.memory_space<hbm>> -> memref<40x128xi32, #tpu.memory_space<hbm>>
      %dma_start3A_166 = arith.constant 40 : i32
      %dma_start3A_167 = arith.constant 0 : i32
      %dma_start3A_168 = tpu.memref_slice %arg3[%add3A, %dma_start3A_166, %dma_start3A_167] : memref<32x80x128xi32, #tpu.memory_space<hbm>> -> memref<1x40x128xi32, #tpu.memory_space<hbm>>
      %dma_start3A_169 = tpu.memref_squeeze %dma_start3A_168 : memref<1x40x128xi32, #tpu.memory_space<hbm>> -> memref<40x128xi32, #tpu.memory_space<hbm>>
      tpu.enqueue_dma source(%dma_start3A_169 : memref<40x128xi32, #tpu.memory_space<hbm>>) target(%arg7 : memref<40x128xi32, #tpu.memory_space<vmem>>) target_semaphore(%run_scoped3A : memref<!tpu.dma_semaphore, #tpu.memory_space<semaphore_mem>>)
      %dma_wait3A_170 = arith.constant 40 : i32
      %dma_wait3A_171 = arith.constant 0 : i32
      %dma_wait3A_172 = tpu.memref_slice %arg3[%add3A, %dma_wait3A_170, %dma_wait3A_171] : memref<32x80x128xi32, #tpu.memory_space<hbm>> -> memref<1x40x128xi32, #tpu.memory_space<hbm>>
      %dma_wait3A_173 = tpu.memref_squeeze %dma_wait3A_172 : memref<1x40x128xi32, #tpu.memory_space<hbm>> -> memref<40x128xi32, #tpu.memory_space<hbm>>
      %dma_wait3A_174 = arith.constant 40 : i32
      %dma_wait3A_175 = arith.constant 0 : i32
      %dma_wait3A_176 = tpu.memref_slice %arg3[%add3A, %dma_wait3A_174, %dma_wait3A_175] : memref<32x80x128xi32, #tpu.memory_space<hbm>> -> memref<1x40x128xi32, #tpu.memory_space<hbm>>
      %dma_wait3A_177 = tpu.memref_squeeze %dma_wait3A_176 : memref<1x40x128xi32, #tpu.memory_space<hbm>> -> memref<40x128xi32, #tpu.memory_space<hbm>>
      tpu.wait_dma2 semaphore(%run_scoped3A : memref<!tpu.dma_semaphore, #tpu.memory_space<semaphore_mem>>) src(%dma_wait3A_177 : memref<40x128xi32, #tpu.memory_space<hbm>>) dst(%arg7 : memref<40x128xi32, #tpu.memory_space<vmem>>)
      tpu.yield
    }) : () -> ()
    "tpu.region"() ({
      %run_scoped3A = tpu.sem_alloc : memref<!tpu.dma_semaphore, #tpu.memory_space<semaphore_mem>>
      %dma_start3A_162 = arith.constant 40 : i32
      %dma_start3A_163 = arith.constant 0 : i32
      %dma_start3A_164 = tpu.memref_slice %arg4[%add3A, %dma_start3A_162, %dma_start3A_163] : memref<32x80x128xi32, #tpu.memory_space<hbm>> -> memref<1x40x128xi32, #tpu.memory_space<hbm>>
      %dma_start3A_165 = tpu.memref_squeeze %dma_start3A_164 : memref<1x40x128xi32, #tpu.memory_space<hbm>> -> memref<40x128xi32, #tpu.memory_space<hbm>>
      %dma_start3A_166 = arith.constant 40 : i32
      %dma_start3A_167 = arith.constant 0 : i32
      %dma_start3A_168 = tpu.memref_slice %arg4[%add3A, %dma_start3A_166, %dma_start3A_167] : memref<32x80x128xi32, #tpu.memory_space<hbm>> -> memref<1x40x128xi32, #tpu.memory_space<hbm>>
      %dma_start3A_169 = tpu.memref_squeeze %dma_start3A_168 : memref<1x40x128xi32, #tpu.memory_space<hbm>> -> memref<40x128xi32, #tpu.memory_space<hbm>>
      tpu.enqueue_dma source(%dma_start3A_169 : memref<40x128xi32, #tpu.memory_space<hbm>>) target(%arg8 : memref<40x128xi32, #tpu.memory_space<vmem>>) target_semaphore(%run_scoped3A : memref<!tpu.dma_semaphore, #tpu.memory_space<semaphore_mem>>)
      %dma_wait3A_170 = arith.constant 40 : i32
      %dma_wait3A_171 = arith.constant 0 : i32
      %dma_wait3A_172 = tpu.memref_slice %arg4[%add3A, %dma_wait3A_170, %dma_wait3A_171] : memref<32x80x128xi32, #tpu.memory_space<hbm>> -> memref<1x40x128xi32, #tpu.memory_space<hbm>>
      %dma_wait3A_173 = tpu.memref_squeeze %dma_wait3A_172 : memref<1x40x128xi32, #tpu.memory_space<hbm>> -> memref<40x128xi32, #tpu.memory_space<hbm>>
      %dma_wait3A_174 = arith.constant 40 : i32
      %dma_wait3A_175 = arith.constant 0 : i32
      %dma_wait3A_176 = tpu.memref_slice %arg4[%add3A, %dma_wait3A_174, %dma_wait3A_175] : memref<32x80x128xi32, #tpu.memory_space<hbm>> -> memref<1x40x128xi32, #tpu.memory_space<hbm>>
      %dma_wait3A_177 = tpu.memref_squeeze %dma_wait3A_176 : memref<1x40x128xi32, #tpu.memory_space<hbm>> -> memref<40x128xi32, #tpu.memory_space<hbm>>
      tpu.wait_dma2 semaphore(%run_scoped3A : memref<!tpu.dma_semaphore, #tpu.memory_space<semaphore_mem>>) src(%dma_wait3A_177 : memref<40x128xi32, #tpu.memory_space<hbm>>) dst(%arg8 : memref<40x128xi32, #tpu.memory_space<vmem>>)
      tpu.yield
    }) : () -> ()
    %dma_start3A_62 = arith.constant 0 : i32
    %dma_start3A_63 = arith.constant 0 : i32
    %dma_start3A_64 = tpu.memref_slice %arg7[%dma_start3A_62, %dma_start3A_63] : memref<40x128xi32, #tpu.memory_space<vmem>> -> memref<1x128xi32, #tpu.memory_space<vmem>>
    %dma_start3A_65 = tpu.memref_squeeze %dma_start3A_64 : memref<1x128xi32, #tpu.memory_space<vmem>> -> memref<128xi32, #tpu.memory_space<vmem>>
    %dma_start3A_66 = arith.constant 0 : i32
    %dma_start3A_67 = arith.constant 0 : i32
    %dma_start3A_68 = tpu.memref_slice %arg2[%dma_start3A_66, %dma_start3A_67] : memref<10240x128xf32, #tpu.memory_space<hbm>> -> memref<10240x128xf32, #tpu.memory_space<hbm>>
    tpu.enqueue_indirect_dma source(%dma_start3A_68 : memref<10240x128xf32, #tpu.memory_space<hbm>>) target(%arg9 : memref<128x128xf32, #tpu.memory_space<vmem>>) offsets(%dma_start3A_65 : memref<128xi32, #tpu.memory_space<vmem>>) semaphore(%arg12 : memref<!tpu.dma_semaphore, #tpu.memory_space<semaphore_mem>>)
    %dma_start3A_69 = arith.constant 1 : i32
    %dma_start3A_70 = arith.constant 0 : i32
    %dma_start3A_71 = tpu.memref_slice %arg7[%dma_start3A_69, %dma_start3A_70] : memref<40x128xi32, #tpu.memory_space<vmem>> -> memref<1x128xi32, #tpu.memory_space<vmem>>
    %dma_start3A_72 = tpu.memref_squeeze %dma_start3A_71 : memref<1x128xi32, #tpu.memory_space<vmem>> -> memref<128xi32, #tpu.memory_space<vmem>>
    %dma_start3A_73 = arith.constant 0 : i32
    %dma_start3A_74 = arith.constant 0 : i32
    %dma_start3A_75 = tpu.memref_slice %arg2[%dma_start3A_73, %dma_start3A_74] : memref<10240x128xf32, #tpu.memory_space<hbm>> -> memref<10240x128xf32, #tpu.memory_space<hbm>>
    tpu.enqueue_indirect_dma source(%dma_start3A_75 : memref<10240x128xf32, #tpu.memory_space<hbm>>) target(%arg10 : memref<128x128xf32, #tpu.memory_space<vmem>>) offsets(%dma_start3A_72 : memref<128xi32, #tpu.memory_space<vmem>>) semaphore(%arg13 : memref<!tpu.dma_semaphore, #tpu.memory_space<semaphore_mem>>)
    %scan3A_76 = arith.constant 0 : i32
    %scan3A_77 = arith.constant 20 : i32
    %scan3A_78 = arith.addi %scan3A_76, %scan3A_77 : i32
    %scan3A_79 = arith.constant 1 : i32
    scf.for %scan3A_162 = %scan3A_76 to %scan3A_78 step %scan3A_79  : i32 {
      %mul3A_163 = arith.constant 2 : i32
      %mul3A_164 = arith.muli %mul3A_163, %scan3A_162 : i32
      %add3A_165 = arith.constant 0 : i32
      %add3A_166 = arith.addi %mul3A_164, %add3A_165 : i32
      %dma_wait3A_167 = arith.constant 0 : i32
      %dma_wait3A_168 = arith.constant 0 : i32
      %dma_wait3A_169 = tpu.memref_slice %arg2[%dma_wait3A_167, %dma_wait3A_168] : memref<10240x128xf32, #tpu.memory_space<hbm>> -> memref<128x128xf32, #tpu.memory_space<hbm>>
      %dma_wait3A_170 = arith.constant 0 : i32
      %dma_wait3A_171 = arith.constant 0 : i32
      %dma_wait3A_172 = tpu.memref_slice %arg2[%dma_wait3A_170, %dma_wait3A_171] : memref<10240x128xf32, #tpu.memory_space<hbm>> -> memref<128x128xf32, #tpu.memory_space<hbm>>
      tpu.wait_dma2 semaphore(%arg12 : memref<!tpu.dma_semaphore, #tpu.memory_space<semaphore_mem>>) src(%dma_wait3A_172 : memref<128x128xf32, #tpu.memory_space<hbm>>) dst(%arg9 : memref<128x128xf32, #tpu.memory_space<vmem>>)
      %dma_start3A_173 = arith.constant 0 : i32
      %dma_start3A_174 = tpu.memref_slice %arg8[%add3A_166, %dma_start3A_173] : memref<40x128xi32, #tpu.memory_space<vmem>> -> memref<1x128xi32, #tpu.memory_space<vmem>>
      %dma_start3A_175 = tpu.memref_squeeze %dma_start3A_174 : memref<1x128xi32, #tpu.memory_space<vmem>> -> memref<128xi32, #tpu.memory_space<vmem>>
      %dma_start3A_176 = arith.constant 0 : i32
      %dma_start3A_177 = arith.constant 0 : i32
      %dma_start3A_178 = tpu.memref_slice %arg11[%dma_start3A_176, %dma_start3A_177] : memref<10240x128xf32, #tpu.memory_space<vmem_shared>> -> memref<10240x128xf32, #tpu.memory_space<vmem_shared>>
      tpu.enqueue_indirect_dma source(%arg9 : memref<128x128xf32, #tpu.memory_space<vmem>>) target(%dma_start3A_178 : memref<10240x128xf32, #tpu.memory_space<vmem_shared>>) offsets(%dma_start3A_175 : memref<128xi32, #tpu.memory_space<vmem>>) semaphore(%arg14 : memref<!tpu.dma_semaphore, #tpu.memory_space<semaphore_mem>>) {add = true}
      %dma_wait3A_179 = arith.constant 0 : i32
      %dma_wait3A_180 = arith.constant 0 : i32
      %dma_wait3A_181 = tpu.memref_slice %arg11[%dma_wait3A_179, %dma_wait3A_180] : memref<10240x128xf32, #tpu.memory_space<vmem_shared>> -> memref<128x128xf32, #tpu.memory_space<vmem_shared>>
      %dma_wait3A_182 = arith.constant 0 : i32
      %dma_wait3A_183 = arith.constant 0 : i32
      %dma_wait3A_184 = tpu.memref_slice %arg11[%dma_wait3A_182, %dma_wait3A_183] : memref<10240x128xf32, #tpu.memory_space<vmem_shared>> -> memref<128x128xf32, #tpu.memory_space<vmem_shared>>
      tpu.wait_dma2 semaphore(%arg14 : memref<!tpu.dma_semaphore, #tpu.memory_space<semaphore_mem>>) src(%arg9 : memref<128x128xf32, #tpu.memory_space<vmem>>) dst(%dma_wait3A_184 : memref<128x128xf32, #tpu.memory_space<vmem_shared>>)
      %add3A_185 = arith.constant 2 : i32
      %add3A_186 = arith.addi %add3A_166, %add3A_185 : i32
      %lt3A = arith.constant 40 : i32
      %lt3A_187 = arith.cmpi slt, %add3A_186, %lt3A : i32
      %convert_element_type3A = arith.extui %lt3A_187 : i1 to i32
      %cond3A = arith.constant 0 : i32
      %cond3A_188 = arith.cmpi ne, %convert_element_type3A, %cond3A : i32
      scf.if %cond3A_188 {
        %add3A_218 = arith.constant 2 : i32
        %add3A_219 = arith.addi %add3A_166, %add3A_218 : i32
        %dma_start3A_220 = arith.constant 0 : i32
        %dma_start3A_221 = tpu.memref_slice %arg7[%add3A_219, %dma_start3A_220] : memref<40x128xi32, #tpu.memory_space<vmem>> -> memref<1x128xi32, #tpu.memory_space<vmem>>
        %dma_start3A_222 = tpu.memref_squeeze %dma_start3A_221 : memref<1x128xi32, #tpu.memory_space<vmem>> -> memref<128xi32, #tpu.memory_space<vmem>>
        %dma_start3A_223 = arith.constant 0 : i32
        %dma_start3A_224 = arith.constant 0 : i32
        %dma_start3A_225 = tpu.memref_slice %arg2[%dma_start3A_223, %dma_start3A_224] : memref<10240x128xf32, #tpu.memory_space<hbm>> -> memref<10240x128xf32, #tpu.memory_space<hbm>>
        tpu.enqueue_indirect_dma source(%dma_start3A_225 : memref<10240x128xf32, #tpu.memory_space<hbm>>) target(%arg9 : memref<128x128xf32, #tpu.memory_space<vmem>>) offsets(%dma_start3A_222 : memref<128xi32, #tpu.memory_space<vmem>>) semaphore(%arg12 : memref<!tpu.dma_semaphore, #tpu.memory_space<semaphore_mem>>)
      } else {
      }
      %mul3A_189 = arith.constant 2 : i32
      %mul3A_190 = arith.muli %mul3A_189, %scan3A_162 : i32
      %add3A_191 = arith.constant 1 : i32
      %add3A_192 = arith.addi %mul3A_190, %add3A_191 : i32
      %dma_wait3A_193 = arith.constant 0 : i32
      %dma_wait3A_194 = arith.constant 0 : i32
      %dma_wait3A_195 = tpu.memref_slice %arg2[%dma_wait3A_193, %dma_wait3A_194] : memref<10240x128xf32, #tpu.memory_space<hbm>> -> memref<128x128xf32, #tpu.memory_space<hbm>>
      %dma_wait3A_196 = arith.constant 0 : i32
      %dma_wait3A_197 = arith.constant 0 : i32
      %dma_wait3A_198 = tpu.memref_slice %arg2[%dma_wait3A_196, %dma_wait3A_197] : memref<10240x128xf32, #tpu.memory_space<hbm>> -> memref<128x128xf32, #tpu.memory_space<hbm>>
      tpu.wait_dma2 semaphore(%arg13 : memref<!tpu.dma_semaphore, #tpu.memory_space<semaphore_mem>>) src(%dma_wait3A_198 : memref<128x128xf32, #tpu.memory_space<hbm>>) dst(%arg10 : memref<128x128xf32, #tpu.memory_space<vmem>>)
      %dma_start3A_199 = arith.constant 0 : i32
      %dma_start3A_200 = tpu.memref_slice %arg8[%add3A_192, %dma_start3A_199] : memref<40x128xi32, #tpu.memory_space<vmem>> -> memref<1x128xi32, #tpu.memory_space<vmem>>
      %dma_start3A_201 = tpu.memref_squeeze %dma_start3A_200 : memref<1x128xi32, #tpu.memory_space<vmem>> -> memref<128xi32, #tpu.memory_space<vmem>>
      %dma_start3A_202 = arith.constant 0 : i32
      %dma_start3A_203 = arith.constant 0 : i32
      %dma_start3A_204 = tpu.memref_slice %arg11[%dma_start3A_202, %dma_start3A_203] : memref<10240x128xf32, #tpu.memory_space<vmem_shared>> -> memref<10240x128xf32, #tpu.memory_space<vmem_shared>>
      tpu.enqueue_indirect_dma source(%arg10 : memref<128x128xf32, #tpu.memory_space<vmem>>) target(%dma_start3A_204 : memref<10240x128xf32, #tpu.memory_space<vmem_shared>>) offsets(%dma_start3A_201 : memref<128xi32, #tpu.memory_space<vmem>>) semaphore(%arg15 : memref<!tpu.dma_semaphore, #tpu.memory_space<semaphore_mem>>) {add = true}
      %dma_wait3A_205 = arith.constant 0 : i32
      %dma_wait3A_206 = arith.constant 0 : i32
      %dma_wait3A_207 = tpu.memref_slice %arg11[%dma_wait3A_205, %dma_wait3A_206] : memref<10240x128xf32, #tpu.memory_space<vmem_shared>> -> memref<128x128xf32, #tpu.memory_space<vmem_shared>>
      %dma_wait3A_208 = arith.constant 0 : i32
      %dma_wait3A_209 = arith.constant 0 : i32
      %dma_wait3A_210 = tpu.memref_slice %arg11[%dma_wait3A_208, %dma_wait3A_209] : memref<10240x128xf32, #tpu.memory_space<vmem_shared>> -> memref<128x128xf32, #tpu.memory_space<vmem_shared>>
      tpu.wait_dma2 semaphore(%arg15 : memref<!tpu.dma_semaphore, #tpu.memory_space<semaphore_mem>>) src(%arg10 : memref<128x128xf32, #tpu.memory_space<vmem>>) dst(%dma_wait3A_210 : memref<128x128xf32, #tpu.memory_space<vmem_shared>>)
      %add3A_211 = arith.constant 2 : i32
      %add3A_212 = arith.addi %add3A_192, %add3A_211 : i32
      %lt3A_213 = arith.constant 40 : i32
      %lt3A_214 = arith.cmpi slt, %add3A_212, %lt3A_213 : i32
      %convert_element_type3A_215 = arith.extui %lt3A_214 : i1 to i32
      %cond3A_216 = arith.constant 0 : i32
      %cond3A_217 = arith.cmpi ne, %convert_element_type3A_215, %cond3A_216 : i32
      scf.if %cond3A_217 {
        %add3A_218 = arith.constant 2 : i32
        %add3A_219 = arith.addi %add3A_192, %add3A_218 : i32
        %dma_start3A_220 = arith.constant 0 : i32
        %dma_start3A_221 = tpu.memref_slice %arg7[%add3A_219, %dma_start3A_220] : memref<40x128xi32, #tpu.memory_space<vmem>> -> memref<1x128xi32, #tpu.memory_space<vmem>>
        %dma_start3A_222 = tpu.memref_squeeze %dma_start3A_221 : memref<1x128xi32, #tpu.memory_space<vmem>> -> memref<128xi32, #tpu.memory_space<vmem>>
        %dma_start3A_223 = arith.constant 0 : i32
        %dma_start3A_224 = arith.constant 0 : i32
        %dma_start3A_225 = tpu.memref_slice %arg2[%dma_start3A_223, %dma_start3A_224] : memref<10240x128xf32, #tpu.memory_space<hbm>> -> memref<10240x128xf32, #tpu.memory_space<hbm>>
        tpu.enqueue_indirect_dma source(%dma_start3A_225 : memref<10240x128xf32, #tpu.memory_space<hbm>>) target(%arg10 : memref<128x128xf32, #tpu.memory_space<vmem>>) offsets(%dma_start3A_222 : memref<128xi32, #tpu.memory_space<vmem>>) semaphore(%arg13 : memref<!tpu.dma_semaphore, #tpu.memory_space<semaphore_mem>>)
      } else {
      }
    }
    %scan3A_80 = arith.constant 20 : i32
    %barrier3A_81 = arith.constant 0 : index
    tpu.barrier barrier_id(%barrier3A_81)
    %mul3A_82 = arith.constant 640 : i32
    %mul3A_83 = arith.muli %arg1, %mul3A_82 : i32
    %add3A_84 = arith.constant 0 : i32
    %add3A_85 = arith.addi %mul3A_83, %add3A_84 : i32
    %dma_start3A_86 = arith.constant 0 : i32
    %dma_start3A_87 = tpu.memref_slice %arg6[%arg0, %add3A_85, %dma_start3A_86] : memref<2x10240x128xf32, #tpu.memory_space<hbm>> -> memref<1x128x128xf32, #tpu.memory_space<hbm>>
    %dma_start3A_88 = tpu.memref_squeeze %dma_start3A_87 : memref<1x128x128xf32, #tpu.memory_space<hbm>> -> memref<128x128xf32, #tpu.memory_space<hbm>>
    %dma_start3A_89 = arith.constant 0 : i32
    %dma_start3A_90 = tpu.memref_slice %arg11[%add3A_85, %dma_start3A_89] : memref<10240x128xf32, #tpu.memory_space<vmem_shared>> -> memref<128x128xf32, #tpu.memory_space<vmem_shared>>
    tpu.enqueue_dma source(%dma_start3A_90 : memref<128x128xf32, #tpu.memory_space<vmem_shared>>) target(%dma_start3A_88 : memref<128x128xf32, #tpu.memory_space<hbm>>) target_semaphore(%arg12 : memref<!tpu.dma_semaphore, #tpu.memory_space<semaphore_mem>>)
    %mul3A_91 = arith.constant 640 : i32
    %mul3A_92 = arith.muli %arg1, %mul3A_91 : i32
    %add3A_93 = arith.constant 128 : i32
    %add3A_94 = arith.addi %mul3A_92, %add3A_93 : i32
    %dma_start3A_95 = arith.constant 0 : i32
    %dma_start3A_96 = tpu.memref_slice %arg6[%arg0, %add3A_94, %dma_start3A_95] : memref<2x10240x128xf32, #tpu.memory_space<hbm>> -> memref<1x128x128xf32, #tpu.memory_space<hbm>>
    %dma_start3A_97 = tpu.memref_squeeze %dma_start3A_96 : memref<1x128x128xf32, #tpu.memory_space<hbm>> -> memref<128x128xf32, #tpu.memory_space<hbm>>
    %dma_start3A_98 = arith.constant 0 : i32
    %dma_start3A_99 = tpu.memref_slice %arg11[%add3A_94, %dma_start3A_98] : memref<10240x128xf32, #tpu.memory_space<vmem_shared>> -> memref<128x128xf32, #tpu.memory_space<vmem_shared>>
    tpu.enqueue_dma source(%dma_start3A_99 : memref<128x128xf32, #tpu.memory_space<vmem_shared>>) target(%dma_start3A_97 : memref<128x128xf32, #tpu.memory_space<hbm>>) target_semaphore(%arg12 : memref<!tpu.dma_semaphore, #tpu.memory_space<semaphore_mem>>)
    %mul3A_100 = arith.constant 640 : i32
    %mul3A_101 = arith.muli %arg1, %mul3A_100 : i32
    %add3A_102 = arith.constant 256 : i32
    %add3A_103 = arith.addi %mul3A_101, %add3A_102 : i32
    %dma_start3A_104 = arith.constant 0 : i32
    %dma_start3A_105 = tpu.memref_slice %arg6[%arg0, %add3A_103, %dma_start3A_104] : memref<2x10240x128xf32, #tpu.memory_space<hbm>> -> memref<1x128x128xf32, #tpu.memory_space<hbm>>
    %dma_start3A_106 = tpu.memref_squeeze %dma_start3A_105 : memref<1x128x128xf32, #tpu.memory_space<hbm>> -> memref<128x128xf32, #tpu.memory_space<hbm>>
    %dma_start3A_107 = arith.constant 0 : i32
    %dma_start3A_108 = tpu.memref_slice %arg11[%add3A_103, %dma_start3A_107] : memref<10240x128xf32, #tpu.memory_space<vmem_shared>> -> memref<128x128xf32, #tpu.memory_space<vmem_shared>>
    tpu.enqueue_dma source(%dma_start3A_108 : memref<128x128xf32, #tpu.memory_space<vmem_shared>>) target(%dma_start3A_106 : memref<128x128xf32, #tpu.memory_space<hbm>>) target_semaphore(%arg12 : memref<!tpu.dma_semaphore, #tpu.memory_space<semaphore_mem>>)
    %mul3A_109 = arith.constant 640 : i32
    %mul3A_110 = arith.muli %arg1, %mul3A_109 : i32
    %add3A_111 = arith.constant 384 : i32
    %add3A_112 = arith.addi %mul3A_110, %add3A_111 : i32
    %dma_start3A_113 = arith.constant 0 : i32
    %dma_start3A_114 = tpu.memref_slice %arg6[%arg0, %add3A_112, %dma_start3A_113] : memref<2x10240x128xf32, #tpu.memory_space<hbm>> -> memref<1x128x128xf32, #tpu.memory_space<hbm>>
    %dma_start3A_115 = tpu.memref_squeeze %dma_start3A_114 : memref<1x128x128xf32, #tpu.memory_space<hbm>> -> memref<128x128xf32, #tpu.memory_space<hbm>>
    %dma_start3A_116 = arith.constant 0 : i32
    %dma_start3A_117 = tpu.memref_slice %arg11[%add3A_112, %dma_start3A_116] : memref<10240x128xf32, #tpu.memory_space<vmem_shared>> -> memref<128x128xf32, #tpu.memory_space<vmem_shared>>
    tpu.enqueue_dma source(%dma_start3A_117 : memref<128x128xf32, #tpu.memory_space<vmem_shared>>) target(%dma_start3A_115 : memref<128x128xf32, #tpu.memory_space<hbm>>) target_semaphore(%arg12 : memref<!tpu.dma_semaphore, #tpu.memory_space<semaphore_mem>>)
    %mul3A_118 = arith.constant 640 : i32
    %mul3A_119 = arith.muli %arg1, %mul3A_118 : i32
    %add3A_120 = arith.constant 512 : i32
    %add3A_121 = arith.addi %mul3A_119, %add3A_120 : i32
    %dma_start3A_122 = arith.constant 0 : i32
    %dma_start3A_123 = tpu.memref_slice %arg6[%arg0, %add3A_121, %dma_start3A_122] : memref<2x10240x128xf32, #tpu.memory_space<hbm>> -> memref<1x128x128xf32, #tpu.memory_space<hbm>>
    %dma_start3A_124 = tpu.memref_squeeze %dma_start3A_123 : memref<1x128x128xf32, #tpu.memory_space<hbm>> -> memref<128x128xf32, #tpu.memory_space<hbm>>
    %dma_start3A_125 = arith.constant 0 : i32
    %dma_start3A_126 = tpu.memref_slice %arg11[%add3A_121, %dma_start3A_125] : memref<10240x128xf32, #tpu.memory_space<vmem_shared>> -> memref<128x128xf32, #tpu.memory_space<vmem_shared>>
    tpu.enqueue_dma source(%dma_start3A_126 : memref<128x128xf32, #tpu.memory_space<vmem_shared>>) target(%dma_start3A_124 : memref<128x128xf32, #tpu.memory_space<hbm>>) target_semaphore(%arg12 : memref<!tpu.dma_semaphore, #tpu.memory_space<semaphore_mem>>)
    %dma_wait3A_127 = arith.constant 0 : i32
    %dma_wait3A_128 = arith.constant 0 : i32
    %dma_wait3A_129 = tpu.memref_slice %arg6[%arg0, %dma_wait3A_127, %dma_wait3A_128] : memref<2x10240x128xf32, #tpu.memory_space<hbm>> -> memref<1x128x128xf32, #tpu.memory_space<hbm>>
    %dma_wait3A_130 = tpu.memref_squeeze %dma_wait3A_129 : memref<1x128x128xf32, #tpu.memory_space<hbm>> -> memref<128x128xf32, #tpu.memory_space<hbm>>
    %dma_wait3A_131 = arith.constant 0 : i32
    %dma_wait3A_132 = arith.constant 0 : i32
    %dma_wait3A_133 = tpu.memref_slice %arg11[%dma_wait3A_131, %dma_wait3A_132] : memref<10240x128xf32, #tpu.memory_space<vmem_shared>> -> memref<128x128xf32, #tpu.memory_space<vmem_shared>>
    tpu.wait_dma2 semaphore(%arg12 : memref<!tpu.dma_semaphore, #tpu.memory_space<semaphore_mem>>) src(%dma_wait3A_133 : memref<128x128xf32, #tpu.memory_space<vmem_shared>>) dst(%dma_wait3A_130 : memref<128x128xf32, #tpu.memory_space<hbm>>)
    %dma_wait3A_134 = arith.constant 0 : i32
    %dma_wait3A_135 = arith.constant 0 : i32
    %dma_wait3A_136 = tpu.memref_slice %arg6[%arg0, %dma_wait3A_134, %dma_wait3A_135] : memref<2x10240x128xf32, #tpu.memory_space<hbm>> -> memref<1x128x128xf32, #tpu.memory_space<hbm>>
    %dma_wait3A_137 = tpu.memref_squeeze %dma_wait3A_136 : memref<1x128x128xf32, #tpu.memory_space<hbm>> -> memref<128x128xf32, #tpu.memory_space<hbm>>
    %dma_wait3A_138 = arith.constant 0 : i32
    %dma_wait3A_139 = arith.constant 0 : i32
    %dma_wait3A_140 = tpu.memref_slice %arg11[%dma_wait3A_138, %dma_wait3A_139] : memref<10240x128xf32, #tpu.memory_space<vmem_shared>> -> memref<128x128xf32, #tpu.memory_space<vmem_shared>>
    tpu.wait_dma2 semaphore(%arg12 : memref<!tpu.dma_semaphore, #tpu.memory_space<semaphore_mem>>) src(%dma_wait3A_140 : memref<128x128xf32, #tpu.memory_space<vmem_shared>>) dst(%dma_wait3A_137 : memref<128x128xf32, #tpu.memory_space<hbm>>)
    %dma_wait3A_141 = arith.constant 0 : i32
    %dma_wait3A_142 = arith.constant 0 : i32
    %dma_wait3A_143 = tpu.memref_slice %arg6[%arg0, %dma_wait3A_141, %dma_wait3A_142] : memref<2x10240x128xf32, #tpu.memory_space<hbm>> -> memref<1x128x128xf32, #tpu.memory_space<hbm>>
    %dma_wait3A_144 = tpu.memref_squeeze %dma_wait3A_143 : memref<1x128x128xf32, #tpu.memory_space<hbm>> -> memref<128x128xf32, #tpu.memory_space<hbm>>
    %dma_wait3A_145 = arith.constant 0 : i32
    %dma_wait3A_146 = arith.constant 0 : i32
    %dma_wait3A_147 = tpu.memref_slice %arg11[%dma_wait3A_145, %dma_wait3A_146] : memref<10240x128xf32, #tpu.memory_space<vmem_shared>> -> memref<128x128xf32, #tpu.memory_space<vmem_shared>>
    tpu.wait_dma2 semaphore(%arg12 : memref<!tpu.dma_semaphore, #tpu.memory_space<semaphore_mem>>) src(%dma_wait3A_147 : memref<128x128xf32, #tpu.memory_space<vmem_shared>>) dst(%dma_wait3A_144 : memref<128x128xf32, #tpu.memory_space<hbm>>)
    %dma_wait3A_148 = arith.constant 0 : i32
    %dma_wait3A_149 = arith.constant 0 : i32
    %dma_wait3A_150 = tpu.memref_slice %arg6[%arg0, %dma_wait3A_148, %dma_wait3A_149] : memref<2x10240x128xf32, #tpu.memory_space<hbm>> -> memref<1x128x128xf32, #tpu.memory_space<hbm>>
    %dma_wait3A_151 = tpu.memref_squeeze %dma_wait3A_150 : memref<1x128x128xf32, #tpu.memory_space<hbm>> -> memref<128x128xf32, #tpu.memory_space<hbm>>
    %dma_wait3A_152 = arith.constant 0 : i32
    %dma_wait3A_153 = arith.constant 0 : i32
    %dma_wait3A_154 = tpu.memref_slice %arg11[%dma_wait3A_152, %dma_wait3A_153] : memref<10240x128xf32, #tpu.memory_space<vmem_shared>> -> memref<128x128xf32, #tpu.memory_space<vmem_shared>>
    tpu.wait_dma2 semaphore(%arg12 : memref<!tpu.dma_semaphore, #tpu.memory_space<semaphore_mem>>) src(%dma_wait3A_154 : memref<128x128xf32, #tpu.memory_space<vmem_shared>>) dst(%dma_wait3A_151 : memref<128x128xf32, #tpu.memory_space<hbm>>)
    %dma_wait3A_155 = arith.constant 0 : i32
    %dma_wait3A_156 = arith.constant 0 : i32
    %dma_wait3A_157 = tpu.memref_slice %arg6[%arg0, %dma_wait3A_155, %dma_wait3A_156] : memref<2x10240x128xf32, #tpu.memory_space<hbm>> -> memref<1x128x128xf32, #tpu.memory_space<hbm>>
    %dma_wait3A_158 = tpu.memref_squeeze %dma_wait3A_157 : memref<1x128x128xf32, #tpu.memory_space<hbm>> -> memref<128x128xf32, #tpu.memory_space<hbm>>
    %dma_wait3A_159 = arith.constant 0 : i32
    %dma_wait3A_160 = arith.constant 0 : i32
    %dma_wait3A_161 = tpu.memref_slice %arg11[%dma_wait3A_159, %dma_wait3A_160] : memref<10240x128xf32, #tpu.memory_space<vmem_shared>> -> memref<128x128xf32, #tpu.memory_space<vmem_shared>>
    tpu.wait_dma2 semaphore(%arg12 : memref<!tpu.dma_semaphore, #tpu.memory_space<semaphore_mem>>) src(%dma_wait3A_161 : memref<128x128xf32, #tpu.memory_space<vmem_shared>>) dst(%dma_wait3A_158 : memref<128x128xf32, #tpu.memory_space<hbm>>)
    return
  }
}

#map = affine_map<(d0, d1) -> (0, 0, 0)>
#map1 = affine_map<(d0, d1) -> (0, 0)>
module attributes {stable_mosaic.version = 14 : i64} {
  func.func @_deg_body(%arg0: i32, %arg1: i32, %arg2: memref<32x80x128xi32, #tpu.memory_space<hbm>>, %arg3: memref<128x128xf32, #tpu.memory_space<hbm>>, %arg4: memref<128x128xf32, #tpu.memory_space<hbm>>, %arg5: memref<2x10240x128xf32, #tpu.memory_space<hbm>>, %arg6: memref<80x128xi32, #tpu.memory_space<vmem>>, %arg7: memref<128x128xf32, #tpu.memory_space<vmem>>, %arg8: memref<10240x128xf32, #tpu.memory_space<vmem_shared>>, %arg9: memref<!tpu.dma_semaphore, #tpu.memory_space<semaphore_mem>>) attributes {dimension_semantics = [#tpu.dimension_semantics<core_parallel>, #tpu.dimension_semantics<subcore_parallel>], iteration_bounds = array<i64: 2, 16>, scalar_prefetch = 0 : i64, scratch_operands = 4 : i64, tpu.core_type = #tpu.core_type<sc_vector_subcore>, window_params = [{transform_indices = #map}, {transform_indices = #map1}, {transform_indices = #map1}, {transform_indices = #map}]} {
    %mul3A = arith.constant 16 : i32
    %mul3A_0 = arith.muli %arg0, %mul3A : i32
    %add3A = arith.addi %mul3A_0, %arg1 : i32
    %mul3A_1 = arith.constant 640 : i32
    %mul3A_2 = arith.muli %arg1, %mul3A_1 : i32
    %add3A_3 = arith.constant 0 : i32
    %add3A_4 = arith.addi %mul3A_2, %add3A_3 : i32
    %dma_start3A = arith.constant 0 : i32
    %dma_start3A_5 = tpu.memref_slice %arg8[%add3A_4, %dma_start3A] : memref<10240x128xf32, #tpu.memory_space<vmem_shared>> -> memref<128x128xf32, #tpu.memory_space<vmem_shared>>
    tpu.enqueue_dma source(%arg4 : memref<128x128xf32, #tpu.memory_space<hbm>>) target(%dma_start3A_5 : memref<128x128xf32, #tpu.memory_space<vmem_shared>>) target_semaphore(%arg9 : memref<!tpu.dma_semaphore, #tpu.memory_space<semaphore_mem>>)
    %mul3A_6 = arith.constant 640 : i32
    %mul3A_7 = arith.muli %arg1, %mul3A_6 : i32
    %add3A_8 = arith.constant 128 : i32
    %add3A_9 = arith.addi %mul3A_7, %add3A_8 : i32
    %dma_start3A_10 = arith.constant 0 : i32
    %dma_start3A_11 = tpu.memref_slice %arg8[%add3A_9, %dma_start3A_10] : memref<10240x128xf32, #tpu.memory_space<vmem_shared>> -> memref<128x128xf32, #tpu.memory_space<vmem_shared>>
    tpu.enqueue_dma source(%arg4 : memref<128x128xf32, #tpu.memory_space<hbm>>) target(%dma_start3A_11 : memref<128x128xf32, #tpu.memory_space<vmem_shared>>) target_semaphore(%arg9 : memref<!tpu.dma_semaphore, #tpu.memory_space<semaphore_mem>>)
    %mul3A_12 = arith.constant 640 : i32
    %mul3A_13 = arith.muli %arg1, %mul3A_12 : i32
    %add3A_14 = arith.constant 256 : i32
    %add3A_15 = arith.addi %mul3A_13, %add3A_14 : i32
    %dma_start3A_16 = arith.constant 0 : i32
    %dma_start3A_17 = tpu.memref_slice %arg8[%add3A_15, %dma_start3A_16] : memref<10240x128xf32, #tpu.memory_space<vmem_shared>> -> memref<128x128xf32, #tpu.memory_space<vmem_shared>>
    tpu.enqueue_dma source(%arg4 : memref<128x128xf32, #tpu.memory_space<hbm>>) target(%dma_start3A_17 : memref<128x128xf32, #tpu.memory_space<vmem_shared>>) target_semaphore(%arg9 : memref<!tpu.dma_semaphore, #tpu.memory_space<semaphore_mem>>)
    %mul3A_18 = arith.constant 640 : i32
    %mul3A_19 = arith.muli %arg1, %mul3A_18 : i32
    %add3A_20 = arith.constant 384 : i32
    %add3A_21 = arith.addi %mul3A_19, %add3A_20 : i32
    %dma_start3A_22 = arith.constant 0 : i32
    %dma_start3A_23 = tpu.memref_slice %arg8[%add3A_21, %dma_start3A_22] : memref<10240x128xf32, #tpu.memory_space<vmem_shared>> -> memref<128x128xf32, #tpu.memory_space<vmem_shared>>
    tpu.enqueue_dma source(%arg4 : memref<128x128xf32, #tpu.memory_space<hbm>>) target(%dma_start3A_23 : memref<128x128xf32, #tpu.memory_space<vmem_shared>>) target_semaphore(%arg9 : memref<!tpu.dma_semaphore, #tpu.memory_space<semaphore_mem>>)
    %mul3A_24 = arith.constant 640 : i32
    %mul3A_25 = arith.muli %arg1, %mul3A_24 : i32
    %add3A_26 = arith.constant 512 : i32
    %add3A_27 = arith.addi %mul3A_25, %add3A_26 : i32
    %dma_start3A_28 = arith.constant 0 : i32
    %dma_start3A_29 = tpu.memref_slice %arg8[%add3A_27, %dma_start3A_28] : memref<10240x128xf32, #tpu.memory_space<vmem_shared>> -> memref<128x128xf32, #tpu.memory_space<vmem_shared>>
    tpu.enqueue_dma source(%arg4 : memref<128x128xf32, #tpu.memory_space<hbm>>) target(%dma_start3A_29 : memref<128x128xf32, #tpu.memory_space<vmem_shared>>) target_semaphore(%arg9 : memref<!tpu.dma_semaphore, #tpu.memory_space<semaphore_mem>>)
    "tpu.region"() ({
      %run_scoped3A = tpu.sem_alloc : memref<!tpu.dma_semaphore, #tpu.memory_space<semaphore_mem>>
      tpu.enqueue_dma source(%arg3 : memref<128x128xf32, #tpu.memory_space<hbm>>) target(%arg7 : memref<128x128xf32, #tpu.memory_space<vmem>>) target_semaphore(%run_scoped3A : memref<!tpu.dma_semaphore, #tpu.memory_space<semaphore_mem>>)
      tpu.wait_dma2 semaphore(%run_scoped3A : memref<!tpu.dma_semaphore, #tpu.memory_space<semaphore_mem>>) src(%arg3 : memref<128x128xf32, #tpu.memory_space<hbm>>) dst(%arg7 : memref<128x128xf32, #tpu.memory_space<vmem>>)
      tpu.yield
    }) : () -> ()
    "tpu.region"() ({
      %run_scoped3A = tpu.sem_alloc : memref<!tpu.dma_semaphore, #tpu.memory_space<semaphore_mem>>
      %dma_start3A_56 = arith.constant 0 : i32
      %dma_start3A_57 = arith.constant 0 : i32
      %dma_start3A_58 = tpu.memref_slice %arg2[%add3A, %dma_start3A_56, %dma_start3A_57] : memref<32x80x128xi32, #tpu.memory_space<hbm>> -> memref<1x80x128xi32, #tpu.memory_space<hbm>>
      %dma_start3A_59 = tpu.memref_squeeze %dma_start3A_58 : memref<1x80x128xi32, #tpu.memory_space<hbm>> -> memref<80x128xi32, #tpu.memory_space<hbm>>
      %dma_start3A_60 = arith.constant 0 : i32
      %dma_start3A_61 = arith.constant 0 : i32
      %dma_start3A_62 = tpu.memref_slice %arg2[%add3A, %dma_start3A_60, %dma_start3A_61] : memref<32x80x128xi32, #tpu.memory_space<hbm>> -> memref<1x80x128xi32, #tpu.memory_space<hbm>>
      %dma_start3A_63 = tpu.memref_squeeze %dma_start3A_62 : memref<1x80x128xi32, #tpu.memory_space<hbm>> -> memref<80x128xi32, #tpu.memory_space<hbm>>
      tpu.enqueue_dma source(%dma_start3A_63 : memref<80x128xi32, #tpu.memory_space<hbm>>) target(%arg6 : memref<80x128xi32, #tpu.memory_space<vmem>>) target_semaphore(%run_scoped3A : memref<!tpu.dma_semaphore, #tpu.memory_space<semaphore_mem>>)
      %dma_wait3A_64 = arith.constant 0 : i32
      %dma_wait3A_65 = arith.constant 0 : i32
      %dma_wait3A_66 = tpu.memref_slice %arg2[%add3A, %dma_wait3A_64, %dma_wait3A_65] : memref<32x80x128xi32, #tpu.memory_space<hbm>> -> memref<1x80x128xi32, #tpu.memory_space<hbm>>
      %dma_wait3A_67 = tpu.memref_squeeze %dma_wait3A_66 : memref<1x80x128xi32, #tpu.memory_space<hbm>> -> memref<80x128xi32, #tpu.memory_space<hbm>>
      %dma_wait3A_68 = arith.constant 0 : i32
      %dma_wait3A_69 = arith.constant 0 : i32
      %dma_wait3A_70 = tpu.memref_slice %arg2[%add3A, %dma_wait3A_68, %dma_wait3A_69] : memref<32x80x128xi32, #tpu.memory_space<hbm>> -> memref<1x80x128xi32, #tpu.memory_space<hbm>>
      %dma_wait3A_71 = tpu.memref_squeeze %dma_wait3A_70 : memref<1x80x128xi32, #tpu.memory_space<hbm>> -> memref<80x128xi32, #tpu.memory_space<hbm>>
      tpu.wait_dma2 semaphore(%run_scoped3A : memref<!tpu.dma_semaphore, #tpu.memory_space<semaphore_mem>>) src(%dma_wait3A_71 : memref<80x128xi32, #tpu.memory_space<hbm>>) dst(%arg6 : memref<80x128xi32, #tpu.memory_space<vmem>>)
      tpu.yield
    }) : () -> ()
    %dma_wait3A = arith.constant 0 : i32
    %dma_wait3A_30 = arith.constant 0 : i32
    %dma_wait3A_31 = tpu.memref_slice %arg8[%dma_wait3A, %dma_wait3A_30] : memref<10240x128xf32, #tpu.memory_space<vmem_shared>> -> memref<128x128xf32, #tpu.memory_space<vmem_shared>>
    tpu.wait_dma2 semaphore(%arg9 : memref<!tpu.dma_semaphore, #tpu.memory_space<semaphore_mem>>) src(%arg4 : memref<128x128xf32, #tpu.memory_space<hbm>>) dst(%dma_wait3A_31 : memref<128x128xf32, #tpu.memory_space<vmem_shared>>)
    %dma_wait3A_32 = arith.constant 0 : i32
    %dma_wait3A_33 = arith.constant 0 : i32
    %dma_wait3A_34 = tpu.memref_slice %arg8[%dma_wait3A_32, %dma_wait3A_33] : memref<10240x128xf32, #tpu.memory_space<vmem_shared>> -> memref<128x128xf32, #tpu.memory_space<vmem_shared>>
    tpu.wait_dma2 semaphore(%arg9 : memref<!tpu.dma_semaphore, #tpu.memory_space<semaphore_mem>>) src(%arg4 : memref<128x128xf32, #tpu.memory_space<hbm>>) dst(%dma_wait3A_34 : memref<128x128xf32, #tpu.memory_space<vmem_shared>>)
    %dma_wait3A_35 = arith.constant 0 : i32
    %dma_wait3A_36 = arith.constant 0 : i32
    %dma_wait3A_37 = tpu.memref_slice %arg8[%dma_wait3A_35, %dma_wait3A_36] : memref<10240x128xf32, #tpu.memory_space<vmem_shared>> -> memref<128x128xf32, #tpu.memory_space<vmem_shared>>
    tpu.wait_dma2 semaphore(%arg9 : memref<!tpu.dma_semaphore, #tpu.memory_space<semaphore_mem>>) src(%arg4 : memref<128x128xf32, #tpu.memory_space<hbm>>) dst(%dma_wait3A_37 : memref<128x128xf32, #tpu.memory_space<vmem_shared>>)
    %dma_wait3A_38 = arith.constant 0 : i32
    %dma_wait3A_39 = arith.constant 0 : i32
    %dma_wait3A_40 = tpu.memref_slice %arg8[%dma_wait3A_38, %dma_wait3A_39] : memref<10240x128xf32, #tpu.memory_space<vmem_shared>> -> memref<128x128xf32, #tpu.memory_space<vmem_shared>>
    tpu.wait_dma2 semaphore(%arg9 : memref<!tpu.dma_semaphore, #tpu.memory_space<semaphore_mem>>) src(%arg4 : memref<128x128xf32, #tpu.memory_space<hbm>>) dst(%dma_wait3A_40 : memref<128x128xf32, #tpu.memory_space<vmem_shared>>)
    %dma_wait3A_41 = arith.constant 0 : i32
    %dma_wait3A_42 = arith.constant 0 : i32
    %dma_wait3A_43 = tpu.memref_slice %arg8[%dma_wait3A_41, %dma_wait3A_42] : memref<10240x128xf32, #tpu.memory_space<vmem_shared>> -> memref<128x128xf32, #tpu.memory_space<vmem_shared>>
    tpu.wait_dma2 semaphore(%arg9 : memref<!tpu.dma_semaphore, #tpu.memory_space<semaphore_mem>>) src(%arg4 : memref<128x128xf32, #tpu.memory_space<hbm>>) dst(%dma_wait3A_43 : memref<128x128xf32, #tpu.memory_space<vmem_shared>>)
    %barrier3A = arith.constant 0 : index
    tpu.barrier barrier_id(%barrier3A)
    %scan3A = arith.constant 0 : i32
    %scan3A_44 = arith.constant 80 : i32
    %scan3A_45 = arith.addi %scan3A, %scan3A_44 : i32
    %scan3A_46 = arith.constant 1 : i32
    scf.for %scan3A_56 = %scan3A to %scan3A_45 step %scan3A_46  : i32 {
      %dma_start3A_57 = arith.constant 0 : i32
      %dma_start3A_58 = tpu.memref_slice %arg6[%scan3A_56, %dma_start3A_57] : memref<80x128xi32, #tpu.memory_space<vmem>> -> memref<1x128xi32, #tpu.memory_space<vmem>>
      %dma_start3A_59 = tpu.memref_squeeze %dma_start3A_58 : memref<1x128xi32, #tpu.memory_space<vmem>> -> memref<128xi32, #tpu.memory_space<vmem>>
      %dma_start3A_60 = arith.constant 0 : i32
      %dma_start3A_61 = arith.constant 0 : i32
      %dma_start3A_62 = tpu.memref_slice %arg8[%dma_start3A_60, %dma_start3A_61] : memref<10240x128xf32, #tpu.memory_space<vmem_shared>> -> memref<10240x128xf32, #tpu.memory_space<vmem_shared>>
      tpu.enqueue_indirect_dma source(%arg7 : memref<128x128xf32, #tpu.memory_space<vmem>>) target(%dma_start3A_62 : memref<10240x128xf32, #tpu.memory_space<vmem_shared>>) offsets(%dma_start3A_59 : memref<128xi32, #tpu.memory_space<vmem>>) semaphore(%arg9 : memref<!tpu.dma_semaphore, #tpu.memory_space<semaphore_mem>>) {add = true}
    }
    %scan3A_47 = arith.constant 80 : i32
    %scan3A_48 = arith.constant 0 : i32
    %scan3A_49 = arith.constant 80 : i32
    %scan3A_50 = arith.addi %scan3A_48, %scan3A_49 : i32
    %scan3A_51 = arith.constant 1 : i32
    scf.for %scan3A_56 = %scan3A_48 to %scan3A_50 step %scan3A_51  : i32 {
      %dma_wait3A_57 = arith.constant 0 : i32
      %dma_wait3A_58 = arith.constant 0 : i32
      %dma_wait3A_59 = tpu.memref_slice %arg8[%dma_wait3A_57, %dma_wait3A_58] : memref<10240x128xf32, #tpu.memory_space<vmem_shared>> -> memref<128x128xf32, #tpu.memory_space<vmem_shared>>
      %dma_wait3A_60 = arith.constant 0 : i32
      %dma_wait3A_61 = arith.constant 0 : i32
      %dma_wait3A_62 = tpu.memref_slice %arg8[%dma_wait3A_60, %dma_wait3A_61] : memref<10240x128xf32, #tpu.memory_space<vmem_shared>> -> memref<128x128xf32, #tpu.memory_space<vmem_shared>>
      tpu.wait_dma2 semaphore(%arg9 : memref<!tpu.dma_semaphore, #tpu.memory_space<semaphore_mem>>) src(%arg7 : memref<128x128xf32, #tpu.memory_space<vmem>>) dst(%dma_wait3A_62 : memref<128x128xf32, #tpu.memory_space<vmem_shared>>)
    }
    %scan3A_52 = arith.constant 80 : i32
    %barrier3A_53 = arith.constant 0 : index
    tpu.barrier barrier_id(%barrier3A_53)
    %eq3A = arith.constant 0 : i32
    %eq3A_54 = arith.cmpi eq, %arg1, %eq3A : i32
    %convert_element_type3A = arith.extui %eq3A_54 : i1 to i32
    %cond3A = arith.constant 0 : i32
    %cond3A_55 = arith.cmpi ne, %convert_element_type3A, %cond3A : i32
    scf.if %cond3A_55 {
      "tpu.region"() ({
        %run_scoped3A = tpu.sem_alloc : memref<!tpu.dma_semaphore, #tpu.memory_space<semaphore_mem>>
        %dma_start3A_56 = arith.constant 0 : i32
        %dma_start3A_57 = arith.constant 0 : i32
        %dma_start3A_58 = tpu.memref_slice %arg5[%arg0, %dma_start3A_56, %dma_start3A_57] : memref<2x10240x128xf32, #tpu.memory_space<hbm>> -> memref<1x10240x128xf32, #tpu.memory_space<hbm>>
        %dma_start3A_59 = tpu.memref_squeeze %dma_start3A_58 : memref<1x10240x128xf32, #tpu.memory_space<hbm>> -> memref<10240x128xf32, #tpu.memory_space<hbm>>
        tpu.enqueue_dma source(%arg8 : memref<10240x128xf32, #tpu.memory_space<vmem_shared>>) target(%dma_start3A_59 : memref<10240x128xf32, #tpu.memory_space<hbm>>) target_semaphore(%run_scoped3A : memref<!tpu.dma_semaphore, #tpu.memory_space<semaphore_mem>>)
        %dma_wait3A_60 = arith.constant 0 : i32
        %dma_wait3A_61 = arith.constant 0 : i32
        %dma_wait3A_62 = tpu.memref_slice %arg5[%arg0, %dma_wait3A_60, %dma_wait3A_61] : memref<2x10240x128xf32, #tpu.memory_space<hbm>> -> memref<1x10240x128xf32, #tpu.memory_space<hbm>>
        %dma_wait3A_63 = tpu.memref_squeeze %dma_wait3A_62 : memref<1x10240x128xf32, #tpu.memory_space<hbm>> -> memref<10240x128xf32, #tpu.memory_space<hbm>>
        tpu.wait_dma2 semaphore(%run_scoped3A : memref<!tpu.dma_semaphore, #tpu.memory_space<semaphore_mem>>) src(%arg8 : memref<10240x128xf32, #tpu.memory_space<vmem_shared>>) dst(%dma_wait3A_63 : memref<10240x128xf32, #tpu.memory_space<hbm>>)
        tpu.yield
      }) : () -> ()
    } else {
    }
    return
  }
}

#map = affine_map<(d0, d1) -> (0, 0)>
#map1 = affine_map<(d0, d1) -> (0, 0, 0)>
module attributes {stable_mosaic.version = 14 : i64} {
  func.func @_edge_body(%arg0: i32, %arg1: i32, %arg2: memref<10240x128xf32, #tpu.memory_space<hbm>>, %arg3: memref<32x80x128xi32, #tpu.memory_space<hbm>>, %arg4: memref<32x80x128xi32, #tpu.memory_space<hbm>>, %arg5: memref<128x128xf32, #tpu.memory_space<hbm>>, %arg6: memref<2x10240x128xf32, #tpu.memory_space<hbm>>, %arg7: memref<40x128xi32, #tpu.memory_space<vmem>>, %arg8: memref<40x128xi32, #tpu.memory_space<vmem>>, %arg9: memref<128x128xf32, #tpu.memory_space<vmem>>, %arg10: memref<128x128xf32, #tpu.memory_space<vmem>>, %arg11: memref<10240x128xf32, #tpu.memory_space<vmem_shared>>, %arg12: memref<!tpu.dma_semaphore, #tpu.memory_space<semaphore_mem>>, %arg13: memref<!tpu.dma_semaphore, #tpu.memory_space<semaphore_mem>>, %arg14: memref<!tpu.dma_semaphore, #tpu.memory_space<semaphore_mem>>, %arg15: memref<!tpu.dma_semaphore, #tpu.memory_space<semaphore_mem>>) attributes {dimension_semantics = [#tpu.dimension_semantics<core_parallel>, #tpu.dimension_semantics<subcore_parallel>], iteration_bounds = array<i64: 2, 16>, scalar_prefetch = 0 : i64, scratch_operands = 9 : i64, tpu.core_type = #tpu.core_type<sc_vector_subcore>, window_params = [{transform_indices = #map}, {transform_indices = #map1}, {transform_indices = #map1}, {transform_indices = #map}, {transform_indices = #map1}]} {
    %mul3A = arith.constant 16 : i32
    %mul3A_0 = arith.muli %arg0, %mul3A : i32
    %add3A = arith.addi %mul3A_0, %arg1 : i32
    %mul3A_1 = arith.constant 640 : i32
    %mul3A_2 = arith.muli %arg1, %mul3A_1 : i32
    %add3A_3 = arith.constant 0 : i32
    %add3A_4 = arith.addi %mul3A_2, %add3A_3 : i32
    %dma_start3A = arith.constant 0 : i32
    %dma_start3A_5 = tpu.memref_slice %arg11[%add3A_4, %dma_start3A] : memref<10240x128xf32, #tpu.memory_space<vmem_shared>> -> memref<128x128xf32, #tpu.memory_space<vmem_shared>>
    tpu.enqueue_dma source(%arg5 : memref<128x128xf32, #tpu.memory_space<hbm>>) target(%dma_start3A_5 : memref<128x128xf32, #tpu.memory_space<vmem_shared>>) target_semaphore(%arg12 : memref<!tpu.dma_semaphore, #tpu.memory_space<semaphore_mem>>)
    %mul3A_6 = arith.constant 640 : i32
    %mul3A_7 = arith.muli %arg1, %mul3A_6 : i32
    %add3A_8 = arith.constant 128 : i32
    %add3A_9 = arith.addi %mul3A_7, %add3A_8 : i32
    %dma_start3A_10 = arith.constant 0 : i32
    %dma_start3A_11 = tpu.memref_slice %arg11[%add3A_9, %dma_start3A_10] : memref<10240x128xf32, #tpu.memory_space<vmem_shared>> -> memref<128x128xf32, #tpu.memory_space<vmem_shared>>
    tpu.enqueue_dma source(%arg5 : memref<128x128xf32, #tpu.memory_space<hbm>>) target(%dma_start3A_11 : memref<128x128xf32, #tpu.memory_space<vmem_shared>>) target_semaphore(%arg12 : memref<!tpu.dma_semaphore, #tpu.memory_space<semaphore_mem>>)
    %mul3A_12 = arith.constant 640 : i32
    %mul3A_13 = arith.muli %arg1, %mul3A_12 : i32
    %add3A_14 = arith.constant 256 : i32
    %add3A_15 = arith.addi %mul3A_13, %add3A_14 : i32
    %dma_start3A_16 = arith.constant 0 : i32
    %dma_start3A_17 = tpu.memref_slice %arg11[%add3A_15, %dma_start3A_16] : memref<10240x128xf32, #tpu.memory_space<vmem_shared>> -> memref<128x128xf32, #tpu.memory_space<vmem_shared>>
    tpu.enqueue_dma source(%arg5 : memref<128x128xf32, #tpu.memory_space<hbm>>) target(%dma_start3A_17 : memref<128x128xf32, #tpu.memory_space<vmem_shared>>) target_semaphore(%arg12 : memref<!tpu.dma_semaphore, #tpu.memory_space<semaphore_mem>>)
    %mul3A_18 = arith.constant 640 : i32
    %mul3A_19 = arith.muli %arg1, %mul3A_18 : i32
    %add3A_20 = arith.constant 384 : i32
    %add3A_21 = arith.addi %mul3A_19, %add3A_20 : i32
    %dma_start3A_22 = arith.constant 0 : i32
    %dma_start3A_23 = tpu.memref_slice %arg11[%add3A_21, %dma_start3A_22] : memref<10240x128xf32, #tpu.memory_space<vmem_shared>> -> memref<128x128xf32, #tpu.memory_space<vmem_shared>>
    tpu.enqueue_dma source(%arg5 : memref<128x128xf32, #tpu.memory_space<hbm>>) target(%dma_start3A_23 : memref<128x128xf32, #tpu.memory_space<vmem_shared>>) target_semaphore(%arg12 : memref<!tpu.dma_semaphore, #tpu.memory_space<semaphore_mem>>)
    %mul3A_24 = arith.constant 640 : i32
    %mul3A_25 = arith.muli %arg1, %mul3A_24 : i32
    %add3A_26 = arith.constant 512 : i32
    %add3A_27 = arith.addi %mul3A_25, %add3A_26 : i32
    %dma_start3A_28 = arith.constant 0 : i32
    %dma_start3A_29 = tpu.memref_slice %arg11[%add3A_27, %dma_start3A_28] : memref<10240x128xf32, #tpu.memory_space<vmem_shared>> -> memref<128x128xf32, #tpu.memory_space<vmem_shared>>
    tpu.enqueue_dma source(%arg5 : memref<128x128xf32, #tpu.memory_space<hbm>>) target(%dma_start3A_29 : memref<128x128xf32, #tpu.memory_space<vmem_shared>>) target_semaphore(%arg12 : memref<!tpu.dma_semaphore, #tpu.memory_space<semaphore_mem>>)
    %dma_wait3A = arith.constant 0 : i32
    %dma_wait3A_30 = arith.constant 0 : i32
    %dma_wait3A_31 = tpu.memref_slice %arg11[%dma_wait3A, %dma_wait3A_30] : memref<10240x128xf32, #tpu.memory_space<vmem_shared>> -> memref<128x128xf32, #tpu.memory_space<vmem_shared>>
    tpu.wait_dma2 semaphore(%arg12 : memref<!tpu.dma_semaphore, #tpu.memory_space<semaphore_mem>>) src(%arg5 : memref<128x128xf32, #tpu.memory_space<hbm>>) dst(%dma_wait3A_31 : memref<128x128xf32, #tpu.memory_space<vmem_shared>>)
    %dma_wait3A_32 = arith.constant 0 : i32
    %dma_wait3A_33 = arith.constant 0 : i32
    %dma_wait3A_34 = tpu.memref_slice %arg11[%dma_wait3A_32, %dma_wait3A_33] : memref<10240x128xf32, #tpu.memory_space<vmem_shared>> -> memref<128x128xf32, #tpu.memory_space<vmem_shared>>
    tpu.wait_dma2 semaphore(%arg12 : memref<!tpu.dma_semaphore, #tpu.memory_space<semaphore_mem>>) src(%arg5 : memref<128x128xf32, #tpu.memory_space<hbm>>) dst(%dma_wait3A_34 : memref<128x128xf32, #tpu.memory_space<vmem_shared>>)
    %dma_wait3A_35 = arith.constant 0 : i32
    %dma_wait3A_36 = arith.constant 0 : i32
    %dma_wait3A_37 = tpu.memref_slice %arg11[%dma_wait3A_35, %dma_wait3A_36] : memref<10240x128xf32, #tpu.memory_space<vmem_shared>> -> memref<128x128xf32, #tpu.memory_space<vmem_shared>>
    tpu.wait_dma2 semaphore(%arg12 : memref<!tpu.dma_semaphore, #tpu.memory_space<semaphore_mem>>) src(%arg5 : memref<128x128xf32, #tpu.memory_space<hbm>>) dst(%dma_wait3A_37 : memref<128x128xf32, #tpu.memory_space<vmem_shared>>)
    %dma_wait3A_38 = arith.constant 0 : i32
    %dma_wait3A_39 = arith.constant 0 : i32
    %dma_wait3A_40 = tpu.memref_slice %arg11[%dma_wait3A_38, %dma_wait3A_39] : memref<10240x128xf32, #tpu.memory_space<vmem_shared>> -> memref<128x128xf32, #tpu.memory_space<vmem_shared>>
    tpu.wait_dma2 semaphore(%arg12 : memref<!tpu.dma_semaphore, #tpu.memory_space<semaphore_mem>>) src(%arg5 : memref<128x128xf32, #tpu.memory_space<hbm>>) dst(%dma_wait3A_40 : memref<128x128xf32, #tpu.memory_space<vmem_shared>>)
    %dma_wait3A_41 = arith.constant 0 : i32
    %dma_wait3A_42 = arith.constant 0 : i32
    %dma_wait3A_43 = tpu.memref_slice %arg11[%dma_wait3A_41, %dma_wait3A_42] : memref<10240x128xf32, #tpu.memory_space<vmem_shared>> -> memref<128x128xf32, #tpu.memory_space<vmem_shared>>
    tpu.wait_dma2 semaphore(%arg12 : memref<!tpu.dma_semaphore, #tpu.memory_space<semaphore_mem>>) src(%arg5 : memref<128x128xf32, #tpu.memory_space<hbm>>) dst(%dma_wait3A_43 : memref<128x128xf32, #tpu.memory_space<vmem_shared>>)
    %barrier3A = arith.constant 0 : index
    tpu.barrier barrier_id(%barrier3A)
    "tpu.region"() ({
      %run_scoped3A = tpu.sem_alloc : memref<!tpu.dma_semaphore, #tpu.memory_space<semaphore_mem>>
      %dma_start3A_162 = arith.constant 0 : i32
      %dma_start3A_163 = arith.constant 0 : i32
      %dma_start3A_164 = tpu.memref_slice %arg3[%add3A, %dma_start3A_162, %dma_start3A_163] : memref<32x80x128xi32, #tpu.memory_space<hbm>> -> memref<1x40x128xi32, #tpu.memory_space<hbm>>
      %dma_start3A_165 = tpu.memref_squeeze %dma_start3A_164 : memref<1x40x128xi32, #tpu.memory_space<hbm>> -> memref<40x128xi32, #tpu.memory_space<hbm>>
      %dma_start3A_166 = arith.constant 0 : i32
      %dma_start3A_167 = arith.constant 0 : i32
      %dma_start3A_168 = tpu.memref_slice %arg3[%add3A, %dma_start3A_166, %dma_start3A_167] : memref<32x80x128xi32, #tpu.memory_space<hbm>> -> memref<1x40x128xi32, #tpu.memory_space<hbm>>
      %dma_start3A_169 = tpu.memref_squeeze %dma_start3A_168 : memref<1x40x128xi32, #tpu.memory_space<hbm>> -> memref<40x128xi32, #tpu.memory_space<hbm>>
      tpu.enqueue_dma source(%dma_start3A_169 : memref<40x128xi32, #tpu.memory_space<hbm>>) target(%arg7 : memref<40x128xi32, #tpu.memory_space<vmem>>) target_semaphore(%run_scoped3A : memref<!tpu.dma_semaphore, #tpu.memory_space<semaphore_mem>>)
      %dma_wait3A_170 = arith.constant 0 : i32
      %dma_wait3A_171 = arith.constant 0 : i32
      %dma_wait3A_172 = tpu.memref_slice %arg3[%add3A, %dma_wait3A_170, %dma_wait3A_171] : memref<32x80x128xi32, #tpu.memory_space<hbm>> -> memref<1x40x128xi32, #tpu.memory_space<hbm>>
      %dma_wait3A_173 = tpu.memref_squeeze %dma_wait3A_172 : memref<1x40x128xi32, #tpu.memory_space<hbm>> -> memref<40x128xi32, #tpu.memory_space<hbm>>
      %dma_wait3A_174 = arith.constant 0 : i32
      %dma_wait3A_175 = arith.constant 0 : i32
      %dma_wait3A_176 = tpu.memref_slice %arg3[%add3A, %dma_wait3A_174, %dma_wait3A_175] : memref<32x80x128xi32, #tpu.memory_space<hbm>> -> memref<1x40x128xi32, #tpu.memory_space<hbm>>
      %dma_wait3A_177 = tpu.memref_squeeze %dma_wait3A_176 : memref<1x40x128xi32, #tpu.memory_space<hbm>> -> memref<40x128xi32, #tpu.memory_space<hbm>>
      tpu.wait_dma2 semaphore(%run_scoped3A : memref<!tpu.dma_semaphore, #tpu.memory_space<semaphore_mem>>) src(%dma_wait3A_177 : memref<40x128xi32, #tpu.memory_space<hbm>>) dst(%arg7 : memref<40x128xi32, #tpu.memory_space<vmem>>)
      tpu.yield
    }) : () -> ()
    "tpu.region"() ({
      %run_scoped3A = tpu.sem_alloc : memref<!tpu.dma_semaphore, #tpu.memory_space<semaphore_mem>>
      %dma_start3A_162 = arith.constant 0 : i32
      %dma_start3A_163 = arith.constant 0 : i32
      %dma_start3A_164 = tpu.memref_slice %arg4[%add3A, %dma_start3A_162, %dma_start3A_163] : memref<32x80x128xi32, #tpu.memory_space<hbm>> -> memref<1x40x128xi32, #tpu.memory_space<hbm>>
      %dma_start3A_165 = tpu.memref_squeeze %dma_start3A_164 : memref<1x40x128xi32, #tpu.memory_space<hbm>> -> memref<40x128xi32, #tpu.memory_space<hbm>>
      %dma_start3A_166 = arith.constant 0 : i32
      %dma_start3A_167 = arith.constant 0 : i32
      %dma_start3A_168 = tpu.memref_slice %arg4[%add3A, %dma_start3A_166, %dma_start3A_167] : memref<32x80x128xi32, #tpu.memory_space<hbm>> -> memref<1x40x128xi32, #tpu.memory_space<hbm>>
      %dma_start3A_169 = tpu.memref_squeeze %dma_start3A_168 : memref<1x40x128xi32, #tpu.memory_space<hbm>> -> memref<40x128xi32, #tpu.memory_space<hbm>>
      tpu.enqueue_dma source(%dma_start3A_169 : memref<40x128xi32, #tpu.memory_space<hbm>>) target(%arg8 : memref<40x128xi32, #tpu.memory_space<vmem>>) target_semaphore(%run_scoped3A : memref<!tpu.dma_semaphore, #tpu.memory_space<semaphore_mem>>)
      %dma_wait3A_170 = arith.constant 0 : i32
      %dma_wait3A_171 = arith.constant 0 : i32
      %dma_wait3A_172 = tpu.memref_slice %arg4[%add3A, %dma_wait3A_170, %dma_wait3A_171] : memref<32x80x128xi32, #tpu.memory_space<hbm>> -> memref<1x40x128xi32, #tpu.memory_space<hbm>>
      %dma_wait3A_173 = tpu.memref_squeeze %dma_wait3A_172 : memref<1x40x128xi32, #tpu.memory_space<hbm>> -> memref<40x128xi32, #tpu.memory_space<hbm>>
      %dma_wait3A_174 = arith.constant 0 : i32
      %dma_wait3A_175 = arith.constant 0 : i32
      %dma_wait3A_176 = tpu.memref_slice %arg4[%add3A, %dma_wait3A_174, %dma_wait3A_175] : memref<32x80x128xi32, #tpu.memory_space<hbm>> -> memref<1x40x128xi32, #tpu.memory_space<hbm>>
      %dma_wait3A_177 = tpu.memref_squeeze %dma_wait3A_176 : memref<1x40x128xi32, #tpu.memory_space<hbm>> -> memref<40x128xi32, #tpu.memory_space<hbm>>
      tpu.wait_dma2 semaphore(%run_scoped3A : memref<!tpu.dma_semaphore, #tpu.memory_space<semaphore_mem>>) src(%dma_wait3A_177 : memref<40x128xi32, #tpu.memory_space<hbm>>) dst(%arg8 : memref<40x128xi32, #tpu.memory_space<vmem>>)
      tpu.yield
    }) : () -> ()
    %dma_start3A_44 = arith.constant 0 : i32
    %dma_start3A_45 = arith.constant 0 : i32
    %dma_start3A_46 = tpu.memref_slice %arg7[%dma_start3A_44, %dma_start3A_45] : memref<40x128xi32, #tpu.memory_space<vmem>> -> memref<1x128xi32, #tpu.memory_space<vmem>>
    %dma_start3A_47 = tpu.memref_squeeze %dma_start3A_46 : memref<1x128xi32, #tpu.memory_space<vmem>> -> memref<128xi32, #tpu.memory_space<vmem>>
    %dma_start3A_48 = arith.constant 0 : i32
    %dma_start3A_49 = arith.constant 0 : i32
    %dma_start3A_50 = tpu.memref_slice %arg2[%dma_start3A_48, %dma_start3A_49] : memref<10240x128xf32, #tpu.memory_space<hbm>> -> memref<10240x128xf32, #tpu.memory_space<hbm>>
    tpu.enqueue_indirect_dma source(%dma_start3A_50 : memref<10240x128xf32, #tpu.memory_space<hbm>>) target(%arg9 : memref<128x128xf32, #tpu.memory_space<vmem>>) offsets(%dma_start3A_47 : memref<128xi32, #tpu.memory_space<vmem>>) semaphore(%arg12 : memref<!tpu.dma_semaphore, #tpu.memory_space<semaphore_mem>>)
    %dma_start3A_51 = arith.constant 1 : i32
    %dma_start3A_52 = arith.constant 0 : i32
    %dma_start3A_53 = tpu.memref_slice %arg7[%dma_start3A_51, %dma_start3A_52] : memref<40x128xi32, #tpu.memory_space<vmem>> -> memref<1x128xi32, #tpu.memory_space<vmem>>
    %dma_start3A_54 = tpu.memref_squeeze %dma_start3A_53 : memref<1x128xi32, #tpu.memory_space<vmem>> -> memref<128xi32, #tpu.memory_space<vmem>>
    %dma_start3A_55 = arith.constant 0 : i32
    %dma_start3A_56 = arith.constant 0 : i32
    %dma_start3A_57 = tpu.memref_slice %arg2[%dma_start3A_55, %dma_start3A_56] : memref<10240x128xf32, #tpu.memory_space<hbm>> -> memref<10240x128xf32, #tpu.memory_space<hbm>>
    tpu.enqueue_indirect_dma source(%dma_start3A_57 : memref<10240x128xf32, #tpu.memory_space<hbm>>) target(%arg10 : memref<128x128xf32, #tpu.memory_space<vmem>>) offsets(%dma_start3A_54 : memref<128xi32, #tpu.memory_space<vmem>>) semaphore(%arg13 : memref<!tpu.dma_semaphore, #tpu.memory_space<semaphore_mem>>)
    %scan3A = arith.constant 0 : i32
    %scan3A_58 = arith.constant 20 : i32
    %scan3A_59 = arith.addi %scan3A, %scan3A_58 : i32
    %scan3A_60 = arith.constant 1 : i32
    scf.for %scan3A_162 = %scan3A to %scan3A_59 step %scan3A_60  : i32 {
      %mul3A_163 = arith.constant 2 : i32
      %mul3A_164 = arith.muli %mul3A_163, %scan3A_162 : i32
      %add3A_165 = arith.constant 0 : i32
      %add3A_166 = arith.addi %mul3A_164, %add3A_165 : i32
      %dma_wait3A_167 = arith.constant 0 : i32
      %dma_wait3A_168 = arith.constant 0 : i32
      %dma_wait3A_169 = tpu.memref_slice %arg2[%dma_wait3A_167, %dma_wait3A_168] : memref<10240x128xf32, #tpu.memory_space<hbm>> -> memref<128x128xf32, #tpu.memory_space<hbm>>
      %dma_wait3A_170 = arith.constant 0 : i32
      %dma_wait3A_171 = arith.constant 0 : i32
      %dma_wait3A_172 = tpu.memref_slice %arg2[%dma_wait3A_170, %dma_wait3A_171] : memref<10240x128xf32, #tpu.memory_space<hbm>> -> memref<128x128xf32, #tpu.memory_space<hbm>>
      tpu.wait_dma2 semaphore(%arg12 : memref<!tpu.dma_semaphore, #tpu.memory_space<semaphore_mem>>) src(%dma_wait3A_172 : memref<128x128xf32, #tpu.memory_space<hbm>>) dst(%arg9 : memref<128x128xf32, #tpu.memory_space<vmem>>)
      %dma_start3A_173 = arith.constant 0 : i32
      %dma_start3A_174 = tpu.memref_slice %arg8[%add3A_166, %dma_start3A_173] : memref<40x128xi32, #tpu.memory_space<vmem>> -> memref<1x128xi32, #tpu.memory_space<vmem>>
      %dma_start3A_175 = tpu.memref_squeeze %dma_start3A_174 : memref<1x128xi32, #tpu.memory_space<vmem>> -> memref<128xi32, #tpu.memory_space<vmem>>
      %dma_start3A_176 = arith.constant 0 : i32
      %dma_start3A_177 = arith.constant 0 : i32
      %dma_start3A_178 = tpu.memref_slice %arg11[%dma_start3A_176, %dma_start3A_177] : memref<10240x128xf32, #tpu.memory_space<vmem_shared>> -> memref<10240x128xf32, #tpu.memory_space<vmem_shared>>
      tpu.enqueue_indirect_dma source(%arg9 : memref<128x128xf32, #tpu.memory_space<vmem>>) target(%dma_start3A_178 : memref<10240x128xf32, #tpu.memory_space<vmem_shared>>) offsets(%dma_start3A_175 : memref<128xi32, #tpu.memory_space<vmem>>) semaphore(%arg14 : memref<!tpu.dma_semaphore, #tpu.memory_space<semaphore_mem>>) {add = true}
      %dma_wait3A_179 = arith.constant 0 : i32
      %dma_wait3A_180 = arith.constant 0 : i32
      %dma_wait3A_181 = tpu.memref_slice %arg11[%dma_wait3A_179, %dma_wait3A_180] : memref<10240x128xf32, #tpu.memory_space<vmem_shared>> -> memref<128x128xf32, #tpu.memory_space<vmem_shared>>
      %dma_wait3A_182 = arith.constant 0 : i32
      %dma_wait3A_183 = arith.constant 0 : i32
      %dma_wait3A_184 = tpu.memref_slice %arg11[%dma_wait3A_182, %dma_wait3A_183] : memref<10240x128xf32, #tpu.memory_space<vmem_shared>> -> memref<128x128xf32, #tpu.memory_space<vmem_shared>>
      tpu.wait_dma2 semaphore(%arg14 : memref<!tpu.dma_semaphore, #tpu.memory_space<semaphore_mem>>) src(%arg9 : memref<128x128xf32, #tpu.memory_space<vmem>>) dst(%dma_wait3A_184 : memref<128x128xf32, #tpu.memory_space<vmem_shared>>)
      %add3A_185 = arith.constant 2 : i32
      %add3A_186 = arith.addi %add3A_166, %add3A_185 : i32
      %lt3A = arith.constant 40 : i32
      %lt3A_187 = arith.cmpi slt, %add3A_186, %lt3A : i32
      %convert_element_type3A = arith.extui %lt3A_187 : i1 to i32
      %cond3A = arith.constant 0 : i32
      %cond3A_188 = arith.cmpi ne, %convert_element_type3A, %cond3A : i32
      scf.if %cond3A_188 {
        %add3A_218 = arith.constant 2 : i32
        %add3A_219 = arith.addi %add3A_166, %add3A_218 : i32
        %dma_start3A_220 = arith.constant 0 : i32
        %dma_start3A_221 = tpu.memref_slice %arg7[%add3A_219, %dma_start3A_220] : memref<40x128xi32, #tpu.memory_space<vmem>> -> memref<1x128xi32, #tpu.memory_space<vmem>>
        %dma_start3A_222 = tpu.memref_squeeze %dma_start3A_221 : memref<1x128xi32, #tpu.memory_space<vmem>> -> memref<128xi32, #tpu.memory_space<vmem>>
        %dma_start3A_223 = arith.constant 0 : i32
        %dma_start3A_224 = arith.constant 0 : i32
        %dma_start3A_225 = tpu.memref_slice %arg2[%dma_start3A_223, %dma_start3A_224] : memref<10240x128xf32, #tpu.memory_space<hbm>> -> memref<10240x128xf32, #tpu.memory_space<hbm>>
        tpu.enqueue_indirect_dma source(%dma_start3A_225 : memref<10240x128xf32, #tpu.memory_space<hbm>>) target(%arg9 : memref<128x128xf32, #tpu.memory_space<vmem>>) offsets(%dma_start3A_222 : memref<128xi32, #tpu.memory_space<vmem>>) semaphore(%arg12 : memref<!tpu.dma_semaphore, #tpu.memory_space<semaphore_mem>>)
      } else {
      }
      %mul3A_189 = arith.constant 2 : i32
      %mul3A_190 = arith.muli %mul3A_189, %scan3A_162 : i32
      %add3A_191 = arith.constant 1 : i32
      %add3A_192 = arith.addi %mul3A_190, %add3A_191 : i32
      %dma_wait3A_193 = arith.constant 0 : i32
      %dma_wait3A_194 = arith.constant 0 : i32
      %dma_wait3A_195 = tpu.memref_slice %arg2[%dma_wait3A_193, %dma_wait3A_194] : memref<10240x128xf32, #tpu.memory_space<hbm>> -> memref<128x128xf32, #tpu.memory_space<hbm>>
      %dma_wait3A_196 = arith.constant 0 : i32
      %dma_wait3A_197 = arith.constant 0 : i32
      %dma_wait3A_198 = tpu.memref_slice %arg2[%dma_wait3A_196, %dma_wait3A_197] : memref<10240x128xf32, #tpu.memory_space<hbm>> -> memref<128x128xf32, #tpu.memory_space<hbm>>
      tpu.wait_dma2 semaphore(%arg13 : memref<!tpu.dma_semaphore, #tpu.memory_space<semaphore_mem>>) src(%dma_wait3A_198 : memref<128x128xf32, #tpu.memory_space<hbm>>) dst(%arg10 : memref<128x128xf32, #tpu.memory_space<vmem>>)
      %dma_start3A_199 = arith.constant 0 : i32
      %dma_start3A_200 = tpu.memref_slice %arg8[%add3A_192, %dma_start3A_199] : memref<40x128xi32, #tpu.memory_space<vmem>> -> memref<1x128xi32, #tpu.memory_space<vmem>>
      %dma_start3A_201 = tpu.memref_squeeze %dma_start3A_200 : memref<1x128xi32, #tpu.memory_space<vmem>> -> memref<128xi32, #tpu.memory_space<vmem>>
      %dma_start3A_202 = arith.constant 0 : i32
      %dma_start3A_203 = arith.constant 0 : i32
      %dma_start3A_204 = tpu.memref_slice %arg11[%dma_start3A_202, %dma_start3A_203] : memref<10240x128xf32, #tpu.memory_space<vmem_shared>> -> memref<10240x128xf32, #tpu.memory_space<vmem_shared>>
      tpu.enqueue_indirect_dma source(%arg10 : memref<128x128xf32, #tpu.memory_space<vmem>>) target(%dma_start3A_204 : memref<10240x128xf32, #tpu.memory_space<vmem_shared>>) offsets(%dma_start3A_201 : memref<128xi32, #tpu.memory_space<vmem>>) semaphore(%arg15 : memref<!tpu.dma_semaphore, #tpu.memory_space<semaphore_mem>>) {add = true}
      %dma_wait3A_205 = arith.constant 0 : i32
      %dma_wait3A_206 = arith.constant 0 : i32
      %dma_wait3A_207 = tpu.memref_slice %arg11[%dma_wait3A_205, %dma_wait3A_206] : memref<10240x128xf32, #tpu.memory_space<vmem_shared>> -> memref<128x128xf32, #tpu.memory_space<vmem_shared>>
      %dma_wait3A_208 = arith.constant 0 : i32
      %dma_wait3A_209 = arith.constant 0 : i32
      %dma_wait3A_210 = tpu.memref_slice %arg11[%dma_wait3A_208, %dma_wait3A_209] : memref<10240x128xf32, #tpu.memory_space<vmem_shared>> -> memref<128x128xf32, #tpu.memory_space<vmem_shared>>
      tpu.wait_dma2 semaphore(%arg15 : memref<!tpu.dma_semaphore, #tpu.memory_space<semaphore_mem>>) src(%arg10 : memref<128x128xf32, #tpu.memory_space<vmem>>) dst(%dma_wait3A_210 : memref<128x128xf32, #tpu.memory_space<vmem_shared>>)
      %add3A_211 = arith.constant 2 : i32
      %add3A_212 = arith.addi %add3A_192, %add3A_211 : i32
      %lt3A_213 = arith.constant 40 : i32
      %lt3A_214 = arith.cmpi slt, %add3A_212, %lt3A_213 : i32
      %convert_element_type3A_215 = arith.extui %lt3A_214 : i1 to i32
      %cond3A_216 = arith.constant 0 : i32
      %cond3A_217 = arith.cmpi ne, %convert_element_type3A_215, %cond3A_216 : i32
      scf.if %cond3A_217 {
        %add3A_218 = arith.constant 2 : i32
        %add3A_219 = arith.addi %add3A_192, %add3A_218 : i32
        %dma_start3A_220 = arith.constant 0 : i32
        %dma_start3A_221 = tpu.memref_slice %arg7[%add3A_219, %dma_start3A_220] : memref<40x128xi32, #tpu.memory_space<vmem>> -> memref<1x128xi32, #tpu.memory_space<vmem>>
        %dma_start3A_222 = tpu.memref_squeeze %dma_start3A_221 : memref<1x128xi32, #tpu.memory_space<vmem>> -> memref<128xi32, #tpu.memory_space<vmem>>
        %dma_start3A_223 = arith.constant 0 : i32
        %dma_start3A_224 = arith.constant 0 : i32
        %dma_start3A_225 = tpu.memref_slice %arg2[%dma_start3A_223, %dma_start3A_224] : memref<10240x128xf32, #tpu.memory_space<hbm>> -> memref<10240x128xf32, #tpu.memory_space<hbm>>
        tpu.enqueue_indirect_dma source(%dma_start3A_225 : memref<10240x128xf32, #tpu.memory_space<hbm>>) target(%arg10 : memref<128x128xf32, #tpu.memory_space<vmem>>) offsets(%dma_start3A_222 : memref<128xi32, #tpu.memory_space<vmem>>) semaphore(%arg13 : memref<!tpu.dma_semaphore, #tpu.memory_space<semaphore_mem>>)
      } else {
      }
    }
    %scan3A_61 = arith.constant 20 : i32
    "tpu.region"() ({
      %run_scoped3A = tpu.sem_alloc : memref<!tpu.dma_semaphore, #tpu.memory_space<semaphore_mem>>
      %dma_start3A_162 = arith.constant 40 : i32
      %dma_start3A_163 = arith.constant 0 : i32
      %dma_start3A_164 = tpu.memref_slice %arg3[%add3A, %dma_start3A_162, %dma_start3A_163] : memref<32x80x128xi32, #tpu.memory_space<hbm>> -> memref<1x40x128xi32, #tpu.memory_space<hbm>>
      %dma_start3A_165 = tpu.memref_squeeze %dma_start3A_164 : memref<1x40x128xi32, #tpu.memory_space<hbm>> -> memref<40x128xi32, #tpu.memory_space<hbm>>
      %dma_start3A_166 = arith.constant 40 : i32
      %dma_start3A_167 = arith.constant 0 : i32
      %dma_start3A_168 = tpu.memref_slice %arg3[%add3A, %dma_start3A_166, %dma_start3A_167] : memref<32x80x128xi32, #tpu.memory_space<hbm>> -> memref<1x40x128xi32, #tpu.memory_space<hbm>>
      %dma_start3A_169 = tpu.memref_squeeze %dma_start3A_168 : memref<1x40x128xi32, #tpu.memory_space<hbm>> -> memref<40x128xi32, #tpu.memory_space<hbm>>
      tpu.enqueue_dma source(%dma_start3A_169 : memref<40x128xi32, #tpu.memory_space<hbm>>) target(%arg7 : memref<40x128xi32, #tpu.memory_space<vmem>>) target_semaphore(%run_scoped3A : memref<!tpu.dma_semaphore, #tpu.memory_space<semaphore_mem>>)
      %dma_wait3A_170 = arith.constant 40 : i32
      %dma_wait3A_171 = arith.constant 0 : i32
      %dma_wait3A_172 = tpu.memref_slice %arg3[%add3A, %dma_wait3A_170, %dma_wait3A_171] : memref<32x80x128xi32, #tpu.memory_space<hbm>> -> memref<1x40x128xi32, #tpu.memory_space<hbm>>
      %dma_wait3A_173 = tpu.memref_squeeze %dma_wait3A_172 : memref<1x40x128xi32, #tpu.memory_space<hbm>> -> memref<40x128xi32, #tpu.memory_space<hbm>>
      %dma_wait3A_174 = arith.constant 40 : i32
      %dma_wait3A_175 = arith.constant 0 : i32
      %dma_wait3A_176 = tpu.memref_slice %arg3[%add3A, %dma_wait3A_174, %dma_wait3A_175] : memref<32x80x128xi32, #tpu.memory_space<hbm>> -> memref<1x40x128xi32, #tpu.memory_space<hbm>>
      %dma_wait3A_177 = tpu.memref_squeeze %dma_wait3A_176 : memref<1x40x128xi32, #tpu.memory_space<hbm>> -> memref<40x128xi32, #tpu.memory_space<hbm>>
      tpu.wait_dma2 semaphore(%run_scoped3A : memref<!tpu.dma_semaphore, #tpu.memory_space<semaphore_mem>>) src(%dma_wait3A_177 : memref<40x128xi32, #tpu.memory_space<hbm>>) dst(%arg7 : memref<40x128xi32, #tpu.memory_space<vmem>>)
      tpu.yield
    }) : () -> ()
    "tpu.region"() ({
      %run_scoped3A = tpu.sem_alloc : memref<!tpu.dma_semaphore, #tpu.memory_space<semaphore_mem>>
      %dma_start3A_162 = arith.constant 40 : i32
      %dma_start3A_163 = arith.constant 0 : i32
      %dma_start3A_164 = tpu.memref_slice %arg4[%add3A, %dma_start3A_162, %dma_start3A_163] : memref<32x80x128xi32, #tpu.memory_space<hbm>> -> memref<1x40x128xi32, #tpu.memory_space<hbm>>
      %dma_start3A_165 = tpu.memref_squeeze %dma_start3A_164 : memref<1x40x128xi32, #tpu.memory_space<hbm>> -> memref<40x128xi32, #tpu.memory_space<hbm>>
      %dma_start3A_166 = arith.constant 40 : i32
      %dma_start3A_167 = arith.constant 0 : i32
      %dma_start3A_168 = tpu.memref_slice %arg4[%add3A, %dma_start3A_166, %dma_start3A_167] : memref<32x80x128xi32, #tpu.memory_space<hbm>> -> memref<1x40x128xi32, #tpu.memory_space<hbm>>
      %dma_start3A_169 = tpu.memref_squeeze %dma_start3A_168 : memref<1x40x128xi32, #tpu.memory_space<hbm>> -> memref<40x128xi32, #tpu.memory_space<hbm>>
      tpu.enqueue_dma source(%dma_start3A_169 : memref<40x128xi32, #tpu.memory_space<hbm>>) target(%arg8 : memref<40x128xi32, #tpu.memory_space<vmem>>) target_semaphore(%run_scoped3A : memref<!tpu.dma_semaphore, #tpu.memory_space<semaphore_mem>>)
      %dma_wait3A_170 = arith.constant 40 : i32
      %dma_wait3A_171 = arith.constant 0 : i32
      %dma_wait3A_172 = tpu.memref_slice %arg4[%add3A, %dma_wait3A_170, %dma_wait3A_171] : memref<32x80x128xi32, #tpu.memory_space<hbm>> -> memref<1x40x128xi32, #tpu.memory_space<hbm>>
      %dma_wait3A_173 = tpu.memref_squeeze %dma_wait3A_172 : memref<1x40x128xi32, #tpu.memory_space<hbm>> -> memref<40x128xi32, #tpu.memory_space<hbm>>
      %dma_wait3A_174 = arith.constant 40 : i32
      %dma_wait3A_175 = arith.constant 0 : i32
      %dma_wait3A_176 = tpu.memref_slice %arg4[%add3A, %dma_wait3A_174, %dma_wait3A_175] : memref<32x80x128xi32, #tpu.memory_space<hbm>> -> memref<1x40x128xi32, #tpu.memory_space<hbm>>
      %dma_wait3A_177 = tpu.memref_squeeze %dma_wait3A_176 : memref<1x40x128xi32, #tpu.memory_space<hbm>> -> memref<40x128xi32, #tpu.memory_space<hbm>>
      tpu.wait_dma2 semaphore(%run_scoped3A : memref<!tpu.dma_semaphore, #tpu.memory_space<semaphore_mem>>) src(%dma_wait3A_177 : memref<40x128xi32, #tpu.memory_space<hbm>>) dst(%arg8 : memref<40x128xi32, #tpu.memory_space<vmem>>)
      tpu.yield
    }) : () -> ()
    %dma_start3A_62 = arith.constant 0 : i32
    %dma_start3A_63 = arith.constant 0 : i32
    %dma_start3A_64 = tpu.memref_slice %arg7[%dma_start3A_62, %dma_start3A_63] : memref<40x128xi32, #tpu.memory_space<vmem>> -> memref<1x128xi32, #tpu.memory_space<vmem>>
    %dma_start3A_65 = tpu.memref_squeeze %dma_start3A_64 : memref<1x128xi32, #tpu.memory_space<vmem>> -> memref<128xi32, #tpu.memory_space<vmem>>
    %dma_start3A_66 = arith.constant 0 : i32
    %dma_start3A_67 = arith.constant 0 : i32
    %dma_start3A_68 = tpu.memref_slice %arg2[%dma_start3A_66, %dma_start3A_67] : memref<10240x128xf32, #tpu.memory_space<hbm>> -> memref<10240x128xf32, #tpu.memory_space<hbm>>
    tpu.enqueue_indirect_dma source(%dma_start3A_68 : memref<10240x128xf32, #tpu.memory_space<hbm>>) target(%arg9 : memref<128x128xf32, #tpu.memory_space<vmem>>) offsets(%dma_start3A_65 : memref<128xi32, #tpu.memory_space<vmem>>) semaphore(%arg12 : memref<!tpu.dma_semaphore, #tpu.memory_space<semaphore_mem>>)
    %dma_start3A_69 = arith.constant 1 : i32
    %dma_start3A_70 = arith.constant 0 : i32
    %dma_start3A_71 = tpu.memref_slice %arg7[%dma_start3A_69, %dma_start3A_70] : memref<40x128xi32, #tpu.memory_space<vmem>> -> memref<1x128xi32, #tpu.memory_space<vmem>>
    %dma_start3A_72 = tpu.memref_squeeze %dma_start3A_71 : memref<1x128xi32, #tpu.memory_space<vmem>> -> memref<128xi32, #tpu.memory_space<vmem>>
    %dma_start3A_73 = arith.constant 0 : i32
    %dma_start3A_74 = arith.constant 0 : i32
    %dma_start3A_75 = tpu.memref_slice %arg2[%dma_start3A_73, %dma_start3A_74] : memref<10240x128xf32, #tpu.memory_space<hbm>> -> memref<10240x128xf32, #tpu.memory_space<hbm>>
    tpu.enqueue_indirect_dma source(%dma_start3A_75 : memref<10240x128xf32, #tpu.memory_space<hbm>>) target(%arg10 : memref<128x128xf32, #tpu.memory_space<vmem>>) offsets(%dma_start3A_72 : memref<128xi32, #tpu.memory_space<vmem>>) semaphore(%arg13 : memref<!tpu.dma_semaphore, #tpu.memory_space<semaphore_mem>>)
    %scan3A_76 = arith.constant 0 : i32
    %scan3A_77 = arith.constant 20 : i32
    %scan3A_78 = arith.addi %scan3A_76, %scan3A_77 : i32
    %scan3A_79 = arith.constant 1 : i32
    scf.for %scan3A_162 = %scan3A_76 to %scan3A_78 step %scan3A_79  : i32 {
      %mul3A_163 = arith.constant 2 : i32
      %mul3A_164 = arith.muli %mul3A_163, %scan3A_162 : i32
      %add3A_165 = arith.constant 0 : i32
      %add3A_166 = arith.addi %mul3A_164, %add3A_165 : i32
      %dma_wait3A_167 = arith.constant 0 : i32
      %dma_wait3A_168 = arith.constant 0 : i32
      %dma_wait3A_169 = tpu.memref_slice %arg2[%dma_wait3A_167, %dma_wait3A_168] : memref<10240x128xf32, #tpu.memory_space<hbm>> -> memref<128x128xf32, #tpu.memory_space<hbm>>
      %dma_wait3A_170 = arith.constant 0 : i32
      %dma_wait3A_171 = arith.constant 0 : i32
      %dma_wait3A_172 = tpu.memref_slice %arg2[%dma_wait3A_170, %dma_wait3A_171] : memref<10240x128xf32, #tpu.memory_space<hbm>> -> memref<128x128xf32, #tpu.memory_space<hbm>>
      tpu.wait_dma2 semaphore(%arg12 : memref<!tpu.dma_semaphore, #tpu.memory_space<semaphore_mem>>) src(%dma_wait3A_172 : memref<128x128xf32, #tpu.memory_space<hbm>>) dst(%arg9 : memref<128x128xf32, #tpu.memory_space<vmem>>)
      %dma_start3A_173 = arith.constant 0 : i32
      %dma_start3A_174 = tpu.memref_slice %arg8[%add3A_166, %dma_start3A_173] : memref<40x128xi32, #tpu.memory_space<vmem>> -> memref<1x128xi32, #tpu.memory_space<vmem>>
      %dma_start3A_175 = tpu.memref_squeeze %dma_start3A_174 : memref<1x128xi32, #tpu.memory_space<vmem>> -> memref<128xi32, #tpu.memory_space<vmem>>
      %dma_start3A_176 = arith.constant 0 : i32
      %dma_start3A_177 = arith.constant 0 : i32
      %dma_start3A_178 = tpu.memref_slice %arg11[%dma_start3A_176, %dma_start3A_177] : memref<10240x128xf32, #tpu.memory_space<vmem_shared>> -> memref<10240x128xf32, #tpu.memory_space<vmem_shared>>
      tpu.enqueue_indirect_dma source(%arg9 : memref<128x128xf32, #tpu.memory_space<vmem>>) target(%dma_start3A_178 : memref<10240x128xf32, #tpu.memory_space<vmem_shared>>) offsets(%dma_start3A_175 : memref<128xi32, #tpu.memory_space<vmem>>) semaphore(%arg14 : memref<!tpu.dma_semaphore, #tpu.memory_space<semaphore_mem>>) {add = true}
      %dma_wait3A_179 = arith.constant 0 : i32
      %dma_wait3A_180 = arith.constant 0 : i32
      %dma_wait3A_181 = tpu.memref_slice %arg11[%dma_wait3A_179, %dma_wait3A_180] : memref<10240x128xf32, #tpu.memory_space<vmem_shared>> -> memref<128x128xf32, #tpu.memory_space<vmem_shared>>
      %dma_wait3A_182 = arith.constant 0 : i32
      %dma_wait3A_183 = arith.constant 0 : i32
      %dma_wait3A_184 = tpu.memref_slice %arg11[%dma_wait3A_182, %dma_wait3A_183] : memref<10240x128xf32, #tpu.memory_space<vmem_shared>> -> memref<128x128xf32, #tpu.memory_space<vmem_shared>>
      tpu.wait_dma2 semaphore(%arg14 : memref<!tpu.dma_semaphore, #tpu.memory_space<semaphore_mem>>) src(%arg9 : memref<128x128xf32, #tpu.memory_space<vmem>>) dst(%dma_wait3A_184 : memref<128x128xf32, #tpu.memory_space<vmem_shared>>)
      %add3A_185 = arith.constant 2 : i32
      %add3A_186 = arith.addi %add3A_166, %add3A_185 : i32
      %lt3A = arith.constant 40 : i32
      %lt3A_187 = arith.cmpi slt, %add3A_186, %lt3A : i32
      %convert_element_type3A = arith.extui %lt3A_187 : i1 to i32
      %cond3A = arith.constant 0 : i32
      %cond3A_188 = arith.cmpi ne, %convert_element_type3A, %cond3A : i32
      scf.if %cond3A_188 {
        %add3A_218 = arith.constant 2 : i32
        %add3A_219 = arith.addi %add3A_166, %add3A_218 : i32
        %dma_start3A_220 = arith.constant 0 : i32
        %dma_start3A_221 = tpu.memref_slice %arg7[%add3A_219, %dma_start3A_220] : memref<40x128xi32, #tpu.memory_space<vmem>> -> memref<1x128xi32, #tpu.memory_space<vmem>>
        %dma_start3A_222 = tpu.memref_squeeze %dma_start3A_221 : memref<1x128xi32, #tpu.memory_space<vmem>> -> memref<128xi32, #tpu.memory_space<vmem>>
        %dma_start3A_223 = arith.constant 0 : i32
        %dma_start3A_224 = arith.constant 0 : i32
        %dma_start3A_225 = tpu.memref_slice %arg2[%dma_start3A_223, %dma_start3A_224] : memref<10240x128xf32, #tpu.memory_space<hbm>> -> memref<10240x128xf32, #tpu.memory_space<hbm>>
        tpu.enqueue_indirect_dma source(%dma_start3A_225 : memref<10240x128xf32, #tpu.memory_space<hbm>>) target(%arg9 : memref<128x128xf32, #tpu.memory_space<vmem>>) offsets(%dma_start3A_222 : memref<128xi32, #tpu.memory_space<vmem>>) semaphore(%arg12 : memref<!tpu.dma_semaphore, #tpu.memory_space<semaphore_mem>>)
      } else {
      }
      %mul3A_189 = arith.constant 2 : i32
      %mul3A_190 = arith.muli %mul3A_189, %scan3A_162 : i32
      %add3A_191 = arith.constant 1 : i32
      %add3A_192 = arith.addi %mul3A_190, %add3A_191 : i32
      %dma_wait3A_193 = arith.constant 0 : i32
      %dma_wait3A_194 = arith.constant 0 : i32
      %dma_wait3A_195 = tpu.memref_slice %arg2[%dma_wait3A_193, %dma_wait3A_194] : memref<10240x128xf32, #tpu.memory_space<hbm>> -> memref<128x128xf32, #tpu.memory_space<hbm>>
      %dma_wait3A_196 = arith.constant 0 : i32
      %dma_wait3A_197 = arith.constant 0 : i32
      %dma_wait3A_198 = tpu.memref_slice %arg2[%dma_wait3A_196, %dma_wait3A_197] : memref<10240x128xf32, #tpu.memory_space<hbm>> -> memref<128x128xf32, #tpu.memory_space<hbm>>
      tpu.wait_dma2 semaphore(%arg13 : memref<!tpu.dma_semaphore, #tpu.memory_space<semaphore_mem>>) src(%dma_wait3A_198 : memref<128x128xf32, #tpu.memory_space<hbm>>) dst(%arg10 : memref<128x128xf32, #tpu.memory_space<vmem>>)
      %dma_start3A_199 = arith.constant 0 : i32
      %dma_start3A_200 = tpu.memref_slice %arg8[%add3A_192, %dma_start3A_199] : memref<40x128xi32, #tpu.memory_space<vmem>> -> memref<1x128xi32, #tpu.memory_space<vmem>>
      %dma_start3A_201 = tpu.memref_squeeze %dma_start3A_200 : memref<1x128xi32, #tpu.memory_space<vmem>> -> memref<128xi32, #tpu.memory_space<vmem>>
      %dma_start3A_202 = arith.constant 0 : i32
      %dma_start3A_203 = arith.constant 0 : i32
      %dma_start3A_204 = tpu.memref_slice %arg11[%dma_start3A_202, %dma_start3A_203] : memref<10240x128xf32, #tpu.memory_space<vmem_shared>> -> memref<10240x128xf32, #tpu.memory_space<vmem_shared>>
      tpu.enqueue_indirect_dma source(%arg10 : memref<128x128xf32, #tpu.memory_space<vmem>>) target(%dma_start3A_204 : memref<10240x128xf32, #tpu.memory_space<vmem_shared>>) offsets(%dma_start3A_201 : memref<128xi32, #tpu.memory_space<vmem>>) semaphore(%arg15 : memref<!tpu.dma_semaphore, #tpu.memory_space<semaphore_mem>>) {add = true}
      %dma_wait3A_205 = arith.constant 0 : i32
      %dma_wait3A_206 = arith.constant 0 : i32
      %dma_wait3A_207 = tpu.memref_slice %arg11[%dma_wait3A_205, %dma_wait3A_206] : memref<10240x128xf32, #tpu.memory_space<vmem_shared>> -> memref<128x128xf32, #tpu.memory_space<vmem_shared>>
      %dma_wait3A_208 = arith.constant 0 : i32
      %dma_wait3A_209 = arith.constant 0 : i32
      %dma_wait3A_210 = tpu.memref_slice %arg11[%dma_wait3A_208, %dma_wait3A_209] : memref<10240x128xf32, #tpu.memory_space<vmem_shared>> -> memref<128x128xf32, #tpu.memory_space<vmem_shared>>
      tpu.wait_dma2 semaphore(%arg15 : memref<!tpu.dma_semaphore, #tpu.memory_space<semaphore_mem>>) src(%arg10 : memref<128x128xf32, #tpu.memory_space<vmem>>) dst(%dma_wait3A_210 : memref<128x128xf32, #tpu.memory_space<vmem_shared>>)
      %add3A_211 = arith.constant 2 : i32
      %add3A_212 = arith.addi %add3A_192, %add3A_211 : i32
      %lt3A_213 = arith.constant 40 : i32
      %lt3A_214 = arith.cmpi slt, %add3A_212, %lt3A_213 : i32
      %convert_element_type3A_215 = arith.extui %lt3A_214 : i1 to i32
      %cond3A_216 = arith.constant 0 : i32
      %cond3A_217 = arith.cmpi ne, %convert_element_type3A_215, %cond3A_216 : i32
      scf.if %cond3A_217 {
        %add3A_218 = arith.constant 2 : i32
        %add3A_219 = arith.addi %add3A_192, %add3A_218 : i32
        %dma_start3A_220 = arith.constant 0 : i32
        %dma_start3A_221 = tpu.memref_slice %arg7[%add3A_219, %dma_start3A_220] : memref<40x128xi32, #tpu.memory_space<vmem>> -> memref<1x128xi32, #tpu.memory_space<vmem>>
        %dma_start3A_222 = tpu.memref_squeeze %dma_start3A_221 : memref<1x128xi32, #tpu.memory_space<vmem>> -> memref<128xi32, #tpu.memory_space<vmem>>
        %dma_start3A_223 = arith.constant 0 : i32
        %dma_start3A_224 = arith.constant 0 : i32
        %dma_start3A_225 = tpu.memref_slice %arg2[%dma_start3A_223, %dma_start3A_224] : memref<10240x128xf32, #tpu.memory_space<hbm>> -> memref<10240x128xf32, #tpu.memory_space<hbm>>
        tpu.enqueue_indirect_dma source(%dma_start3A_225 : memref<10240x128xf32, #tpu.memory_space<hbm>>) target(%arg10 : memref<128x128xf32, #tpu.memory_space<vmem>>) offsets(%dma_start3A_222 : memref<128xi32, #tpu.memory_space<vmem>>) semaphore(%arg13 : memref<!tpu.dma_semaphore, #tpu.memory_space<semaphore_mem>>)
      } else {
      }
    }
    %scan3A_80 = arith.constant 20 : i32
    %barrier3A_81 = arith.constant 0 : index
    tpu.barrier barrier_id(%barrier3A_81)
    %mul3A_82 = arith.constant 640 : i32
    %mul3A_83 = arith.muli %arg1, %mul3A_82 : i32
    %add3A_84 = arith.constant 0 : i32
    %add3A_85 = arith.addi %mul3A_83, %add3A_84 : i32
    %dma_start3A_86 = arith.constant 0 : i32
    %dma_start3A_87 = tpu.memref_slice %arg6[%arg0, %add3A_85, %dma_start3A_86] : memref<2x10240x128xf32, #tpu.memory_space<hbm>> -> memref<1x128x128xf32, #tpu.memory_space<hbm>>
    %dma_start3A_88 = tpu.memref_squeeze %dma_start3A_87 : memref<1x128x128xf32, #tpu.memory_space<hbm>> -> memref<128x128xf32, #tpu.memory_space<hbm>>
    %dma_start3A_89 = arith.constant 0 : i32
    %dma_start3A_90 = tpu.memref_slice %arg11[%add3A_85, %dma_start3A_89] : memref<10240x128xf32, #tpu.memory_space<vmem_shared>> -> memref<128x128xf32, #tpu.memory_space<vmem_shared>>
    tpu.enqueue_dma source(%dma_start3A_90 : memref<128x128xf32, #tpu.memory_space<vmem_shared>>) target(%dma_start3A_88 : memref<128x128xf32, #tpu.memory_space<hbm>>) target_semaphore(%arg12 : memref<!tpu.dma_semaphore, #tpu.memory_space<semaphore_mem>>)
    %mul3A_91 = arith.constant 640 : i32
    %mul3A_92 = arith.muli %arg1, %mul3A_91 : i32
    %add3A_93 = arith.constant 128 : i32
    %add3A_94 = arith.addi %mul3A_92, %add3A_93 : i32
    %dma_start3A_95 = arith.constant 0 : i32
    %dma_start3A_96 = tpu.memref_slice %arg6[%arg0, %add3A_94, %dma_start3A_95] : memref<2x10240x128xf32, #tpu.memory_space<hbm>> -> memref<1x128x128xf32, #tpu.memory_space<hbm>>
    %dma_start3A_97 = tpu.memref_squeeze %dma_start3A_96 : memref<1x128x128xf32, #tpu.memory_space<hbm>> -> memref<128x128xf32, #tpu.memory_space<hbm>>
    %dma_start3A_98 = arith.constant 0 : i32
    %dma_start3A_99 = tpu.memref_slice %arg11[%add3A_94, %dma_start3A_98] : memref<10240x128xf32, #tpu.memory_space<vmem_shared>> -> memref<128x128xf32, #tpu.memory_space<vmem_shared>>
    tpu.enqueue_dma source(%dma_start3A_99 : memref<128x128xf32, #tpu.memory_space<vmem_shared>>) target(%dma_start3A_97 : memref<128x128xf32, #tpu.memory_space<hbm>>) target_semaphore(%arg12 : memref<!tpu.dma_semaphore, #tpu.memory_space<semaphore_mem>>)
    %mul3A_100 = arith.constant 640 : i32
    %mul3A_101 = arith.muli %arg1, %mul3A_100 : i32
    %add3A_102 = arith.constant 256 : i32
    %add3A_103 = arith.addi %mul3A_101, %add3A_102 : i32
    %dma_start3A_104 = arith.constant 0 : i32
    %dma_start3A_105 = tpu.memref_slice %arg6[%arg0, %add3A_103, %dma_start3A_104] : memref<2x10240x128xf32, #tpu.memory_space<hbm>> -> memref<1x128x128xf32, #tpu.memory_space<hbm>>
    %dma_start3A_106 = tpu.memref_squeeze %dma_start3A_105 : memref<1x128x128xf32, #tpu.memory_space<hbm>> -> memref<128x128xf32, #tpu.memory_space<hbm>>
    %dma_start3A_107 = arith.constant 0 : i32
    %dma_start3A_108 = tpu.memref_slice %arg11[%add3A_103, %dma_start3A_107] : memref<10240x128xf32, #tpu.memory_space<vmem_shared>> -> memref<128x128xf32, #tpu.memory_space<vmem_shared>>
    tpu.enqueue_dma source(%dma_start3A_108 : memref<128x128xf32, #tpu.memory_space<vmem_shared>>) target(%dma_start3A_106 : memref<128x128xf32, #tpu.memory_space<hbm>>) target_semaphore(%arg12 : memref<!tpu.dma_semaphore, #tpu.memory_space<semaphore_mem>>)
    %mul3A_109 = arith.constant 640 : i32
    %mul3A_110 = arith.muli %arg1, %mul3A_109 : i32
    %add3A_111 = arith.constant 384 : i32
    %add3A_112 = arith.addi %mul3A_110, %add3A_111 : i32
    %dma_start3A_113 = arith.constant 0 : i32
    %dma_start3A_114 = tpu.memref_slice %arg6[%arg0, %add3A_112, %dma_start3A_113] : memref<2x10240x128xf32, #tpu.memory_space<hbm>> -> memref<1x128x128xf32, #tpu.memory_space<hbm>>
    %dma_start3A_115 = tpu.memref_squeeze %dma_start3A_114 : memref<1x128x128xf32, #tpu.memory_space<hbm>> -> memref<128x128xf32, #tpu.memory_space<hbm>>
    %dma_start3A_116 = arith.constant 0 : i32
    %dma_start3A_117 = tpu.memref_slice %arg11[%add3A_112, %dma_start3A_116] : memref<10240x128xf32, #tpu.memory_space<vmem_shared>> -> memref<128x128xf32, #tpu.memory_space<vmem_shared>>
    tpu.enqueue_dma source(%dma_start3A_117 : memref<128x128xf32, #tpu.memory_space<vmem_shared>>) target(%dma_start3A_115 : memref<128x128xf32, #tpu.memory_space<hbm>>) target_semaphore(%arg12 : memref<!tpu.dma_semaphore, #tpu.memory_space<semaphore_mem>>)
    %mul3A_118 = arith.constant 640 : i32
    %mul3A_119 = arith.muli %arg1, %mul3A_118 : i32
    %add3A_120 = arith.constant 512 : i32
    %add3A_121 = arith.addi %mul3A_119, %add3A_120 : i32
    %dma_start3A_122 = arith.constant 0 : i32
    %dma_start3A_123 = tpu.memref_slice %arg6[%arg0, %add3A_121, %dma_start3A_122] : memref<2x10240x128xf32, #tpu.memory_space<hbm>> -> memref<1x128x128xf32, #tpu.memory_space<hbm>>
    %dma_start3A_124 = tpu.memref_squeeze %dma_start3A_123 : memref<1x128x128xf32, #tpu.memory_space<hbm>> -> memref<128x128xf32, #tpu.memory_space<hbm>>
    %dma_start3A_125 = arith.constant 0 : i32
    %dma_start3A_126 = tpu.memref_slice %arg11[%add3A_121, %dma_start3A_125] : memref<10240x128xf32, #tpu.memory_space<vmem_shared>> -> memref<128x128xf32, #tpu.memory_space<vmem_shared>>
    tpu.enqueue_dma source(%dma_start3A_126 : memref<128x128xf32, #tpu.memory_space<vmem_shared>>) target(%dma_start3A_124 : memref<128x128xf32, #tpu.memory_space<hbm>>) target_semaphore(%arg12 : memref<!tpu.dma_semaphore, #tpu.memory_space<semaphore_mem>>)
    %dma_wait3A_127 = arith.constant 0 : i32
    %dma_wait3A_128 = arith.constant 0 : i32
    %dma_wait3A_129 = tpu.memref_slice %arg6[%arg0, %dma_wait3A_127, %dma_wait3A_128] : memref<2x10240x128xf32, #tpu.memory_space<hbm>> -> memref<1x128x128xf32, #tpu.memory_space<hbm>>
    %dma_wait3A_130 = tpu.memref_squeeze %dma_wait3A_129 : memref<1x128x128xf32, #tpu.memory_space<hbm>> -> memref<128x128xf32, #tpu.memory_space<hbm>>
    %dma_wait3A_131 = arith.constant 0 : i32
    %dma_wait3A_132 = arith.constant 0 : i32
    %dma_wait3A_133 = tpu.memref_slice %arg11[%dma_wait3A_131, %dma_wait3A_132] : memref<10240x128xf32, #tpu.memory_space<vmem_shared>> -> memref<128x128xf32, #tpu.memory_space<vmem_shared>>
    tpu.wait_dma2 semaphore(%arg12 : memref<!tpu.dma_semaphore, #tpu.memory_space<semaphore_mem>>) src(%dma_wait3A_133 : memref<128x128xf32, #tpu.memory_space<vmem_shared>>) dst(%dma_wait3A_130 : memref<128x128xf32, #tpu.memory_space<hbm>>)
    %dma_wait3A_134 = arith.constant 0 : i32
    %dma_wait3A_135 = arith.constant 0 : i32
    %dma_wait3A_136 = tpu.memref_slice %arg6[%arg0, %dma_wait3A_134, %dma_wait3A_135] : memref<2x10240x128xf32, #tpu.memory_space<hbm>> -> memref<1x128x128xf32, #tpu.memory_space<hbm>>
    %dma_wait3A_137 = tpu.memref_squeeze %dma_wait3A_136 : memref<1x128x128xf32, #tpu.memory_space<hbm>> -> memref<128x128xf32, #tpu.memory_space<hbm>>
    %dma_wait3A_138 = arith.constant 0 : i32
    %dma_wait3A_139 = arith.constant 0 : i32
    %dma_wait3A_140 = tpu.memref_slice %arg11[%dma_wait3A_138, %dma_wait3A_139] : memref<10240x128xf32, #tpu.memory_space<vmem_shared>> -> memref<128x128xf32, #tpu.memory_space<vmem_shared>>
    tpu.wait_dma2 semaphore(%arg12 : memref<!tpu.dma_semaphore, #tpu.memory_space<semaphore_mem>>) src(%dma_wait3A_140 : memref<128x128xf32, #tpu.memory_space<vmem_shared>>) dst(%dma_wait3A_137 : memref<128x128xf32, #tpu.memory_space<hbm>>)
    %dma_wait3A_141 = arith.constant 0 : i32
    %dma_wait3A_142 = arith.constant 0 : i32
    %dma_wait3A_143 = tpu.memref_slice %arg6[%arg0, %dma_wait3A_141, %dma_wait3A_142] : memref<2x10240x128xf32, #tpu.memory_space<hbm>> -> memref<1x128x128xf32, #tpu.memory_space<hbm>>
    %dma_wait3A_144 = tpu.memref_squeeze %dma_wait3A_143 : memref<1x128x128xf32, #tpu.memory_space<hbm>> -> memref<128x128xf32, #tpu.memory_space<hbm>>
    %dma_wait3A_145 = arith.constant 0 : i32
    %dma_wait3A_146 = arith.constant 0 : i32
    %dma_wait3A_147 = tpu.memref_slice %arg11[%dma_wait3A_145, %dma_wait3A_146] : memref<10240x128xf32, #tpu.memory_space<vmem_shared>> -> memref<128x128xf32, #tpu.memory_space<vmem_shared>>
    tpu.wait_dma2 semaphore(%arg12 : memref<!tpu.dma_semaphore, #tpu.memory_space<semaphore_mem>>) src(%dma_wait3A_147 : memref<128x128xf32, #tpu.memory_space<vmem_shared>>) dst(%dma_wait3A_144 : memref<128x128xf32, #tpu.memory_space<hbm>>)
    %dma_wait3A_148 = arith.constant 0 : i32
    %dma_wait3A_149 = arith.constant 0 : i32
    %dma_wait3A_150 = tpu.memref_slice %arg6[%arg0, %dma_wait3A_148, %dma_wait3A_149] : memref<2x10240x128xf32, #tpu.memory_space<hbm>> -> memref<1x128x128xf32, #tpu.memory_space<hbm>>
    %dma_wait3A_151 = tpu.memref_squeeze %dma_wait3A_150 : memref<1x128x128xf32, #tpu.memory_space<hbm>> -> memref<128x128xf32, #tpu.memory_space<hbm>>
    %dma_wait3A_152 = arith.constant 0 : i32
    %dma_wait3A_153 = arith.constant 0 : i32
    %dma_wait3A_154 = tpu.memref_slice %arg11[%dma_wait3A_152, %dma_wait3A_153] : memref<10240x128xf32, #tpu.memory_space<vmem_shared>> -> memref<128x128xf32, #tpu.memory_space<vmem_shared>>
    tpu.wait_dma2 semaphore(%arg12 : memref<!tpu.dma_semaphore, #tpu.memory_space<semaphore_mem>>) src(%dma_wait3A_154 : memref<128x128xf32, #tpu.memory_space<vmem_shared>>) dst(%dma_wait3A_151 : memref<128x128xf32, #tpu.memory_space<hbm>>)
    %dma_wait3A_155 = arith.constant 0 : i32
    %dma_wait3A_156 = arith.constant 0 : i32
    %dma_wait3A_157 = tpu.memref_slice %arg6[%arg0, %dma_wait3A_155, %dma_wait3A_156] : memref<2x10240x128xf32, #tpu.memory_space<hbm>> -> memref<1x128x128xf32, #tpu.memory_space<hbm>>
    %dma_wait3A_158 = tpu.memref_squeeze %dma_wait3A_157 : memref<1x128x128xf32, #tpu.memory_space<hbm>> -> memref<128x128xf32, #tpu.memory_space<hbm>>
    %dma_wait3A_159 = arith.constant 0 : i32
    %dma_wait3A_160 = arith.constant 0 : i32
    %dma_wait3A_161 = tpu.memref_slice %arg11[%dma_wait3A_159, %dma_wait3A_160] : memref<10240x128xf32, #tpu.memory_space<vmem_shared>> -> memref<128x128xf32, #tpu.memory_space<vmem_shared>>
    tpu.wait_dma2 semaphore(%arg12 : memref<!tpu.dma_semaphore, #tpu.memory_space<semaphore_mem>>) src(%dma_wait3A_161 : memref<128x128xf32, #tpu.memory_space<vmem_shared>>) dst(%dma_wait3A_158 : memref<128x128xf32, #tpu.memory_space<hbm>>)
    return
  }
}

#map = affine_map<(d0, d1) -> (0, 0)>
#map1 = affine_map<(d0, d1) -> (0, 0, 0)>
module attributes {stable_mosaic.version = 14 : i64} {
  func.func @_pool_body(%arg0: i32, %arg1: i32, %arg2: memref<10240x128xf32, #tpu.memory_space<hbm>>, %arg3: memref<80x128xi32, #tpu.memory_space<hbm>>, %arg4: memref<128x128xf32, #tpu.memory_space<hbm>>, %arg5: memref<128x128xf32, #tpu.memory_space<hbm>>, %arg6: memref<128x128xf32, #tpu.memory_space<hbm>>, %arg7: memref<2x256x128xf32, #tpu.memory_space<hbm>>, %arg8: memref<2x256x128xf32, #tpu.memory_space<hbm>>, %arg9: memref<3x128xi32, #tpu.memory_space<vmem>>, %arg10: memref<128x128xf32, #tpu.memory_space<vmem>>, %arg11: memref<128x128xf32, #tpu.memory_space<vmem>>, %arg12: memref<264x128xf32, #tpu.memory_space<vmem_shared>>, %arg13: memref<264x128xf32, #tpu.memory_space<vmem_shared>>) attributes {dimension_semantics = [#tpu.dimension_semantics<core_parallel>, #tpu.dimension_semantics<subcore_parallel>], iteration_bounds = array<i64: 2, 16>, scalar_prefetch = 0 : i64, scratch_operands = 5 : i64, tpu.core_type = #tpu.core_type<sc_vector_subcore>, window_params = [{transform_indices = #map}, {transform_indices = #map}, {transform_indices = #map}, {transform_indices = #map}, {transform_indices = #map}, {transform_indices = #map1}, {transform_indices = #map1}]} {
    %mul3A = arith.constant 16 : i32
    %mul3A_0 = arith.muli %arg0, %mul3A : i32
    %add3A = arith.addi %mul3A_0, %arg1 : i32
    %eq3A = arith.constant 0 : i32
    %eq3A_1 = arith.cmpi eq, %arg1, %eq3A : i32
    %convert_element_type3A = arith.extui %eq3A_1 : i1 to i32
    %cond3A = arith.constant 0 : i32
    %cond3A_2 = arith.cmpi ne, %convert_element_type3A, %cond3A : i32
    scf.if %cond3A_2 {
      "tpu.region"() ({
        %run_scoped3A = tpu.sem_alloc : memref<!tpu.dma_semaphore, #tpu.memory_space<semaphore_mem>>
        %dma_start3A = arith.constant 0 : i32
        %dma_start3A_39 = arith.constant 0 : i32
        %dma_start3A_40 = tpu.memref_slice %arg12[%dma_start3A, %dma_start3A_39] : memref<264x128xf32, #tpu.memory_space<vmem_shared>> -> memref<128x128xf32, #tpu.memory_space<vmem_shared>>
        tpu.enqueue_dma source(%arg4 : memref<128x128xf32, #tpu.memory_space<hbm>>) target(%dma_start3A_40 : memref<128x128xf32, #tpu.memory_space<vmem_shared>>) target_semaphore(%run_scoped3A : memref<!tpu.dma_semaphore, #tpu.memory_space<semaphore_mem>>)
        %dma_wait3A = arith.constant 0 : i32
        %dma_wait3A_41 = arith.constant 0 : i32
        %dma_wait3A_42 = tpu.memref_slice %arg12[%dma_wait3A, %dma_wait3A_41] : memref<264x128xf32, #tpu.memory_space<vmem_shared>> -> memref<128x128xf32, #tpu.memory_space<vmem_shared>>
        tpu.wait_dma2 semaphore(%run_scoped3A : memref<!tpu.dma_semaphore, #tpu.memory_space<semaphore_mem>>) src(%arg4 : memref<128x128xf32, #tpu.memory_space<hbm>>) dst(%dma_wait3A_42 : memref<128x128xf32, #tpu.memory_space<vmem_shared>>)
        tpu.yield
      }) : () -> ()
      "tpu.region"() ({
        %run_scoped3A = tpu.sem_alloc : memref<!tpu.dma_semaphore, #tpu.memory_space<semaphore_mem>>
        %dma_start3A = arith.constant 128 : i32
        %dma_start3A_39 = arith.constant 0 : i32
        %dma_start3A_40 = tpu.memref_slice %arg12[%dma_start3A, %dma_start3A_39] : memref<264x128xf32, #tpu.memory_space<vmem_shared>> -> memref<128x128xf32, #tpu.memory_space<vmem_shared>>
        tpu.enqueue_dma source(%arg4 : memref<128x128xf32, #tpu.memory_space<hbm>>) target(%dma_start3A_40 : memref<128x128xf32, #tpu.memory_space<vmem_shared>>) target_semaphore(%run_scoped3A : memref<!tpu.dma_semaphore, #tpu.memory_space<semaphore_mem>>)
        %dma_wait3A = arith.constant 128 : i32
        %dma_wait3A_41 = arith.constant 0 : i32
        %dma_wait3A_42 = tpu.memref_slice %arg12[%dma_wait3A, %dma_wait3A_41] : memref<264x128xf32, #tpu.memory_space<vmem_shared>> -> memref<128x128xf32, #tpu.memory_space<vmem_shared>>
        tpu.wait_dma2 semaphore(%run_scoped3A : memref<!tpu.dma_semaphore, #tpu.memory_space<semaphore_mem>>) src(%arg4 : memref<128x128xf32, #tpu.memory_space<hbm>>) dst(%dma_wait3A_42 : memref<128x128xf32, #tpu.memory_space<vmem_shared>>)
        tpu.yield
      }) : () -> ()
      "tpu.region"() ({
        %run_scoped3A = tpu.sem_alloc : memref<!tpu.dma_semaphore, #tpu.memory_space<semaphore_mem>>
        %dma_start3A = arith.constant 256 : i32
        %dma_start3A_39 = arith.constant 0 : i32
        %dma_start3A_40 = tpu.memref_slice %arg12[%dma_start3A, %dma_start3A_39] : memref<264x128xf32, #tpu.memory_space<vmem_shared>> -> memref<8x128xf32, #tpu.memory_space<vmem_shared>>
        %dma_start3A_41 = arith.constant 0 : i32
        %dma_start3A_42 = arith.constant 0 : i32
        %dma_start3A_43 = tpu.memref_slice %arg4[%dma_start3A_41, %dma_start3A_42] : memref<128x128xf32, #tpu.memory_space<hbm>> -> memref<8x128xf32, #tpu.memory_space<hbm>>
        tpu.enqueue_dma source(%dma_start3A_43 : memref<8x128xf32, #tpu.memory_space<hbm>>) target(%dma_start3A_40 : memref<8x128xf32, #tpu.memory_space<vmem_shared>>) target_semaphore(%run_scoped3A : memref<!tpu.dma_semaphore, #tpu.memory_space<semaphore_mem>>)
        %dma_wait3A = arith.constant 256 : i32
        %dma_wait3A_44 = arith.constant 0 : i32
        %dma_wait3A_45 = tpu.memref_slice %arg12[%dma_wait3A, %dma_wait3A_44] : memref<264x128xf32, #tpu.memory_space<vmem_shared>> -> memref<8x128xf32, #tpu.memory_space<vmem_shared>>
        %dma_wait3A_46 = arith.constant 0 : i32
        %dma_wait3A_47 = arith.constant 0 : i32
        %dma_wait3A_48 = tpu.memref_slice %arg4[%dma_wait3A_46, %dma_wait3A_47] : memref<128x128xf32, #tpu.memory_space<hbm>> -> memref<8x128xf32, #tpu.memory_space<hbm>>
        tpu.wait_dma2 semaphore(%run_scoped3A : memref<!tpu.dma_semaphore, #tpu.memory_space<semaphore_mem>>) src(%dma_wait3A_48 : memref<8x128xf32, #tpu.memory_space<hbm>>) dst(%dma_wait3A_45 : memref<8x128xf32, #tpu.memory_space<vmem_shared>>)
        tpu.yield
      }) : () -> ()
    } else {
    }
    %eq3A_3 = arith.constant 1 : i32
    %eq3A_4 = arith.cmpi eq, %arg1, %eq3A_3 : i32
    %convert_element_type3A_5 = arith.extui %eq3A_4 : i1 to i32
    %cond3A_6 = arith.constant 0 : i32
    %cond3A_7 = arith.cmpi ne, %convert_element_type3A_5, %cond3A_6 : i32
    scf.if %cond3A_7 {
      "tpu.region"() ({
        %run_scoped3A = tpu.sem_alloc : memref<!tpu.dma_semaphore, #tpu.memory_space<semaphore_mem>>
        %dma_start3A = arith.constant 0 : i32
        %dma_start3A_39 = arith.constant 0 : i32
        %dma_start3A_40 = tpu.memref_slice %arg13[%dma_start3A, %dma_start3A_39] : memref<264x128xf32, #tpu.memory_space<vmem_shared>> -> memref<128x128xf32, #tpu.memory_space<vmem_shared>>
        tpu.enqueue_dma source(%arg5 : memref<128x128xf32, #tpu.memory_space<hbm>>) target(%dma_start3A_40 : memref<128x128xf32, #tpu.memory_space<vmem_shared>>) target_semaphore(%run_scoped3A : memref<!tpu.dma_semaphore, #tpu.memory_space<semaphore_mem>>)
        %dma_wait3A = arith.constant 0 : i32
        %dma_wait3A_41 = arith.constant 0 : i32
        %dma_wait3A_42 = tpu.memref_slice %arg13[%dma_wait3A, %dma_wait3A_41] : memref<264x128xf32, #tpu.memory_space<vmem_shared>> -> memref<128x128xf32, #tpu.memory_space<vmem_shared>>
        tpu.wait_dma2 semaphore(%run_scoped3A : memref<!tpu.dma_semaphore, #tpu.memory_space<semaphore_mem>>) src(%arg5 : memref<128x128xf32, #tpu.memory_space<hbm>>) dst(%dma_wait3A_42 : memref<128x128xf32, #tpu.memory_space<vmem_shared>>)
        tpu.yield
      }) : () -> ()
      "tpu.region"() ({
        %run_scoped3A = tpu.sem_alloc : memref<!tpu.dma_semaphore, #tpu.memory_space<semaphore_mem>>
        %dma_start3A = arith.constant 128 : i32
        %dma_start3A_39 = arith.constant 0 : i32
        %dma_start3A_40 = tpu.memref_slice %arg13[%dma_start3A, %dma_start3A_39] : memref<264x128xf32, #tpu.memory_space<vmem_shared>> -> memref<128x128xf32, #tpu.memory_space<vmem_shared>>
        tpu.enqueue_dma source(%arg5 : memref<128x128xf32, #tpu.memory_space<hbm>>) target(%dma_start3A_40 : memref<128x128xf32, #tpu.memory_space<vmem_shared>>) target_semaphore(%run_scoped3A : memref<!tpu.dma_semaphore, #tpu.memory_space<semaphore_mem>>)
        %dma_wait3A = arith.constant 128 : i32
        %dma_wait3A_41 = arith.constant 0 : i32
        %dma_wait3A_42 = tpu.memref_slice %arg13[%dma_wait3A, %dma_wait3A_41] : memref<264x128xf32, #tpu.memory_space<vmem_shared>> -> memref<128x128xf32, #tpu.memory_space<vmem_shared>>
        tpu.wait_dma2 semaphore(%run_scoped3A : memref<!tpu.dma_semaphore, #tpu.memory_space<semaphore_mem>>) src(%arg5 : memref<128x128xf32, #tpu.memory_space<hbm>>) dst(%dma_wait3A_42 : memref<128x128xf32, #tpu.memory_space<vmem_shared>>)
        tpu.yield
      }) : () -> ()
      "tpu.region"() ({
        %run_scoped3A = tpu.sem_alloc : memref<!tpu.dma_semaphore, #tpu.memory_space<semaphore_mem>>
        %dma_start3A = arith.constant 256 : i32
        %dma_start3A_39 = arith.constant 0 : i32
        %dma_start3A_40 = tpu.memref_slice %arg13[%dma_start3A, %dma_start3A_39] : memref<264x128xf32, #tpu.memory_space<vmem_shared>> -> memref<8x128xf32, #tpu.memory_space<vmem_shared>>
        %dma_start3A_41 = arith.constant 0 : i32
        %dma_start3A_42 = arith.constant 0 : i32
        %dma_start3A_43 = tpu.memref_slice %arg5[%dma_start3A_41, %dma_start3A_42] : memref<128x128xf32, #tpu.memory_space<hbm>> -> memref<8x128xf32, #tpu.memory_space<hbm>>
        tpu.enqueue_dma source(%dma_start3A_43 : memref<8x128xf32, #tpu.memory_space<hbm>>) target(%dma_start3A_40 : memref<8x128xf32, #tpu.memory_space<vmem_shared>>) target_semaphore(%run_scoped3A : memref<!tpu.dma_semaphore, #tpu.memory_space<semaphore_mem>>)
        %dma_wait3A = arith.constant 256 : i32
        %dma_wait3A_44 = arith.constant 0 : i32
        %dma_wait3A_45 = tpu.memref_slice %arg13[%dma_wait3A, %dma_wait3A_44] : memref<264x128xf32, #tpu.memory_space<vmem_shared>> -> memref<8x128xf32, #tpu.memory_space<vmem_shared>>
        %dma_wait3A_46 = arith.constant 0 : i32
        %dma_wait3A_47 = arith.constant 0 : i32
        %dma_wait3A_48 = tpu.memref_slice %arg5[%dma_wait3A_46, %dma_wait3A_47] : memref<128x128xf32, #tpu.memory_space<hbm>> -> memref<8x128xf32, #tpu.memory_space<hbm>>
        tpu.wait_dma2 semaphore(%run_scoped3A : memref<!tpu.dma_semaphore, #tpu.memory_space<semaphore_mem>>) src(%dma_wait3A_48 : memref<8x128xf32, #tpu.memory_space<hbm>>) dst(%dma_wait3A_45 : memref<8x128xf32, #tpu.memory_space<vmem_shared>>)
        tpu.yield
      }) : () -> ()
    } else {
    }
    "tpu.region"() ({
      %run_scoped3A = tpu.sem_alloc : memref<!tpu.dma_semaphore, #tpu.memory_space<semaphore_mem>>
      tpu.enqueue_dma source(%arg6 : memref<128x128xf32, #tpu.memory_space<hbm>>) target(%arg11 : memref<128x128xf32, #tpu.memory_space<vmem>>) target_semaphore(%run_scoped3A : memref<!tpu.dma_semaphore, #tpu.memory_space<semaphore_mem>>)
      tpu.wait_dma2 semaphore(%run_scoped3A : memref<!tpu.dma_semaphore, #tpu.memory_space<semaphore_mem>>) src(%arg6 : memref<128x128xf32, #tpu.memory_space<hbm>>) dst(%arg11 : memref<128x128xf32, #tpu.memory_space<vmem>>)
      tpu.yield
    }) : () -> ()
    %barrier3A = arith.constant 0 : index
    tpu.barrier barrier_id(%barrier3A)
    %add3A_8 = arith.constant 0 : i32
    %add3A_9 = arith.addi %add3A, %add3A_8 : i32
    %lt3A = arith.constant 80 : i32
    %lt3A_10 = arith.cmpi slt, %add3A_9, %lt3A : i32
    %convert_element_type3A_11 = arith.extui %lt3A_10 : i1 to i32
    %cond3A_12 = arith.constant 0 : i32
    %cond3A_13 = arith.cmpi ne, %convert_element_type3A_11, %cond3A_12 : i32
    scf.if %cond3A_13 {
      %run_scoped3A = arith.constant 0 : i32
      "tpu.region"() ({
        %run_scoped3A_43 = tpu.sem_alloc : memref<!tpu.dma_semaphore, #tpu.memory_space<semaphore_mem>>
        %dma_start3A = arith.constant 0 : i32
        %dma_start3A_44 = tpu.memref_slice %arg9[%run_scoped3A, %dma_start3A] : memref<3x128xi32, #tpu.memory_space<vmem>> -> memref<1x128xi32, #tpu.memory_space<vmem>>
        %dma_start3A_45 = tpu.memref_squeeze %dma_start3A_44 : memref<1x128xi32, #tpu.memory_space<vmem>> -> memref<128xi32, #tpu.memory_space<vmem>>
        %dma_start3A_46 = arith.constant 0 : i32
        %dma_start3A_47 = tpu.memref_slice %arg3[%add3A_9, %dma_start3A_46] : memref<80x128xi32, #tpu.memory_space<hbm>> -> memref<1x128xi32, #tpu.memory_space<hbm>>
        %dma_start3A_48 = tpu.memref_squeeze %dma_start3A_47 : memref<1x128xi32, #tpu.memory_space<hbm>> -> memref<128xi32, #tpu.memory_space<hbm>>
        %dma_start3A_49 = arith.constant 0 : i32
        %dma_start3A_50 = tpu.memref_slice %arg9[%run_scoped3A, %dma_start3A_49] : memref<3x128xi32, #tpu.memory_space<vmem>> -> memref<1x128xi32, #tpu.memory_space<vmem>>
        %dma_start3A_51 = tpu.memref_squeeze %dma_start3A_50 : memref<1x128xi32, #tpu.memory_space<vmem>> -> memref<128xi32, #tpu.memory_space<vmem>>
        %dma_start3A_52 = arith.constant 0 : i32
        %dma_start3A_53 = tpu.memref_slice %arg3[%add3A_9, %dma_start3A_52] : memref<80x128xi32, #tpu.memory_space<hbm>> -> memref<1x128xi32, #tpu.memory_space<hbm>>
        %dma_start3A_54 = tpu.memref_squeeze %dma_start3A_53 : memref<1x128xi32, #tpu.memory_space<hbm>> -> memref<128xi32, #tpu.memory_space<hbm>>
        tpu.enqueue_dma source(%dma_start3A_54 : memref<128xi32, #tpu.memory_space<hbm>>) target(%dma_start3A_51 : memref<128xi32, #tpu.memory_space<vmem>>) target_semaphore(%run_scoped3A_43 : memref<!tpu.dma_semaphore, #tpu.memory_space<semaphore_mem>>)
        %dma_wait3A = arith.constant 0 : i32
        %dma_wait3A_55 = tpu.memref_slice %arg9[%run_scoped3A, %dma_wait3A] : memref<3x128xi32, #tpu.memory_space<vmem>> -> memref<1x128xi32, #tpu.memory_space<vmem>>
        %dma_wait3A_56 = tpu.memref_squeeze %dma_wait3A_55 : memref<1x128xi32, #tpu.memory_space<vmem>> -> memref<128xi32, #tpu.memory_space<vmem>>
        %dma_wait3A_57 = arith.constant 0 : i32
        %dma_wait3A_58 = tpu.memref_slice %arg3[%add3A_9, %dma_wait3A_57] : memref<80x128xi32, #tpu.memory_space<hbm>> -> memref<1x128xi32, #tpu.memory_space<hbm>>
        %dma_wait3A_59 = tpu.memref_squeeze %dma_wait3A_58 : memref<1x128xi32, #tpu.memory_space<hbm>> -> memref<128xi32, #tpu.memory_space<hbm>>
        %dma_wait3A_60 = arith.constant 0 : i32
        %dma_wait3A_61 = tpu.memref_slice %arg9[%run_scoped3A, %dma_wait3A_60] : memref<3x128xi32, #tpu.memory_space<vmem>> -> memref<1x128xi32, #tpu.memory_space<vmem>>
        %dma_wait3A_62 = tpu.memref_squeeze %dma_wait3A_61 : memref<1x128xi32, #tpu.memory_space<vmem>> -> memref<128xi32, #tpu.memory_space<vmem>>
        %dma_wait3A_63 = arith.constant 0 : i32
        %dma_wait3A_64 = tpu.memref_slice %arg3[%add3A_9, %dma_wait3A_63] : memref<80x128xi32, #tpu.memory_space<hbm>> -> memref<1x128xi32, #tpu.memory_space<hbm>>
        %dma_wait3A_65 = tpu.memref_squeeze %dma_wait3A_64 : memref<1x128xi32, #tpu.memory_space<hbm>> -> memref<128xi32, #tpu.memory_space<hbm>>
        tpu.wait_dma2 semaphore(%run_scoped3A_43 : memref<!tpu.dma_semaphore, #tpu.memory_space<semaphore_mem>>) src(%dma_wait3A_65 : memref<128xi32, #tpu.memory_space<hbm>>) dst(%dma_wait3A_62 : memref<128xi32, #tpu.memory_space<vmem>>)
        tpu.yield
      }) : () -> ()
      %mul3A_39 = arith.constant 128 : i32
      %mul3A_40 = arith.muli %add3A_9, %mul3A_39 : i32
      "tpu.region"() ({
        %run_scoped3A_43 = tpu.sem_alloc : memref<!tpu.dma_semaphore, #tpu.memory_space<semaphore_mem>>
        %dma_start3A = arith.constant 0 : i32
        %dma_start3A_44 = tpu.memref_slice %arg2[%mul3A_40, %dma_start3A] : memref<10240x128xf32, #tpu.memory_space<hbm>> -> memref<128x128xf32, #tpu.memory_space<hbm>>
        %dma_start3A_45 = arith.constant 0 : i32
        %dma_start3A_46 = tpu.memref_slice %arg2[%mul3A_40, %dma_start3A_45] : memref<10240x128xf32, #tpu.memory_space<hbm>> -> memref<128x128xf32, #tpu.memory_space<hbm>>
        tpu.enqueue_dma source(%dma_start3A_46 : memref<128x128xf32, #tpu.memory_space<hbm>>) target(%arg10 : memref<128x128xf32, #tpu.memory_space<vmem>>) target_semaphore(%run_scoped3A_43 : memref<!tpu.dma_semaphore, #tpu.memory_space<semaphore_mem>>)
        %dma_wait3A = arith.constant 0 : i32
        %dma_wait3A_47 = tpu.memref_slice %arg2[%mul3A_40, %dma_wait3A] : memref<10240x128xf32, #tpu.memory_space<hbm>> -> memref<128x128xf32, #tpu.memory_space<hbm>>
        %dma_wait3A_48 = arith.constant 0 : i32
        %dma_wait3A_49 = tpu.memref_slice %arg2[%mul3A_40, %dma_wait3A_48] : memref<10240x128xf32, #tpu.memory_space<hbm>> -> memref<128x128xf32, #tpu.memory_space<hbm>>
        tpu.wait_dma2 semaphore(%run_scoped3A_43 : memref<!tpu.dma_semaphore, #tpu.memory_space<semaphore_mem>>) src(%dma_wait3A_49 : memref<128x128xf32, #tpu.memory_space<hbm>>) dst(%arg10 : memref<128x128xf32, #tpu.memory_space<vmem>>)
        tpu.yield
      }) : () -> ()
      %run_scoped3A_41 = arith.constant 0 : i32
      "tpu.region"() ({
        %run_scoped3A_43 = tpu.sem_alloc : memref<!tpu.dma_semaphore, #tpu.memory_space<semaphore_mem>>
        %dma_start3A = arith.constant 0 : i32
        %dma_start3A_44 = tpu.memref_slice %arg9[%run_scoped3A_41, %dma_start3A] : memref<3x128xi32, #tpu.memory_space<vmem>> -> memref<1x128xi32, #tpu.memory_space<vmem>>
        %dma_start3A_45 = tpu.memref_squeeze %dma_start3A_44 : memref<1x128xi32, #tpu.memory_space<vmem>> -> memref<128xi32, #tpu.memory_space<vmem>>
        %dma_start3A_46 = arith.constant 0 : i32
        %dma_start3A_47 = arith.constant 0 : i32
        %dma_start3A_48 = tpu.memref_slice %arg12[%dma_start3A_46, %dma_start3A_47] : memref<264x128xf32, #tpu.memory_space<vmem_shared>> -> memref<264x128xf32, #tpu.memory_space<vmem_shared>>
        tpu.enqueue_indirect_dma source(%arg10 : memref<128x128xf32, #tpu.memory_space<vmem>>) target(%dma_start3A_48 : memref<264x128xf32, #tpu.memory_space<vmem_shared>>) offsets(%dma_start3A_45 : memref<128xi32, #tpu.memory_space<vmem>>) semaphore(%run_scoped3A_43 : memref<!tpu.dma_semaphore, #tpu.memory_space<semaphore_mem>>) {add = true}
        %dma_wait3A = arith.constant 0 : i32
        %dma_wait3A_49 = tpu.memref_slice %arg9[%run_scoped3A_41, %dma_wait3A] : memref<3x128xi32, #tpu.memory_space<vmem>> -> memref<1x128xi32, #tpu.memory_space<vmem>>
        %dma_wait3A_50 = tpu.memref_squeeze %dma_wait3A_49 : memref<1x128xi32, #tpu.memory_space<vmem>> -> memref<128xi32, #tpu.memory_space<vmem>>
        %dma_wait3A_51 = arith.constant 0 : i32
        %dma_wait3A_52 = arith.constant 0 : i32
        %dma_wait3A_53 = tpu.memref_slice %arg12[%dma_wait3A_51, %dma_wait3A_52] : memref<264x128xf32, #tpu.memory_space<vmem_shared>> -> memref<264x128xf32, #tpu.memory_space<vmem_shared>>
        tpu.wait_indirect_dma semaphore(%run_scoped3A_43 : memref<!tpu.dma_semaphore, #tpu.memory_space<semaphore_mem>>) src(%arg10 : memref<128x128xf32, #tpu.memory_space<vmem>>) dst(%dma_wait3A_53 : memref<264x128xf32, #tpu.memory_space<vmem_shared>>)
        tpu.yield
      }) : () -> ()
      %run_scoped3A_42 = arith.constant 0 : i32
      "tpu.region"() ({
        %run_scoped3A_43 = tpu.sem_alloc : memref<!tpu.dma_semaphore, #tpu.memory_space<semaphore_mem>>
        %dma_start3A = arith.constant 0 : i32
        %dma_start3A_44 = tpu.memref_slice %arg9[%run_scoped3A_42, %dma_start3A] : memref<3x128xi32, #tpu.memory_space<vmem>> -> memref<1x128xi32, #tpu.memory_space<vmem>>
        %dma_start3A_45 = tpu.memref_squeeze %dma_start3A_44 : memref<1x128xi32, #tpu.memory_space<vmem>> -> memref<128xi32, #tpu.memory_space<vmem>>
        %dma_start3A_46 = arith.constant 0 : i32
        %dma_start3A_47 = arith.constant 0 : i32
        %dma_start3A_48 = tpu.memref_slice %arg13[%dma_start3A_46, %dma_start3A_47] : memref<264x128xf32, #tpu.memory_space<vmem_shared>> -> memref<264x128xf32, #tpu.memory_space<vmem_shared>>
        tpu.enqueue_indirect_dma source(%arg11 : memref<128x128xf32, #tpu.memory_space<vmem>>) target(%dma_start3A_48 : memref<264x128xf32, #tpu.memory_space<vmem_shared>>) offsets(%dma_start3A_45 : memref<128xi32, #tpu.memory_space<vmem>>) semaphore(%run_scoped3A_43 : memref<!tpu.dma_semaphore, #tpu.memory_space<semaphore_mem>>) {add = true}
        %dma_wait3A = arith.constant 0 : i32
        %dma_wait3A_49 = tpu.memref_slice %arg9[%run_scoped3A_42, %dma_wait3A] : memref<3x128xi32, #tpu.memory_space<vmem>> -> memref<1x128xi32, #tpu.memory_space<vmem>>
        %dma_wait3A_50 = tpu.memref_squeeze %dma_wait3A_49 : memref<1x128xi32, #tpu.memory_space<vmem>> -> memref<128xi32, #tpu.memory_space<vmem>>
        %dma_wait3A_51 = arith.constant 0 : i32
        %dma_wait3A_52 = arith.constant 0 : i32
        %dma_wait3A_53 = tpu.memref_slice %arg13[%dma_wait3A_51, %dma_wait3A_52] : memref<264x128xf32, #tpu.memory_space<vmem_shared>> -> memref<264x128xf32, #tpu.memory_space<vmem_shared>>
        tpu.wait_indirect_dma semaphore(%run_scoped3A_43 : memref<!tpu.dma_semaphore, #tpu.memory_space<semaphore_mem>>) src(%arg11 : memref<128x128xf32, #tpu.memory_space<vmem>>) dst(%dma_wait3A_53 : memref<264x128xf32, #tpu.memory_space<vmem_shared>>)
        tpu.yield
      }) : () -> ()
    } else {
    }
    %add3A_14 = arith.constant 32 : i32
    %add3A_15 = arith.addi %add3A, %add3A_14 : i32
    %lt3A_16 = arith.constant 80 : i32
    %lt3A_17 = arith.cmpi slt, %add3A_15, %lt3A_16 : i32
    %convert_element_type3A_18 = arith.extui %lt3A_17 : i1 to i32
    %cond3A_19 = arith.constant 0 : i32
    %cond3A_20 = arith.cmpi ne, %convert_element_type3A_18, %cond3A_19 : i32
    scf.if %cond3A_20 {
      %run_scoped3A = arith.constant 1 : i32
      "tpu.region"() ({
        %run_scoped3A_43 = tpu.sem_alloc : memref<!tpu.dma_semaphore, #tpu.memory_space<semaphore_mem>>
        %dma_start3A = arith.constant 0 : i32
        %dma_start3A_44 = tpu.memref_slice %arg9[%run_scoped3A, %dma_start3A] : memref<3x128xi32, #tpu.memory_space<vmem>> -> memref<1x128xi32, #tpu.memory_space<vmem>>
        %dma_start3A_45 = tpu.memref_squeeze %dma_start3A_44 : memref<1x128xi32, #tpu.memory_space<vmem>> -> memref<128xi32, #tpu.memory_space<vmem>>
        %dma_start3A_46 = arith.constant 0 : i32
        %dma_start3A_47 = tpu.memref_slice %arg3[%add3A_15, %dma_start3A_46] : memref<80x128xi32, #tpu.memory_space<hbm>> -> memref<1x128xi32, #tpu.memory_space<hbm>>
        %dma_start3A_48 = tpu.memref_squeeze %dma_start3A_47 : memref<1x128xi32, #tpu.memory_space<hbm>> -> memref<128xi32, #tpu.memory_space<hbm>>
        %dma_start3A_49 = arith.constant 0 : i32
        %dma_start3A_50 = tpu.memref_slice %arg9[%run_scoped3A, %dma_start3A_49] : memref<3x128xi32, #tpu.memory_space<vmem>> -> memref<1x128xi32, #tpu.memory_space<vmem>>
        %dma_start3A_51 = tpu.memref_squeeze %dma_start3A_50 : memref<1x128xi32, #tpu.memory_space<vmem>> -> memref<128xi32, #tpu.memory_space<vmem>>
        %dma_start3A_52 = arith.constant 0 : i32
        %dma_start3A_53 = tpu.memref_slice %arg3[%add3A_15, %dma_start3A_52] : memref<80x128xi32, #tpu.memory_space<hbm>> -> memref<1x128xi32, #tpu.memory_space<hbm>>
        %dma_start3A_54 = tpu.memref_squeeze %dma_start3A_53 : memref<1x128xi32, #tpu.memory_space<hbm>> -> memref<128xi32, #tpu.memory_space<hbm>>
        tpu.enqueue_dma source(%dma_start3A_54 : memref<128xi32, #tpu.memory_space<hbm>>) target(%dma_start3A_51 : memref<128xi32, #tpu.memory_space<vmem>>) target_semaphore(%run_scoped3A_43 : memref<!tpu.dma_semaphore, #tpu.memory_space<semaphore_mem>>)
        %dma_wait3A = arith.constant 0 : i32
        %dma_wait3A_55 = tpu.memref_slice %arg9[%run_scoped3A, %dma_wait3A] : memref<3x128xi32, #tpu.memory_space<vmem>> -> memref<1x128xi32, #tpu.memory_space<vmem>>
        %dma_wait3A_56 = tpu.memref_squeeze %dma_wait3A_55 : memref<1x128xi32, #tpu.memory_space<vmem>> -> memref<128xi32, #tpu.memory_space<vmem>>
        %dma_wait3A_57 = arith.constant 0 : i32
        %dma_wait3A_58 = tpu.memref_slice %arg3[%add3A_15, %dma_wait3A_57] : memref<80x128xi32, #tpu.memory_space<hbm>> -> memref<1x128xi32, #tpu.memory_space<hbm>>
        %dma_wait3A_59 = tpu.memref_squeeze %dma_wait3A_58 : memref<1x128xi32, #tpu.memory_space<hbm>> -> memref<128xi32, #tpu.memory_space<hbm>>
        %dma_wait3A_60 = arith.constant 0 : i32
        %dma_wait3A_61 = tpu.memref_slice %arg9[%run_scoped3A, %dma_wait3A_60] : memref<3x128xi32, #tpu.memory_space<vmem>> -> memref<1x128xi32, #tpu.memory_space<vmem>>
        %dma_wait3A_62 = tpu.memref_squeeze %dma_wait3A_61 : memref<1x128xi32, #tpu.memory_space<vmem>> -> memref<128xi32, #tpu.memory_space<vmem>>
        %dma_wait3A_63 = arith.constant 0 : i32
        %dma_wait3A_64 = tpu.memref_slice %arg3[%add3A_15, %dma_wait3A_63] : memref<80x128xi32, #tpu.memory_space<hbm>> -> memref<1x128xi32, #tpu.memory_space<hbm>>
        %dma_wait3A_65 = tpu.memref_squeeze %dma_wait3A_64 : memref<1x128xi32, #tpu.memory_space<hbm>> -> memref<128xi32, #tpu.memory_space<hbm>>
        tpu.wait_dma2 semaphore(%run_scoped3A_43 : memref<!tpu.dma_semaphore, #tpu.memory_space<semaphore_mem>>) src(%dma_wait3A_65 : memref<128xi32, #tpu.memory_space<hbm>>) dst(%dma_wait3A_62 : memref<128xi32, #tpu.memory_space<vmem>>)
        tpu.yield
      }) : () -> ()
      %mul3A_39 = arith.constant 128 : i32
      %mul3A_40 = arith.muli %add3A_15, %mul3A_39 : i32
      "tpu.region"() ({
        %run_scoped3A_43 = tpu.sem_alloc : memref<!tpu.dma_semaphore, #tpu.memory_space<semaphore_mem>>
        %dma_start3A = arith.constant 0 : i32
        %dma_start3A_44 = tpu.memref_slice %arg2[%mul3A_40, %dma_start3A] : memref<10240x128xf32, #tpu.memory_space<hbm>> -> memref<128x128xf32, #tpu.memory_space<hbm>>
        %dma_start3A_45 = arith.constant 0 : i32
        %dma_start3A_46 = tpu.memref_slice %arg2[%mul3A_40, %dma_start3A_45] : memref<10240x128xf32, #tpu.memory_space<hbm>> -> memref<128x128xf32, #tpu.memory_space<hbm>>
        tpu.enqueue_dma source(%dma_start3A_46 : memref<128x128xf32, #tpu.memory_space<hbm>>) target(%arg10 : memref<128x128xf32, #tpu.memory_space<vmem>>) target_semaphore(%run_scoped3A_43 : memref<!tpu.dma_semaphore, #tpu.memory_space<semaphore_mem>>)
        %dma_wait3A = arith.constant 0 : i32
        %dma_wait3A_47 = tpu.memref_slice %arg2[%mul3A_40, %dma_wait3A] : memref<10240x128xf32, #tpu.memory_space<hbm>> -> memref<128x128xf32, #tpu.memory_space<hbm>>
        %dma_wait3A_48 = arith.constant 0 : i32
        %dma_wait3A_49 = tpu.memref_slice %arg2[%mul3A_40, %dma_wait3A_48] : memref<10240x128xf32, #tpu.memory_space<hbm>> -> memref<128x128xf32, #tpu.memory_space<hbm>>
        tpu.wait_dma2 semaphore(%run_scoped3A_43 : memref<!tpu.dma_semaphore, #tpu.memory_space<semaphore_mem>>) src(%dma_wait3A_49 : memref<128x128xf32, #tpu.memory_space<hbm>>) dst(%arg10 : memref<128x128xf32, #tpu.memory_space<vmem>>)
        tpu.yield
      }) : () -> ()
      %run_scoped3A_41 = arith.constant 1 : i32
      "tpu.region"() ({
        %run_scoped3A_43 = tpu.sem_alloc : memref<!tpu.dma_semaphore, #tpu.memory_space<semaphore_mem>>
        %dma_start3A = arith.constant 0 : i32
        %dma_start3A_44 = tpu.memref_slice %arg9[%run_scoped3A_41, %dma_start3A] : memref<3x128xi32, #tpu.memory_space<vmem>> -> memref<1x128xi32, #tpu.memory_space<vmem>>
        %dma_start3A_45 = tpu.memref_squeeze %dma_start3A_44 : memref<1x128xi32, #tpu.memory_space<vmem>> -> memref<128xi32, #tpu.memory_space<vmem>>
        %dma_start3A_46 = arith.constant 0 : i32
        %dma_start3A_47 = arith.constant 0 : i32
        %dma_start3A_48 = tpu.memref_slice %arg12[%dma_start3A_46, %dma_start3A_47] : memref<264x128xf32, #tpu.memory_space<vmem_shared>> -> memref<264x128xf32, #tpu.memory_space<vmem_shared>>
        tpu.enqueue_indirect_dma source(%arg10 : memref<128x128xf32, #tpu.memory_space<vmem>>) target(%dma_start3A_48 : memref<264x128xf32, #tpu.memory_space<vmem_shared>>) offsets(%dma_start3A_45 : memref<128xi32, #tpu.memory_space<vmem>>) semaphore(%run_scoped3A_43 : memref<!tpu.dma_semaphore, #tpu.memory_space<semaphore_mem>>) {add = true}
        %dma_wait3A = arith.constant 0 : i32
        %dma_wait3A_49 = tpu.memref_slice %arg9[%run_scoped3A_41, %dma_wait3A] : memref<3x128xi32, #tpu.memory_space<vmem>> -> memref<1x128xi32, #tpu.memory_space<vmem>>
        %dma_wait3A_50 = tpu.memref_squeeze %dma_wait3A_49 : memref<1x128xi32, #tpu.memory_space<vmem>> -> memref<128xi32, #tpu.memory_space<vmem>>
        %dma_wait3A_51 = arith.constant 0 : i32
        %dma_wait3A_52 = arith.constant 0 : i32
        %dma_wait3A_53 = tpu.memref_slice %arg12[%dma_wait3A_51, %dma_wait3A_52] : memref<264x128xf32, #tpu.memory_space<vmem_shared>> -> memref<264x128xf32, #tpu.memory_space<vmem_shared>>
        tpu.wait_indirect_dma semaphore(%run_scoped3A_43 : memref<!tpu.dma_semaphore, #tpu.memory_space<semaphore_mem>>) src(%arg10 : memref<128x128xf32, #tpu.memory_space<vmem>>) dst(%dma_wait3A_53 : memref<264x128xf32, #tpu.memory_space<vmem_shared>>)
        tpu.yield
      }) : () -> ()
      %run_scoped3A_42 = arith.constant 1 : i32
      "tpu.region"() ({
        %run_scoped3A_43 = tpu.sem_alloc : memref<!tpu.dma_semaphore, #tpu.memory_space<semaphore_mem>>
        %dma_start3A = arith.constant 0 : i32
        %dma_start3A_44 = tpu.memref_slice %arg9[%run_scoped3A_42, %dma_start3A] : memref<3x128xi32, #tpu.memory_space<vmem>> -> memref<1x128xi32, #tpu.memory_space<vmem>>
        %dma_start3A_45 = tpu.memref_squeeze %dma_start3A_44 : memref<1x128xi32, #tpu.memory_space<vmem>> -> memref<128xi32, #tpu.memory_space<vmem>>
        %dma_start3A_46 = arith.constant 0 : i32
        %dma_start3A_47 = arith.constant 0 : i32
        %dma_start3A_48 = tpu.memref_slice %arg13[%dma_start3A_46, %dma_start3A_47] : memref<264x128xf32, #tpu.memory_space<vmem_shared>> -> memref<264x128xf32, #tpu.memory_space<vmem_shared>>
        tpu.enqueue_indirect_dma source(%arg11 : memref<128x128xf32, #tpu.memory_space<vmem>>) target(%dma_start3A_48 : memref<264x128xf32, #tpu.memory_space<vmem_shared>>) offsets(%dma_start3A_45 : memref<128xi32, #tpu.memory_space<vmem>>) semaphore(%run_scoped3A_43 : memref<!tpu.dma_semaphore, #tpu.memory_space<semaphore_mem>>) {add = true}
        %dma_wait3A = arith.constant 0 : i32
        %dma_wait3A_49 = tpu.memref_slice %arg9[%run_scoped3A_42, %dma_wait3A] : memref<3x128xi32, #tpu.memory_space<vmem>> -> memref<1x128xi32, #tpu.memory_space<vmem>>
        %dma_wait3A_50 = tpu.memref_squeeze %dma_wait3A_49 : memref<1x128xi32, #tpu.memory_space<vmem>> -> memref<128xi32, #tpu.memory_space<vmem>>
        %dma_wait3A_51 = arith.constant 0 : i32
        %dma_wait3A_52 = arith.constant 0 : i32
        %dma_wait3A_53 = tpu.memref_slice %arg13[%dma_wait3A_51, %dma_wait3A_52] : memref<264x128xf32, #tpu.memory_space<vmem_shared>> -> memref<264x128xf32, #tpu.memory_space<vmem_shared>>
        tpu.wait_indirect_dma semaphore(%run_scoped3A_43 : memref<!tpu.dma_semaphore, #tpu.memory_space<semaphore_mem>>) src(%arg11 : memref<128x128xf32, #tpu.memory_space<vmem>>) dst(%dma_wait3A_53 : memref<264x128xf32, #tpu.memory_space<vmem_shared>>)
        tpu.yield
      }) : () -> ()
    } else {
    }
    %add3A_21 = arith.constant 64 : i32
    %add3A_22 = arith.addi %add3A, %add3A_21 : i32
    %lt3A_23 = arith.constant 80 : i32
    %lt3A_24 = arith.cmpi slt, %add3A_22, %lt3A_23 : i32
    %convert_element_type3A_25 = arith.extui %lt3A_24 : i1 to i32
    %cond3A_26 = arith.constant 0 : i32
    %cond3A_27 = arith.cmpi ne, %convert_element_type3A_25, %cond3A_26 : i32
    scf.if %cond3A_27 {
      %run_scoped3A = arith.constant 2 : i32
      "tpu.region"() ({
        %run_scoped3A_43 = tpu.sem_alloc : memref<!tpu.dma_semaphore, #tpu.memory_space<semaphore_mem>>
        %dma_start3A = arith.constant 0 : i32
        %dma_start3A_44 = tpu.memref_slice %arg9[%run_scoped3A, %dma_start3A] : memref<3x128xi32, #tpu.memory_space<vmem>> -> memref<1x128xi32, #tpu.memory_space<vmem>>
        %dma_start3A_45 = tpu.memref_squeeze %dma_start3A_44 : memref<1x128xi32, #tpu.memory_space<vmem>> -> memref<128xi32, #tpu.memory_space<vmem>>
        %dma_start3A_46 = arith.constant 0 : i32
        %dma_start3A_47 = tpu.memref_slice %arg3[%add3A_22, %dma_start3A_46] : memref<80x128xi32, #tpu.memory_space<hbm>> -> memref<1x128xi32, #tpu.memory_space<hbm>>
        %dma_start3A_48 = tpu.memref_squeeze %dma_start3A_47 : memref<1x128xi32, #tpu.memory_space<hbm>> -> memref<128xi32, #tpu.memory_space<hbm>>
        %dma_start3A_49 = arith.constant 0 : i32
        %dma_start3A_50 = tpu.memref_slice %arg9[%run_scoped3A, %dma_start3A_49] : memref<3x128xi32, #tpu.memory_space<vmem>> -> memref<1x128xi32, #tpu.memory_space<vmem>>
        %dma_start3A_51 = tpu.memref_squeeze %dma_start3A_50 : memref<1x128xi32, #tpu.memory_space<vmem>> -> memref<128xi32, #tpu.memory_space<vmem>>
        %dma_start3A_52 = arith.constant 0 : i32
        %dma_start3A_53 = tpu.memref_slice %arg3[%add3A_22, %dma_start3A_52] : memref<80x128xi32, #tpu.memory_space<hbm>> -> memref<1x128xi32, #tpu.memory_space<hbm>>
        %dma_start3A_54 = tpu.memref_squeeze %dma_start3A_53 : memref<1x128xi32, #tpu.memory_space<hbm>> -> memref<128xi32, #tpu.memory_space<hbm>>
        tpu.enqueue_dma source(%dma_start3A_54 : memref<128xi32, #tpu.memory_space<hbm>>) target(%dma_start3A_51 : memref<128xi32, #tpu.memory_space<vmem>>) target_semaphore(%run_scoped3A_43 : memref<!tpu.dma_semaphore, #tpu.memory_space<semaphore_mem>>)
        %dma_wait3A = arith.constant 0 : i32
        %dma_wait3A_55 = tpu.memref_slice %arg9[%run_scoped3A, %dma_wait3A] : memref<3x128xi32, #tpu.memory_space<vmem>> -> memref<1x128xi32, #tpu.memory_space<vmem>>
        %dma_wait3A_56 = tpu.memref_squeeze %dma_wait3A_55 : memref<1x128xi32, #tpu.memory_space<vmem>> -> memref<128xi32, #tpu.memory_space<vmem>>
        %dma_wait3A_57 = arith.constant 0 : i32
        %dma_wait3A_58 = tpu.memref_slice %arg3[%add3A_22, %dma_wait3A_57] : memref<80x128xi32, #tpu.memory_space<hbm>> -> memref<1x128xi32, #tpu.memory_space<hbm>>
        %dma_wait3A_59 = tpu.memref_squeeze %dma_wait3A_58 : memref<1x128xi32, #tpu.memory_space<hbm>> -> memref<128xi32, #tpu.memory_space<hbm>>
        %dma_wait3A_60 = arith.constant 0 : i32
        %dma_wait3A_61 = tpu.memref_slice %arg9[%run_scoped3A, %dma_wait3A_60] : memref<3x128xi32, #tpu.memory_space<vmem>> -> memref<1x128xi32, #tpu.memory_space<vmem>>
        %dma_wait3A_62 = tpu.memref_squeeze %dma_wait3A_61 : memref<1x128xi32, #tpu.memory_space<vmem>> -> memref<128xi32, #tpu.memory_space<vmem>>
        %dma_wait3A_63 = arith.constant 0 : i32
        %dma_wait3A_64 = tpu.memref_slice %arg3[%add3A_22, %dma_wait3A_63] : memref<80x128xi32, #tpu.memory_space<hbm>> -> memref<1x128xi32, #tpu.memory_space<hbm>>
        %dma_wait3A_65 = tpu.memref_squeeze %dma_wait3A_64 : memref<1x128xi32, #tpu.memory_space<hbm>> -> memref<128xi32, #tpu.memory_space<hbm>>
        tpu.wait_dma2 semaphore(%run_scoped3A_43 : memref<!tpu.dma_semaphore, #tpu.memory_space<semaphore_mem>>) src(%dma_wait3A_65 : memref<128xi32, #tpu.memory_space<hbm>>) dst(%dma_wait3A_62 : memref<128xi32, #tpu.memory_space<vmem>>)
        tpu.yield
      }) : () -> ()
      %mul3A_39 = arith.constant 128 : i32
      %mul3A_40 = arith.muli %add3A_22, %mul3A_39 : i32
      "tpu.region"() ({
        %run_scoped3A_43 = tpu.sem_alloc : memref<!tpu.dma_semaphore, #tpu.memory_space<semaphore_mem>>
        %dma_start3A = arith.constant 0 : i32
        %dma_start3A_44 = tpu.memref_slice %arg2[%mul3A_40, %dma_start3A] : memref<10240x128xf32, #tpu.memory_space<hbm>> -> memref<128x128xf32, #tpu.memory_space<hbm>>
        %dma_start3A_45 = arith.constant 0 : i32
        %dma_start3A_46 = tpu.memref_slice %arg2[%mul3A_40, %dma_start3A_45] : memref<10240x128xf32, #tpu.memory_space<hbm>> -> memref<128x128xf32, #tpu.memory_space<hbm>>
        tpu.enqueue_dma source(%dma_start3A_46 : memref<128x128xf32, #tpu.memory_space<hbm>>) target(%arg10 : memref<128x128xf32, #tpu.memory_space<vmem>>) target_semaphore(%run_scoped3A_43 : memref<!tpu.dma_semaphore, #tpu.memory_space<semaphore_mem>>)
        %dma_wait3A = arith.constant 0 : i32
        %dma_wait3A_47 = tpu.memref_slice %arg2[%mul3A_40, %dma_wait3A] : memref<10240x128xf32, #tpu.memory_space<hbm>> -> memref<128x128xf32, #tpu.memory_space<hbm>>
        %dma_wait3A_48 = arith.constant 0 : i32
        %dma_wait3A_49 = tpu.memref_slice %arg2[%mul3A_40, %dma_wait3A_48] : memref<10240x128xf32, #tpu.memory_space<hbm>> -> memref<128x128xf32, #tpu.memory_space<hbm>>
        tpu.wait_dma2 semaphore(%run_scoped3A_43 : memref<!tpu.dma_semaphore, #tpu.memory_space<semaphore_mem>>) src(%dma_wait3A_49 : memref<128x128xf32, #tpu.memory_space<hbm>>) dst(%arg10 : memref<128x128xf32, #tpu.memory_space<vmem>>)
        tpu.yield
      }) : () -> ()
      %run_scoped3A_41 = arith.constant 2 : i32
      "tpu.region"() ({
        %run_scoped3A_43 = tpu.sem_alloc : memref<!tpu.dma_semaphore, #tpu.memory_space<semaphore_mem>>
        %dma_start3A = arith.constant 0 : i32
        %dma_start3A_44 = tpu.memref_slice %arg9[%run_scoped3A_41, %dma_start3A] : memref<3x128xi32, #tpu.memory_space<vmem>> -> memref<1x128xi32, #tpu.memory_space<vmem>>
        %dma_start3A_45 = tpu.memref_squeeze %dma_start3A_44 : memref<1x128xi32, #tpu.memory_space<vmem>> -> memref<128xi32, #tpu.memory_space<vmem>>
        %dma_start3A_46 = arith.constant 0 : i32
        %dma_start3A_47 = arith.constant 0 : i32
        %dma_start3A_48 = tpu.memref_slice %arg12[%dma_start3A_46, %dma_start3A_47] : memref<264x128xf32, #tpu.memory_space<vmem_shared>> -> memref<264x128xf32, #tpu.memory_space<vmem_shared>>
        tpu.enqueue_indirect_dma source(%arg10 : memref<128x128xf32, #tpu.memory_space<vmem>>) target(%dma_start3A_48 : memref<264x128xf32, #tpu.memory_space<vmem_shared>>) offsets(%dma_start3A_45 : memref<128xi32, #tpu.memory_space<vmem>>) semaphore(%run_scoped3A_43 : memref<!tpu.dma_semaphore, #tpu.memory_space<semaphore_mem>>) {add = true}
        %dma_wait3A = arith.constant 0 : i32
        %dma_wait3A_49 = tpu.memref_slice %arg9[%run_scoped3A_41, %dma_wait3A] : memref<3x128xi32, #tpu.memory_space<vmem>> -> memref<1x128xi32, #tpu.memory_space<vmem>>
        %dma_wait3A_50 = tpu.memref_squeeze %dma_wait3A_49 : memref<1x128xi32, #tpu.memory_space<vmem>> -> memref<128xi32, #tpu.memory_space<vmem>>
        %dma_wait3A_51 = arith.constant 0 : i32
        %dma_wait3A_52 = arith.constant 0 : i32
        %dma_wait3A_53 = tpu.memref_slice %arg12[%dma_wait3A_51, %dma_wait3A_52] : memref<264x128xf32, #tpu.memory_space<vmem_shared>> -> memref<264x128xf32, #tpu.memory_space<vmem_shared>>
        tpu.wait_indirect_dma semaphore(%run_scoped3A_43 : memref<!tpu.dma_semaphore, #tpu.memory_space<semaphore_mem>>) src(%arg10 : memref<128x128xf32, #tpu.memory_space<vmem>>) dst(%dma_wait3A_53 : memref<264x128xf32, #tpu.memory_space<vmem_shared>>)
        tpu.yield
      }) : () -> ()
      %run_scoped3A_42 = arith.constant 2 : i32
      "tpu.region"() ({
        %run_scoped3A_43 = tpu.sem_alloc : memref<!tpu.dma_semaphore, #tpu.memory_space<semaphore_mem>>
        %dma_start3A = arith.constant 0 : i32
        %dma_start3A_44 = tpu.memref_slice %arg9[%run_scoped3A_42, %dma_start3A] : memref<3x128xi32, #tpu.memory_space<vmem>> -> memref<1x128xi32, #tpu.memory_space<vmem>>
        %dma_start3A_45 = tpu.memref_squeeze %dma_start3A_44 : memref<1x128xi32, #tpu.memory_space<vmem>> -> memref<128xi32, #tpu.memory_space<vmem>>
        %dma_start3A_46 = arith.constant 0 : i32
        %dma_start3A_47 = arith.constant 0 : i32
        %dma_start3A_48 = tpu.memref_slice %arg13[%dma_start3A_46, %dma_start3A_47] : memref<264x128xf32, #tpu.memory_space<vmem_shared>> -> memref<264x128xf32, #tpu.memory_space<vmem_shared>>
        tpu.enqueue_indirect_dma source(%arg11 : memref<128x128xf32, #tpu.memory_space<vmem>>) target(%dma_start3A_48 : memref<264x128xf32, #tpu.memory_space<vmem_shared>>) offsets(%dma_start3A_45 : memref<128xi32, #tpu.memory_space<vmem>>) semaphore(%run_scoped3A_43 : memref<!tpu.dma_semaphore, #tpu.memory_space<semaphore_mem>>) {add = true}
        %dma_wait3A = arith.constant 0 : i32
        %dma_wait3A_49 = tpu.memref_slice %arg9[%run_scoped3A_42, %dma_wait3A] : memref<3x128xi32, #tpu.memory_space<vmem>> -> memref<1x128xi32, #tpu.memory_space<vmem>>
        %dma_wait3A_50 = tpu.memref_squeeze %dma_wait3A_49 : memref<1x128xi32, #tpu.memory_space<vmem>> -> memref<128xi32, #tpu.memory_space<vmem>>
        %dma_wait3A_51 = arith.constant 0 : i32
        %dma_wait3A_52 = arith.constant 0 : i32
        %dma_wait3A_53 = tpu.memref_slice %arg13[%dma_wait3A_51, %dma_wait3A_52] : memref<264x128xf32, #tpu.memory_space<vmem_shared>> -> memref<264x128xf32, #tpu.memory_space<vmem_shared>>
        tpu.wait_indirect_dma semaphore(%run_scoped3A_43 : memref<!tpu.dma_semaphore, #tpu.memory_space<semaphore_mem>>) src(%arg11 : memref<128x128xf32, #tpu.memory_space<vmem>>) dst(%dma_wait3A_53 : memref<264x128xf32, #tpu.memory_space<vmem_shared>>)
        tpu.yield
      }) : () -> ()
    } else {
    }
    %barrier3A_28 = arith.constant 0 : index
    tpu.barrier barrier_id(%barrier3A_28)
    %eq3A_29 = arith.constant 0 : i32
    %eq3A_30 = arith.cmpi eq, %arg1, %eq3A_29 : i32
    %convert_element_type3A_31 = arith.extui %eq3A_30 : i1 to i32
    %cond3A_32 = arith.constant 0 : i32
    %cond3A_33 = arith.cmpi ne, %convert_element_type3A_31, %cond3A_32 : i32
    scf.if %cond3A_33 {
      "tpu.region"() ({
        %run_scoped3A = tpu.sem_alloc : memref<!tpu.dma_semaphore, #tpu.memory_space<semaphore_mem>>
        %dma_start3A = arith.constant 0 : i32
        %dma_start3A_39 = arith.constant 0 : i32
        %dma_start3A_40 = tpu.memref_slice %arg7[%arg0, %dma_start3A, %dma_start3A_39] : memref<2x256x128xf32, #tpu.memory_space<hbm>> -> memref<1x256x128xf32, #tpu.memory_space<hbm>>
        %dma_start3A_41 = tpu.memref_squeeze %dma_start3A_40 : memref<1x256x128xf32, #tpu.memory_space<hbm>> -> memref<256x128xf32, #tpu.memory_space<hbm>>
        %dma_start3A_42 = arith.constant 0 : i32
        %dma_start3A_43 = arith.constant 0 : i32
        %dma_start3A_44 = tpu.memref_slice %arg12[%dma_start3A_42, %dma_start3A_43] : memref<264x128xf32, #tpu.memory_space<vmem_shared>> -> memref<256x128xf32, #tpu.memory_space<vmem_shared>>
        tpu.enqueue_dma source(%dma_start3A_44 : memref<256x128xf32, #tpu.memory_space<vmem_shared>>) target(%dma_start3A_41 : memref<256x128xf32, #tpu.memory_space<hbm>>) target_semaphore(%run_scoped3A : memref<!tpu.dma_semaphore, #tpu.memory_space<semaphore_mem>>)
        %dma_wait3A = arith.constant 0 : i32
        %dma_wait3A_45 = arith.constant 0 : i32
        %dma_wait3A_46 = tpu.memref_slice %arg7[%arg0, %dma_wait3A, %dma_wait3A_45] : memref<2x256x128xf32, #tpu.memory_space<hbm>> -> memref<1x256x128xf32, #tpu.memory_space<hbm>>
        %dma_wait3A_47 = tpu.memref_squeeze %dma_wait3A_46 : memref<1x256x128xf32, #tpu.memory_space<hbm>> -> memref<256x128xf32, #tpu.memory_space<hbm>>
        %dma_wait3A_48 = arith.constant 0 : i32
        %dma_wait3A_49 = arith.constant 0 : i32
        %dma_wait3A_50 = tpu.memref_slice %arg12[%dma_wait3A_48, %dma_wait3A_49] : memref<264x128xf32, #tpu.memory_space<vmem_shared>> -> memref<256x128xf32, #tpu.memory_space<vmem_shared>>
        tpu.wait_dma2 semaphore(%run_scoped3A : memref<!tpu.dma_semaphore, #tpu.memory_space<semaphore_mem>>) src(%dma_wait3A_50 : memref<256x128xf32, #tpu.memory_space<vmem_shared>>) dst(%dma_wait3A_47 : memref<256x128xf32, #tpu.memory_space<hbm>>)
        tpu.yield
      }) : () -> ()
    } else {
    }
    %eq3A_34 = arith.constant 1 : i32
    %eq3A_35 = arith.cmpi eq, %arg1, %eq3A_34 : i32
    %convert_element_type3A_36 = arith.extui %eq3A_35 : i1 to i32
    %cond3A_37 = arith.constant 0 : i32
    %cond3A_38 = arith.cmpi ne, %convert_element_type3A_36, %cond3A_37 : i32
    scf.if %cond3A_38 {
      "tpu.region"() ({
        %run_scoped3A = tpu.sem_alloc : memref<!tpu.dma_semaphore, #tpu.memory_space<semaphore_mem>>
        %dma_start3A = arith.constant 0 : i32
        %dma_start3A_39 = arith.constant 0 : i32
        %dma_start3A_40 = tpu.memref_slice %arg8[%arg0, %dma_start3A, %dma_start3A_39] : memref<2x256x128xf32, #tpu.memory_space<hbm>> -> memref<1x256x128xf32, #tpu.memory_space<hbm>>
        %dma_start3A_41 = tpu.memref_squeeze %dma_start3A_40 : memref<1x256x128xf32, #tpu.memory_space<hbm>> -> memref<256x128xf32, #tpu.memory_space<hbm>>
        %dma_start3A_42 = arith.constant 0 : i32
        %dma_start3A_43 = arith.constant 0 : i32
        %dma_start3A_44 = tpu.memref_slice %arg13[%dma_start3A_42, %dma_start3A_43] : memref<264x128xf32, #tpu.memory_space<vmem_shared>> -> memref<256x128xf32, #tpu.memory_space<vmem_shared>>
        tpu.enqueue_dma source(%dma_start3A_44 : memref<256x128xf32, #tpu.memory_space<vmem_shared>>) target(%dma_start3A_41 : memref<256x128xf32, #tpu.memory_space<hbm>>) target_semaphore(%run_scoped3A : memref<!tpu.dma_semaphore, #tpu.memory_space<semaphore_mem>>)
        %dma_wait3A = arith.constant 0 : i32
        %dma_wait3A_45 = arith.constant 0 : i32
        %dma_wait3A_46 = tpu.memref_slice %arg8[%arg0, %dma_wait3A, %dma_wait3A_45] : memref<2x256x128xf32, #tpu.memory_space<hbm>> -> memref<1x256x128xf32, #tpu.memory_space<hbm>>
        %dma_wait3A_47 = tpu.memref_squeeze %dma_wait3A_46 : memref<1x256x128xf32, #tpu.memory_space<hbm>> -> memref<256x128xf32, #tpu.memory_space<hbm>>
        %dma_wait3A_48 = arith.constant 0 : i32
        %dma_wait3A_49 = arith.constant 0 : i32
        %dma_wait3A_50 = tpu.memref_slice %arg13[%dma_wait3A_48, %dma_wait3A_49] : memref<264x128xf32, #tpu.memory_space<vmem_shared>> -> memref<256x128xf32, #tpu.memory_space<vmem_shared>>
        tpu.wait_dma2 semaphore(%run_scoped3A : memref<!tpu.dma_semaphore, #tpu.memory_space<semaphore_mem>>) src(%dma_wait3A_50 : memref<256x128xf32, #tpu.memory_space<vmem_shared>>) dst(%dma_wait3A_47 : memref<256x128xf32, #tpu.memory_space<hbm>>)
        tpu.yield
      }) : () -> ()
    } else {
    }
    return
  }
}

module attributes {stable_mosaic.version = 14 : i64} {
  func.func @_t0a_body(%arg0: i32, %arg1: memref<512x16xi32, #tpu.memory_space<vmem>>, %arg2: memref<1152x128xf32, #tpu.memory_space<vmem>>, %arg3: memref<128x128xf32, #tpu.memory_space<vmem>>, %arg4: memref<1x128xf32, #tpu.memory_space<vmem>>, %arg5: memref<512x128xf32, #tpu.memory_space<vmem>>) attributes {dimension_semantics = [#tpu.dimension_semantics<arbitrary>], iteration_bounds = array<i64: 20>, scalar_prefetch = 0 : i64, scratch_operands = 0 : i64, tpu.core_type = #tpu.core_type<tc>, window_params = [{transform_indices = @transform_0, window_bounds = array<i64: 512, 16>}, {pipeline_mode = #tpu.pipeline_mode<synchronous>, transform_indices = @transform_1, window_bounds = array<i64: 1152, 128>}, {pipeline_mode = #tpu.pipeline_mode<synchronous>, transform_indices = @transform_2, window_bounds = array<i64: 128, 128>}, {pipeline_mode = #tpu.pipeline_mode<synchronous>, transform_indices = @transform_3, window_bounds = array<i64: 1, 128>}, {transform_indices = @transform_4, window_bounds = array<i64: 512, 128>}]} {
    %get3A = arith.constant 0 : index
    %get3A_0 = arith.constant 0 : index
    %get3A_1 = vector.load %arg1[%get3A, %get3A_0] : memref<512x16xi32, #tpu.memory_space<vmem>>, vector<512x16xi32>
    %get3A_2 = arith.constant 0 : index
    %get3A_3 = arith.constant 0 : index
    %get3A_4 = vector.load %arg2[%get3A_2, %get3A_3] : memref<1152x128xf32, #tpu.memory_space<vmem>>, vector<1152x128xf32>
    %iota3A = tpu.iota {dimensions = array<i32: 1>} : vector<512x128xi32>
    %broadcast_in_dim3A = arith.constant 0.000000e+00 : f32
    %broadcast_in_dim3A_5 = vector.broadcast %broadcast_in_dim3A : f32 to vector<512x128xf32>
    %slice3A = vector.extract_strided_slice %get3A_1 {offsets = [0, 0], sizes = [512, 1], strides = [1, 1]} : vector<512x16xi32> to vector<512x1xi32>
    %eq3A = vector.broadcast %slice3A : vector<512x1xi32> to vector<512x128xi32>
    %eq3A_6 = arith.cmpi eq, %iota3A, %eq3A : vector<512x128xi32>
    %jit3A = arith.constant 1.000000e+00 : f32
    %jit3A_7 = arith.constant 0.000000e+00 : f32
    %broadcast_in_dim3A_8 = vector.broadcast %jit3A : f32 to vector<512x128xf32>
    %broadcast_in_dim3A_9 = vector.broadcast %jit3A_7 : f32 to vector<512x128xf32>
    %select_n3A = arith.select %eq3A_6, %broadcast_in_dim3A_8, %broadcast_in_dim3A_9 : vector<512x128xi1>, vector<512x128xf32>
    %slice3A_10 = vector.extract_strided_slice %get3A_4 {offsets = [0, 0], sizes = [128, 128], strides = [1, 1]} : vector<1152x128xf32> to vector<128x128xf32>
    %dot_general3A = arith.constant dense<0.000000e+00> : vector<512x128xf32>
    %dot_general3A_11 = tpu.matmul %select_n3A, %slice3A_10, %dot_general3A {dimension_numbers = #tpu.dot_dimension_numbers<[1], [0], [0], [1], [0, 0, 1, 1], [], []>, transpose_lhs_hint = false} : vector<512x128xf32>, vector<128x128xf32>, vector<512x128xf32> -> vector<512x128xf32>
    %add3A = arith.addf %broadcast_in_dim3A_5, %dot_general3A_11 : vector<512x128xf32>
    %slice3A_12 = vector.extract_strided_slice %get3A_1 {offsets = [0, 1], sizes = [512, 1], strides = [1, 1]} : vector<512x16xi32> to vector<512x1xi32>
    %eq3A_13 = vector.broadcast %slice3A_12 : vector<512x1xi32> to vector<512x128xi32>
    %eq3A_14 = arith.cmpi eq, %iota3A, %eq3A_13 : vector<512x128xi32>
    %jit3A_15 = arith.constant 1.000000e+00 : f32
    %jit3A_16 = arith.constant 0.000000e+00 : f32
    %broadcast_in_dim3A_17 = vector.broadcast %jit3A_15 : f32 to vector<512x128xf32>
    %broadcast_in_dim3A_18 = vector.broadcast %jit3A_16 : f32 to vector<512x128xf32>
    %select_n3A_19 = arith.select %eq3A_14, %broadcast_in_dim3A_17, %broadcast_in_dim3A_18 : vector<512x128xi1>, vector<512x128xf32>
    %slice3A_20 = vector.extract_strided_slice %get3A_4 {offsets = [128, 0], sizes = [128, 128], strides = [1, 1]} : vector<1152x128xf32> to vector<128x128xf32>
    %dot_general3A_21 = arith.constant dense<0.000000e+00> : vector<512x128xf32>
    %dot_general3A_22 = tpu.matmul %select_n3A_19, %slice3A_20, %dot_general3A_21 {dimension_numbers = #tpu.dot_dimension_numbers<[1], [0], [0], [1], [0, 0, 1, 1], [], []>, transpose_lhs_hint = false} : vector<512x128xf32>, vector<128x128xf32>, vector<512x128xf32> -> vector<512x128xf32>
    %add3A_23 = arith.addf %add3A, %dot_general3A_22 : vector<512x128xf32>
    %slice3A_24 = vector.extract_strided_slice %get3A_1 {offsets = [0, 2], sizes = [512, 1], strides = [1, 1]} : vector<512x16xi32> to vector<512x1xi32>
    %eq3A_25 = vector.broadcast %slice3A_24 : vector<512x1xi32> to vector<512x128xi32>
    %eq3A_26 = arith.cmpi eq, %iota3A, %eq3A_25 : vector<512x128xi32>
    %jit3A_27 = arith.constant 1.000000e+00 : f32
    %jit3A_28 = arith.constant 0.000000e+00 : f32
    %broadcast_in_dim3A_29 = vector.broadcast %jit3A_27 : f32 to vector<512x128xf32>
    %broadcast_in_dim3A_30 = vector.broadcast %jit3A_28 : f32 to vector<512x128xf32>
    %select_n3A_31 = arith.select %eq3A_26, %broadcast_in_dim3A_29, %broadcast_in_dim3A_30 : vector<512x128xi1>, vector<512x128xf32>
    %slice3A_32 = vector.extract_strided_slice %get3A_4 {offsets = [256, 0], sizes = [128, 128], strides = [1, 1]} : vector<1152x128xf32> to vector<128x128xf32>
    %dot_general3A_33 = arith.constant dense<0.000000e+00> : vector<512x128xf32>
    %dot_general3A_34 = tpu.matmul %select_n3A_31, %slice3A_32, %dot_general3A_33 {dimension_numbers = #tpu.dot_dimension_numbers<[1], [0], [0], [1], [0, 0, 1, 1], [], []>, transpose_lhs_hint = false} : vector<512x128xf32>, vector<128x128xf32>, vector<512x128xf32> -> vector<512x128xf32>
    %add3A_35 = arith.addf %add3A_23, %dot_general3A_34 : vector<512x128xf32>
    %slice3A_36 = vector.extract_strided_slice %get3A_1 {offsets = [0, 3], sizes = [512, 1], strides = [1, 1]} : vector<512x16xi32> to vector<512x1xi32>
    %eq3A_37 = vector.broadcast %slice3A_36 : vector<512x1xi32> to vector<512x128xi32>
    %eq3A_38 = arith.cmpi eq, %iota3A, %eq3A_37 : vector<512x128xi32>
    %jit3A_39 = arith.constant 1.000000e+00 : f32
    %jit3A_40 = arith.constant 0.000000e+00 : f32
    %broadcast_in_dim3A_41 = vector.broadcast %jit3A_39 : f32 to vector<512x128xf32>
    %broadcast_in_dim3A_42 = vector.broadcast %jit3A_40 : f32 to vector<512x128xf32>
    %select_n3A_43 = arith.select %eq3A_38, %broadcast_in_dim3A_41, %broadcast_in_dim3A_42 : vector<512x128xi1>, vector<512x128xf32>
    %slice3A_44 = vector.extract_strided_slice %get3A_4 {offsets = [384, 0], sizes = [128, 128], strides = [1, 1]} : vector<1152x128xf32> to vector<128x128xf32>
    %dot_general3A_45 = arith.constant dense<0.000000e+00> : vector<512x128xf32>
    %dot_general3A_46 = tpu.matmul %select_n3A_43, %slice3A_44, %dot_general3A_45 {dimension_numbers = #tpu.dot_dimension_numbers<[1], [0], [0], [1], [0, 0, 1, 1], [], []>, transpose_lhs_hint = false} : vector<512x128xf32>, vector<128x128xf32>, vector<512x128xf32> -> vector<512x128xf32>
    %add3A_47 = arith.addf %add3A_35, %dot_general3A_46 : vector<512x128xf32>
    %slice3A_48 = vector.extract_strided_slice %get3A_1 {offsets = [0, 4], sizes = [512, 1], strides = [1, 1]} : vector<512x16xi32> to vector<512x1xi32>
    %eq3A_49 = vector.broadcast %slice3A_48 : vector<512x1xi32> to vector<512x128xi32>
    %eq3A_50 = arith.cmpi eq, %iota3A, %eq3A_49 : vector<512x128xi32>
    %jit3A_51 = arith.constant 1.000000e+00 : f32
    %jit3A_52 = arith.constant 0.000000e+00 : f32
    %broadcast_in_dim3A_53 = vector.broadcast %jit3A_51 : f32 to vector<512x128xf32>
    %broadcast_in_dim3A_54 = vector.broadcast %jit3A_52 : f32 to vector<512x128xf32>
    %select_n3A_55 = arith.select %eq3A_50, %broadcast_in_dim3A_53, %broadcast_in_dim3A_54 : vector<512x128xi1>, vector<512x128xf32>
    %slice3A_56 = vector.extract_strided_slice %get3A_4 {offsets = [512, 0], sizes = [128, 128], strides = [1, 1]} : vector<1152x128xf32> to vector<128x128xf32>
    %dot_general3A_57 = arith.constant dense<0.000000e+00> : vector<512x128xf32>
    %dot_general3A_58 = tpu.matmul %select_n3A_55, %slice3A_56, %dot_general3A_57 {dimension_numbers = #tpu.dot_dimension_numbers<[1], [0], [0], [1], [0, 0, 1, 1], [], []>, transpose_lhs_hint = false} : vector<512x128xf32>, vector<128x128xf32>, vector<512x128xf32> -> vector<512x128xf32>
    %add3A_59 = arith.addf %add3A_47, %dot_general3A_58 : vector<512x128xf32>
    %slice3A_60 = vector.extract_strided_slice %get3A_1 {offsets = [0, 5], sizes = [512, 1], strides = [1, 1]} : vector<512x16xi32> to vector<512x1xi32>
    %eq3A_61 = vector.broadcast %slice3A_60 : vector<512x1xi32> to vector<512x128xi32>
    %eq3A_62 = arith.cmpi eq, %iota3A, %eq3A_61 : vector<512x128xi32>
    %jit3A_63 = arith.constant 1.000000e+00 : f32
    %jit3A_64 = arith.constant 0.000000e+00 : f32
    %broadcast_in_dim3A_65 = vector.broadcast %jit3A_63 : f32 to vector<512x128xf32>
    %broadcast_in_dim3A_66 = vector.broadcast %jit3A_64 : f32 to vector<512x128xf32>
    %select_n3A_67 = arith.select %eq3A_62, %broadcast_in_dim3A_65, %broadcast_in_dim3A_66 : vector<512x128xi1>, vector<512x128xf32>
    %slice3A_68 = vector.extract_strided_slice %get3A_4 {offsets = [640, 0], sizes = [128, 128], strides = [1, 1]} : vector<1152x128xf32> to vector<128x128xf32>
    %dot_general3A_69 = arith.constant dense<0.000000e+00> : vector<512x128xf32>
    %dot_general3A_70 = tpu.matmul %select_n3A_67, %slice3A_68, %dot_general3A_69 {dimension_numbers = #tpu.dot_dimension_numbers<[1], [0], [0], [1], [0, 0, 1, 1], [], []>, transpose_lhs_hint = false} : vector<512x128xf32>, vector<128x128xf32>, vector<512x128xf32> -> vector<512x128xf32>
    %add3A_71 = arith.addf %add3A_59, %dot_general3A_70 : vector<512x128xf32>
    %slice3A_72 = vector.extract_strided_slice %get3A_1 {offsets = [0, 6], sizes = [512, 1], strides = [1, 1]} : vector<512x16xi32> to vector<512x1xi32>
    %eq3A_73 = vector.broadcast %slice3A_72 : vector<512x1xi32> to vector<512x128xi32>
    %eq3A_74 = arith.cmpi eq, %iota3A, %eq3A_73 : vector<512x128xi32>
    %jit3A_75 = arith.constant 1.000000e+00 : f32
    %jit3A_76 = arith.constant 0.000000e+00 : f32
    %broadcast_in_dim3A_77 = vector.broadcast %jit3A_75 : f32 to vector<512x128xf32>
    %broadcast_in_dim3A_78 = vector.broadcast %jit3A_76 : f32 to vector<512x128xf32>
    %select_n3A_79 = arith.select %eq3A_74, %broadcast_in_dim3A_77, %broadcast_in_dim3A_78 : vector<512x128xi1>, vector<512x128xf32>
    %slice3A_80 = vector.extract_strided_slice %get3A_4 {offsets = [768, 0], sizes = [128, 128], strides = [1, 1]} : vector<1152x128xf32> to vector<128x128xf32>
    %dot_general3A_81 = arith.constant dense<0.000000e+00> : vector<512x128xf32>
    %dot_general3A_82 = tpu.matmul %select_n3A_79, %slice3A_80, %dot_general3A_81 {dimension_numbers = #tpu.dot_dimension_numbers<[1], [0], [0], [1], [0, 0, 1, 1], [], []>, transpose_lhs_hint = false} : vector<512x128xf32>, vector<128x128xf32>, vector<512x128xf32> -> vector<512x128xf32>
    %add3A_83 = arith.addf %add3A_71, %dot_general3A_82 : vector<512x128xf32>
    %slice3A_84 = vector.extract_strided_slice %get3A_1 {offsets = [0, 7], sizes = [512, 1], strides = [1, 1]} : vector<512x16xi32> to vector<512x1xi32>
    %eq3A_85 = vector.broadcast %slice3A_84 : vector<512x1xi32> to vector<512x128xi32>
    %eq3A_86 = arith.cmpi eq, %iota3A, %eq3A_85 : vector<512x128xi32>
    %jit3A_87 = arith.constant 1.000000e+00 : f32
    %jit3A_88 = arith.constant 0.000000e+00 : f32
    %broadcast_in_dim3A_89 = vector.broadcast %jit3A_87 : f32 to vector<512x128xf32>
    %broadcast_in_dim3A_90 = vector.broadcast %jit3A_88 : f32 to vector<512x128xf32>
    %select_n3A_91 = arith.select %eq3A_86, %broadcast_in_dim3A_89, %broadcast_in_dim3A_90 : vector<512x128xi1>, vector<512x128xf32>
    %slice3A_92 = vector.extract_strided_slice %get3A_4 {offsets = [896, 0], sizes = [128, 128], strides = [1, 1]} : vector<1152x128xf32> to vector<128x128xf32>
    %dot_general3A_93 = arith.constant dense<0.000000e+00> : vector<512x128xf32>
    %dot_general3A_94 = tpu.matmul %select_n3A_91, %slice3A_92, %dot_general3A_93 {dimension_numbers = #tpu.dot_dimension_numbers<[1], [0], [0], [1], [0, 0, 1, 1], [], []>, transpose_lhs_hint = false} : vector<512x128xf32>, vector<128x128xf32>, vector<512x128xf32> -> vector<512x128xf32>
    %add3A_95 = arith.addf %add3A_83, %dot_general3A_94 : vector<512x128xf32>
    %slice3A_96 = vector.extract_strided_slice %get3A_1 {offsets = [0, 8], sizes = [512, 1], strides = [1, 1]} : vector<512x16xi32> to vector<512x1xi32>
    %eq3A_97 = vector.broadcast %slice3A_96 : vector<512x1xi32> to vector<512x128xi32>
    %eq3A_98 = arith.cmpi eq, %iota3A, %eq3A_97 : vector<512x128xi32>
    %jit3A_99 = arith.constant 1.000000e+00 : f32
    %jit3A_100 = arith.constant 0.000000e+00 : f32
    %broadcast_in_dim3A_101 = vector.broadcast %jit3A_99 : f32 to vector<512x128xf32>
    %broadcast_in_dim3A_102 = vector.broadcast %jit3A_100 : f32 to vector<512x128xf32>
    %select_n3A_103 = arith.select %eq3A_98, %broadcast_in_dim3A_101, %broadcast_in_dim3A_102 : vector<512x128xi1>, vector<512x128xf32>
    %slice3A_104 = vector.extract_strided_slice %get3A_4 {offsets = [1024, 0], sizes = [128, 128], strides = [1, 1]} : vector<1152x128xf32> to vector<128x128xf32>
    %dot_general3A_105 = arith.constant dense<0.000000e+00> : vector<512x128xf32>
    %dot_general3A_106 = tpu.matmul %select_n3A_103, %slice3A_104, %dot_general3A_105 {dimension_numbers = #tpu.dot_dimension_numbers<[1], [0], [0], [1], [0, 0, 1, 1], [], []>, transpose_lhs_hint = false} : vector<512x128xf32>, vector<128x128xf32>, vector<512x128xf32> -> vector<512x128xf32>
    %add3A_107 = arith.addf %add3A_95, %dot_general3A_106 : vector<512x128xf32>
    %get3A_108 = arith.constant 0 : index
    %get3A_109 = arith.constant 0 : index
    %get3A_110 = vector.load %arg3[%get3A_108, %get3A_109] : memref<128x128xf32, #tpu.memory_space<vmem>>, vector<128x128xf32>
    %dot_general3A_111 = arith.constant dense<0.000000e+00> : vector<512x128xf32>
    %dot_general3A_112 = tpu.matmul %add3A_107, %get3A_110, %dot_general3A_111 {dimension_numbers = #tpu.dot_dimension_numbers<[1], [1], [0], [0], [0, 0, 1, 0], [], []>, transpose_lhs_hint = false} : vector<512x128xf32>, vector<128x128xf32>, vector<512x128xf32> -> vector<512x128xf32>
    %get3A_113 = arith.constant 0 : index
    %get3A_114 = arith.constant 0 : index
    %get3A_115 = vector.load %arg4[%get3A_113, %get3A_114] : memref<1x128xf32, #tpu.memory_space<vmem>>, vector<1x128xf32>
    %add3A_116 = vector.broadcast %get3A_115 : vector<1x128xf32> to vector<512x128xf32>
    %add3A_117 = arith.addf %dot_general3A_112, %add3A_116 : vector<512x128xf32>
    %swap3A = arith.constant 0 : index
    %swap3A_118 = arith.constant 0 : index
    %swap3A_119 = vector.load %arg5[%swap3A, %swap3A_118] : memref<512x128xf32, #tpu.memory_space<vmem>>, vector<512x128xf32>
    tpu.vector_store %arg5[%swap3A, %swap3A_118], %add3A_117 {strides = array<i32>} : memref<512x128xf32, #tpu.memory_space<vmem>>, vector<512x128xf32>,
    return
  }
  func.func @transform_0(%arg0: i32) -> (i32, i32) {
    %c0_i32 = arith.constant 0 : i32
    %c0_i32_0 = arith.constant 0 : i32
    return %arg0, %c0_i32 : i32, i32
  }
  func.func @transform_1(%arg0: i32) -> (i32, i32) {
    %c0_i32 = arith.constant 0 : i32
    %c0_i32_0 = arith.constant 0 : i32
    %c0_i32_1 = arith.constant 0 : i32
    return %c0_i32, %c0_i32_0 : i32, i32
  }
  func.func @transform_2(%arg0: i32) -> (i32, i32) {
    %c0_i32 = arith.constant 0 : i32
    %c0_i32_0 = arith.constant 0 : i32
    %c0_i32_1 = arith.constant 0 : i32
    return %c0_i32, %c0_i32_0 : i32, i32
  }
  func.func @transform_3(%arg0: i32) -> (i32, i32) {
    %c0_i32 = arith.constant 0 : i32
    %c0_i32_0 = arith.constant 0 : i32
    %c0_i32_1 = arith.constant 0 : i32
    return %c0_i32, %c0_i32_0 : i32, i32
  }
  func.func @transform_4(%arg0: i32) -> (i32, i32) {
    %c0_i32 = arith.constant 0 : i32
    %c0_i32_0 = arith.constant 0 : i32
    return %arg0, %c0_i32 : i32, i32
  }
}

module attributes {stable_mosaic.version = 14 : i64} {
  func.func @_t0b_body(%arg0: i32, %arg1: memref<512x128xf32, #tpu.memory_space<vmem>>, %arg2: memref<2x512x128xf32, #tpu.memory_space<vmem>>, %arg3: memref<1x128xf32, #tpu.memory_space<vmem>>, %arg4: memref<512x128xf32, #tpu.memory_space<vmem>>, %arg5: memref<512x128xf32, #tpu.memory_space<vmem>>, %arg6: memref<512x1xf32, #tpu.memory_space<vmem>>, %arg7: memref<512x1xf32, #tpu.memory_space<vmem>>) attributes {dimension_semantics = [#tpu.dimension_semantics<arbitrary>], iteration_bounds = array<i64: 20>, scalar_prefetch = 0 : i64, scratch_operands = 0 : i64, tpu.core_type = #tpu.core_type<tc>, window_params = [{transform_indices = @transform_0, window_bounds = array<i64: 512, 128>}, {transform_indices = @transform_1, window_bounds = array<i64: 2, 512, 128>}, {pipeline_mode = #tpu.pipeline_mode<synchronous>, transform_indices = @transform_2, window_bounds = array<i64: 1, 128>}, {transform_indices = @transform_3, window_bounds = array<i64: 512, 128>}, {transform_indices = @transform_4, window_bounds = array<i64: 512, 128>}, {transform_indices = @transform_5, window_bounds = array<i64: 512, 1>}, {transform_indices = @transform_6, window_bounds = array<i64: 512, 1>}]} {
    %get3A = arith.constant 0 : index
    %get3A_0 = arith.constant 0 : index
    %get3A_1 = arith.constant 0 : index
    %get3A_2 = vector.load %arg2[%get3A, %get3A_0, %get3A_1] : memref<2x512x128xf32, #tpu.memory_space<vmem>>, vector<2x512x128xf32>
    %slice3A = vector.extract_strided_slice %get3A_2 {offsets = [0, 0, 0], sizes = [1, 512, 1], strides = [1, 1, 1]} : vector<2x512x128xf32> to vector<1x512x1xf32>
    %squeeze3A = vector.shape_cast %slice3A : vector<1x512x1xf32> to vector<512x1xf32>
    %slice3A_3 = vector.extract_strided_slice %get3A_2 {offsets = [1, 0, 0], sizes = [1, 512, 1], strides = [1, 1, 1]} : vector<2x512x128xf32> to vector<1x512x1xf32>
    %squeeze3A_4 = vector.shape_cast %slice3A_3 : vector<1x512x1xf32> to vector<512x1xf32>
    %add3A = arith.addf %squeeze3A, %squeeze3A_4 : vector<512x1xf32>
    %add3A_5 = arith.constant 1.000000e+00 : f32
    %add3A_6 = vector.broadcast %add3A_5 : f32 to vector<512x1xf32>
    %add3A_7 = arith.addf %add3A, %add3A_6 : vector<512x1xf32>
    %rsqrt3A = math.rsqrt %add3A_7 : vector<512x1xf32>
    %get3A_8 = arith.constant 0 : index
    %get3A_9 = arith.constant 0 : index
    %get3A_10 = vector.load %arg1[%get3A_8, %get3A_9] : memref<512x128xf32, #tpu.memory_space<vmem>>, vector<512x128xf32>
    %max3A = arith.constant 0.000000e+00 : f32
    %max3A_11 = vector.broadcast %max3A : f32 to vector<512x128xf32>
    %max3A_12 = arith.maximumf %get3A_10, %max3A_11 : vector<512x128xf32>
    %mul3A = vector.broadcast %rsqrt3A : vector<512x1xf32> to vector<512x128xf32>
    %mul3A_13 = arith.mulf %mul3A, %max3A_12 : vector<512x128xf32>
    %swap3A = arith.constant 0 : index
    %swap3A_14 = arith.constant 0 : index
    %swap3A_15 = vector.load %arg4[%swap3A, %swap3A_14] : memref<512x128xf32, #tpu.memory_space<vmem>>, vector<512x128xf32>
    tpu.vector_store %arg4[%swap3A, %swap3A_14], %mul3A_13 {strides = array<i32>} : memref<512x128xf32, #tpu.memory_space<vmem>>, vector<512x128xf32>,
    %get3A_16 = arith.constant 0 : index
    %get3A_17 = arith.constant 0 : index
    %get3A_18 = vector.load %arg3[%get3A_16, %get3A_17] : memref<1x128xf32, #tpu.memory_space<vmem>>, vector<1x128xf32>
    %add3A_19 = vector.broadcast %get3A_18 : vector<1x128xf32> to vector<512x128xf32>
    %add3A_20 = arith.addf %get3A_10, %add3A_19 : vector<512x128xf32>
    %max3A_21 = arith.constant 0.000000e+00 : f32
    %max3A_22 = vector.broadcast %max3A_21 : f32 to vector<512x128xf32>
    %max3A_23 = arith.maximumf %add3A_20, %max3A_22 : vector<512x128xf32>
    %div3A = vector.broadcast %add3A_7 : vector<512x1xf32> to vector<512x128xf32>
    %div3A_24 = arith.divf %max3A_23, %div3A : vector<512x128xf32>
    %swap3A_25 = arith.constant 0 : index
    %swap3A_26 = arith.constant 0 : index
    %swap3A_27 = vector.load %arg5[%swap3A_25, %swap3A_26] : memref<512x128xf32, #tpu.memory_space<vmem>>, vector<512x128xf32>
    tpu.vector_store %arg5[%swap3A_25, %swap3A_26], %div3A_24 {strides = array<i32>} : memref<512x128xf32, #tpu.memory_space<vmem>>, vector<512x128xf32>,
    %swap3A_28 = arith.constant 0 : index
    %swap3A_29 = arith.constant 0 : index
    %swap3A_30 = vector.load %arg6[%swap3A_28, %swap3A_29] : memref<512x1xf32, #tpu.memory_space<vmem>>, vector<512x1xf32>
    tpu.vector_store %arg6[%swap3A_28, %swap3A_29], %add3A_7 {strides = array<i32>} : memref<512x1xf32, #tpu.memory_space<vmem>>, vector<512x1xf32>,
    %swap3A_31 = arith.constant 0 : index
    %swap3A_32 = arith.constant 0 : index
    %swap3A_33 = vector.load %arg7[%swap3A_31, %swap3A_32] : memref<512x1xf32, #tpu.memory_space<vmem>>, vector<512x1xf32>
    tpu.vector_store %arg7[%swap3A_31, %swap3A_32], %rsqrt3A {strides = array<i32>} : memref<512x1xf32, #tpu.memory_space<vmem>>, vector<512x1xf32>,
    return
  }
  func.func @transform_0(%arg0: i32) -> (i32, i32) {
    %c0_i32 = arith.constant 0 : i32
    %c0_i32_0 = arith.constant 0 : i32
    return %arg0, %c0_i32 : i32, i32
  }
  func.func @transform_1(%arg0: i32) -> (i32, i32, i32) {
    %c0_i32 = arith.constant 0 : i32
    %c0_i32_0 = arith.constant 0 : i32
    %c0_i32_1 = arith.constant 0 : i32
    return %c0_i32, %arg0, %c0_i32_0 : i32, i32, i32
  }
  func.func @transform_2(%arg0: i32) -> (i32, i32) {
    %c0_i32 = arith.constant 0 : i32
    %c0_i32_0 = arith.constant 0 : i32
    %c0_i32_1 = arith.constant 0 : i32
    return %c0_i32, %c0_i32_0 : i32, i32
  }
  func.func @transform_3(%arg0: i32) -> (i32, i32) {
    %c0_i32 = arith.constant 0 : i32
    %c0_i32_0 = arith.constant 0 : i32
    return %arg0, %c0_i32 : i32, i32
  }
  func.func @transform_4(%arg0: i32) -> (i32, i32) {
    %c0_i32 = arith.constant 0 : i32
    %c0_i32_0 = arith.constant 0 : i32
    return %arg0, %c0_i32 : i32, i32
  }
  func.func @transform_5(%arg0: i32) -> (i32, i32) {
    %c0_i32 = arith.constant 0 : i32
    %c0_i32_0 = arith.constant 0 : i32
    return %arg0, %c0_i32 : i32, i32
  }
  func.func @transform_6(%arg0: i32) -> (i32, i32) {
    %c0_i32 = arith.constant 0 : i32
    %c0_i32_0 = arith.constant 0 : i32
    return %arg0, %c0_i32 : i32, i32
  }
}

module attributes {stable_mosaic.version = 14 : i64} {
  func.func @_tmid_body(%arg0: i32, %arg1: memref<2x512x128xf32, #tpu.memory_space<vmem>>, %arg2: memref<512x128xf32, #tpu.memory_space<vmem>>, %arg3: memref<512x1xf32, #tpu.memory_space<vmem>>, %arg4: memref<512x1xf32, #tpu.memory_space<vmem>>, %arg5: memref<1x128xf32, #tpu.memory_space<vmem>>, %arg6: memref<1x128xf32, #tpu.memory_space<vmem>>, %arg7: memref<128x128xf32, #tpu.memory_space<vmem>>, %arg8: memref<1x128xf32, #tpu.memory_space<vmem>>, %arg9: memref<1x128xf32, #tpu.memory_space<vmem>>, %arg10: memref<512x128xf32, #tpu.memory_space<vmem>>, %arg11: memref<512x128xf32, #tpu.memory_space<vmem>>) attributes {dimension_semantics = [#tpu.dimension_semantics<arbitrary>], iteration_bounds = array<i64: 20>, scalar_prefetch = 0 : i64, scratch_operands = 0 : i64, tpu.core_type = #tpu.core_type<tc>, window_params = [{transform_indices = @transform_0, window_bounds = array<i64: 2, 512, 128>}, {transform_indices = @transform_1, window_bounds = array<i64: 512, 128>}, {transform_indices = @transform_2, window_bounds = array<i64: 512, 1>}, {transform_indices = @transform_3, window_bounds = array<i64: 512, 1>}, {pipeline_mode = #tpu.pipeline_mode<synchronous>, transform_indices = @transform_4, window_bounds = array<i64: 1, 128>}, {pipeline_mode = #tpu.pipeline_mode<synchronous>, transform_indices = @transform_5, window_bounds = array<i64: 1, 128>}, {pipeline_mode = #tpu.pipeline_mode<synchronous>, transform_indices = @transform_6, window_bounds = array<i64: 128, 128>}, {pipeline_mode = #tpu.pipeline_mode<synchronous>, transform_indices = @transform_7, window_bounds = array<i64: 1, 128>}, {pipeline_mode = #tpu.pipeline_mode<synchronous>, transform_indices = @transform_8, window_bounds = array<i64: 1, 128>}, {transform_indices = @transform_9, window_bounds = array<i64: 512, 128>}, {transform_indices = @transform_10, window_bounds = array<i64: 512, 128>}]} {
    %get3A = arith.constant 0 : index
    %get3A_0 = arith.constant 0 : index
    %get3A_1 = arith.constant 0 : index
    %get3A_2 = vector.load %arg1[%get3A, %get3A_0, %get3A_1] : memref<2x512x128xf32, #tpu.memory_space<vmem>>, vector<2x512x128xf32>
    %get3A_3 = arith.constant 0 : index
    %get3A_4 = arith.constant 0 : index
    %get3A_5 = vector.load %arg3[%get3A_3, %get3A_4] : memref<512x1xf32, #tpu.memory_space<vmem>>, vector<512x1xf32>
    %slice3A = vector.extract_strided_slice %get3A_2 {offsets = [0, 0, 0], sizes = [1, 512, 128], strides = [1, 1, 1]} : vector<2x512x128xf32> to vector<1x512x128xf32>
    %squeeze3A = vector.shape_cast %slice3A : vector<1x512x128xf32> to vector<512x128xf32>
    %slice3A_6 = vector.extract_strided_slice %get3A_2 {offsets = [1, 0, 0], sizes = [1, 512, 128], strides = [1, 1, 1]} : vector<2x512x128xf32> to vector<1x512x128xf32>
    %squeeze3A_7 = vector.shape_cast %slice3A_6 : vector<1x512x128xf32> to vector<512x128xf32>
    %add3A = arith.addf %squeeze3A, %squeeze3A_7 : vector<512x128xf32>
    %mul3A = vector.broadcast %get3A_5 : vector<512x1xf32> to vector<512x128xf32>
    %mul3A_8 = arith.mulf %mul3A, %add3A : vector<512x128xf32>
    %get3A_9 = arith.constant 0 : index
    %get3A_10 = arith.constant 0 : index
    %get3A_11 = vector.load %arg2[%get3A_9, %get3A_10] : memref<512x128xf32, #tpu.memory_space<vmem>>, vector<512x128xf32>
    %add3A_12 = arith.addf %mul3A_8, %get3A_11 : vector<512x128xf32>
    %get3A_13 = arith.constant 0 : index
    %get3A_14 = arith.constant 0 : index
    %get3A_15 = vector.load %arg5[%get3A_13, %get3A_14] : memref<1x128xf32, #tpu.memory_space<vmem>>, vector<1x128xf32>
    %mul3A_16 = vector.broadcast %get3A_15 : vector<1x128xf32> to vector<512x128xf32>
    %mul3A_17 = arith.mulf %mul3A_16, %add3A_12 : vector<512x128xf32>
    %get3A_18 = arith.constant 0 : index
    %get3A_19 = arith.constant 0 : index
    %get3A_20 = vector.load %arg6[%get3A_18, %get3A_19] : memref<1x128xf32, #tpu.memory_space<vmem>>, vector<1x128xf32>
    %add3A_21 = vector.broadcast %get3A_20 : vector<1x128xf32> to vector<512x128xf32>
    %add3A_22 = arith.addf %mul3A_17, %add3A_21 : vector<512x128xf32>
    %max3A = arith.constant 0.000000e+00 : f32
    %max3A_23 = vector.broadcast %max3A : f32 to vector<512x128xf32>
    %max3A_24 = arith.maximumf %add3A_22, %max3A_23 : vector<512x128xf32>
    %get3A_25 = arith.constant 0 : index
    %get3A_26 = arith.constant 0 : index
    %get3A_27 = vector.load %arg7[%get3A_25, %get3A_26] : memref<128x128xf32, #tpu.memory_space<vmem>>, vector<128x128xf32>
    %dot_general3A = arith.constant dense<0.000000e+00> : vector<512x128xf32>
    %dot_general3A_28 = tpu.matmul %max3A_24, %get3A_27, %dot_general3A {dimension_numbers = #tpu.dot_dimension_numbers<[1], [1], [0], [0], [0, 0, 1, 0], [], []>, transpose_lhs_hint = false} : vector<512x128xf32>, vector<128x128xf32>, vector<512x128xf32> -> vector<512x128xf32>
    %get3A_29 = arith.constant 0 : index
    %get3A_30 = arith.constant 0 : index
    %get3A_31 = vector.load %arg8[%get3A_29, %get3A_30] : memref<1x128xf32, #tpu.memory_space<vmem>>, vector<1x128xf32>
    %add3A_32 = vector.broadcast %get3A_31 : vector<1x128xf32> to vector<512x128xf32>
    %add3A_33 = arith.addf %dot_general3A_28, %add3A_32 : vector<512x128xf32>
    %get3A_34 = arith.constant 0 : index
    %get3A_35 = arith.constant 0 : index
    %get3A_36 = vector.load %arg3[%get3A_34, %get3A_35] : memref<512x1xf32, #tpu.memory_space<vmem>>, vector<512x1xf32>
    %max3A_37 = arith.constant 0.000000e+00 : f32
    %max3A_38 = vector.broadcast %max3A_37 : f32 to vector<512x128xf32>
    %max3A_39 = arith.maximumf %add3A_33, %max3A_38 : vector<512x128xf32>
    %mul3A_40 = vector.broadcast %get3A_36 : vector<512x1xf32> to vector<512x128xf32>
    %mul3A_41 = arith.mulf %mul3A_40, %max3A_39 : vector<512x128xf32>
    %swap3A = arith.constant 0 : index
    %swap3A_42 = arith.constant 0 : index
    %swap3A_43 = vector.load %arg10[%swap3A, %swap3A_42] : memref<512x128xf32, #tpu.memory_space<vmem>>, vector<512x128xf32>
    tpu.vector_store %arg10[%swap3A, %swap3A_42], %mul3A_41 {strides = array<i32>} : memref<512x128xf32, #tpu.memory_space<vmem>>, vector<512x128xf32>,
    %get3A_44 = arith.constant 0 : index
    %get3A_45 = arith.constant 0 : index
    %get3A_46 = vector.load %arg9[%get3A_44, %get3A_45] : memref<1x128xf32, #tpu.memory_space<vmem>>, vector<1x128xf32>
    %add3A_47 = vector.broadcast %get3A_46 : vector<1x128xf32> to vector<512x128xf32>
    %add3A_48 = arith.addf %add3A_33, %add3A_47 : vector<512x128xf32>
    %max3A_49 = arith.constant 0.000000e+00 : f32
    %max3A_50 = vector.broadcast %max3A_49 : f32 to vector<512x128xf32>
    %max3A_51 = arith.maximumf %add3A_48, %max3A_50 : vector<512x128xf32>
    %get3A_52 = arith.constant 0 : index
    %get3A_53 = arith.constant 0 : index
    %get3A_54 = vector.load %arg4[%get3A_52, %get3A_53] : memref<512x1xf32, #tpu.memory_space<vmem>>, vector<512x1xf32>
    %div3A = vector.broadcast %get3A_54 : vector<512x1xf32> to vector<512x128xf32>
    %div3A_55 = arith.divf %max3A_51, %div3A : vector<512x128xf32>
    %swap3A_56 = arith.constant 0 : index
    %swap3A_57 = arith.constant 0 : index
    %swap3A_58 = vector.load %arg11[%swap3A_56, %swap3A_57] : memref<512x128xf32, #tpu.memory_space<vmem>>, vector<512x128xf32>
    tpu.vector_store %arg11[%swap3A_56, %swap3A_57], %div3A_55 {strides = array<i32>} : memref<512x128xf32, #tpu.memory_space<vmem>>, vector<512x128xf32>,
    return
  }
  func.func @transform_0(%arg0: i32) -> (i32, i32, i32) {
    %c0_i32 = arith.constant 0 : i32
    %c0_i32_0 = arith.constant 0 : i32
    %c0_i32_1 = arith.constant 0 : i32
    return %c0_i32, %arg0, %c0_i32_0 : i32, i32, i32
  }
  func.func @transform_1(%arg0: i32) -> (i32, i32) {
    %c0_i32 = arith.constant 0 : i32
    %c0_i32_0 = arith.constant 0 : i32
    return %arg0, %c0_i32 : i32, i32
  }
  func.func @transform_2(%arg0: i32) -> (i32, i32) {
    %c0_i32 = arith.constant 0 : i32
    %c0_i32_0 = arith.constant 0 : i32
    return %arg0, %c0_i32 : i32, i32
  }
  func.func @transform_3(%arg0: i32) -> (i32, i32) {
    %c0_i32 = arith.constant 0 : i32
    %c0_i32_0 = arith.constant 0 : i32
    return %arg0, %c0_i32 : i32, i32
  }
  func.func @transform_4(%arg0: i32) -> (i32, i32) {
    %c0_i32 = arith.constant 0 : i32
    %c0_i32_0 = arith.constant 0 : i32
    %c0_i32_1 = arith.constant 0 : i32
    return %c0_i32, %c0_i32_0 : i32, i32
  }
  func.func @transform_5(%arg0: i32) -> (i32, i32) {
    %c0_i32 = arith.constant 0 : i32
    %c0_i32_0 = arith.constant 0 : i32
    %c0_i32_1 = arith.constant 0 : i32
    return %c0_i32, %c0_i32_0 : i32, i32
  }
  func.func @transform_6(%arg0: i32) -> (i32, i32) {
    %c0_i32 = arith.constant 0 : i32
    %c0_i32_0 = arith.constant 0 : i32
    %c0_i32_1 = arith.constant 0 : i32
    return %c0_i32, %c0_i32_0 : i32, i32
  }
  func.func @transform_7(%arg0: i32) -> (i32, i32) {
    %c0_i32 = arith.constant 0 : i32
    %c0_i32_0 = arith.constant 0 : i32
    %c0_i32_1 = arith.constant 0 : i32
    return %c0_i32, %c0_i32_0 : i32, i32
  }
  func.func @transform_8(%arg0: i32) -> (i32, i32) {
    %c0_i32 = arith.constant 0 : i32
    %c0_i32_0 = arith.constant 0 : i32
    %c0_i32_1 = arith.constant 0 : i32
    return %c0_i32, %c0_i32_0 : i32, i32
  }
  func.func @transform_9(%arg0: i32) -> (i32, i32) {
    %c0_i32 = arith.constant 0 : i32
    %c0_i32_0 = arith.constant 0 : i32
    return %arg0, %c0_i32 : i32, i32
  }
  func.func @transform_10(%arg0: i32) -> (i32, i32) {
    %c0_i32 = arith.constant 0 : i32
    %c0_i32_0 = arith.constant 0 : i32
    return %arg0, %c0_i32 : i32, i32
  }
}

module attributes {stable_mosaic.version = 14 : i64} {
  func.func @_t3_body(%arg0: i32, %arg1: memref<2x512x128xf32, #tpu.memory_space<vmem>>, %arg2: memref<512x128xf32, #tpu.memory_space<vmem>>, %arg3: memref<512x1xf32, #tpu.memory_space<vmem>>, %arg4: memref<512x128xf32, #tpu.memory_space<vmem>>) attributes {dimension_semantics = [#tpu.dimension_semantics<arbitrary>], iteration_bounds = array<i64: 20>, scalar_prefetch = 0 : i64, scratch_operands = 0 : i64, tpu.core_type = #tpu.core_type<tc>, window_params = [{transform_indices = @transform_0, window_bounds = array<i64: 2, 512, 128>}, {transform_indices = @transform_1, window_bounds = array<i64: 512, 128>}, {transform_indices = @transform_2, window_bounds = array<i64: 512, 1>}, {transform_indices = @transform_3, window_bounds = array<i64: 512, 128>}]} {
    %get3A = arith.constant 0 : index
    %get3A_0 = arith.constant 0 : index
    %get3A_1 = arith.constant 0 : index
    %get3A_2 = vector.load %arg1[%get3A, %get3A_0, %get3A_1] : memref<2x512x128xf32, #tpu.memory_space<vmem>>, vector<2x512x128xf32>
    %get3A_3 = arith.constant 0 : index
    %get3A_4 = arith.constant 0 : index
    %get3A_5 = vector.load %arg3[%get3A_3, %get3A_4] : memref<512x1xf32, #tpu.memory_space<vmem>>, vector<512x1xf32>
    %slice3A = vector.extract_strided_slice %get3A_2 {offsets = [0, 0, 0], sizes = [1, 512, 128], strides = [1, 1, 1]} : vector<2x512x128xf32> to vector<1x512x128xf32>
    %squeeze3A = vector.shape_cast %slice3A : vector<1x512x128xf32> to vector<512x128xf32>
    %slice3A_6 = vector.extract_strided_slice %get3A_2 {offsets = [1, 0, 0], sizes = [1, 512, 128], strides = [1, 1, 1]} : vector<2x512x128xf32> to vector<1x512x128xf32>
    %squeeze3A_7 = vector.shape_cast %slice3A_6 : vector<1x512x128xf32> to vector<512x128xf32>
    %add3A = arith.addf %squeeze3A, %squeeze3A_7 : vector<512x128xf32>
    %mul3A = vector.broadcast %get3A_5 : vector<512x1xf32> to vector<512x128xf32>
    %mul3A_8 = arith.mulf %mul3A, %add3A : vector<512x128xf32>
    %get3A_9 = arith.constant 0 : index
    %get3A_10 = arith.constant 0 : index
    %get3A_11 = vector.load %arg2[%get3A_9, %get3A_10] : memref<512x128xf32, #tpu.memory_space<vmem>>, vector<512x128xf32>
    %add3A_12 = arith.addf %mul3A_8, %get3A_11 : vector<512x128xf32>
    %swap3A = arith.constant 0 : index
    %swap3A_13 = arith.constant 0 : index
    %swap3A_14 = vector.load %arg4[%swap3A, %swap3A_13] : memref<512x128xf32, #tpu.memory_space<vmem>>, vector<512x128xf32>
    tpu.vector_store %arg4[%swap3A, %swap3A_13], %add3A_12 {strides = array<i32>} : memref<512x128xf32, #tpu.memory_space<vmem>>, vector<512x128xf32>,
    return
  }
  func.func @transform_0(%arg0: i32) -> (i32, i32, i32) {
    %c0_i32 = arith.constant 0 : i32
    %c0_i32_0 = arith.constant 0 : i32
    %c0_i32_1 = arith.constant 0 : i32
    return %c0_i32, %arg0, %c0_i32_0 : i32, i32, i32
  }
  func.func @transform_1(%arg0: i32) -> (i32, i32) {
    %c0_i32 = arith.constant 0 : i32
    %c0_i32_0 = arith.constant 0 : i32
    return %arg0, %c0_i32 : i32, i32
  }
  func.func @transform_2(%arg0: i32) -> (i32, i32) {
    %c0_i32 = arith.constant 0 : i32
    %c0_i32_0 = arith.constant 0 : i32
    return %arg0, %c0_i32 : i32, i32
  }
  func.func @transform_3(%arg0: i32) -> (i32, i32) {
    %c0_i32 = arith.constant 0 : i32
    %c0_i32_0 = arith.constant 0 : i32
    return %arg0, %c0_i32 : i32, i32
  }
}

module attributes {stable_mosaic.version = 14 : i64} {
  func.func @_t4_body(%arg0: memref<2x256x128xf32, #tpu.memory_space<vmem>>, %arg1: memref<2x256x128xf32, #tpu.memory_space<vmem>>, %arg2: memref<128x128xf32, #tpu.memory_space<vmem>>, %arg3: memref<1x128xf32, #tpu.memory_space<vmem>>, %arg4: memref<128x128xf32, #tpu.memory_space<vmem>>, %arg5: memref<1x128xf32, #tpu.memory_space<vmem>>, %arg6: memref<256x128xf32, #tpu.memory_space<vmem>>) attributes {dimension_semantics = [], scalar_prefetch = 0 : i64, scratch_operands = 0 : i64, tpu.core_type = #tpu.core_type<tc>} {
    %get3A = arith.constant 0 : index
    %get3A_0 = arith.constant 0 : index
    %get3A_1 = arith.constant 0 : index
    %get3A_2 = vector.load %arg0[%get3A, %get3A_0, %get3A_1] : memref<2x256x128xf32, #tpu.memory_space<vmem>>, vector<2x256x128xf32>
    %get3A_3 = arith.constant 0 : index
    %get3A_4 = arith.constant 0 : index
    %get3A_5 = arith.constant 0 : index
    %get3A_6 = vector.load %arg1[%get3A_3, %get3A_4, %get3A_5] : memref<2x256x128xf32, #tpu.memory_space<vmem>>, vector<2x256x128xf32>
    %slice3A = vector.extract_strided_slice %get3A_6 {offsets = [0, 0, 0], sizes = [1, 256, 1], strides = [1, 1, 1]} : vector<2x256x128xf32> to vector<1x256x1xf32>
    %squeeze3A = vector.shape_cast %slice3A : vector<1x256x1xf32> to vector<256x1xf32>
    %slice3A_7 = vector.extract_strided_slice %get3A_6 {offsets = [1, 0, 0], sizes = [1, 256, 1], strides = [1, 1, 1]} : vector<2x256x128xf32> to vector<1x256x1xf32>
    %squeeze3A_8 = vector.shape_cast %slice3A_7 : vector<1x256x1xf32> to vector<256x1xf32>
    %add3A = arith.addf %squeeze3A, %squeeze3A_8 : vector<256x1xf32>
    %max3A = arith.constant 1.000000e+00 : f32
    %max3A_9 = vector.broadcast %max3A : f32 to vector<256x1xf32>
    %max3A_10 = arith.maximumf %add3A, %max3A_9 : vector<256x1xf32>
    %slice3A_11 = vector.extract_strided_slice %get3A_2 {offsets = [0, 0, 0], sizes = [1, 256, 128], strides = [1, 1, 1]} : vector<2x256x128xf32> to vector<1x256x128xf32>
    %squeeze3A_12 = vector.shape_cast %slice3A_11 : vector<1x256x128xf32> to vector<256x128xf32>
    %slice3A_13 = vector.extract_strided_slice %get3A_2 {offsets = [1, 0, 0], sizes = [1, 256, 128], strides = [1, 1, 1]} : vector<2x256x128xf32> to vector<1x256x128xf32>
    %squeeze3A_14 = vector.shape_cast %slice3A_13 : vector<1x256x128xf32> to vector<256x128xf32>
    %add3A_15 = arith.addf %squeeze3A_12, %squeeze3A_14 : vector<256x128xf32>
    %div3A = vector.broadcast %max3A_10 : vector<256x1xf32> to vector<256x128xf32>
    %div3A_16 = arith.divf %add3A_15, %div3A : vector<256x128xf32>
    %max3A_17 = arith.constant 0.000000e+00 : f32
    %max3A_18 = vector.broadcast %max3A_17 : f32 to vector<256x128xf32>
    %max3A_19 = arith.maximumf %div3A_16, %max3A_18 : vector<256x128xf32>
    %get3A_20 = arith.constant 0 : index
    %get3A_21 = arith.constant 0 : index
    %get3A_22 = vector.load %arg2[%get3A_20, %get3A_21] : memref<128x128xf32, #tpu.memory_space<vmem>>, vector<128x128xf32>
    %dot_general3A = arith.constant dense<0.000000e+00> : vector<256x128xf32>
    %dot_general3A_23 = tpu.matmul %max3A_19, %get3A_22, %dot_general3A {dimension_numbers = #tpu.dot_dimension_numbers<[1], [1], [0], [0], [0, 0, 1, 0], [], []>, transpose_lhs_hint = false} : vector<256x128xf32>, vector<128x128xf32>, vector<256x128xf32> -> vector<256x128xf32>
    %get3A_24 = arith.constant 0 : index
    %get3A_25 = arith.constant 0 : index
    %get3A_26 = vector.load %arg3[%get3A_24, %get3A_25] : memref<1x128xf32, #tpu.memory_space<vmem>>, vector<1x128xf32>
    %add3A_27 = vector.broadcast %get3A_26 : vector<1x128xf32> to vector<256x128xf32>
    %add3A_28 = arith.addf %dot_general3A_23, %add3A_27 : vector<256x128xf32>
    %max3A_29 = arith.constant 0.000000e+00 : f32
    %max3A_30 = vector.broadcast %max3A_29 : f32 to vector<256x128xf32>
    %max3A_31 = arith.maximumf %add3A_28, %max3A_30 : vector<256x128xf32>
    %get3A_32 = arith.constant 0 : index
    %get3A_33 = arith.constant 0 : index
    %get3A_34 = vector.load %arg4[%get3A_32, %get3A_33] : memref<128x128xf32, #tpu.memory_space<vmem>>, vector<128x128xf32>
    %dot_general3A_35 = arith.constant dense<0.000000e+00> : vector<256x128xf32>
    %dot_general3A_36 = tpu.matmul %max3A_31, %get3A_34, %dot_general3A_35 {dimension_numbers = #tpu.dot_dimension_numbers<[1], [1], [0], [0], [0, 0, 1, 0], [], []>, transpose_lhs_hint = false} : vector<256x128xf32>, vector<128x128xf32>, vector<256x128xf32> -> vector<256x128xf32>
    %get3A_37 = arith.constant 0 : index
    %get3A_38 = arith.constant 0 : index
    %get3A_39 = vector.load %arg5[%get3A_37, %get3A_38] : memref<1x128xf32, #tpu.memory_space<vmem>>, vector<1x128xf32>
    %add3A_40 = vector.broadcast %get3A_39 : vector<1x128xf32> to vector<256x128xf32>
    %add3A_41 = arith.addf %dot_general3A_36, %add3A_40 : vector<256x128xf32>
    %swap3A = arith.constant 0 : index
    %swap3A_42 = arith.constant 0 : index
    %swap3A_43 = vector.load %arg6[%swap3A, %swap3A_42] : memref<256x128xf32, #tpu.memory_space<vmem>>, vector<256x128xf32>
    tpu.vector_store %arg6[%swap3A, %swap3A_42], %add3A_41 {strides = array<i32>} : memref<256x128xf32, #tpu.memory_space<vmem>>, vector<256x128xf32>,
    return
  }
}

</mosaic_0001>

<sc_bundles>
// kernel: kernel.13.cloned.1.call-start
scs
__scs_entry_jumppad:
0x0: {  	(pc) =	sbr.rel $0x88, $3  }
0x1: {  	(tag) =	ssettag $0x0;
	lr =	simm.s32 $0x1  }
0x2: {  	[smem:$0x3F94] =	sst lr;
	_ =	strace $0xD0000000  }
0x3: {  	_ = 	snop  }
0x4: {  	_ = 	snop  }
0x5: {  	_ = 	snop  }
0x6: {  	_ = 	snop  }
0x7: {  	_ = 	snop  }
__scs_overlays_trampoline_lowered:
0x8: {  	[smem:$0x3FA3] =	sst s0  }
0x9: {  	[smem:$0x3FA4] =	sst s1  }
0xa: {  	[smem:$0x3FA5] =	sst s2  }
0xb: {  	[smem:$0x3FA6] =	sst s3  }
0xc: {  	[smem:$0x3FA7] =	sst s4  }
0xd: {  	[smem:$0x3FA8] =	sst s5  }
0xe: {  	[smem:$0x3FA9] =	sst s6  }
0xf: {  	[smem:$0x3FAA] =	sst s7  }
0x10: {  	[smem:$0x3FAB] =	sst s8  }
0x11: {  	[smem:$0x3FAC] =	sst s9;
	s0 =	simm.s32 @!p0 $0x0  }
0x12: {  	s1 =	sld [smem:$0x3F92];
	s0 =	simm.s32 @p0 $0x1  }
0x13: {  	[smem:$0x3FAD] =	sst s0;
	s0 =	simm.s32 @!p1 $0x0  }
0x14: {  	s2 =	sld [smem:$0x3F91];
	s0 =	simm.s32 @p1 $0x1  }
0x15: {  	[smem:$0x3FAE] =	sst s0;
	s0 =	simm.s32 @!p2 $0x0  }
0x16: {  	s3 =	sld [smem:$0x3FDB];
	s0 =	simm.s32 @p2 $0x1  }
0x17: {  	s4 =	simm.s32 $0x1BF5;
	[smem:$0x3FB0] =	sst s0  }
0x18: {  	s0 =	sld [smem:$0x3F93];
	_ =	swait.ge [sflag:s4], $0x0  }
0x19: {  	s7 =	sld [smem:$0x3F94]  }
0x1a: {  	s8 =	sadd.s32 $0xFFFFE003, lr  }
0x1b: {  	s9 =	sadd.s32 $0xFFFFFEF7, lr;
	s5 =	simm.s32 $0xFFFFFFFF;
	p2 =	slt.u32 s8, $0xFFFFF086  }
0x1c: {  	p1 =	slt.u32 s9, $0xF7A;
	s5 =	simm.s32 @!p2 $0x0  }
0x1d: {  	s5 =	simm.s32 @p1 $0x1;
	p0 =	seq.s32 s7, s2  }
0x1e: {  	s7 =	smul.u32 @!p0 $0xF7A, s2;
	p2 =	seq.s32 @!p0 s5, $0x0  }
0x1f: {  	s9 =	smul.u32 $0xF7A, s1;
	s8 =	simm.s32 @!p0 $0x1BF5;
	p2 =	por !p2, p0  }
0x20: {  	[sflag:s8] =	ssyncset.s32 @!p0 $0xFFFFF086;
	s6 =	sadd.s32 @!p0 s3, s7;
	s7 =	simm.s32 @!p0 $0x108  }
0x21: {  	s3 =	sadd.s32 s3, s9;
	s6 =	sadd.s32 @!p0 $0x88, s6;
	s7 =	simm.s32 @p2 $0x1082  }
0x22: {  	[simem:s7], [sflag:s8] =	dma.local @!p0 [hbm:s6], $0xF7A  }
0x23: {  	s9 =	sor.u32 $0xD0000000, s2;
	s6 =	simm.s32 $0x108;
	_ =	swait.ge @!p0 [sflag:s8], $0x0  }
0x24: {  	s3 =	sadd.s32 $0x88, s3;
	s6 =	simm.s32 @!p1 $0x1082;
	[sflag:s4] =	ssyncset.s32 $0xFFFFF086  }
0x25: {  	[simem:s6], [sflag:s4] =	dma.local [hbm:s3], $0xF7A  }
0x26: {  	[smem:$0x3F94] =	sst s1;
	(tag) =	ssettag s2;
	_ =	strace s9  }
0x27: {  	s1 =	sld [smem:$0x3FA4]  }
0x28: {  	s2 =	sld [smem:$0x3FA5]  }
0x29: {  	s4 =	sld [smem:$0x3FA7]  }
0x2a: {  	p0 =	seq.s32 s5, $0x0;
	s5 =	sld [smem:$0x3FA8]  }
0x2b: {  	s6 =	sld [smem:$0x3FA9]  }
0x2c: {  	s7 =	sld [smem:$0x3FAA]  }
0x2d: {  	s3 =	simm.s32 $0x108;
	s8 =	sld [smem:$0x3FAB]  }
0x2e: {  	s3 =	simm.s32 @!p0 $0x1082;
	s9 =	sld [smem:$0x3FAC]  }
0x2f: {  	lr =	sadd.s32 s0, s3;
	s0 =	sld [smem:$0x3FA3]  }
0x30: {  	s3 =	sld [smem:$0x3FA6]  }
0x31: {  	[smem:$0x3FAF] =	sst s10  }
0x32: {  	s10 =	sld [smem:$0x3FAD];
	_ =	sdelay $0x3  }
0x33: {  	p0 =	seq.s32 s10, $0x1;
	s10 =	sld [smem:$0x3FAF];
	_ =	sdelay $0x3  }
0x34: {  	[smem:$0x3FAF] =	sst s10  }
0x35: {  	s10 =	sld [smem:$0x3FAE];
	_ =	sdelay $0x3  }
0x36: {  	p1 =	seq.s32 s10, $0x1;
	s10 =	sld [smem:$0x3FAF];
	_ =	sdelay $0x3  }
0x37: {  	[smem:$0x3FAF] =	sst s10  }
0x38: {  	s10 =	sld [smem:$0x3FB0]  }
0x39: {  	_ = 	snop;
	(pc) =	sbr.ind lr, $3  }
0x3a: {  	_ = 	snop  }
0x3b: {  	_ = 	snop  }
0x3c: {  	p2 =	seq.s32 s10, $0x1;
	s10 =	sld [smem:$0x3FAF]  }
0x3d: {  	_ =	shalt  }
0x3e: {  	_ =	shalt  }
0x3f: {  	_ =	shalt  }
0x40: {  	_ =	shalt  }
0x41: {  	_ =	shalt  }
0x42: {  	_ =	shalt  }
0x43: {  	_ =	shalt  }
0x44: {  	_ =	shalt  }
0x45: {  	_ =	shalt  }
0x46: {  	_ =	shalt  }
0x47: {  	_ =	shalt  }
0x48: {  	_ =	shalt  }
0x49: {  	_ =	shalt  }
0x4a: {  	_ =	shalt  }
0x4b: {  	_ =	shalt  }
0x4c: {  	_ =	shalt  }
0x4d: {  	_ =	shalt  }
0x4e: {  	_ =	shalt  }
0x4f: {  	_ =	shalt  }
0x50: {  	_ =	shalt  }
0x51: {  	_ =	shalt  }
0x52: {  	_ =	shalt  }
0x53: {  	_ =	shalt  }
0x54: {  	_ =	shalt  }
0x55: {  	_ =	shalt  }
0x56: {  	_ =	shalt  }
0x57: {  	_ =	shalt  }
0x58: {  	_ =	shalt  }
0x59: {  	_ =	shalt  }
0x5a: {  	_ =	shalt  }
0x5b: {  	_ =	shalt  }
0x5c: {  	_ =	shalt  }
0x5d: {  	_ =	shalt  }
0x5e: {  	_ =	shalt  }
0x5f: {  	_ =	shalt  }
0x60: {  	_ =	shalt  }
0x61: {  	_ =	shalt  }
0x62: {  	_ =	shalt  }
0x63: {  	_ =	shalt  }
0x64: {  	_ =	shalt  }
0x65: {  	_ =	shalt  }
0x66: {  	_ =	shalt  }
0x67: {  	_ =	shalt  }
0x68: {  	_ =	shalt  }
0x69: {  	_ =	shalt  }
0x6a: {  	_ =	shalt  }
0x6b: {  	_ =	shalt  }
0x6c: {  	_ =	shalt  }
0x6d: {  	_ =	shalt  }
0x6e: {  	_ =	shalt  }
0x6f: {  	_ =	shalt  }
0x70: {  	_ =	shalt  }
0x71: {  	_ =	shalt  }
0x72: {  	_ =	shalt  }
0x73: {  	_ =	shalt  }
0x74: {  	_ =	shalt  }
0x75: {  	_ =	shalt  }
0x76: {  	_ =	shalt  }
0x77: {  	_ =	shalt  }
0x78: {  	_ =	shalt  }
0x79: {  	_ =	shalt  }
0x7a: {  	_ =	shalt  }
0x7b: {  	_ =	shalt  }
0x7c: {  	_ =	shalt  }
0x7d: {  	_ =	shalt  }
0x7e: {  	_ =	shalt  }
0x7f: {  	_ =	shalt  }
0x80: {  	_ =	shalt  }
0x81: {  	_ =	shalt  }
0x82: {  	_ =	shalt  }
0x83: {  	_ =	shalt  }
0x84: {  	_ =	shalt  }
0x85: {  	_ =	shalt  }
0x86: {  	_ =	shalt  }
0x87: {  	_ =	shalt  }
.Lfunc_end0:
.L_simem_size_0:
called_computation_lowered:
.L_overlay_start_0:
0x88: {  	s2 =	sld [smem:$0x3FD9]  }
0x89: {  	s3 =	sld [smem:$0x3FFE];
	_ =	sdelay $0x1  }
0x8a: {  	s1 =	srdreg.scid  }
0x8b: {  	s0 =	sand.u32 $0x1, s1  }
0x8c: {  	s17 =	sshll.u32 s0, $0xA;
	s2 =	sadd.s32 s3, s2  }
0x8d: {  	s2 =	sadd.s32 s2, s17  }
0x8e: {  	[smem:$0x3FBB] =	sst s2  }
0x8f: {  	_ = 	snop  }
0x90: {  	s2 =	sld [smem:$0x3FD0];
	(tm) =	ssettm $0x1  }
0x91: {  	s18 =	sld [smem:$0x3FFB];
	_ =	sdelay $0x3  }
0x92: {  	_ =	strace s18  }
0x93: {  	s3 =	sld [smem:$0x3FFC];
	_ =	sdelay $0x3  }
0x94: {  	_ =	strace s3  }
0x95: {  	s3 =	sld [smem:$0x3FFD];
	_ =	sdelay $0x3  }
0x96: {  	_ =	strace s3  }
0x97: {  	_ =	strace $0x8FFFFFFF  }
0x98: {  	s19 =	sld [smem:$0x3FDB];
	_ =	sdelay $0x1  }
0x99: {  	s4 =	simm.s32 $_scs_section_size  }
0x9a: {  	s5 =	simm.s32 $_size__tile_overlayer_lowered;
	s6 =	simm.s32 $_tile_overlayer_lowered  }
0x9b: {  	s22 =	simm.s32 $0x1BFF;
	s21 =	sshll.u32 s6, $0x1;
	s3 =	sadd.s32 s4, s19  }
0x9c: {  	s7 =	simm.s32 $0x0;
	s20 =	sshll.u32 s5, $0x1;
	s5 =	sadd.s32 s21, s3  }
0x9d: {  	[timem:s7], [sflag:s22] =	dma.local [hbm:s5], s20  }
0x9e: {  	_ =	swait.ge [sflag:s22], s20  }
0x9f: {  	s4 =	ssub.s32 $0x0, s20;
	[sflag:s22] =	ssyncset.done $0x0  }
0xa0: {  	[sflag:s22] =	ssyncadd.s32 s4;
	_ =	sdelay $0x1  }
0xa1: {  	s23 =	simm.s32 $0x1B8B  }
0xa2: {  	_ =	swait.ge [sflag:s23], $0x1  }
0xa3: {  	[sflag:s23] =	ssyncset.done $0x0  }
0xa4: {  	s25 =	simm.s32 $0x1B8E;
	s24 =	sld [smem:$0x3FFE];
	[sflag:s23] =	ssyncadd.s32 $0xFFFFFFFF  }
0xa5: {  	s26 =	simm.s32 $execute0_lowered;
	[smem:$0x3FD2] =	sst s25  }
0xa6: {  	s5 =	sshll.u32 s26, $0x1;
	_ =	strace $0x80000046;
	[dreg:$0x1] =	wrdreg $0xFFFFFFFF  }
0xa7: {  	s28 =	simm.s32 $_size_execute0_lowered;
	s3 =	sadd.s32 s3, s5;
	[dreg:$0x0] =	wrdreg $0x0  }
0xa8: {  	s5 =	sshll.u32 s28, $0x1;
	[dreg:$0x2] =	wrdreg s3  }
0xa9: {  	[dreg:$0x3] =	wrdreg s5  }
0xaa: {  	[dreg:$0x4] =	wrdreg $0xC0  }
0xab: {  	_ =	task [dreg:s7], $0x5FFFF  }
0xac: {  	[dreg:$0x1] =	wrdreg $0xFFFFFFFF  }
0xad: {  	[dreg:$0x0] =	wrdreg $0x60  }
0xae: {  	[dreg:$0x2] =	wrdreg s24  }
0xaf: {  	[dreg:$0x3] =	wrdreg s2  }
0xb0: {  	[dreg:$0x4] =	wrdreg $0x68000  }
0xb1: {  	[dreg:$0x5] =	wrdreg $0x9  }
0xb2: {  	_ =	task.clear_ibuf [dreg:s7], $0x6FFFF;
	_ =	strace $0x90000046  }
0xb3: {  	s29 =	simm.s32 $0x9;
	_ =	strace $0x80000048  }
0xb4: {  	_ =	swait.ge [sflag:s29], $0x1  }
0xb5: {  	[sflag:s29] =	ssyncadd.s32 $0xFFFFFFFF  }
0xb6: {  	_ =	strace $0x90000048  }
0xb7: {  	_ =	sfence  }
0xb8: {  	s30 =	sld [smem:$0x0];
	_ =	sdelay $0x2  }
0xb9: {  	s31 =	sshll.u32 s1, $0xD;
	s1 =	sshrl.u32 s1, $0x2  }
0xba: {  	s3 =	sand.u32 $0x4000, s31;
	s1 =	sadd.s32 s1, s30  }
0xbb: {  	s0 =	sor.u32 s3, s0;
	s1 =	sshll.u32 s1, $0x11  }
0xbc: {  	s0 =	sor.u32 s1, s0  }
0xbd: {  	s0 =	sadd.s32 $0x8F2B, s0  }
0xbe: {  	[sflag:s0] =	ssyncadd.remote.s32 $0x1  }
0xbf: {  	_ =	sfence.sel $0xFFFF  }
0xc0: {  	[dreg:$0x0] =	wrdreg $0xFFFFFFFF;
	(pc) =	sbr.abs _section_cstart, $3  }
0xc1: {  	[dreg:$0x1] =	wrdreg $0xFFFFFFFF  }
0xc2: {  	_ =	task.clear_ibuf [dreg:s7], $0x2FFFF;
	_ =	strace $0x9FFFFFFF  }
0xc3: {  	(tm) =	ssettm $0x7FFFFFFF  }
tec
execute0_lowered:
.L_overlay_start_1:
0x0: {  	(tag) =	ssettag $0x1  }
0x1: {  	s6 =	rddreg [dreg:$0x0]  }
0x2: {  	s0 =	srdreg.scid;
	s1 =	rddreg [dreg:$0x1]  }
0x3: {  	s17 =	stileid.u32;
	s2 =	rddreg [dreg:$0x2]  }
0x4: {  	s3 =	simm.s32 $0x0;
	s15 =	simm.s32 $0x2;
	s16 =	simm.s32 $0x1  }
0x5: {  	s19 =	simm.s32 $0x0;
	s5 =	sand.u32 $0x1, s0;
	[smem:$0x7FF] =	sst s3  }
0x6: {  	s8 =	smul.u32 $0x50000, s17;
	s31 =	sshll.u32 s17, $0x6;
	p0 =	sne.s32 s17, $0x0  }
0x7: {  	s0 =	sshll.u32 s5, $0x4;
	s7 =	smul.u32 $0x28000, s5;
	s5 =	ssub.s32 $0x2, s5  }
0x8: {  	s18 =	sshrl.u32 @!p0 s2, $0x3;
	s0 =	sor.u32 s17, s0;
	s29 =	sshrl.u32 s8, $0x2  }
0x9: {  	s30 =	sshrl.u32 s5, $0x1;
	s17 =	simm.s32 $0x80;
	s4 =	smul.u32 $0x500, s0  }
0xa: {  	s0 =	rddreg [dreg:$0x3];
	_ =	strace $0x80000047;
	s7 =	sadd.s32 s7, s6  }
0xb: {  	s10 =	sadd.s32 s29, s2;
	s8 =	ssub.s32 s5, s30;
	s5 =	sor.u32 $0x1C01, s31  }
0xc: {  	s11 =	sadd.s32 $0x4000, s10;
	s12 =	sadd.s32 $0x8000, s10;
	s13 =	sadd.s32 $0xC000, s10  }
0xd: {  	s14 =	sadd.s32 $0x10000, s10;
	s7 =	sadd.s32 $0x18E00, s7;
	s9 =	sadd.s32 s4, s6  }
0xe: {  	s8 =	smax.u32 s8, $0x1;
	s4 =	sadd.s32 $0x18600, s6;
	s6 =	sadd.s32 $0xE600, s9  }
0xf: {  	s9 =	sshrl.u32 s10, $0x3;
	s10 =	sshrl.u32 s11, $0x3;
	s11 =	sshrl.u32 s12, $0x3  }
0x10: {  	s12 =	sshrl.u32 s13, $0x3;
	s13 =	sshrl.u32 s14, $0x3;
	s14 =	simm.s32 $0x2800  }
.LBB2_1:
0x11: {  	[spmem:s9], [sflag:s5] =	dma.local [hbm:s4], $0x800  }
0x12: {  	[spmem:s10], [sflag:s5] =	dma.local [hbm:s4], $0x800  }
0x13: {  	[spmem:s11], [sflag:s5] =	dma.local [hbm:s4], $0x800  }
0x14: {  	[spmem:s12], [sflag:s5] =	dma.local [hbm:s4], $0x800  }
0x15: {  	[spmem:s13], [sflag:s5] =	dma.local [hbm:s4], $0x800  }
0x16: {  	[tilespmem:s14], [sflag:$0x2] =	stream.linear.gather [hbm4b:s1+s3], $0x4000, $0x38;
	[tilespmem:$0x1A800] =	vst v63  }
0x17: {  	_ =	swait.ge [sflag:s15], $0x4000  }
0x18: {  	[sflag:s15] =	ssyncset.done $0x0  }
0x19: {  	[sflag:s15] =	ssyncadd.s32 $0xFFFFC000  }
0x1a: {  	[tilespmem:s3], [sflag:$0x2] =	stream.linear.gather [hbm4b:s6+s3], $0x2800, $0x38;
	[tilespmem:$0x1A800] =	vst v63  }
0x1b: {  	_ =	swait.ge [sflag:s15], $0x2800  }
0x1c: {  	[sflag:s15] =	ssyncset.done $0x0  }
0x1d: {  	[sflag:s15] =	ssyncadd.s32 $0xFFFFD800  }
0x1e: {  	_ =	swait.ge [sflag:s16], $0x800  }
0x1f: {  	[sflag:s16] =	ssyncset.done $0x0  }
0x20: {  	[sflag:s16] =	ssyncadd.s32 $0xFFFFF800  }
0x21: {  	_ =	swait.ge [sflag:s16], $0x800  }
0x22: {  	[sflag:s16] =	ssyncset.done $0x0  }
0x23: {  	[sflag:s16] =	ssyncadd.s32 $0xFFFFF800  }
0x24: {  	_ =	swait.ge [sflag:s16], $0x800  }
0x25: {  	[sflag:s16] =	ssyncset.done $0x0  }
0x26: {  	[sflag:s16] =	ssyncadd.s32 $0xFFFFF800  }
0x27: {  	_ =	swait.ge [sflag:s16], $0x800  }
0x28: {  	[sflag:s16] =	ssyncset.done $0x0  }
0x29: {  	[sflag:s16] =	ssyncadd.s32 $0xFFFFF800  }
0x2a: {  	_ =	swait.ge [sflag:s16], $0x800  }
0x2b: {  	[sflag:s16] =	ssyncset.done $0x0  }
0x2c: {  	[sflag:s16] =	ssyncadd.s32 $0xFFFFF800  }
0x2d: {  	s20 =	simm.s32 $0x0;
	[bflag:$0x0] =	sbarrier.arrive $0xFFFF  }
.LBB2_2:
0x2e: {  	p1 =	sne.s32 s20, $0x9E00  }
.Ltmp0:
0x2f: {  	_ = 	snop;
	(pc) =	sbr.rel @p1 .LBB2_2-.Ltmp0, $3  }
0x30: {  	_ =	sdelay $0x1  }
0x31: {  	s21 =	sshra.s32 s20, $0x2;
	s20 =	sadd.s32 $0x200, s20  }
0x32: {  	[spmem:s2] =	stream.indirect.scatter.add.f32 [tilespmem:s14], [sflag:$0x1], $0x80, s21, s17, $0xb8;
	[tilespmem:$0x1A800] =	vst v63  }
0x33: {  	_ =	swait.ge [sflag:s16], $0x4000  }
0x34: {  	s20 =	simm.s32 $0x4F;
	[sflag:s16] =	ssyncset.done $0x0  }
.LBB2_4:
0x35: {  	p1 =	sne.s32 s20, $0x1;
	s20 =	sadd.s32 $0xFFFFFFFF, s20;
	[sflag:s16] =	ssyncadd.s32 $0xFFFFC000  }
.Ltmp1:
0x36: {  	(pc) =	sbr.rel @p1 .LBB2_4-.Ltmp1, $3  }
0x37: {  	_ =	sdelay $0x1  }
0x38: {  	_ =	swait.ge [sflag:s16], $0x4000  }
0x39: {  	[sflag:s16] =	ssyncset.done $0x0  }
0x3a: {  	[sflag:s16] =	ssyncadd.s32 $0xFFFFC000;
	s19 =	sadd.s32 $0x1, s19  }
0x3b: {  	s20 =	simm.s32 @!p0 $0x1C02;
	[bflag:$0x0] =	sbarrier.arrive $0xFFFF;
	p1 =	sne.s32 s19, s8  }
0x3c: {  	[hbm:s7], [sflag:s20] =	dma.local @!p0 [spmem:s18], $0x28000  }
.Ltmp2:
0x3d: {  	_ = 	snop;
	(pc) =	sbr.rel @p1 .LBB2_1-.Ltmp2, $4  }
0x3e: {  	s20 =	simm.s32 @!p0 $0x2  }
0x3f: {  	_ =	swait.ge @!p0 [sflag:s20], $0x28000  }
0x40: {  	[sflag:s20] =	ssyncset.done @!p0 $0x0  }
0x41: {  	[sflag:s20] =	ssyncadd.s32 @!p0 $0xFFFD8000  }
0x42: {  	_ =	sfence.sel $0x180000  }
0x43: {  	[bflag:$0x0] =	sbarrier.arrive $0xFFFF  }
0x44: {  	_ =	strace $0x90000047  }
0x45: {  	s0 =	sadd.s32 @!p0 $0x100000, s0;
	[bflag:$0x2] =	sbarrier.arrive $0xFFFF  }
0x46: {  	[sflag:s0] =	ssyncadd.tile.s32 @!p0 $0x1;
	_ =	shalt  }
.Lfunc_end2:
_tile_overlayer_lowered:
.L_overlay_start_2:
0x47: {  	(tag) =	ssettag $0x2  }
0x48: {  	s0 =	rddreg [dreg:$0x0];
	s2 =	stileid.u32  }
0x49: {  	s1 =	rddreg [dreg:$0x1];
	p0 =	sne.s32 s2, $0x0  }
0x4a: {  	s3 =	rddreg [dreg:$0x2];
	[bflag:$0x3] =	sbarrier.arrive $0xFFFF;
	s2 =	simm.s32 @!p0 $0x1C02  }
0x4b: {  	[timem:s3], [sflag:s2] =	dma.local @!p0 [hbm:s0], s1  }
0x4c: {  	s0 =	simm.s32 @!p0 $0x2  }
0x4d: {  	_ =	swait.ge @!p0 [sflag:s0], s1  }
0x4e: {  	s1 =	ssub.s32 @!p0 $0x0, s1;
	[sflag:s0] =	ssyncset.done @!p0 $0x0  }
0x4f: {  	[sflag:s0] =	ssyncadd.s32 @!p0 s1  }
0x50: {  	[bflag:$0x3] =	sbarrier.arrive $0xFFFF  }
0x51: {  	_ =	shalt  }

// kernel: kernel.16.cloned.1.call-start
scs
__scs_entry_jumppad:
0x0: {  	(pc) =	sbr.rel $0x88, $3  }
0x1: {  	(tag) =	ssettag $0x0;
	lr =	simm.s32 $0x1  }
0x2: {  	[smem:$0x3F94] =	sst lr;
	_ =	strace $0xD0000000  }
0x3: {  	_ = 	snop  }
0x4: {  	_ = 	snop  }
0x5: {  	_ = 	snop  }
0x6: {  	_ = 	snop  }
0x7: {  	_ = 	snop  }
__scs_overlays_trampoline_lowered:
0x8: {  	[smem:$0x3FA3] =	sst s0  }
0x9: {  	[smem:$0x3FA4] =	sst s1  }
0xa: {  	[smem:$0x3FA5] =	sst s2  }
0xb: {  	[smem:$0x3FA6] =	sst s3  }
0xc: {  	[smem:$0x3FA7] =	sst s4  }
0xd: {  	[smem:$0x3FA8] =	sst s5  }
0xe: {  	[smem:$0x3FA9] =	sst s6  }
0xf: {  	[smem:$0x3FAA] =	sst s7  }
0x10: {  	[smem:$0x3FAB] =	sst s8  }
0x11: {  	[smem:$0x3FAC] =	sst s9;
	s0 =	simm.s32 @!p0 $0x0  }
0x12: {  	s1 =	sld [smem:$0x3F92];
	s0 =	simm.s32 @p0 $0x1  }
0x13: {  	[smem:$0x3FAD] =	sst s0;
	s0 =	simm.s32 @!p1 $0x0  }
0x14: {  	s2 =	sld [smem:$0x3F91];
	s0 =	simm.s32 @p1 $0x1  }
0x15: {  	[smem:$0x3FAE] =	sst s0;
	s0 =	simm.s32 @!p2 $0x0  }
0x16: {  	s3 =	sld [smem:$0x3FDB];
	s0 =	simm.s32 @p2 $0x1  }
0x17: {  	s4 =	simm.s32 $0x1BF5;
	[smem:$0x3FB0] =	sst s0  }
0x18: {  	s0 =	sld [smem:$0x3F93];
	_ =	swait.ge [sflag:s4], $0x0  }
0x19: {  	s7 =	sld [smem:$0x3F94]  }
0x1a: {  	s8 =	sadd.s32 $0xFFFFE003, lr  }
0x1b: {  	s9 =	sadd.s32 $0xFFFFFEF7, lr;
	s5 =	simm.s32 $0xFFFFFFFF;
	p2 =	slt.u32 s8, $0xFFFFF086  }
0x1c: {  	p1 =	slt.u32 s9, $0xF7A;
	s5 =	simm.s32 @!p2 $0x0  }
0x1d: {  	s5 =	simm.s32 @p1 $0x1;
	p0 =	seq.s32 s7, s2  }
0x1e: {  	s7 =	smul.u32 @!p0 $0xF7A, s2;
	p2 =	seq.s32 @!p0 s5, $0x0  }
0x1f: {  	s9 =	smul.u32 $0xF7A, s1;
	s8 =	simm.s32 @!p0 $0x1BF5;
	p2 =	por !p2, p0  }
0x20: {  	[sflag:s8] =	ssyncset.s32 @!p0 $0xFFFFF086;
	s6 =	sadd.s32 @!p0 s3, s7;
	s7 =	simm.s32 @!p0 $0x108  }
0x21: {  	s3 =	sadd.s32 s3, s9;
	s6 =	sadd.s32 @!p0 $0x88, s6;
	s7 =	simm.s32 @p2 $0x1082  }
0x22: {  	[simem:s7], [sflag:s8] =	dma.local @!p0 [hbm:s6], $0xF7A  }
0x23: {  	s9 =	sor.u32 $0xD0000000, s2;
	s6 =	simm.s32 $0x108;
	_ =	swait.ge @!p0 [sflag:s8], $0x0  }
0x24: {  	s3 =	sadd.s32 $0x88, s3;
	s6 =	simm.s32 @!p1 $0x1082;
	[sflag:s4] =	ssyncset.s32 $0xFFFFF086  }
0x25: {  	[simem:s6], [sflag:s4] =	dma.local [hbm:s3], $0xF7A  }
0x26: {  	[smem:$0x3F94] =	sst s1;
	(tag) =	ssettag s2;
	_ =	strace s9  }
0x27: {  	s1 =	sld [smem:$0x3FA4]  }
0x28: {  	s2 =	sld [smem:$0x3FA5]  }
0x29: {  	s4 =	sld [smem:$0x3FA7]  }
0x2a: {  	p0 =	seq.s32 s5, $0x0;
	s5 =	sld [smem:$0x3FA8]  }
0x2b: {  	s6 =	sld [smem:$0x3FA9]  }
0x2c: {  	s7 =	sld [smem:$0x3FAA]  }
0x2d: {  	s3 =	simm.s32 $0x108;
	s8 =	sld [smem:$0x3FAB]  }
0x2e: {  	s3 =	simm.s32 @!p0 $0x1082;
	s9 =	sld [smem:$0x3FAC]  }
0x2f: {  	lr =	sadd.s32 s0, s3;
	s0 =	sld [smem:$0x3FA3]  }
0x30: {  	s3 =	sld [smem:$0x3FA6]  }
0x31: {  	[smem:$0x3FAF] =	sst s10  }
0x32: {  	s10 =	sld [smem:$0x3FAD];
	_ =	sdelay $0x3  }
0x33: {  	p0 =	seq.s32 s10, $0x1;
	s10 =	sld [smem:$0x3FAF];
	_ =	sdelay $0x3  }
0x34: {  	[smem:$0x3FAF] =	sst s10  }
0x35: {  	s10 =	sld [smem:$0x3FAE];
	_ =	sdelay $0x3  }
0x36: {  	p1 =	seq.s32 s10, $0x1;
	s10 =	sld [smem:$0x3FAF];
	_ =	sdelay $0x3  }
0x37: {  	[smem:$0x3FAF] =	sst s10  }
0x38: {  	s10 =	sld [smem:$0x3FB0]  }
0x39: {  	_ = 	snop;
	(pc) =	sbr.ind lr, $3  }
0x3a: {  	_ = 	snop  }
0x3b: {  	_ = 	snop  }
0x3c: {  	p2 =	seq.s32 s10, $0x1;
	s10 =	sld [smem:$0x3FAF]  }
0x3d: {  	_ =	shalt  }
0x3e: {  	_ =	shalt  }
0x3f: {  	_ =	shalt  }
0x40: {  	_ =	shalt  }
0x41: {  	_ =	shalt  }
0x42: {  	_ =	shalt  }
0x43: {  	_ =	shalt  }
0x44: {  	_ =	shalt  }
0x45: {  	_ =	shalt  }
0x46: {  	_ =	shalt  }
0x47: {  	_ =	shalt  }
0x48: {  	_ =	shalt  }
0x49: {  	_ =	shalt  }
0x4a: {  	_ =	shalt  }
0x4b: {  	_ =	shalt  }
0x4c: {  	_ =	shalt  }
0x4d: {  	_ =	shalt  }
0x4e: {  	_ =	shalt  }
0x4f: {  	_ =	shalt  }
0x50: {  	_ =	shalt  }
0x51: {  	_ =	shalt  }
0x52: {  	_ =	shalt  }
0x53: {  	_ =	shalt  }
0x54: {  	_ =	shalt  }
0x55: {  	_ =	shalt  }
0x56: {  	_ =	shalt  }
0x57: {  	_ =	shalt  }
0x58: {  	_ =	shalt  }
0x59: {  	_ =	shalt  }
0x5a: {  	_ =	shalt  }
0x5b: {  	_ =	shalt  }
0x5c: {  	_ =	shalt  }
0x5d: {  	_ =	shalt  }
0x5e: {  	_ =	shalt  }
0x5f: {  	_ =	shalt  }
0x60: {  	_ =	shalt  }
0x61: {  	_ =	shalt  }
0x62: {  	_ =	shalt  }
0x63: {  	_ =	shalt  }
0x64: {  	_ =	shalt  }
0x65: {  	_ =	shalt  }
0x66: {  	_ =	shalt  }
0x67: {  	_ =	shalt  }
0x68: {  	_ =	shalt  }
0x69: {  	_ =	shalt  }
0x6a: {  	_ =	shalt  }
0x6b: {  	_ =	shalt  }
0x6c: {  	_ =	shalt  }
0x6d: {  	_ =	shalt  }
0x6e: {  	_ =	shalt  }
0x6f: {  	_ =	shalt  }
0x70: {  	_ =	shalt  }
0x71: {  	_ =	shalt  }
0x72: {  	_ =	shalt  }
0x73: {  	_ =	shalt  }
0x74: {  	_ =	shalt  }
0x75: {  	_ =	shalt  }
0x76: {  	_ =	shalt  }
0x77: {  	_ =	shalt  }
0x78: {  	_ =	shalt  }
0x79: {  	_ =	shalt  }
0x7a: {  	_ =	shalt  }
0x7b: {  	_ =	shalt  }
0x7c: {  	_ =	shalt  }
0x7d: {  	_ =	shalt  }
0x7e: {  	_ =	shalt  }
0x7f: {  	_ =	shalt  }
0x80: {  	_ =	shalt  }
0x81: {  	_ =	shalt  }
0x82: {  	_ =	shalt  }
0x83: {  	_ =	shalt  }
0x84: {  	_ =	shalt  }
0x85: {  	_ =	shalt  }
0x86: {  	_ =	shalt  }
0x87: {  	_ =	shalt  }
.Lfunc_end0:
.L_simem_size_0:
called_computation.1_lowered:
.L_overlay_start_0:
0x88: {  	s2 =	sld [smem:$0x3FD9]  }
0x89: {  	s3 =	sld [smem:$0x3FFE];
	_ =	sdelay $0x1  }
0x8a: {  	s1 =	srdreg.scid  }
0x8b: {  	s0 =	sand.u32 $0x1, s1  }
0x8c: {  	s16 =	sshll.u32 s0, $0xA;
	s2 =	sadd.s32 s3, s2  }
0x8d: {  	s2 =	sadd.s32 s2, s16  }
0x8e: {  	[smem:$0x3FBB] =	sst s2  }
0x8f: {  	_ = 	snop  }
0x90: {  	(tm) =	ssettm $0x1  }
0x91: {  	s17 =	sld [smem:$0x3FFB];
	_ =	sdelay $0x3  }
0x92: {  	_ =	strace s17  }
0x93: {  	s2 =	sld [smem:$0x3FFC];
	_ =	sdelay $0x3  }
0x94: {  	_ =	strace s2  }
0x95: {  	s2 =	sld [smem:$0x3FFD];
	_ =	sdelay $0x3  }
0x96: {  	_ =	strace s2  }
0x97: {  	_ =	strace $0x8FFFFFFF  }
0x98: {  	s18 =	sld [smem:$0x3FDB];
	_ =	sdelay $0x1  }
0x99: {  	s19 =	simm.s32 $_scs_section_size  }
0x9a: {  	s4 =	simm.s32 $_size__tile_overlayer_lowered;
	s5 =	simm.s32 $_tile_overlayer_lowered  }
0x9b: {  	s22 =	simm.s32 $0x1BFF;
	s21 =	sshll.u32 s5, $0x1;
	s2 =	sadd.s32 s19, s18  }
0x9c: {  	s6 =	simm.s32 $0x0;
	s20 =	sshll.u32 s4, $0x1;
	s4 =	sadd.s32 s21, s2  }
0x9d: {  	[timem:s6], [sflag:s22] =	dma.local [hbm:s4], s20  }
0x9e: {  	_ =	swait.ge [sflag:s22], s20  }
0x9f: {  	s3 =	ssub.s32 $0x0, s20;
	[sflag:s22] =	ssyncset.done $0x0  }
0xa0: {  	[sflag:s22] =	ssyncadd.s32 s3;
	_ =	sdelay $0x1  }
0xa1: {  	s23 =	simm.s32 $0x1B8B  }
0xa2: {  	_ =	swait.ge [sflag:s23], $0x1  }
0xa3: {  	[sflag:s23] =	ssyncset.done $0x0  }
0xa4: {  	s25 =	simm.s32 $0x1B8E;
	s24 =	sld [smem:$0x3FFE];
	[sflag:s23] =	ssyncadd.s32 $0xFFFFFFFF  }
0xa5: {  	s26 =	simm.s32 $execute0_lowered;
	[smem:$0x3FD2] =	sst s25  }
0xa6: {  	s4 =	sshll.u32 s26, $0x1;
	_ =	strace $0x80000049;
	[dreg:$0x1] =	wrdreg $0xFFFFFFFF  }
0xa7: {  	s28 =	simm.s32 $_size_execute0_lowered;
	s2 =	sadd.s32 s2, s4;
	[dreg:$0x0] =	wrdreg $0x0  }
0xa8: {  	s4 =	sshll.u32 s28, $0x1;
	[dreg:$0x2] =	wrdreg s2  }
0xa9: {  	[dreg:$0x3] =	wrdreg s4  }
0xaa: {  	[dreg:$0x4] =	wrdreg $0xC0  }
0xab: {  	_ =	task [dreg:s6], $0x5FFFF  }
0xac: {  	[dreg:$0x1] =	wrdreg $0xFFFFFFFF  }
0xad: {  	[dreg:$0x0] =	wrdreg $0x60  }
0xae: {  	[dreg:$0x2] =	wrdreg s24  }
0xaf: {  	[dreg:$0x3] =	wrdreg $0xA8000  }
0xb0: {  	[dreg:$0x4] =	wrdreg $0x9  }
0xb1: {  	_ =	task.clear_ibuf [dreg:s6], $0x5FFFF;
	_ =	strace $0x90000049  }
0xb2: {  	s29 =	simm.s32 $0x9;
	_ =	strace $0x8000004B  }
0xb3: {  	_ =	swait.ge [sflag:s29], $0x1  }
0xb4: {  	[sflag:s29] =	ssyncadd.s32 $0xFFFFFFFF  }
0xb5: {  	_ =	strace $0x9000004B  }
0xb6: {  	_ =	sfence  }
0xb7: {  	s30 =	sld [smem:$0x0];
	_ =	sdelay $0x2  }
0xb8: {  	s31 =	sshll.u32 s1, $0xD;
	s1 =	sshrl.u32 s1, $0x2  }
0xb9: {  	s3 =	sand.u32 $0x4000, s31;
	s1 =	sadd.s32 s1, s30  }
0xba: {  	s0 =	sor.u32 s3, s0;
	s1 =	sshll.u32 s1, $0x11  }
0xbb: {  	s0 =	sor.u32 s1, s0  }
0xbc: {  	s0 =	sadd.s32 $0x8F2B, s0  }
0xbd: {  	[sflag:s0] =	ssyncadd.remote.s32 $0x1  }
0xbe: {  	_ =	sfence.sel $0xFFFF  }
0xbf: {  	[dreg:$0x0] =	wrdreg $0xFFFFFFFF;
	(pc) =	sbr.abs _section_cstart, $3  }
0xc0: {  	[dreg:$0x1] =	wrdreg $0xFFFFFFFF  }
0xc1: {  	_ =	task.clear_ibuf [dreg:s6], $0x2FFFF;
	_ =	strace $0x9FFFFFFF  }
0xc2: {  	(tm) =	ssettm $0x7FFFFFFF  }
0xc3: {  	_ =	shalt  }
tec
execute0_lowered:
.L_overlay_start_1:
0x0: {  	(tag) =	ssettag $0x1  }
0x1: {  	s0 =	rddreg [dreg:$0x0]  }
0x2: {  	s1 =	rddreg [dreg:$0x1]  }
0x3: {  	s2 =	simm.s32 $0x0;
	s5 =	srdreg.scid;
	s13 =	stileid.u32  }
0x4: {  	s28 =	simm.s32 $0x6800;
	s29 =	simm.s32 $0x3;
	s30 =	simm.s32 $0x2  }
0x5: {  	s31 =	simm.s32 $0x4;
	[smem:$0x7FF] =	sst s2;
	s4 =	sadd.s32 $0x18E00, s0  }
0x6: {  	s3 =	sadd.s32 $0xE600, s0;
	s6 =	sadd.s32 $0x4600, s0;
	s9 =	smul.u32 $0x50000, s13  }
0x7: {  	s8 =	sand.u32 $0x1, s5;
	s5 =	sadd.s32 $0x18600, s0;
	s12 =	smul.u32 $0x14000, s13  }
0x8: {  	s0 =	sadd.s32 $0x68E00, s0;
	s22 =	sshll.u32 s13, $0x6;
	_ =	strace $0x8000004A  }
0x9: {  	s7 =	ssub.s32 $0x2, s8;
	s11 =	sshll.u32 s8, $0x4;
	s8 =	smul.u32 $0x140000, s8  }
0xa: {  	s10 =	sshrl.u32 s7, $0x1;
	s11 =	sor.u32 s13, s11;
	s21 =	sshrl.u32 s9, $0x2  }
0xb: {  	s23 =	sadd.s32 $0x4000, s12;
	s25 =	sadd.s32 $0x8000, s12;
	s14 =	sadd.s32 $0xC000, s12  }
0xc: {  	s18 =	sadd.s32 $0x10000, s12;
	s10 =	ssub.s32 s7, s10;
	s7 =	sadd.s32 s21, s1  }
0xd: {  	s24 =	sadd.s32 s23, s1;
	s11 =	smul.u32 $0x2800, s11;
	[dreg:$0x3] =	wrdreg s7  }
0xe: {  	s15 =	sadd.s32 s25, s1;
	s26 =	sadd.s32 s14, s1;
	[dreg:$0x4] =	wrdreg s24  }
0xf: {  	s16 =	sadd.s32 s18, s1;
	s20 =	sadd.s32 s12, s8;
	[dreg:$0x5] =	wrdreg s15  }
0x10: {  	s21 =	sadd.s32 s8, s23;
	s23 =	sadd.s32 s8, s25;
	[dreg:$0x6] =	wrdreg s26  }
0x11: {  	s7 =	sor.u32 $0x1C01, s22;
	[dreg:$0x7] =	wrdreg s16;
	s22 =	sshrl.u32 s21, $0x3  }
0x12: {  	s24 =	sadd.s32 s8, s14;
	s8 =	sadd.s32 s8, s18;
	s11 =	sshrl.u32 s11, $0x3  }
0x13: {  	s21 =	smax.u32 s10, $0x1;
	s25 =	sshrl.u32 s24, $0x3;
	s17 =	sadd.s32 s3, s11  }
0x14: {  	s26 =	sshrl.u32 s8, $0x3;
	s19 =	sadd.s32 s6, s11;
	[dreg:$0x8] =	wrdreg s17  }
0x15: {  	s24 =	simm.s32 $0x1400;
	s11 =	sadd.s32 $0x280, s11;
	[dreg:$0x9] =	wrdreg s19  }
0x16: {  	s3 =	sadd.s32 s3, s11;
	s6 =	sadd.s32 s6, s11;
	s17 =	sadd.s32 s0, s22  }
0x17: {  	s19 =	sadd.s32 s0, s25;
	s22 =	simm.s32 $0x1;
	[dreg:$0xa] =	wrdreg s3  }
0x18: {  	s25 =	simm.s32 $0x80;
	[dreg:$0xb] =	wrdreg s6;
	s3 =	sshrl.u32 s20, $0x3  }
0x19: {  	s20 =	sadd.s32 s0, s26;
	s26 =	simm.s32 $0x2800;
	s6 =	simm.s32 $0x0  }
0x1a: {  	s16 =	sadd.s32 s0, s3;
	s3 =	sshrl.u32 s23, $0x3;
	s23 =	simm.s32 $0x5  }
0x1b: {  	s18 =	sadd.s32 s0, s3;
	s0 =	simm.s32 $0x2700;
	s3 =	simm.s32 $0x2780  }
.LBB2_1:
0x1c: {  	s8 =	rddreg [dreg:$0x3]  }
0x1d: {  	s8 =	sshrl.u32 s8, $0x3  }
0x1e: {  	[spmem:s8], [sflag:s7] =	dma.local [hbm:s5], $0x800  }
0x1f: {  	s9 =	rddreg [dreg:$0x4]  }
0x20: {  	s9 =	sshrl.u32 s9, $0x3  }
0x21: {  	[spmem:s9], [sflag:s7] =	dma.local [hbm:s5], $0x800  }
0x22: {  	s10 =	rddreg [dreg:$0x5]  }
0x23: {  	s10 =	sshrl.u32 s10, $0x3  }
0x24: {  	[spmem:s10], [sflag:s7] =	dma.local [hbm:s5], $0x800  }
0x25: {  	s11 =	rddreg [dreg:$0x6]  }
0x26: {  	s11 =	sshrl.u32 s11, $0x3  }
0x27: {  	[spmem:s11], [sflag:s7] =	dma.local [hbm:s5], $0x800  }
0x28: {  	s12 =	rddreg [dreg:$0x7]  }
0x29: {  	s12 =	sshrl.u32 s12, $0x3  }
0x2a: {  	[spmem:s12], [sflag:s7] =	dma.local [hbm:s5], $0x800  }
0x2b: {  	_ =	swait.ge [sflag:s22], $0x800  }
0x2c: {  	[sflag:s22] =	ssyncset.done $0x0  }
0x2d: {  	[sflag:s22] =	ssyncadd.s32 $0xFFFFF800  }
0x2e: {  	_ =	swait.ge [sflag:s22], $0x800  }
0x2f: {  	[sflag:s22] =	ssyncset.done $0x0  }
0x30: {  	[sflag:s22] =	ssyncadd.s32 $0xFFFFF800  }
0x31: {  	_ =	swait.ge [sflag:s22], $0x800  }
0x32: {  	[sflag:s22] =	ssyncset.done $0x0  }
0x33: {  	[sflag:s22] =	ssyncadd.s32 $0xFFFFF800  }
0x34: {  	_ =	swait.ge [sflag:s22], $0x800  }
0x35: {  	[sflag:s22] =	ssyncset.done $0x0  }
0x36: {  	[sflag:s22] =	ssyncadd.s32 $0xFFFFF800  }
0x37: {  	_ =	swait.ge [sflag:s22], $0x800  }
0x38: {  	[sflag:s22] =	ssyncset.done $0x0  }
0x39: {  	[sflag:s22] =	ssyncadd.s32 $0xFFFFF800  }
0x3a: {  	[bflag:$0x0] =	sbarrier.arrive $0xFFFF  }
0x3b: {  	s13 =	rddreg [dreg:$0x8]  }
0x3c: {  	[tilespmem:s2], [sflag:$0x5] =	stream.linear.gather [hbm4b:s13+s2], $0x1400, $0x38;
	[tilespmem:$0x1E800] =	vst v63  }
0x3d: {  	_ =	swait.ge [sflag:s23], $0x1400  }
0x3e: {  	[sflag:s23] =	ssyncset.done $0x0  }
0x3f: {  	s14 =	rddreg [dreg:$0x9];
	[sflag:s23] =	ssyncadd.s32 $0xFFFFEC00  }
0x40: {  	[tilespmem:s24], [sflag:$0x5] =	stream.linear.gather [hbm4b:s14+s2], $0x1400, $0x38;
	[tilespmem:$0x1E800] =	vst v63  }
0x41: {  	_ =	swait.ge [sflag:s23], $0x1400  }
0x42: {  	[sflag:s23] =	ssyncset.done $0x0  }
0x43: {  	[sflag:s23] =	ssyncadd.s32 $0xFFFFEC00  }
0x44: {  	[tilespmem:s26], [sflag:$0x1] =	stream.indirect.gather [hbm4b:s4+s25], $0x80, s2, s25, $0xb8;
	[tilespmem:$0x1E800] =	vst v63  }
0x45: {  	_ = 	snop  }
0x46: {  	[tilespmem:s28], [sflag:$0x2] =	stream.indirect.gather [hbm4b:s4+s25], $0x80, s25, s25, $0xb8;
	[tilespmem:$0x1E800] =	vst v63  }
0x47: {  	_ =	swait.ge [sflag:s22], $0x4000  }
0x48: {  	[sflag:s22] =	ssyncset.done $0x0  }
0x49: {  	s15 =	simm.s32 $0x1400;
	[sflag:s22] =	ssyncadd.s32 $0xFFFFC000  }
0x4a: {  	[spmem:s1] =	stream.indirect.scatter.add.f32 [tilespmem:s26], [sflag:$0x3], $0x80, s15, s25, $0xb8;
	[tilespmem:$0x1E800] =	vst v63  }
0x4b: {  	_ =	swait.ge [sflag:s29], $0x4000  }
0x4c: {  	[sflag:s29] =	ssyncset.done $0x0  }
0x4d: {  	s14 =	simm.s32 $0x100;
	[sflag:s29] =	ssyncadd.s32 $0xFFFFC000  }
0x4e: {  	[tilespmem:s26], [sflag:$0x1] =	stream.indirect.gather [hbm4b:s4+s25], $0x80, s14, s25, $0xb8;
	[tilespmem:$0x1E800] =	vst v63  }
0x4f: {  	_ =	swait.ge [sflag:s30], $0x4000  }
0x50: {  	[sflag:s30] =	ssyncset.done $0x0  }
0x51: {  	s15 =	simm.s32 $0x1480;
	[sflag:s30] =	ssyncadd.s32 $0xFFFFC000  }
0x52: {  	[spmem:s1] =	stream.indirect.scatter.add.f32 [tilespmem:s28], [sflag:$0x4], $0x80, s15, s25, $0xb8;
	[tilespmem:$0x1E800] =	vst v63  }
0x53: {  	_ =	swait.ge [sflag:s31], $0x4000  }
0x54: {  	[sflag:s31] =	ssyncset.done $0x0  }
0x55: {  	s13 =	simm.s32 $0x400;
	s14 =	simm.s32 $0x180;
	[sflag:s31] =	ssyncadd.s32 $0xFFFFC000  }
.LBB2_2:
0x56: {  	[tilespmem:s28], [sflag:$0x2] =	stream.indirect.gather [hbm4b:s4+s25], $0x80, s14, s25, $0xb8;
	[tilespmem:$0x1E800] =	vst v63  }
0x57: {  	s14 =	smov.u32 s13  }
0x58: {  	p0 =	sne.s32 s13, $0x4800;
	s13 =	sadd.s32 $0x400, s13;
	_ =	swait.ge [sflag:s22], $0x4000  }
0x59: {  	s14 =	sshra.s32 s14, $0x2;
	[sflag:s22] =	ssyncset.done $0x0  }
0x5a: {  	s15 =	sadd.s32 $0x1400, s14;
	[sflag:s22] =	ssyncadd.s32 $0xFFFFC000  }
0x5b: {  	[spmem:s1] =	stream.indirect.scatter.add.f32 [tilespmem:s26], [sflag:$0x3], $0x80, s15, s25, $0xb8;
	[tilespmem:$0x1E800] =	vst v63  }
0x5c: {  	_ =	swait.ge [sflag:s29], $0x4000  }
0x5d: {  	[sflag:s29] =	ssyncset.done $0x0  }
0x5e: {  	s15 =	sadd.s32 $0x100, s14;
	[sflag:s29] =	ssyncadd.s32 $0xFFFFC000  }
0x5f: {  	[tilespmem:s26], [sflag:$0x1] =	stream.indirect.gather [hbm4b:s4+s25], $0x80, s15, s25, $0xb8;
	[tilespmem:$0x1E800] =	vst v63  }
0x60: {  	_ =	swait.ge [sflag:s30], $0x4000  }
0x61: {  	[sflag:s30] =	ssyncset.done $0x0  }
.Ltmp0:
0x62: {  	s15 =	sadd.s32 $0x1480, s14;
	[sflag:s30] =	ssyncadd.s32 $0xFFFFC000;
	(pc) =	sbr.rel @p0 .LBB2_2-.Ltmp0, $4  }
0x63: {  	[spmem:s1] =	stream.indirect.scatter.add.f32 [tilespmem:s28], [sflag:$0x4], $0x80, s15, s25, $0xb8;
	[tilespmem:$0x1E800] =	vst v63  }
0x64: {  	_ =	swait.ge [sflag:s31], $0x4000  }
0x65: {  	[sflag:s31] =	ssyncset.done $0x0  }
0x66: {  	s14 =	sadd.s32 $0x180, s14;
	[sflag:s31] =	ssyncadd.s32 $0xFFFFC000  }
0x67: {  	[tilespmem:s28], [sflag:$0x2] =	stream.indirect.gather [hbm4b:s4+s25], $0x80, s14, s25, $0xb8;
	[tilespmem:$0x1E800] =	vst v63  }
0x68: {  	_ =	swait.ge [sflag:s22], $0x4000  }
0x69: {  	[sflag:s22] =	ssyncset.done $0x0  }
0x6a: {  	[sflag:s22] =	ssyncadd.s32 $0xFFFFC000  }
0x6b: {  	[spmem:s1] =	stream.indirect.scatter.add.f32 [tilespmem:s26], [sflag:$0x3], $0x80, s0, s25, $0xb8;
	[tilespmem:$0x1E800] =	vst v63  }
0x6c: {  	_ =	swait.ge [sflag:s29], $0x4000  }
0x6d: {  	[sflag:s29] =	ssyncset.done $0x0  }
0x6e: {  	[sflag:s29] =	ssyncadd.s32 $0xFFFFC000  }
0x6f: {  	_ =	swait.ge [sflag:s30], $0x4000  }
0x70: {  	[sflag:s30] =	ssyncset.done $0x0  }
0x71: {  	[sflag:s30] =	ssyncadd.s32 $0xFFFFC000  }
0x72: {  	[spmem:s1] =	stream.indirect.scatter.add.f32 [tilespmem:s28], [sflag:$0x4], $0x80, s3, s25, $0xb8;
	[tilespmem:$0x1E800] =	vst v63  }
0x73: {  	_ =	swait.ge [sflag:s31], $0x4000  }
0x74: {  	[sflag:s31] =	ssyncset.done $0x0  }
0x75: {  	s13 =	simm.s32 $0x0;
	s15 =	rddreg [dreg:$0xa];
	[sflag:s31] =	ssyncadd.s32 $0xFFFFC000  }
0x76: {  	[tilespmem:s13], [sflag:$0x5] =	stream.linear.gather [hbm4b:s15+s13], $0x1400, $0x38;
	[tilespmem:$0x1E800] =	vst v63  }
0x77: {  	_ =	swait.ge [sflag:s23], $0x1400  }
0x78: {  	[sflag:s23] =	ssyncset.done $0x0  }
0x79: {  	s15 =	rddreg [dreg:$0xb];
	[sflag:s23] =	ssyncadd.s32 $0xFFFFEC00  }
0x7a: {  	[tilespmem:s24], [sflag:$0x5] =	stream.linear.gather [hbm4b:s15+s13], $0x1400, $0x38;
	[tilespmem:$0x1E800] =	vst v63  }
0x7b: {  	_ =	swait.ge [sflag:s23], $0x1400  }
0x7c: {  	[sflag:s23] =	ssyncset.done $0x0  }
0x7d: {  	[sflag:s23] =	ssyncadd.s32 $0xFFFFEC00  }
0x7e: {  	[tilespmem:s26], [sflag:$0x1] =	stream.indirect.gather [hbm4b:s4+s25], $0x80, s13, s25, $0xb8;
	[tilespmem:$0x1E800] =	vst v63  }
0x7f: {  	_ = 	snop  }
0x80: {  	[tilespmem:s28], [sflag:$0x2] =	stream.indirect.gather [hbm4b:s4+s25], $0x80, s25, s25, $0xb8;
	[tilespmem:$0x1E800] =	vst v63  }
0x81: {  	_ =	swait.ge [sflag:s22], $0x4000  }
0x82: {  	[sflag:s22] =	ssyncset.done $0x0  }
0x83: {  	s15 =	simm.s32 $0x1400;
	[sflag:s22] =	ssyncadd.s32 $0xFFFFC000  }
0x84: {  	[spmem:s1] =	stream.indirect.scatter.add.f32 [tilespmem:s26], [sflag:$0x3], $0x80, s15, s25, $0xb8;
	[tilespmem:$0x1E800] =	vst v63  }
0x85: {  	_ =	swait.ge [sflag:s29], $0x4000  }
0x86: {  	[sflag:s29] =	ssyncset.done $0x0  }
0x87: {  	s14 =	simm.s32 $0x100;
	[sflag:s29] =	ssyncadd.s32 $0xFFFFC000  }
0x88: {  	[tilespmem:s26], [sflag:$0x1] =	stream.indirect.gather [hbm4b:s4+s25], $0x80, s14, s25, $0xb8;
	[tilespmem:$0x1E800] =	vst v63  }
0x89: {  	_ =	swait.ge [sflag:s30], $0x4000  }
0x8a: {  	[sflag:s30] =	ssyncset.done $0x0  }
0x8b: {  	s15 =	simm.s32 $0x1480;
	[sflag:s30] =	ssyncadd.s32 $0xFFFFC000  }
0x8c: {  	[spmem:s1] =	stream.indirect.scatter.add.f32 [tilespmem:s28], [sflag:$0x4], $0x80, s15, s25, $0xb8;
	[tilespmem:$0x1E800] =	vst v63  }
0x8d: {  	_ =	swait.ge [sflag:s31], $0x4000  }
0x8e: {  	[sflag:s31] =	ssyncset.done $0x0  }
0x8f: {  	s13 =	simm.s32 $0x400;
	s14 =	simm.s32 $0x180;
	[sflag:s31] =	ssyncadd.s32 $0xFFFFC000  }
.LBB2_4:
0x90: {  	[tilespmem:s28], [sflag:$0x2] =	stream.indirect.gather [hbm4b:s4+s25], $0x80, s14, s25, $0xb8;
	[tilespmem:$0x1E800] =	vst v63  }
0x91: {  	s14 =	smov.u32 s13  }
0x92: {  	p0 =	sne.s32 s13, $0x4800;
	s13 =	sadd.s32 $0x400, s13;
	_ =	swait.ge [sflag:s22], $0x4000  }
0x93: {  	s14 =	sshra.s32 s14, $0x2;
	[sflag:s22] =	ssyncset.done $0x0  }
0x94: {  	s15 =	sadd.s32 $0x1400, s14;
	[sflag:s22] =	ssyncadd.s32 $0xFFFFC000  }
0x95: {  	[spmem:s1] =	stream.indirect.scatter.add.f32 [tilespmem:s26], [sflag:$0x3], $0x80, s15, s25, $0xb8;
	[tilespmem:$0x1E800] =	vst v63  }
0x96: {  	_ =	swait.ge [sflag:s29], $0x4000  }
0x97: {  	[sflag:s29] =	ssyncset.done $0x0  }
0x98: {  	s15 =	sadd.s32 $0x100, s14;
	[sflag:s29] =	ssyncadd.s32 $0xFFFFC000  }
0x99: {  	[tilespmem:s26], [sflag:$0x1] =	stream.indirect.gather [hbm4b:s4+s25], $0x80, s15, s25, $0xb8;
	[tilespmem:$0x1E800] =	vst v63  }
0x9a: {  	_ =	swait.ge [sflag:s30], $0x4000  }
0x9b: {  	[sflag:s30] =	ssyncset.done $0x0  }
.Ltmp1:
0x9c: {  	s15 =	sadd.s32 $0x1480, s14;
	[sflag:s30] =	ssyncadd.s32 $0xFFFFC000;
	(pc) =	sbr.rel @p0 .LBB2_4-.Ltmp1, $4  }
0x9d: {  	[spmem:s1] =	stream.indirect.scatter.add.f32 [tilespmem:s28], [sflag:$0x4], $0x80, s15, s25, $0xb8;
	[tilespmem:$0x1E800] =	vst v63  }
0x9e: {  	_ =	swait.ge [sflag:s31], $0x4000  }
0x9f: {  	[sflag:s31] =	ssyncset.done $0x0  }
0xa0: {  	s14 =	sadd.s32 $0x180, s14;
	[sflag:s31] =	ssyncadd.s32 $0xFFFFC000  }
0xa1: {  	[tilespmem:s28], [sflag:$0x2] =	stream.indirect.gather [hbm4b:s4+s25], $0x80, s14, s25, $0xb8;
	[tilespmem:$0x1E800] =	vst v63  }
0xa2: {  	_ =	swait.ge [sflag:s22], $0x4000  }
0xa3: {  	[sflag:s22] =	ssyncset.done $0x0  }
0xa4: {  	[sflag:s22] =	ssyncadd.s32 $0xFFFFC000  }
0xa5: {  	[spmem:s1] =	stream.indirect.scatter.add.f32 [tilespmem:s26], [sflag:$0x3], $0x80, s0, s25, $0xb8;
	[tilespmem:$0x1E800] =	vst v63  }
0xa6: {  	_ =	swait.ge [sflag:s29], $0x4000  }
0xa7: {  	[sflag:s29] =	ssyncset.done $0x0  }
0xa8: {  	[sflag:s29] =	ssyncadd.s32 $0xFFFFC000  }
0xa9: {  	_ =	swait.ge [sflag:s30], $0x4000  }
0xaa: {  	[sflag:s30] =	ssyncset.done $0x0  }
0xab: {  	[sflag:s30] =	ssyncadd.s32 $0xFFFFC000  }
0xac: {  	[spmem:s1] =	stream.indirect.scatter.add.f32 [tilespmem:s28], [sflag:$0x4], $0x80, s3, s25, $0xb8;
	[tilespmem:$0x1E800] =	vst v63  }
0xad: {  	_ =	swait.ge [sflag:s31], $0x4000  }
0xae: {  	[sflag:s31] =	ssyncset.done $0x0  }
0xaf: {  	[sflag:s31] =	ssyncadd.s32 $0xFFFFC000  }
0xb0: {  	[bflag:$0x0] =	sbarrier.arrive $0xFFFF  }
0xb1: {  	[hbm:s16], [sflag:s7] =	dma.local [spmem:s8], $0x800  }
0xb2: {  	[hbm:s17], [sflag:s7] =	dma.local [spmem:s9], $0x800  }
0xb3: {  	[hbm:s18], [sflag:s7] =	dma.local [spmem:s10], $0x800  }
0xb4: {  	[hbm:s19], [sflag:s7] =	dma.local [spmem:s11], $0x800  }
0xb5: {  	[hbm:s20], [sflag:s7] =	dma.local [spmem:s12], $0x800  }
0xb6: {  	_ =	swait.ge [sflag:s22], $0x800  }
0xb7: {  	[sflag:s22] =	ssyncset.done $0x0  }
0xb8: {  	[sflag:s22] =	ssyncadd.s32 $0xFFFFF800  }
0xb9: {  	_ =	swait.ge [sflag:s22], $0x800  }
0xba: {  	[sflag:s22] =	ssyncset.done $0x0  }
0xbb: {  	[sflag:s22] =	ssyncadd.s32 $0xFFFFF800  }
0xbc: {  	_ =	swait.ge [sflag:s22], $0x800  }
0xbd: {  	[sflag:s22] =	ssyncset.done $0x0  }
0xbe: {  	s6 =	sadd.s32 $0x1, s6;
	[sflag:s22] =	ssyncadd.s32 $0xFFFFF800  }
0xbf: {  	p0 =	sne.s32 s6, s21;
	_ =	swait.ge [sflag:s22], $0x800  }
.Ltmp2:
0xc0: {  	[sflag:s22] =	ssyncset.done $0x0;
	(pc) =	sbr.rel @p0 .LBB2_1-.Ltmp2, $4  }
0xc1: {  	[sflag:s22] =	ssyncadd.s32 $0xFFFFF800  }
0xc2: {  	_ =	swait.ge [sflag:s22], $0x800  }
0xc3: {  	[sflag:s22] =	ssyncset.done $0x0  }
0xc4: {  	[sflag:s22] =	ssyncadd.s32 $0xFFFFF800  }
0xc5: {  	_ =	sfence.sel $0x180000  }
0xc6: {  	[bflag:$0x0] =	sbarrier.arrive $0xFFFF  }
0xc7: {  	_ =	strace $0x9000004A  }
0xc8: {  	s0 =	stileid.u32;
	[bflag:$0x2] =	sbarrier.arrive $0xFFFF  }
0xc9: {  	p0 =	sne.s32 s0, $0x0;
	s0 =	rddreg [dreg:$0x2]  }
0xca: {  	s0 =	sadd.s32 @!p0 $0x100000, s0  }
0xcb: {  	[sflag:s0] =	ssyncadd.tile.s32 @!p0 $0x1;
	_ =	shalt  }
.Lfunc_end2:
_tile_overlayer_lowered:
.L_overlay_start_2:
0xcc: {  	(tag) =	ssettag $0x2  }
0xcd: {  	s0 =	rddreg [dreg:$0x0];
	s2 =	stileid.u32  }
0xce: {  	s1 =	rddreg [dreg:$0x1];
	p0 =	sne.s32 s2, $0x0  }
0xcf: {  	s3 =	rddreg [dreg:$0x2];
	[bflag:$0x3] =	sbarrier.arrive $0xFFFF;
	s2 =	simm.s32 @!p0 $0x1C05  }
0xd0: {  	[timem:s3], [sflag:s2] =	dma.local @!p0 [hbm:s0], s1  }
0xd1: {  	s0 =	simm.s32 @!p0 $0x5  }
0xd2: {  	_ =	swait.ge @!p0 [sflag:s0], s1  }
0xd3: {  	s1 =	ssub.s32 @!p0 $0x0, s1;
	[sflag:s0] =	ssyncset.done @!p0 $0x0  }
0xd4: {  	[sflag:s0] =	ssyncadd.s32 @!p0 s1  }
0xd5: {  	[bflag:$0x3] =	sbarrier.arrive $0xFFFF  }
0xd6: {  	_ =	shalt  }

// kernel: kernel.19.cloned.1.call-start
scs
__scs_entry_jumppad:
0x0: {  	(pc) =	sbr.rel $0x88, $3  }
0x1: {  	(tag) =	ssettag $0x0;
	lr =	simm.s32 $0x1  }
0x2: {  	[smem:$0x3F94] =	sst lr;
	_ =	strace $0xD0000000  }
0x3: {  	_ = 	snop  }
0x4: {  	_ = 	snop  }
0x5: {  	_ = 	snop  }
0x6: {  	_ = 	snop  }
0x7: {  	_ = 	snop  }
__scs_overlays_trampoline_lowered:
0x8: {  	[smem:$0x3FA3] =	sst s0  }
0x9: {  	[smem:$0x3FA4] =	sst s1  }
0xa: {  	[smem:$0x3FA5] =	sst s2  }
0xb: {  	[smem:$0x3FA6] =	sst s3  }
0xc: {  	[smem:$0x3FA7] =	sst s4  }
0xd: {  	[smem:$0x3FA8] =	sst s5  }
0xe: {  	[smem:$0x3FA9] =	sst s6  }
0xf: {  	[smem:$0x3FAA] =	sst s7  }
0x10: {  	[smem:$0x3FAB] =	sst s8  }
0x11: {  	[smem:$0x3FAC] =	sst s9;
	s0 =	simm.s32 @!p0 $0x0  }
0x12: {  	s1 =	sld [smem:$0x3F92];
	s0 =	simm.s32 @p0 $0x1  }
0x13: {  	[smem:$0x3FAD] =	sst s0;
	s0 =	simm.s32 @!p1 $0x0  }
0x14: {  	s2 =	sld [smem:$0x3F91];
	s0 =	simm.s32 @p1 $0x1  }
0x15: {  	[smem:$0x3FAE] =	sst s0;
	s0 =	simm.s32 @!p2 $0x0  }
0x16: {  	s3 =	sld [smem:$0x3FDB];
	s0 =	simm.s32 @p2 $0x1  }
0x17: {  	s4 =	simm.s32 $0x1BF5;
	[smem:$0x3FB0] =	sst s0  }
0x18: {  	s0 =	sld [smem:$0x3F93];
	_ =	swait.ge [sflag:s4], $0x0  }
0x19: {  	s7 =	sld [smem:$0x3F94]  }
0x1a: {  	s8 =	sadd.s32 $0xFFFFE003, lr  }
0x1b: {  	s9 =	sadd.s32 $0xFFFFFEF7, lr;
	s5 =	simm.s32 $0xFFFFFFFF;
	p2 =	slt.u32 s8, $0xFFFFF086  }
0x1c: {  	p1 =	slt.u32 s9, $0xF7A;
	s5 =	simm.s32 @!p2 $0x0  }
0x1d: {  	s5 =	simm.s32 @p1 $0x1;
	p0 =	seq.s32 s7, s2  }
0x1e: {  	s7 =	smul.u32 @!p0 $0xF7A, s2;
	p2 =	seq.s32 @!p0 s5, $0x0  }
0x1f: {  	s9 =	smul.u32 $0xF7A, s1;
	s8 =	simm.s32 @!p0 $0x1BF5;
	p2 =	por !p2, p0  }
0x20: {  	[sflag:s8] =	ssyncset.s32 @!p0 $0xFFFFF086;
	s6 =	sadd.s32 @!p0 s3, s7;
	s7 =	simm.s32 @!p0 $0x108  }
0x21: {  	s3 =	sadd.s32 s3, s9;
	s6 =	sadd.s32 @!p0 $0x88, s6;
	s7 =	simm.s32 @p2 $0x1082  }
0x22: {  	[simem:s7], [sflag:s8] =	dma.local @!p0 [hbm:s6], $0xF7A  }
0x23: {  	s9 =	sor.u32 $0xD0000000, s2;
	s6 =	simm.s32 $0x108;
	_ =	swait.ge @!p0 [sflag:s8], $0x0  }
0x24: {  	s3 =	sadd.s32 $0x88, s3;
	s6 =	simm.s32 @!p1 $0x1082;
	[sflag:s4] =	ssyncset.s32 $0xFFFFF086  }
0x25: {  	[simem:s6], [sflag:s4] =	dma.local [hbm:s3], $0xF7A  }
0x26: {  	[smem:$0x3F94] =	sst s1;
	(tag) =	ssettag s2;
	_ =	strace s9  }
0x27: {  	s1 =	sld [smem:$0x3FA4]  }
0x28: {  	s2 =	sld [smem:$0x3FA5]  }
0x29: {  	s4 =	sld [smem:$0x3FA7]  }
0x2a: {  	p0 =	seq.s32 s5, $0x0;
	s5 =	sld [smem:$0x3FA8]  }
0x2b: {  	s6 =	sld [smem:$0x3FA9]  }
0x2c: {  	s7 =	sld [smem:$0x3FAA]  }
0x2d: {  	s3 =	simm.s32 $0x108;
	s8 =	sld [smem:$0x3FAB]  }
0x2e: {  	s3 =	simm.s32 @!p0 $0x1082;
	s9 =	sld [smem:$0x3FAC]  }
0x2f: {  	lr =	sadd.s32 s0, s3;
	s0 =	sld [smem:$0x3FA3]  }
0x30: {  	s3 =	sld [smem:$0x3FA6]  }
0x31: {  	[smem:$0x3FAF] =	sst s10  }
0x32: {  	s10 =	sld [smem:$0x3FAD];
	_ =	sdelay $0x3  }
0x33: {  	p0 =	seq.s32 s10, $0x1;
	s10 =	sld [smem:$0x3FAF];
	_ =	sdelay $0x3  }
0x34: {  	[smem:$0x3FAF] =	sst s10  }
0x35: {  	s10 =	sld [smem:$0x3FAE];
	_ =	sdelay $0x3  }
0x36: {  	p1 =	seq.s32 s10, $0x1;
	s10 =	sld [smem:$0x3FAF];
	_ =	sdelay $0x3  }
0x37: {  	[smem:$0x3FAF] =	sst s10  }
0x38: {  	s10 =	sld [smem:$0x3FB0]  }
0x39: {  	_ = 	snop;
	(pc) =	sbr.ind lr, $3  }
0x3a: {  	_ = 	snop  }
0x3b: {  	_ = 	snop  }
0x3c: {  	p2 =	seq.s32 s10, $0x1;
	s10 =	sld [smem:$0x3FAF]  }
0x3d: {  	_ =	shalt  }
0x3e: {  	_ =	shalt  }
0x3f: {  	_ =	shalt  }
0x40: {  	_ =	shalt  }
0x41: {  	_ =	shalt  }
0x42: {  	_ =	shalt  }
0x43: {  	_ =	shalt  }
0x44: {  	_ =	shalt  }
0x45: {  	_ =	shalt  }
0x46: {  	_ =	shalt  }
0x47: {  	_ =	shalt  }
0x48: {  	_ =	shalt  }
0x49: {  	_ =	shalt  }
0x4a: {  	_ =	shalt  }
0x4b: {  	_ =	shalt  }
0x4c: {  	_ =	shalt  }
0x4d: {  	_ =	shalt  }
0x4e: {  	_ =	shalt  }
0x4f: {  	_ =	shalt  }
0x50: {  	_ =	shalt  }
0x51: {  	_ =	shalt  }
0x52: {  	_ =	shalt  }
0x53: {  	_ =	shalt  }
0x54: {  	_ =	shalt  }
0x55: {  	_ =	shalt  }
0x56: {  	_ =	shalt  }
0x57: {  	_ =	shalt  }
0x58: {  	_ =	shalt  }
0x59: {  	_ =	shalt  }
0x5a: {  	_ =	shalt  }
0x5b: {  	_ =	shalt  }
0x5c: {  	_ =	shalt  }
0x5d: {  	_ =	shalt  }
0x5e: {  	_ =	shalt  }
0x5f: {  	_ =	shalt  }
0x60: {  	_ =	shalt  }
0x61: {  	_ =	shalt  }
0x62: {  	_ =	shalt  }
0x63: {  	_ =	shalt  }
0x64: {  	_ =	shalt  }
0x65: {  	_ =	shalt  }
0x66: {  	_ =	shalt  }
0x67: {  	_ =	shalt  }
0x68: {  	_ =	shalt  }
0x69: {  	_ =	shalt  }
0x6a: {  	_ =	shalt  }
0x6b: {  	_ =	shalt  }
0x6c: {  	_ =	shalt  }
0x6d: {  	_ =	shalt  }
0x6e: {  	_ =	shalt  }
0x6f: {  	_ =	shalt  }
0x70: {  	_ =	shalt  }
0x71: {  	_ =	shalt  }
0x72: {  	_ =	shalt  }
0x73: {  	_ =	shalt  }
0x74: {  	_ =	shalt  }
0x75: {  	_ =	shalt  }
0x76: {  	_ =	shalt  }
0x77: {  	_ =	shalt  }
0x78: {  	_ =	shalt  }
0x79: {  	_ =	shalt  }
0x7a: {  	_ =	shalt  }
0x7b: {  	_ =	shalt  }
0x7c: {  	_ =	shalt  }
0x7d: {  	_ =	shalt  }
0x7e: {  	_ =	shalt  }
0x7f: {  	_ =	shalt  }
0x80: {  	_ =	shalt  }
0x81: {  	_ =	shalt  }
0x82: {  	_ =	shalt  }
0x83: {  	_ =	shalt  }
0x84: {  	_ =	shalt  }
0x85: {  	_ =	shalt  }
0x86: {  	_ =	shalt  }
0x87: {  	_ =	shalt  }
.Lfunc_end0:
.L_simem_size_0:
called_computation.2_lowered:
.L_overlay_start_0:
0x88: {  	s2 =	sld [smem:$0x3FD9]  }
0x89: {  	s3 =	sld [smem:$0x3FFE];
	_ =	sdelay $0x1  }
0x8a: {  	s1 =	srdreg.scid  }
0x8b: {  	s0 =	sand.u32 $0x1, s1  }
0x8c: {  	s16 =	sshll.u32 s0, $0xA;
	s2 =	sadd.s32 s3, s2  }
0x8d: {  	s2 =	sadd.s32 s2, s16  }
0x8e: {  	[smem:$0x3FBB] =	sst s2  }
0x8f: {  	_ = 	snop  }
0x90: {  	(tm) =	ssettm $0x1  }
0x91: {  	s17 =	sld [smem:$0x3FFB];
	_ =	sdelay $0x3  }
0x92: {  	_ =	strace s17  }
0x93: {  	s2 =	sld [smem:$0x3FFC];
	_ =	sdelay $0x3  }
0x94: {  	_ =	strace s2  }
0x95: {  	s2 =	sld [smem:$0x3FFD];
	_ =	sdelay $0x3  }
0x96: {  	_ =	strace s2  }
0x97: {  	_ =	strace $0x8FFFFFFF  }
0x98: {  	s18 =	sld [smem:$0x3FDB];
	_ =	sdelay $0x1  }
0x99: {  	s19 =	simm.s32 $_scs_section_size  }
0x9a: {  	s4 =	simm.s32 $_size__tile_overlayer_lowered;
	s5 =	simm.s32 $_tile_overlayer_lowered  }
0x9b: {  	s22 =	simm.s32 $0x1BFF;
	s21 =	sshll.u32 s5, $0x1;
	s2 =	sadd.s32 s19, s18  }
0x9c: {  	s6 =	simm.s32 $0x0;
	s20 =	sshll.u32 s4, $0x1;
	s4 =	sadd.s32 s21, s2  }
0x9d: {  	[timem:s6], [sflag:s22] =	dma.local [hbm:s4], s20  }
0x9e: {  	_ =	swait.ge [sflag:s22], s20  }
0x9f: {  	s3 =	ssub.s32 $0x0, s20;
	[sflag:s22] =	ssyncset.done $0x0  }
0xa0: {  	[sflag:s22] =	ssyncadd.s32 s3;
	_ =	sdelay $0x1  }
0xa1: {  	s23 =	simm.s32 $0x1B8B  }
0xa2: {  	_ =	swait.ge [sflag:s23], $0x1  }
0xa3: {  	[sflag:s23] =	ssyncset.done $0x0  }
0xa4: {  	s25 =	simm.s32 $0x1B8E;
	s24 =	sld [smem:$0x3FFE];
	[sflag:s23] =	ssyncadd.s32 $0xFFFFFFFF  }
0xa5: {  	s26 =	simm.s32 $execute0_lowered;
	[smem:$0x3FD2] =	sst s25  }
0xa6: {  	s4 =	sshll.u32 s26, $0x1;
	_ =	strace $0x8000004C;
	[dreg:$0x1] =	wrdreg $0xFFFFFFFF  }
0xa7: {  	s28 =	simm.s32 $_size_execute0_lowered;
	s2 =	sadd.s32 s2, s4;
	[dreg:$0x0] =	wrdreg $0x0  }
0xa8: {  	s4 =	sshll.u32 s28, $0x1;
	[dreg:$0x2] =	wrdreg s2  }
0xa9: {  	[dreg:$0x3] =	wrdreg s4  }
0xaa: {  	[dreg:$0x4] =	wrdreg $0xC0  }
0xab: {  	_ =	task [dreg:s6], $0x5FFFF  }
0xac: {  	[dreg:$0x1] =	wrdreg $0xFFFFFFFF  }
0xad: {  	[dreg:$0x0] =	wrdreg $0x60  }
0xae: {  	[dreg:$0x2] =	wrdreg s24  }
0xaf: {  	[dreg:$0x3] =	wrdreg $0xA8000  }
0xb0: {  	[dreg:$0x4] =	wrdreg $0x9  }
0xb1: {  	_ =	task.clear_ibuf [dreg:s6], $0x5FFFF;
	_ =	strace $0x9000004C  }
0xb2: {  	s29 =	simm.s32 $0x9;
	_ =	strace $0x8000004E  }
0xb3: {  	_ =	swait.ge [sflag:s29], $0x1  }
0xb4: {  	[sflag:s29] =	ssyncadd.s32 $0xFFFFFFFF  }
0xb5: {  	_ =	strace $0x9000004E  }
0xb6: {  	_ =	sfence  }
0xb7: {  	s30 =	sld [smem:$0x0];
	_ =	sdelay $0x2  }
0xb8: {  	s31 =	sshll.u32 s1, $0xD;
	s1 =	sshrl.u32 s1, $0x2  }
0xb9: {  	s3 =	sand.u32 $0x4000, s31;
	s1 =	sadd.s32 s1, s30  }
0xba: {  	s0 =	sor.u32 s3, s0;
	s1 =	sshll.u32 s1, $0x11  }
0xbb: {  	s0 =	sor.u32 s1, s0  }
0xbc: {  	s0 =	sadd.s32 $0x8F2B, s0  }
0xbd: {  	[sflag:s0] =	ssyncadd.remote.s32 $0x1  }
0xbe: {  	_ =	sfence.sel $0xFFFF  }
0xbf: {  	[dreg:$0x0] =	wrdreg $0xFFFFFFFF;
	(pc) =	sbr.abs _section_cstart, $3  }
0xc0: {  	[dreg:$0x1] =	wrdreg $0xFFFFFFFF  }
0xc1: {  	_ =	task.clear_ibuf [dreg:s6], $0x2FFFF;
	_ =	strace $0x9FFFFFFF  }
0xc2: {  	(tm) =	ssettm $0x7FFFFFFF  }
0xc3: {  	_ =	shalt  }
tec
execute0_lowered:
.L_overlay_start_1:
0x0: {  	(tag) =	ssettag $0x1  }
0x1: {  	s0 =	rddreg [dreg:$0x0]  }
0x2: {  	s1 =	rddreg [dreg:$0x1]  }
0x3: {  	s2 =	simm.s32 $0x0;
	s5 =	srdreg.scid;
	s13 =	stileid.u32  }
0x4: {  	s28 =	simm.s32 $0x6800;
	s29 =	simm.s32 $0x3;
	s30 =	simm.s32 $0x2  }
0x5: {  	s31 =	simm.s32 $0x4;
	[smem:$0x7FF] =	sst s2;
	s4 =	sadd.s32 $0x18E00, s0  }
0x6: {  	s3 =	sadd.s32 $0xE600, s0;
	s6 =	sadd.s32 $0x4600, s0;
	s9 =	smul.u32 $0x50000, s13  }
0x7: {  	s8 =	sand.u32 $0x1, s5;
	s5 =	sadd.s32 $0x18600, s0;
	s12 =	smul.u32 $0x14000, s13  }
0x8: {  	s0 =	sadd.s32 $0x68E00, s0;
	s22 =	sshll.u32 s13, $0x6;
	_ =	strace $0x8000004D  }
0x9: {  	s7 =	ssub.s32 $0x2, s8;
	s11 =	sshll.u32 s8, $0x4;
	s8 =	smul.u32 $0x140000, s8  }
0xa: {  	s10 =	sshrl.u32 s7, $0x1;
	s11 =	sor.u32 s13, s11;
	s21 =	sshrl.u32 s9, $0x2  }
0xb: {  	s23 =	sadd.s32 $0x4000, s12;
	s25 =	sadd.s32 $0x8000, s12;
	s14 =	sadd.s32 $0xC000, s12  }
0xc: {  	s18 =	sadd.s32 $0x10000, s12;
	s10 =	ssub.s32 s7, s10;
	s7 =	sadd.s32 s21, s1  }
0xd: {  	s24 =	sadd.s32 s23, s1;
	s11 =	smul.u32 $0x2800, s11;
	[dreg:$0x3] =	wrdreg s7  }
0xe: {  	s15 =	sadd.s32 s25, s1;
	s26 =	sadd.s32 s14, s1;
	[dreg:$0x4] =	wrdreg s24  }
0xf: {  	s16 =	sadd.s32 s18, s1;
	s20 =	sadd.s32 s12, s8;
	[dreg:$0x5] =	wrdreg s15  }
0x10: {  	s21 =	sadd.s32 s8, s23;
	s23 =	sadd.s32 s8, s25;
	[dreg:$0x6] =	wrdreg s26  }
0x11: {  	s7 =	sor.u32 $0x1C01, s22;
	[dreg:$0x7] =	wrdreg s16;
	s22 =	sshrl.u32 s21, $0x3  }
0x12: {  	s24 =	sadd.s32 s8, s14;
	s8 =	sadd.s32 s8, s18;
	s11 =	sshrl.u32 s11, $0x3  }
0x13: {  	s21 =	smax.u32 s10, $0x1;
	s25 =	sshrl.u32 s24, $0x3;
	s17 =	sadd.s32 s3, s11  }
0x14: {  	s26 =	sshrl.u32 s8, $0x3;
	s19 =	sadd.s32 s6, s11;
	[dreg:$0x8] =	wrdreg s17  }
0x15: {  	s24 =	simm.s32 $0x1400;
	s11 =	sadd.s32 $0x280, s11;
	[dreg:$0x9] =	wrdreg s19  }
0x16: {  	s3 =	sadd.s32 s3, s11;
	s6 =	sadd.s32 s6, s11;
	s17 =	sadd.s32 s0, s22  }
0x17: {  	s19 =	sadd.s32 s0, s25;
	s22 =	simm.s32 $0x1;
	[dreg:$0xa] =	wrdreg s3  }
0x18: {  	s25 =	simm.s32 $0x80;
	[dreg:$0xb] =	wrdreg s6;
	s3 =	sshrl.u32 s20, $0x3  }
0x19: {  	s20 =	sadd.s32 s0, s26;
	s26 =	simm.s32 $0x2800;
	s6 =	simm.s32 $0x0  }
0x1a: {  	s16 =	sadd.s32 s0, s3;
	s3 =	sshrl.u32 s23, $0x3;
	s23 =	simm.s32 $0x5  }
0x1b: {  	s18 =	sadd.s32 s0, s3;
	s0 =	simm.s32 $0x2700;
	s3 =	simm.s32 $0x2780  }
.LBB2_1:
0x1c: {  	s8 =	rddreg [dreg:$0x3]  }
0x1d: {  	s8 =	sshrl.u32 s8, $0x3  }
0x1e: {  	[spmem:s8], [sflag:s7] =	dma.local [hbm:s5], $0x800  }
0x1f: {  	s9 =	rddreg [dreg:$0x4]  }
0x20: {  	s9 =	sshrl.u32 s9, $0x3  }
0x21: {  	[spmem:s9], [sflag:s7] =	dma.local [hbm:s5], $0x800  }
0x22: {  	s10 =	rddreg [dreg:$0x5]  }
0x23: {  	s10 =	sshrl.u32 s10, $0x3  }
0x24: {  	[spmem:s10], [sflag:s7] =	dma.local [hbm:s5], $0x800  }
0x25: {  	s11 =	rddreg [dreg:$0x6]  }
0x26: {  	s11 =	sshrl.u32 s11, $0x3  }
0x27: {  	[spmem:s11], [sflag:s7] =	dma.local [hbm:s5], $0x800  }
0x28: {  	s12 =	rddreg [dreg:$0x7]  }
0x29: {  	s12 =	sshrl.u32 s12, $0x3  }
0x2a: {  	[spmem:s12], [sflag:s7] =	dma.local [hbm:s5], $0x800  }
0x2b: {  	_ =	swait.ge [sflag:s22], $0x800  }
0x2c: {  	[sflag:s22] =	ssyncset.done $0x0  }
0x2d: {  	[sflag:s22] =	ssyncadd.s32 $0xFFFFF800  }
0x2e: {  	_ =	swait.ge [sflag:s22], $0x800  }
0x2f: {  	[sflag:s22] =	ssyncset.done $0x0  }
0x30: {  	[sflag:s22] =	ssyncadd.s32 $0xFFFFF800  }
0x31: {  	_ =	swait.ge [sflag:s22], $0x800  }
0x32: {  	[sflag:s22] =	ssyncset.done $0x0  }
0x33: {  	[sflag:s22] =	ssyncadd.s32 $0xFFFFF800  }
0x34: {  	_ =	swait.ge [sflag:s22], $0x800  }
0x35: {  	[sflag:s22] =	ssyncset.done $0x0  }
0x36: {  	[sflag:s22] =	ssyncadd.s32 $0xFFFFF800  }
0x37: {  	_ =	swait.ge [sflag:s22], $0x800  }
0x38: {  	[sflag:s22] =	ssyncset.done $0x0  }
0x39: {  	[sflag:s22] =	ssyncadd.s32 $0xFFFFF800  }
0x3a: {  	[bflag:$0x0] =	sbarrier.arrive $0xFFFF  }
0x3b: {  	s13 =	rddreg [dreg:$0x8]  }
0x3c: {  	[tilespmem:s2], [sflag:$0x5] =	stream.linear.gather [hbm4b:s13+s2], $0x1400, $0x38;
	[tilespmem:$0x1E800] =	vst v63  }
0x3d: {  	_ =	swait.ge [sflag:s23], $0x1400  }
0x3e: {  	[sflag:s23] =	ssyncset.done $0x0  }
0x3f: {  	s14 =	rddreg [dreg:$0x9];
	[sflag:s23] =	ssyncadd.s32 $0xFFFFEC00  }
0x40: {  	[tilespmem:s24], [sflag:$0x5] =	stream.linear.gather [hbm4b:s14+s2], $0x1400, $0x38;
	[tilespmem:$0x1E800] =	vst v63  }
0x41: {  	_ =	swait.ge [sflag:s23], $0x1400  }
0x42: {  	[sflag:s23] =	ssyncset.done $0x0  }
0x43: {  	[sflag:s23] =	ssyncadd.s32 $0xFFFFEC00  }
0x44: {  	[tilespmem:s26], [sflag:$0x1] =	stream.indirect.gather [hbm4b:s4+s25], $0x80, s2, s25, $0xb8;
	[tilespmem:$0x1E800] =	vst v63  }
0x45: {  	_ = 	snop  }
0x46: {  	[tilespmem:s28], [sflag:$0x2] =	stream.indirect.gather [hbm4b:s4+s25], $0x80, s25, s25, $0xb8;
	[tilespmem:$0x1E800] =	vst v63  }
0x47: {  	_ =	swait.ge [sflag:s22], $0x4000  }
0x48: {  	[sflag:s22] =	ssyncset.done $0x0  }
0x49: {  	s15 =	simm.s32 $0x1400;
	[sflag:s22] =	ssyncadd.s32 $0xFFFFC000  }
0x4a: {  	[spmem:s1] =	stream.indirect.scatter.add.f32 [tilespmem:s26], [sflag:$0x3], $0x80, s15, s25, $0xb8;
	[tilespmem:$0x1E800] =	vst v63  }
0x4b: {  	_ =	swait.ge [sflag:s29], $0x4000  }
0x4c: {  	[sflag:s29] =	ssyncset.done $0x0  }
0x4d: {  	s14 =	simm.s32 $0x100;
	[sflag:s29] =	ssyncadd.s32 $0xFFFFC000  }
0x4e: {  	[tilespmem:s26], [sflag:$0x1] =	stream.indirect.gather [hbm4b:s4+s25], $0x80, s14, s25, $0xb8;
	[tilespmem:$0x1E800] =	vst v63  }
0x4f: {  	_ =	swait.ge [sflag:s30], $0x4000  }
0x50: {  	[sflag:s30] =	ssyncset.done $0x0  }
0x51: {  	s15 =	simm.s32 $0x1480;
	[sflag:s30] =	ssyncadd.s32 $0xFFFFC000  }
0x52: {  	[spmem:s1] =	stream.indirect.scatter.add.f32 [tilespmem:s28], [sflag:$0x4], $0x80, s15, s25, $0xb8;
	[tilespmem:$0x1E800] =	vst v63  }
0x53: {  	_ =	swait.ge [sflag:s31], $0x4000  }
0x54: {  	[sflag:s31] =	ssyncset.done $0x0  }
0x55: {  	s13 =	simm.s32 $0x400;
	s14 =	simm.s32 $0x180;
	[sflag:s31] =	ssyncadd.s32 $0xFFFFC000  }
.LBB2_2:
0x56: {  	[tilespmem:s28], [sflag:$0x2] =	stream.indirect.gather [hbm4b:s4+s25], $0x80, s14, s25, $0xb8;
	[tilespmem:$0x1E800] =	vst v63  }
0x57: {  	s14 =	smov.u32 s13  }
0x58: {  	p0 =	sne.s32 s13, $0x4800;
	s13 =	sadd.s32 $0x400, s13;
	_ =	swait.ge [sflag:s22], $0x4000  }
0x59: {  	s14 =	sshra.s32 s14, $0x2;
	[sflag:s22] =	ssyncset.done $0x0  }
0x5a: {  	s15 =	sadd.s32 $0x1400, s14;
	[sflag:s22] =	ssyncadd.s32 $0xFFFFC000  }
0x5b: {  	[spmem:s1] =	stream.indirect.scatter.add.f32 [tilespmem:s26], [sflag:$0x3], $0x80, s15, s25, $0xb8;
	[tilespmem:$0x1E800] =	vst v63  }
0x5c: {  	_ =	swait.ge [sflag:s29], $0x4000  }
0x5d: {  	[sflag:s29] =	ssyncset.done $0x0  }
0x5e: {  	s15 =	sadd.s32 $0x100, s14;
	[sflag:s29] =	ssyncadd.s32 $0xFFFFC000  }
0x5f: {  	[tilespmem:s26], [sflag:$0x1] =	stream.indirect.gather [hbm4b:s4+s25], $0x80, s15, s25, $0xb8;
	[tilespmem:$0x1E800] =	vst v63  }
0x60: {  	_ =	swait.ge [sflag:s30], $0x4000  }
0x61: {  	[sflag:s30] =	ssyncset.done $0x0  }
.Ltmp0:
0x62: {  	s15 =	sadd.s32 $0x1480, s14;
	[sflag:s30] =	ssyncadd.s32 $0xFFFFC000;
	(pc) =	sbr.rel @p0 .LBB2_2-.Ltmp0, $4  }
0x63: {  	[spmem:s1] =	stream.indirect.scatter.add.f32 [tilespmem:s28], [sflag:$0x4], $0x80, s15, s25, $0xb8;
	[tilespmem:$0x1E800] =	vst v63  }
0x64: {  	_ =	swait.ge [sflag:s31], $0x4000  }
0x65: {  	[sflag:s31] =	ssyncset.done $0x0  }
0x66: {  	s14 =	sadd.s32 $0x180, s14;
	[sflag:s31] =	ssyncadd.s32 $0xFFFFC000  }
0x67: {  	[tilespmem:s28], [sflag:$0x2] =	stream.indirect.gather [hbm4b:s4+s25], $0x80, s14, s25, $0xb8;
	[tilespmem:$0x1E800] =	vst v63  }
0x68: {  	_ =	swait.ge [sflag:s22], $0x4000  }
0x69: {  	[sflag:s22] =	ssyncset.done $0x0  }
0x6a: {  	[sflag:s22] =	ssyncadd.s32 $0xFFFFC000  }
0x6b: {  	[spmem:s1] =	stream.indirect.scatter.add.f32 [tilespmem:s26], [sflag:$0x3], $0x80, s0, s25, $0xb8;
	[tilespmem:$0x1E800] =	vst v63  }
0x6c: {  	_ =	swait.ge [sflag:s29], $0x4000  }
0x6d: {  	[sflag:s29] =	ssyncset.done $0x0  }
0x6e: {  	[sflag:s29] =	ssyncadd.s32 $0xFFFFC000  }
0x6f: {  	_ =	swait.ge [sflag:s30], $0x4000  }
0x70: {  	[sflag:s30] =	ssyncset.done $0x0  }
0x71: {  	[sflag:s30] =	ssyncadd.s32 $0xFFFFC000  }
0x72: {  	[spmem:s1] =	stream.indirect.scatter.add.f32 [tilespmem:s28], [sflag:$0x4], $0x80, s3, s25, $0xb8;
	[tilespmem:$0x1E800] =	vst v63  }
0x73: {  	_ =	swait.ge [sflag:s31], $0x4000  }
0x74: {  	[sflag:s31] =	ssyncset.done $0x0  }
0x75: {  	s13 =	simm.s32 $0x0;
	s15 =	rddreg [dreg:$0xa];
	[sflag:s31] =	ssyncadd.s32 $0xFFFFC000  }
0x76: {  	[tilespmem:s13], [sflag:$0x5] =	stream.linear.gather [hbm4b:s15+s13], $0x1400, $0x38;
	[tilespmem:$0x1E800] =	vst v63  }
0x77: {  	_ =	swait.ge [sflag:s23], $0x1400  }
0x78: {  	[sflag:s23] =	ssyncset.done $0x0  }
0x79: {  	s15 =	rddreg [dreg:$0xb];
	[sflag:s23] =	ssyncadd.s32 $0xFFFFEC00  }
0x7a: {  	[tilespmem:s24], [sflag:$0x5] =	stream.linear.gather [hbm4b:s15+s13], $0x1400, $0x38;
	[tilespmem:$0x1E800] =	vst v63  }
0x7b: {  	_ =	swait.ge [sflag:s23], $0x1400  }
0x7c: {  	[sflag:s23] =	ssyncset.done $0x0  }
0x7d: {  	[sflag:s23] =	ssyncadd.s32 $0xFFFFEC00  }
0x7e: {  	[tilespmem:s26], [sflag:$0x1] =	stream.indirect.gather [hbm4b:s4+s25], $0x80, s13, s25, $0xb8;
	[tilespmem:$0x1E800] =	vst v63  }
0x7f: {  	_ = 	snop  }
0x80: {  	[tilespmem:s28], [sflag:$0x2] =	stream.indirect.gather [hbm4b:s4+s25], $0x80, s25, s25, $0xb8;
	[tilespmem:$0x1E800] =	vst v63  }
0x81: {  	_ =	swait.ge [sflag:s22], $0x4000  }
0x82: {  	[sflag:s22] =	ssyncset.done $0x0  }
0x83: {  	s15 =	simm.s32 $0x1400;
	[sflag:s22] =	ssyncadd.s32 $0xFFFFC000  }
0x84: {  	[spmem:s1] =	stream.indirect.scatter.add.f32 [tilespmem:s26], [sflag:$0x3], $0x80, s15, s25, $0xb8;
	[tilespmem:$0x1E800] =	vst v63  }
0x85: {  	_ =	swait.ge [sflag:s29], $0x4000  }
0x86: {  	[sflag:s29] =	ssyncset.done $0x0  }
0x87: {  	s14 =	simm.s32 $0x100;
	[sflag:s29] =	ssyncadd.s32 $0xFFFFC000  }
0x88: {  	[tilespmem:s26], [sflag:$0x1] =	stream.indirect.gather [hbm4b:s4+s25], $0x80, s14, s25, $0xb8;
	[tilespmem:$0x1E800] =	vst v63  }
0x89: {  	_ =	swait.ge [sflag:s30], $0x4000  }
0x8a: {  	[sflag:s30] =	ssyncset.done $0x0  }
0x8b: {  	s15 =	simm.s32 $0x1480;
	[sflag:s30] =	ssyncadd.s32 $0xFFFFC000  }
0x8c: {  	[spmem:s1] =	stream.indirect.scatter.add.f32 [tilespmem:s28], [sflag:$0x4], $0x80, s15, s25, $0xb8;
	[tilespmem:$0x1E800] =	vst v63  }
0x8d: {  	_ =	swait.ge [sflag:s31], $0x4000  }
0x8e: {  	[sflag:s31] =	ssyncset.done $0x0  }
0x8f: {  	s13 =	simm.s32 $0x400;
	s14 =	simm.s32 $0x180;
	[sflag:s31] =	ssyncadd.s32 $0xFFFFC000  }
.LBB2_4:
0x90: {  	[tilespmem:s28], [sflag:$0x2] =	stream.indirect.gather [hbm4b:s4+s25], $0x80, s14, s25, $0xb8;
	[tilespmem:$0x1E800] =	vst v63  }
0x91: {  	s14 =	smov.u32 s13  }
0x92: {  	p0 =	sne.s32 s13, $0x4800;
	s13 =	sadd.s32 $0x400, s13;
	_ =	swait.ge [sflag:s22], $0x4000  }
0x93: {  	s14 =	sshra.s32 s14, $0x2;
	[sflag:s22] =	ssyncset.done $0x0  }
0x94: {  	s15 =	sadd.s32 $0x1400, s14;
	[sflag:s22] =	ssyncadd.s32 $0xFFFFC000  }
0x95: {  	[spmem:s1] =	stream.indirect.scatter.add.f32 [tilespmem:s26], [sflag:$0x3], $0x80, s15, s25, $0xb8;
	[tilespmem:$0x1E800] =	vst v63  }
0x96: {  	_ =	swait.ge [sflag:s29], $0x4000  }
0x97: {  	[sflag:s29] =	ssyncset.done $0x0  }
0x98: {  	s15 =	sadd.s32 $0x100, s14;
	[sflag:s29] =	ssyncadd.s32 $0xFFFFC000  }
0x99: {  	[tilespmem:s26], [sflag:$0x1] =	stream.indirect.gather [hbm4b:s4+s25], $0x80, s15, s25, $0xb8;
	[tilespmem:$0x1E800] =	vst v63  }
0x9a: {  	_ =	swait.ge [sflag:s30], $0x4000  }
0x9b: {  	[sflag:s30] =	ssyncset.done $0x0  }
.Ltmp1:
0x9c: {  	s15 =	sadd.s32 $0x1480, s14;
	[sflag:s30] =	ssyncadd.s32 $0xFFFFC000;
	(pc) =	sbr.rel @p0 .LBB2_4-.Ltmp1, $4  }
0x9d: {  	[spmem:s1] =	stream.indirect.scatter.add.f32 [tilespmem:s28], [sflag:$0x4], $0x80, s15, s25, $0xb8;
	[tilespmem:$0x1E800] =	vst v63  }
0x9e: {  	_ =	swait.ge [sflag:s31], $0x4000  }
0x9f: {  	[sflag:s31] =	ssyncset.done $0x0  }
0xa0: {  	s14 =	sadd.s32 $0x180, s14;
	[sflag:s31] =	ssyncadd.s32 $0xFFFFC000  }
0xa1: {  	[tilespmem:s28], [sflag:$0x2] =	stream.indirect.gather [hbm4b:s4+s25], $0x80, s14, s25, $0xb8;
	[tilespmem:$0x1E800] =	vst v63  }
0xa2: {  	_ =	swait.ge [sflag:s22], $0x4000  }
0xa3: {  	[sflag:s22] =	ssyncset.done $0x0  }
0xa4: {  	[sflag:s22] =	ssyncadd.s32 $0xFFFFC000  }
0xa5: {  	[spmem:s1] =	stream.indirect.scatter.add.f32 [tilespmem:s26], [sflag:$0x3], $0x80, s0, s25, $0xb8;
	[tilespmem:$0x1E800] =	vst v63  }
0xa6: {  	_ =	swait.ge [sflag:s29], $0x4000  }
0xa7: {  	[sflag:s29] =	ssyncset.done $0x0  }
0xa8: {  	[sflag:s29] =	ssyncadd.s32 $0xFFFFC000  }
0xa9: {  	_ =	swait.ge [sflag:s30], $0x4000  }
0xaa: {  	[sflag:s30] =	ssyncset.done $0x0  }
0xab: {  	[sflag:s30] =	ssyncadd.s32 $0xFFFFC000  }
0xac: {  	[spmem:s1] =	stream.indirect.scatter.add.f32 [tilespmem:s28], [sflag:$0x4], $0x80, s3, s25, $0xb8;
	[tilespmem:$0x1E800] =	vst v63  }
0xad: {  	_ =	swait.ge [sflag:s31], $0x4000  }
0xae: {  	[sflag:s31] =	ssyncset.done $0x0  }
0xaf: {  	[sflag:s31] =	ssyncadd.s32 $0xFFFFC000  }
0xb0: {  	[bflag:$0x0] =	sbarrier.arrive $0xFFFF  }
0xb1: {  	[hbm:s16], [sflag:s7] =	dma.local [spmem:s8], $0x800  }
0xb2: {  	[hbm:s17], [sflag:s7] =	dma.local [spmem:s9], $0x800  }
0xb3: {  	[hbm:s18], [sflag:s7] =	dma.local [spmem:s10], $0x800  }
0xb4: {  	[hbm:s19], [sflag:s7] =	dma.local [spmem:s11], $0x800  }
0xb5: {  	[hbm:s20], [sflag:s7] =	dma.local [spmem:s12], $0x800  }
0xb6: {  	_ =	swait.ge [sflag:s22], $0x800  }
0xb7: {  	[sflag:s22] =	ssyncset.done $0x0  }
0xb8: {  	[sflag:s22] =	ssyncadd.s32 $0xFFFFF800  }
0xb9: {  	_ =	swait.ge [sflag:s22], $0x800  }
0xba: {  	[sflag:s22] =	ssyncset.done $0x0  }
0xbb: {  	[sflag:s22] =	ssyncadd.s32 $0xFFFFF800  }
0xbc: {  	_ =	swait.ge [sflag:s22], $0x800  }
0xbd: {  	[sflag:s22] =	ssyncset.done $0x0  }
0xbe: {  	s6 =	sadd.s32 $0x1, s6;
	[sflag:s22] =	ssyncadd.s32 $0xFFFFF800  }
0xbf: {  	p0 =	sne.s32 s6, s21;
	_ =	swait.ge [sflag:s22], $0x800  }
.Ltmp2:
0xc0: {  	[sflag:s22] =	ssyncset.done $0x0;
	(pc) =	sbr.rel @p0 .LBB2_1-.Ltmp2, $4  }
0xc1: {  	[sflag:s22] =	ssyncadd.s32 $0xFFFFF800  }
0xc2: {  	_ =	swait.ge [sflag:s22], $0x800  }
0xc3: {  	[sflag:s22] =	ssyncset.done $0x0  }
0xc4: {  	[sflag:s22] =	ssyncadd.s32 $0xFFFFF800  }
0xc5: {  	_ =	sfence.sel $0x180000  }
0xc6: {  	[bflag:$0x0] =	sbarrier.arrive $0xFFFF  }
0xc7: {  	_ =	strace $0x9000004D  }
0xc8: {  	s0 =	stileid.u32;
	[bflag:$0x2] =	sbarrier.arrive $0xFFFF  }
0xc9: {  	p0 =	sne.s32 s0, $0x0;
	s0 =	rddreg [dreg:$0x2]  }
0xca: {  	s0 =	sadd.s32 @!p0 $0x100000, s0  }
0xcb: {  	[sflag:s0] =	ssyncadd.tile.s32 @!p0 $0x1;
	_ =	shalt  }
.Lfunc_end2:
_tile_overlayer_lowered:
.L_overlay_start_2:
0xcc: {  	(tag) =	ssettag $0x2  }
0xcd: {  	s0 =	rddreg [dreg:$0x0];
	s2 =	stileid.u32  }
0xce: {  	s1 =	rddreg [dreg:$0x1];
	p0 =	sne.s32 s2, $0x0  }
0xcf: {  	s3 =	rddreg [dreg:$0x2];
	[bflag:$0x3] =	sbarrier.arrive $0xFFFF;
	s2 =	simm.s32 @!p0 $0x1C05  }
0xd0: {  	[timem:s3], [sflag:s2] =	dma.local @!p0 [hbm:s0], s1  }
0xd1: {  	s0 =	simm.s32 @!p0 $0x5  }
0xd2: {  	_ =	swait.ge @!p0 [sflag:s0], s1  }
0xd3: {  	s1 =	ssub.s32 @!p0 $0x0, s1;
	[sflag:s0] =	ssyncset.done @!p0 $0x0  }
0xd4: {  	[sflag:s0] =	ssyncadd.s32 @!p0 s1  }
0xd5: {  	[bflag:$0x3] =	sbarrier.arrive $0xFFFF  }
0xd6: {  	_ =	shalt  }

// kernel: kernel.22.cloned.1.call-start
scs
__scs_entry_jumppad:
0x0: {  	(pc) =	sbr.rel $0x88, $3  }
0x1: {  	(tag) =	ssettag $0x0;
	lr =	simm.s32 $0x1  }
0x2: {  	[smem:$0x3F94] =	sst lr;
	_ =	strace $0xD0000000  }
0x3: {  	_ = 	snop  }
0x4: {  	_ = 	snop  }
0x5: {  	_ = 	snop  }
0x6: {  	_ = 	snop  }
0x7: {  	_ = 	snop  }
__scs_overlays_trampoline_lowered:
0x8: {  	[smem:$0x3FA3] =	sst s0  }
0x9: {  	[smem:$0x3FA4] =	sst s1  }
0xa: {  	[smem:$0x3FA5] =	sst s2  }
0xb: {  	[smem:$0x3FA6] =	sst s3  }
0xc: {  	[smem:$0x3FA7] =	sst s4  }
0xd: {  	[smem:$0x3FA8] =	sst s5  }
0xe: {  	[smem:$0x3FA9] =	sst s6  }
0xf: {  	[smem:$0x3FAA] =	sst s7  }
0x10: {  	[smem:$0x3FAB] =	sst s8  }
0x11: {  	[smem:$0x3FAC] =	sst s9;
	s0 =	simm.s32 @!p0 $0x0  }
0x12: {  	s1 =	sld [smem:$0x3F92];
	s0 =	simm.s32 @p0 $0x1  }
0x13: {  	[smem:$0x3FAD] =	sst s0;
	s0 =	simm.s32 @!p1 $0x0  }
0x14: {  	s2 =	sld [smem:$0x3F91];
	s0 =	simm.s32 @p1 $0x1  }
0x15: {  	[smem:$0x3FAE] =	sst s0;
	s0 =	simm.s32 @!p2 $0x0  }
0x16: {  	s3 =	sld [smem:$0x3FDB];
	s0 =	simm.s32 @p2 $0x1  }
0x17: {  	s4 =	simm.s32 $0x1BF5;
	[smem:$0x3FB0] =	sst s0  }
0x18: {  	s0 =	sld [smem:$0x3F93];
	_ =	swait.ge [sflag:s4], $0x0  }
0x19: {  	s7 =	sld [smem:$0x3F94]  }
0x1a: {  	s8 =	sadd.s32 $0xFFFFE003, lr  }
0x1b: {  	s9 =	sadd.s32 $0xFFFFFEF7, lr;
	s5 =	simm.s32 $0xFFFFFFFF;
	p2 =	slt.u32 s8, $0xFFFFF086  }
0x1c: {  	p1 =	slt.u32 s9, $0xF7A;
	s5 =	simm.s32 @!p2 $0x0  }
0x1d: {  	s5 =	simm.s32 @p1 $0x1;
	p0 =	seq.s32 s7, s2  }
0x1e: {  	s7 =	smul.u32 @!p0 $0xF7A, s2;
	p2 =	seq.s32 @!p0 s5, $0x0  }
0x1f: {  	s9 =	smul.u32 $0xF7A, s1;
	s8 =	simm.s32 @!p0 $0x1BF5;
	p2 =	por !p2, p0  }
0x20: {  	[sflag:s8] =	ssyncset.s32 @!p0 $0xFFFFF086;
	s6 =	sadd.s32 @!p0 s3, s7;
	s7 =	simm.s32 @!p0 $0x108  }
0x21: {  	s3 =	sadd.s32 s3, s9;
	s6 =	sadd.s32 @!p0 $0x88, s6;
	s7 =	simm.s32 @p2 $0x1082  }
0x22: {  	[simem:s7], [sflag:s8] =	dma.local @!p0 [hbm:s6], $0xF7A  }
0x23: {  	s9 =	sor.u32 $0xD0000000, s2;
	s6 =	simm.s32 $0x108;
	_ =	swait.ge @!p0 [sflag:s8], $0x0  }
0x24: {  	s3 =	sadd.s32 $0x88, s3;
	s6 =	simm.s32 @!p1 $0x1082;
	[sflag:s4] =	ssyncset.s32 $0xFFFFF086  }
0x25: {  	[simem:s6], [sflag:s4] =	dma.local [hbm:s3], $0xF7A  }
0x26: {  	[smem:$0x3F94] =	sst s1;
	(tag) =	ssettag s2;
	_ =	strace s9  }
0x27: {  	s1 =	sld [smem:$0x3FA4]  }
0x28: {  	s2 =	sld [smem:$0x3FA5]  }
0x29: {  	s4 =	sld [smem:$0x3FA7]  }
0x2a: {  	p0 =	seq.s32 s5, $0x0;
	s5 =	sld [smem:$0x3FA8]  }
0x2b: {  	s6 =	sld [smem:$0x3FA9]  }
0x2c: {  	s7 =	sld [smem:$0x3FAA]  }
0x2d: {  	s3 =	simm.s32 $0x108;
	s8 =	sld [smem:$0x3FAB]  }
0x2e: {  	s3 =	simm.s32 @!p0 $0x1082;
	s9 =	sld [smem:$0x3FAC]  }
0x2f: {  	lr =	sadd.s32 s0, s3;
	s0 =	sld [smem:$0x3FA3]  }
0x30: {  	s3 =	sld [smem:$0x3FA6]  }
0x31: {  	[smem:$0x3FAF] =	sst s10  }
0x32: {  	s10 =	sld [smem:$0x3FAD];
	_ =	sdelay $0x3  }
0x33: {  	p0 =	seq.s32 s10, $0x1;
	s10 =	sld [smem:$0x3FAF];
	_ =	sdelay $0x3  }
0x34: {  	[smem:$0x3FAF] =	sst s10  }
0x35: {  	s10 =	sld [smem:$0x3FAE];
	_ =	sdelay $0x3  }
0x36: {  	p1 =	seq.s32 s10, $0x1;
	s10 =	sld [smem:$0x3FAF];
	_ =	sdelay $0x3  }
0x37: {  	[smem:$0x3FAF] =	sst s10  }
0x38: {  	s10 =	sld [smem:$0x3FB0]  }
0x39: {  	_ = 	snop;
	(pc) =	sbr.ind lr, $3  }
0x3a: {  	_ = 	snop  }
0x3b: {  	_ = 	snop  }
0x3c: {  	p2 =	seq.s32 s10, $0x1;
	s10 =	sld [smem:$0x3FAF]  }
0x3d: {  	_ =	shalt  }
0x3e: {  	_ =	shalt  }
0x3f: {  	_ =	shalt  }
0x40: {  	_ =	shalt  }
0x41: {  	_ =	shalt  }
0x42: {  	_ =	shalt  }
0x43: {  	_ =	shalt  }
0x44: {  	_ =	shalt  }
0x45: {  	_ =	shalt  }
0x46: {  	_ =	shalt  }
0x47: {  	_ =	shalt  }
0x48: {  	_ =	shalt  }
0x49: {  	_ =	shalt  }
0x4a: {  	_ =	shalt  }
0x4b: {  	_ =	shalt  }
0x4c: {  	_ =	shalt  }
0x4d: {  	_ =	shalt  }
0x4e: {  	_ =	shalt  }
0x4f: {  	_ =	shalt  }
0x50: {  	_ =	shalt  }
0x51: {  	_ =	shalt  }
0x52: {  	_ =	shalt  }
0x53: {  	_ =	shalt  }
0x54: {  	_ =	shalt  }
0x55: {  	_ =	shalt  }
0x56: {  	_ =	shalt  }
0x57: {  	_ =	shalt  }
0x58: {  	_ =	shalt  }
0x59: {  	_ =	shalt  }
0x5a: {  	_ =	shalt  }
0x5b: {  	_ =	shalt  }
0x5c: {  	_ =	shalt  }
0x5d: {  	_ =	shalt  }
0x5e: {  	_ =	shalt  }
0x5f: {  	_ =	shalt  }
0x60: {  	_ =	shalt  }
0x61: {  	_ =	shalt  }
0x62: {  	_ =	shalt  }
0x63: {  	_ =	shalt  }
0x64: {  	_ =	shalt  }
0x65: {  	_ =	shalt  }
0x66: {  	_ =	shalt  }
0x67: {  	_ =	shalt  }
0x68: {  	_ =	shalt  }
0x69: {  	_ =	shalt  }
0x6a: {  	_ =	shalt  }
0x6b: {  	_ =	shalt  }
0x6c: {  	_ =	shalt  }
0x6d: {  	_ =	shalt  }
0x6e: {  	_ =	shalt  }
0x6f: {  	_ =	shalt  }
0x70: {  	_ =	shalt  }
0x71: {  	_ =	shalt  }
0x72: {  	_ =	shalt  }
0x73: {  	_ =	shalt  }
0x74: {  	_ =	shalt  }
0x75: {  	_ =	shalt  }
0x76: {  	_ =	shalt  }
0x77: {  	_ =	shalt  }
0x78: {  	_ =	shalt  }
0x79: {  	_ =	shalt  }
0x7a: {  	_ =	shalt  }
0x7b: {  	_ =	shalt  }
0x7c: {  	_ =	shalt  }
0x7d: {  	_ =	shalt  }
0x7e: {  	_ =	shalt  }
0x7f: {  	_ =	shalt  }
0x80: {  	_ =	shalt  }
0x81: {  	_ =	shalt  }
0x82: {  	_ =	shalt  }
0x83: {  	_ =	shalt  }
0x84: {  	_ =	shalt  }
0x85: {  	_ =	shalt  }
0x86: {  	_ =	shalt  }
0x87: {  	_ =	shalt  }
.Lfunc_end0:
.L_simem_size_0:
called_computation.3_lowered:
.L_overlay_start_0:
0x88: {  	s2 =	sld [smem:$0x3FD9]  }
0x89: {  	s3 =	sld [smem:$0x3FFE];
	_ =	sdelay $0x1  }
0x8a: {  	s1 =	srdreg.scid  }
0x8b: {  	s0 =	sand.u32 $0x1, s1  }
0x8c: {  	s16 =	sshll.u32 s0, $0xA;
	s2 =	sadd.s32 s3, s2  }
0x8d: {  	s2 =	sadd.s32 s2, s16  }
0x8e: {  	[smem:$0x3FBB] =	sst s2  }
0x8f: {  	_ = 	snop  }
0x90: {  	(tm) =	ssettm $0x1  }
0x91: {  	s17 =	sld [smem:$0x3FFB];
	_ =	sdelay $0x3  }
0x92: {  	_ =	strace s17  }
0x93: {  	s2 =	sld [smem:$0x3FFC];
	_ =	sdelay $0x3  }
0x94: {  	_ =	strace s2  }
0x95: {  	s2 =	sld [smem:$0x3FFD];
	_ =	sdelay $0x3  }
0x96: {  	_ =	strace s2  }
0x97: {  	_ =	strace $0x8FFFFFFF  }
0x98: {  	s18 =	sld [smem:$0x3FDB];
	_ =	sdelay $0x1  }
0x99: {  	s19 =	simm.s32 $_scs_section_size  }
0x9a: {  	s4 =	simm.s32 $_size__tile_overlayer_lowered;
	s5 =	simm.s32 $_tile_overlayer_lowered  }
0x9b: {  	s22 =	simm.s32 $0x1BFF;
	s21 =	sshll.u32 s5, $0x1;
	s2 =	sadd.s32 s19, s18  }
0x9c: {  	s6 =	simm.s32 $0x0;
	s20 =	sshll.u32 s4, $0x1;
	s4 =	sadd.s32 s21, s2  }
0x9d: {  	[timem:s6], [sflag:s22] =	dma.local [hbm:s4], s20  }
0x9e: {  	_ =	swait.ge [sflag:s22], s20  }
0x9f: {  	s3 =	ssub.s32 $0x0, s20;
	[sflag:s22] =	ssyncset.done $0x0  }
0xa0: {  	[sflag:s22] =	ssyncadd.s32 s3;
	_ =	sdelay $0x1  }
0xa1: {  	s23 =	simm.s32 $0x1B8B  }
0xa2: {  	_ =	swait.ge [sflag:s23], $0x1  }
0xa3: {  	[sflag:s23] =	ssyncset.done $0x0  }
0xa4: {  	s25 =	simm.s32 $0x1B8E;
	s24 =	sld [smem:$0x3FFE];
	[sflag:s23] =	ssyncadd.s32 $0xFFFFFFFF  }
0xa5: {  	s26 =	simm.s32 $execute0_lowered;
	[smem:$0x3FD2] =	sst s25  }
0xa6: {  	s4 =	sshll.u32 s26, $0x1;
	_ =	strace $0x8000004F;
	[dreg:$0x1] =	wrdreg $0xFFFFFFFF  }
0xa7: {  	s28 =	simm.s32 $_size_execute0_lowered;
	s2 =	sadd.s32 s2, s4;
	[dreg:$0x0] =	wrdreg $0x0  }
0xa8: {  	s4 =	sshll.u32 s28, $0x1;
	[dreg:$0x2] =	wrdreg s2  }
0xa9: {  	[dreg:$0x3] =	wrdreg s4  }
0xaa: {  	[dreg:$0x4] =	wrdreg $0xC0  }
0xab: {  	_ =	task [dreg:s6], $0x5FFFF  }
0xac: {  	[dreg:$0x1] =	wrdreg $0xFFFFFFFF  }
0xad: {  	[dreg:$0x0] =	wrdreg $0x60  }
0xae: {  	[dreg:$0x2] =	wrdreg s24  }
0xaf: {  	[dreg:$0x3] =	wrdreg $0xA8000  }
0xb0: {  	[dreg:$0x4] =	wrdreg $0x9  }
0xb1: {  	_ =	task.clear_ibuf [dreg:s6], $0x5FFFF;
	_ =	strace $0x9000004F  }
0xb2: {  	s29 =	simm.s32 $0x9;
	_ =	strace $0x80000051  }
0xb3: {  	_ =	swait.ge [sflag:s29], $0x1  }
0xb4: {  	[sflag:s29] =	ssyncadd.s32 $0xFFFFFFFF  }
0xb5: {  	_ =	strace $0x90000051  }
0xb6: {  	_ =	sfence  }
0xb7: {  	s30 =	sld [smem:$0x0];
	_ =	sdelay $0x2  }
0xb8: {  	s31 =	sshll.u32 s1, $0xD;
	s1 =	sshrl.u32 s1, $0x2  }
0xb9: {  	s3 =	sand.u32 $0x4000, s31;
	s1 =	sadd.s32 s1, s30  }
0xba: {  	s0 =	sor.u32 s3, s0;
	s1 =	sshll.u32 s1, $0x11  }
0xbb: {  	s0 =	sor.u32 s1, s0  }
0xbc: {  	s0 =	sadd.s32 $0x8F2B, s0  }
0xbd: {  	[sflag:s0] =	ssyncadd.remote.s32 $0x1  }
0xbe: {  	_ =	sfence.sel $0xFFFF  }
0xbf: {  	[dreg:$0x0] =	wrdreg $0xFFFFFFFF;
	(pc) =	sbr.abs _section_cstart, $3  }
0xc0: {  	[dreg:$0x1] =	wrdreg $0xFFFFFFFF  }
0xc1: {  	_ =	task.clear_ibuf [dreg:s6], $0x2FFFF;
	_ =	strace $0x9FFFFFFF  }
0xc2: {  	(tm) =	ssettm $0x7FFFFFFF  }
0xc3: {  	_ =	shalt  }
tec
execute0_lowered:
.L_overlay_start_1:
0x0: {  	(tag) =	ssettag $0x1  }
0x1: {  	s0 =	rddreg [dreg:$0x0]  }
0x2: {  	s1 =	rddreg [dreg:$0x1]  }
0x3: {  	s2 =	simm.s32 $0x0;
	s5 =	srdreg.scid;
	s13 =	stileid.u32  }
0x4: {  	s28 =	simm.s32 $0x6800;
	s29 =	simm.s32 $0x3;
	s30 =	simm.s32 $0x2  }
0x5: {  	s31 =	simm.s32 $0x4;
	[smem:$0x7FF] =	sst s2;
	s4 =	sadd.s32 $0x18E00, s0  }
0x6: {  	s3 =	sadd.s32 $0xE600, s0;
	s6 =	sadd.s32 $0x4600, s0;
	s9 =	smul.u32 $0x50000, s13  }
0x7: {  	s8 =	sand.u32 $0x1, s5;
	s5 =	sadd.s32 $0x18600, s0;
	s12 =	smul.u32 $0x14000, s13  }
0x8: {  	s0 =	sadd.s32 $0x40E00, s0;
	s22 =	sshll.u32 s13, $0x6;
	_ =	strace $0x80000050  }
0x9: {  	s7 =	ssub.s32 $0x2, s8;
	s11 =	sshll.u32 s8, $0x4;
	s8 =	smul.u32 $0x140000, s8  }
0xa: {  	s10 =	sshrl.u32 s7, $0x1;
	s11 =	sor.u32 s13, s11;
	s21 =	sshrl.u32 s9, $0x2  }
0xb: {  	s23 =	sadd.s32 $0x4000, s12;
	s25 =	sadd.s32 $0x8000, s12;
	s14 =	sadd.s32 $0xC000, s12  }
0xc: {  	s18 =	sadd.s32 $0x10000, s12;
	s10 =	ssub.s32 s7, s10;
	s7 =	sadd.s32 s21, s1  }
0xd: {  	s24 =	sadd.s32 s23, s1;
	s11 =	smul.u32 $0x2800, s11;
	[dreg:$0x3] =	wrdreg s7  }
0xe: {  	s15 =	sadd.s32 s25, s1;
	s26 =	sadd.s32 s14, s1;
	[dreg:$0x4] =	wrdreg s24  }
0xf: {  	s16 =	sadd.s32 s18, s1;
	s20 =	sadd.s32 s12, s8;
	[dreg:$0x5] =	wrdreg s15  }
0x10: {  	s21 =	sadd.s32 s8, s23;
	s23 =	sadd.s32 s8, s25;
	[dreg:$0x6] =	wrdreg s26  }
0x11: {  	s7 =	sor.u32 $0x1C01, s22;
	[dreg:$0x7] =	wrdreg s16;
	s22 =	sshrl.u32 s21, $0x3  }
0x12: {  	s24 =	sadd.s32 s8, s14;
	s8 =	sadd.s32 s8, s18;
	s11 =	sshrl.u32 s11, $0x3  }
0x13: {  	s21 =	smax.u32 s10, $0x1;
	s25 =	sshrl.u32 s24, $0x3;
	s17 =	sadd.s32 s3, s11  }
0x14: {  	s26 =	sshrl.u32 s8, $0x3;
	s19 =	sadd.s32 s6, s11;
	[dreg:$0x8] =	wrdreg s17  }
0x15: {  	s24 =	simm.s32 $0x1400;
	s11 =	sadd.s32 $0x280, s11;
	[dreg:$0x9] =	wrdreg s19  }
0x16: {  	s3 =	sadd.s32 s3, s11;
	s6 =	sadd.s32 s6, s11;
	s17 =	sadd.s32 s0, s22  }
0x17: {  	s19 =	sadd.s32 s0, s25;
	s22 =	simm.s32 $0x1;
	[dreg:$0xa] =	wrdreg s3  }
0x18: {  	s25 =	simm.s32 $0x80;
	[dreg:$0xb] =	wrdreg s6;
	s3 =	sshrl.u32 s20, $0x3  }
0x19: {  	s20 =	sadd.s32 s0, s26;
	s26 =	simm.s32 $0x2800;
	s6 =	simm.s32 $0x0  }
0x1a: {  	s16 =	sadd.s32 s0, s3;
	s3 =	sshrl.u32 s23, $0x3;
	s23 =	simm.s32 $0x5  }
0x1b: {  	s18 =	sadd.s32 s0, s3;
	s0 =	simm.s32 $0x2700;
	s3 =	simm.s32 $0x2780  }
.LBB2_1:
0x1c: {  	s8 =	rddreg [dreg:$0x3]  }
0x1d: {  	s8 =	sshrl.u32 s8, $0x3  }
0x1e: {  	[spmem:s8], [sflag:s7] =	dma.local [hbm:s5], $0x800  }
0x1f: {  	s9 =	rddreg [dreg:$0x4]  }
0x20: {  	s9 =	sshrl.u32 s9, $0x3  }
0x21: {  	[spmem:s9], [sflag:s7] =	dma.local [hbm:s5], $0x800  }
0x22: {  	s10 =	rddreg [dreg:$0x5]  }
0x23: {  	s10 =	sshrl.u32 s10, $0x3  }
0x24: {  	[spmem:s10], [sflag:s7] =	dma.local [hbm:s5], $0x800  }
0x25: {  	s11 =	rddreg [dreg:$0x6]  }
0x26: {  	s11 =	sshrl.u32 s11, $0x3  }
0x27: {  	[spmem:s11], [sflag:s7] =	dma.local [hbm:s5], $0x800  }
0x28: {  	s12 =	rddreg [dreg:$0x7]  }
0x29: {  	s12 =	sshrl.u32 s12, $0x3  }
0x2a: {  	[spmem:s12], [sflag:s7] =	dma.local [hbm:s5], $0x800  }
0x2b: {  	_ =	swait.ge [sflag:s22], $0x800  }
0x2c: {  	[sflag:s22] =	ssyncset.done $0x0  }
0x2d: {  	[sflag:s22] =	ssyncadd.s32 $0xFFFFF800  }
0x2e: {  	_ =	swait.ge [sflag:s22], $0x800  }
0x2f: {  	[sflag:s22] =	ssyncset.done $0x0  }
0x30: {  	[sflag:s22] =	ssyncadd.s32 $0xFFFFF800  }
0x31: {  	_ =	swait.ge [sflag:s22], $0x800  }
0x32: {  	[sflag:s22] =	ssyncset.done $0x0  }
0x33: {  	[sflag:s22] =	ssyncadd.s32 $0xFFFFF800  }
0x34: {  	_ =	swait.ge [sflag:s22], $0x800  }
0x35: {  	[sflag:s22] =	ssyncset.done $0x0  }
0x36: {  	[sflag:s22] =	ssyncadd.s32 $0xFFFFF800  }
0x37: {  	_ =	swait.ge [sflag:s22], $0x800  }
0x38: {  	[sflag:s22] =	ssyncset.done $0x0  }
0x39: {  	[sflag:s22] =	ssyncadd.s32 $0xFFFFF800  }
0x3a: {  	[bflag:$0x0] =	sbarrier.arrive $0xFFFF  }
0x3b: {  	s13 =	rddreg [dreg:$0x8]  }
0x3c: {  	[tilespmem:s2], [sflag:$0x5] =	stream.linear.gather [hbm4b:s13+s2], $0x1400, $0x38;
	[tilespmem:$0x1E800] =	vst v63  }
0x3d: {  	_ =	swait.ge [sflag:s23], $0x1400  }
0x3e: {  	[sflag:s23] =	ssyncset.done $0x0  }
0x3f: {  	s14 =	rddreg [dreg:$0x9];
	[sflag:s23] =	ssyncadd.s32 $0xFFFFEC00  }
0x40: {  	[tilespmem:s24], [sflag:$0x5] =	stream.linear.gather [hbm4b:s14+s2], $0x1400, $0x38;
	[tilespmem:$0x1E800] =	vst v63  }
0x41: {  	_ =	swait.ge [sflag:s23], $0x1400  }
0x42: {  	[sflag:s23] =	ssyncset.done $0x0  }
0x43: {  	[sflag:s23] =	ssyncadd.s32 $0xFFFFEC00  }
0x44: {  	[tilespmem:s26], [sflag:$0x1] =	stream.indirect.gather [hbm4b:s4+s25], $0x80, s2, s25, $0xb8;
	[tilespmem:$0x1E800] =	vst v63  }
0x45: {  	_ = 	snop  }
0x46: {  	[tilespmem:s28], [sflag:$0x2] =	stream.indirect.gather [hbm4b:s4+s25], $0x80, s25, s25, $0xb8;
	[tilespmem:$0x1E800] =	vst v63  }
0x47: {  	_ =	swait.ge [sflag:s22], $0x4000  }
0x48: {  	[sflag:s22] =	ssyncset.done $0x0  }
0x49: {  	s15 =	simm.s32 $0x1400;
	[sflag:s22] =	ssyncadd.s32 $0xFFFFC000  }
0x4a: {  	[spmem:s1] =	stream.indirect.scatter.add.f32 [tilespmem:s26], [sflag:$0x3], $0x80, s15, s25, $0xb8;
	[tilespmem:$0x1E800] =	vst v63  }
0x4b: {  	_ =	swait.ge [sflag:s29], $0x4000  }
0x4c: {  	[sflag:s29] =	ssyncset.done $0x0  }
0x4d: {  	s14 =	simm.s32 $0x100;
	[sflag:s29] =	ssyncadd.s32 $0xFFFFC000  }
0x4e: {  	[tilespmem:s26], [sflag:$0x1] =	stream.indirect.gather [hbm4b:s4+s25], $0x80, s14, s25, $0xb8;
	[tilespmem:$0x1E800] =	vst v63  }
0x4f: {  	_ =	swait.ge [sflag:s30], $0x4000  }
0x50: {  	[sflag:s30] =	ssyncset.done $0x0  }
0x51: {  	s15 =	simm.s32 $0x1480;
	[sflag:s30] =	ssyncadd.s32 $0xFFFFC000  }
0x52: {  	[spmem:s1] =	stream.indirect.scatter.add.f32 [tilespmem:s28], [sflag:$0x4], $0x80, s15, s25, $0xb8;
	[tilespmem:$0x1E800] =	vst v63  }
0x53: {  	_ =	swait.ge [sflag:s31], $0x4000  }
0x54: {  	[sflag:s31] =	ssyncset.done $0x0  }
0x55: {  	s13 =	simm.s32 $0x400;
	s14 =	simm.s32 $0x180;
	[sflag:s31] =	ssyncadd.s32 $0xFFFFC000  }
.LBB2_2:
0x56: {  	[tilespmem:s28], [sflag:$0x2] =	stream.indirect.gather [hbm4b:s4+s25], $0x80, s14, s25, $0xb8;
	[tilespmem:$0x1E800] =	vst v63  }
0x57: {  	s14 =	smov.u32 s13  }
0x58: {  	p0 =	sne.s32 s13, $0x4800;
	s13 =	sadd.s32 $0x400, s13;
	_ =	swait.ge [sflag:s22], $0x4000  }
0x59: {  	s14 =	sshra.s32 s14, $0x2;
	[sflag:s22] =	ssyncset.done $0x0  }
0x5a: {  	s15 =	sadd.s32 $0x1400, s14;
	[sflag:s22] =	ssyncadd.s32 $0xFFFFC000  }
0x5b: {  	[spmem:s1] =	stream.indirect.scatter.add.f32 [tilespmem:s26], [sflag:$0x3], $0x80, s15, s25, $0xb8;
	[tilespmem:$0x1E800] =	vst v63  }
0x5c: {  	_ =	swait.ge [sflag:s29], $0x4000  }
0x5d: {  	[sflag:s29] =	ssyncset.done $0x0  }
0x5e: {  	s15 =	sadd.s32 $0x100, s14;
	[sflag:s29] =	ssyncadd.s32 $0xFFFFC000  }
0x5f: {  	[tilespmem:s26], [sflag:$0x1] =	stream.indirect.gather [hbm4b:s4+s25], $0x80, s15, s25, $0xb8;
	[tilespmem:$0x1E800] =	vst v63  }
0x60: {  	_ =	swait.ge [sflag:s30], $0x4000  }
0x61: {  	[sflag:s30] =	ssyncset.done $0x0  }
.Ltmp0:
0x62: {  	s15 =	sadd.s32 $0x1480, s14;
	[sflag:s30] =	ssyncadd.s32 $0xFFFFC000;
	(pc) =	sbr.rel @p0 .LBB2_2-.Ltmp0, $4  }
0x63: {  	[spmem:s1] =	stream.indirect.scatter.add.f32 [tilespmem:s28], [sflag:$0x4], $0x80, s15, s25, $0xb8;
	[tilespmem:$0x1E800] =	vst v63  }
0x64: {  	_ =	swait.ge [sflag:s31], $0x4000  }
0x65: {  	[sflag:s31] =	ssyncset.done $0x0  }
0x66: {  	s14 =	sadd.s32 $0x180, s14;
	[sflag:s31] =	ssyncadd.s32 $0xFFFFC000  }
0x67: {  	[tilespmem:s28], [sflag:$0x2] =	stream.indirect.gather [hbm4b:s4+s25], $0x80, s14, s25, $0xb8;
	[tilespmem:$0x1E800] =	vst v63  }
0x68: {  	_ =	swait.ge [sflag:s22], $0x4000  }
0x69: {  	[sflag:s22] =	ssyncset.done $0x0  }
0x6a: {  	[sflag:s22] =	ssyncadd.s32 $0xFFFFC000  }
0x6b: {  	[spmem:s1] =	stream.indirect.scatter.add.f32 [tilespmem:s26], [sflag:$0x3], $0x80, s0, s25, $0xb8;
	[tilespmem:$0x1E800] =	vst v63  }
0x6c: {  	_ =	swait.ge [sflag:s29], $0x4000  }
0x6d: {  	[sflag:s29] =	ssyncset.done $0x0  }
0x6e: {  	[sflag:s29] =	ssyncadd.s32 $0xFFFFC000  }
0x6f: {  	_ =	swait.ge [sflag:s30], $0x4000  }
0x70: {  	[sflag:s30] =	ssyncset.done $0x0  }
0x71: {  	[sflag:s30] =	ssyncadd.s32 $0xFFFFC000  }
0x72: {  	[spmem:s1] =	stream.indirect.scatter.add.f32 [tilespmem:s28], [sflag:$0x4], $0x80, s3, s25, $0xb8;
	[tilespmem:$0x1E800] =	vst v63  }
0x73: {  	_ =	swait.ge [sflag:s31], $0x4000  }
0x74: {  	[sflag:s31] =	ssyncset.done $0x0  }
0x75: {  	s13 =	simm.s32 $0x0;
	s15 =	rddreg [dreg:$0xa];
	[sflag:s31] =	ssyncadd.s32 $0xFFFFC000  }
0x76: {  	[tilespmem:s13], [sflag:$0x5] =	stream.linear.gather [hbm4b:s15+s13], $0x1400, $0x38;
	[tilespmem:$0x1E800] =	vst v63  }
0x77: {  	_ =	swait.ge [sflag:s23], $0x1400  }
0x78: {  	[sflag:s23] =	ssyncset.done $0x0  }
0x79: {  	s15 =	rddreg [dreg:$0xb];
	[sflag:s23] =	ssyncadd.s32 $0xFFFFEC00  }
0x7a: {  	[tilespmem:s24], [sflag:$0x5] =	stream.linear.gather [hbm4b:s15+s13], $0x1400, $0x38;
	[tilespmem:$0x1E800] =	vst v63  }
0x7b: {  	_ =	swait.ge [sflag:s23], $0x1400  }
0x7c: {  	[sflag:s23] =	ssyncset.done $0x0  }
0x7d: {  	[sflag:s23] =	ssyncadd.s32 $0xFFFFEC00  }
0x7e: {  	[tilespmem:s26], [sflag:$0x1] =	stream.indirect.gather [hbm4b:s4+s25], $0x80, s13, s25, $0xb8;
	[tilespmem:$0x1E800] =	vst v63  }
0x7f: {  	_ = 	snop  }
0x80: {  	[tilespmem:s28], [sflag:$0x2] =	stream.indirect.gather [hbm4b:s4+s25], $0x80, s25, s25, $0xb8;
	[tilespmem:$0x1E800] =	vst v63  }
0x81: {  	_ =	swait.ge [sflag:s22], $0x4000  }
0x82: {  	[sflag:s22] =	ssyncset.done $0x0  }
0x83: {  	s15 =	simm.s32 $0x1400;
	[sflag:s22] =	ssyncadd.s32 $0xFFFFC000  }
0x84: {  	[spmem:s1] =	stream.indirect.scatter.add.f32 [tilespmem:s26], [sflag:$0x3], $0x80, s15, s25, $0xb8;
	[tilespmem:$0x1E800] =	vst v63  }
0x85: {  	_ =	swait.ge [sflag:s29], $0x4000  }
0x86: {  	[sflag:s29] =	ssyncset.done $0x0  }
0x87: {  	s14 =	simm.s32 $0x100;
	[sflag:s29] =	ssyncadd.s32 $0xFFFFC000  }
0x88: {  	[tilespmem:s26], [sflag:$0x1] =	stream.indirect.gather [hbm4b:s4+s25], $0x80, s14, s25, $0xb8;
	[tilespmem:$0x1E800] =	vst v63  }
0x89: {  	_ =	swait.ge [sflag:s30], $0x4000  }
0x8a: {  	[sflag:s30] =	ssyncset.done $0x0  }
0x8b: {  	s15 =	simm.s32 $0x1480;
	[sflag:s30] =	ssyncadd.s32 $0xFFFFC000  }
0x8c: {  	[spmem:s1] =	stream.indirect.scatter.add.f32 [tilespmem:s28], [sflag:$0x4], $0x80, s15, s25, $0xb8;
	[tilespmem:$0x1E800] =	vst v63  }
0x8d: {  	_ =	swait.ge [sflag:s31], $0x4000  }
0x8e: {  	[sflag:s31] =	ssyncset.done $0x0  }
0x8f: {  	s13 =	simm.s32 $0x400;
	s14 =	simm.s32 $0x180;
	[sflag:s31] =	ssyncadd.s32 $0xFFFFC000  }
.LBB2_4:
0x90: {  	[tilespmem:s28], [sflag:$0x2] =	stream.indirect.gather [hbm4b:s4+s25], $0x80, s14, s25, $0xb8;
	[tilespmem:$0x1E800] =	vst v63  }
0x91: {  	s14 =	smov.u32 s13  }
0x92: {  	p0 =	sne.s32 s13, $0x4800;
	s13 =	sadd.s32 $0x400, s13;
	_ =	swait.ge [sflag:s22], $0x4000  }
0x93: {  	s14 =	sshra.s32 s14, $0x2;
	[sflag:s22] =	ssyncset.done $0x0  }
0x94: {  	s15 =	sadd.s32 $0x1400, s14;
	[sflag:s22] =	ssyncadd.s32 $0xFFFFC000  }
0x95: {  	[spmem:s1] =	stream.indirect.scatter.add.f32 [tilespmem:s26], [sflag:$0x3], $0x80, s15, s25, $0xb8;
	[tilespmem:$0x1E800] =	vst v63  }
0x96: {  	_ =	swait.ge [sflag:s29], $0x4000  }
0x97: {  	[sflag:s29] =	ssyncset.done $0x0  }
0x98: {  	s15 =	sadd.s32 $0x100, s14;
	[sflag:s29] =	ssyncadd.s32 $0xFFFFC000  }
0x99: {  	[tilespmem:s26], [sflag:$0x1] =	stream.indirect.gather [hbm4b:s4+s25], $0x80, s15, s25, $0xb8;
	[tilespmem:$0x1E800] =	vst v63  }
0x9a: {  	_ =	swait.ge [sflag:s30], $0x4000  }
0x9b: {  	[sflag:s30] =	ssyncset.done $0x0  }
.Ltmp1:
0x9c: {  	s15 =	sadd.s32 $0x1480, s14;
	[sflag:s30] =	ssyncadd.s32 $0xFFFFC000;
	(pc) =	sbr.rel @p0 .LBB2_4-.Ltmp1, $4  }
0x9d: {  	[spmem:s1] =	stream.indirect.scatter.add.f32 [tilespmem:s28], [sflag:$0x4], $0x80, s15, s25, $0xb8;
	[tilespmem:$0x1E800] =	vst v63  }
0x9e: {  	_ =	swait.ge [sflag:s31], $0x4000  }
0x9f: {  	[sflag:s31] =	ssyncset.done $0x0  }
0xa0: {  	s14 =	sadd.s32 $0x180, s14;
	[sflag:s31] =	ssyncadd.s32 $0xFFFFC000  }
0xa1: {  	[tilespmem:s28], [sflag:$0x2] =	stream.indirect.gather [hbm4b:s4+s25], $0x80, s14, s25, $0xb8;
	[tilespmem:$0x1E800] =	vst v63  }
0xa2: {  	_ =	swait.ge [sflag:s22], $0x4000  }
0xa3: {  	[sflag:s22] =	ssyncset.done $0x0  }
0xa4: {  	[sflag:s22] =	ssyncadd.s32 $0xFFFFC000  }
0xa5: {  	[spmem:s1] =	stream.indirect.scatter.add.f32 [tilespmem:s26], [sflag:$0x3], $0x80, s0, s25, $0xb8;
	[tilespmem:$0x1E800] =	vst v63  }
0xa6: {  	_ =	swait.ge [sflag:s29], $0x4000  }
0xa7: {  	[sflag:s29] =	ssyncset.done $0x0  }
0xa8: {  	[sflag:s29] =	ssyncadd.s32 $0xFFFFC000  }
0xa9: {  	_ =	swait.ge [sflag:s30], $0x4000  }
0xaa: {  	[sflag:s30] =	ssyncset.done $0x0  }
0xab: {  	[sflag:s30] =	ssyncadd.s32 $0xFFFFC000  }
0xac: {  	[spmem:s1] =	stream.indirect.scatter.add.f32 [tilespmem:s28], [sflag:$0x4], $0x80, s3, s25, $0xb8;
	[tilespmem:$0x1E800] =	vst v63  }
0xad: {  	_ =	swait.ge [sflag:s31], $0x4000  }
0xae: {  	[sflag:s31] =	ssyncset.done $0x0  }
0xaf: {  	[sflag:s31] =	ssyncadd.s32 $0xFFFFC000  }
0xb0: {  	[bflag:$0x0] =	sbarrier.arrive $0xFFFF  }
0xb1: {  	[hbm:s16], [sflag:s7] =	dma.local [spmem:s8], $0x800  }
0xb2: {  	[hbm:s17], [sflag:s7] =	dma.local [spmem:s9], $0x800  }
0xb3: {  	[hbm:s18], [sflag:s7] =	dma.local [spmem:s10], $0x800  }
0xb4: {  	[hbm:s19], [sflag:s7] =	dma.local [spmem:s11], $0x800  }
0xb5: {  	[hbm:s20], [sflag:s7] =	dma.local [spmem:s12], $0x800  }
0xb6: {  	_ =	swait.ge [sflag:s22], $0x800  }
0xb7: {  	[sflag:s22] =	ssyncset.done $0x0  }
0xb8: {  	[sflag:s22] =	ssyncadd.s32 $0xFFFFF800  }
0xb9: {  	_ =	swait.ge [sflag:s22], $0x800  }
0xba: {  	[sflag:s22] =	ssyncset.done $0x0  }
0xbb: {  	[sflag:s22] =	ssyncadd.s32 $0xFFFFF800  }
0xbc: {  	_ =	swait.ge [sflag:s22], $0x800  }
0xbd: {  	[sflag:s22] =	ssyncset.done $0x0  }
0xbe: {  	s6 =	sadd.s32 $0x1, s6;
	[sflag:s22] =	ssyncadd.s32 $0xFFFFF800  }
0xbf: {  	p0 =	sne.s32 s6, s21;
	_ =	swait.ge [sflag:s22], $0x800  }
.Ltmp2:
0xc0: {  	[sflag:s22] =	ssyncset.done $0x0;
	(pc) =	sbr.rel @p0 .LBB2_1-.Ltmp2, $4  }
0xc1: {  	[sflag:s22] =	ssyncadd.s32 $0xFFFFF800  }
0xc2: {  	_ =	swait.ge [sflag:s22], $0x800  }
0xc3: {  	[sflag:s22] =	ssyncset.done $0x0  }
0xc4: {  	[sflag:s22] =	ssyncadd.s32 $0xFFFFF800  }
0xc5: {  	_ =	sfence.sel $0x180000  }
0xc6: {  	[bflag:$0x0] =	sbarrier.arrive $0xFFFF  }
0xc7: {  	_ =	strace $0x90000050  }
0xc8: {  	s0 =	stileid.u32;
	[bflag:$0x2] =	sbarrier.arrive $0xFFFF  }
0xc9: {  	p0 =	sne.s32 s0, $0x0;
	s0 =	rddreg [dreg:$0x2]  }
0xca: {  	s0 =	sadd.s32 @!p0 $0x100000, s0  }
0xcb: {  	[sflag:s0] =	ssyncadd.tile.s32 @!p0 $0x1;
	_ =	shalt  }
.Lfunc_end2:
_tile_overlayer_lowered:
.L_overlay_start_2:
0xcc: {  	(tag) =	ssettag $0x2  }
0xcd: {  	s0 =	rddreg [dreg:$0x0];
	s2 =	stileid.u32  }
0xce: {  	s1 =	rddreg [dreg:$0x1];
	p0 =	sne.s32 s2, $0x0  }
0xcf: {  	s3 =	rddreg [dreg:$0x2];
	[bflag:$0x3] =	sbarrier.arrive $0xFFFF;
	s2 =	simm.s32 @!p0 $0x1C05  }
0xd0: {  	[timem:s3], [sflag:s2] =	dma.local @!p0 [hbm:s0], s1  }
0xd1: {  	s0 =	simm.s32 @!p0 $0x5  }
0xd2: {  	_ =	swait.ge @!p0 [sflag:s0], s1  }
0xd3: {  	s1 =	ssub.s32 @!p0 $0x0, s1;
	[sflag:s0] =	ssyncset.done @!p0 $0x0  }
0xd4: {  	[sflag:s0] =	ssyncadd.s32 @!p0 s1  }
0xd5: {  	[bflag:$0x3] =	sbarrier.arrive $0xFFFF  }
0xd6: {  	_ =	shalt  }

// kernel: kernel.25.cloned.1.call-start
scs
__scs_entry_jumppad:
0x0: {  	(pc) =	sbr.rel $0x88, $3  }
0x1: {  	(tag) =	ssettag $0x0;
	lr =	simm.s32 $0x1  }
0x2: {  	[smem:$0x3F94] =	sst lr;
	_ =	strace $0xD0000000  }
0x3: {  	_ = 	snop  }
0x4: {  	_ = 	snop  }
0x5: {  	_ = 	snop  }
0x6: {  	_ = 	snop  }
0x7: {  	_ = 	snop  }
__scs_overlays_trampoline_lowered:
0x8: {  	[smem:$0x3FA3] =	sst s0  }
0x9: {  	[smem:$0x3FA4] =	sst s1  }
0xa: {  	[smem:$0x3FA5] =	sst s2  }
0xb: {  	[smem:$0x3FA6] =	sst s3  }
0xc: {  	[smem:$0x3FA7] =	sst s4  }
0xd: {  	[smem:$0x3FA8] =	sst s5  }
0xe: {  	[smem:$0x3FA9] =	sst s6  }
0xf: {  	[smem:$0x3FAA] =	sst s7  }
0x10: {  	[smem:$0x3FAB] =	sst s8  }
0x11: {  	[smem:$0x3FAC] =	sst s9;
	s0 =	simm.s32 @!p0 $0x0  }
0x12: {  	s1 =	sld [smem:$0x3F92];
	s0 =	simm.s32 @p0 $0x1  }
0x13: {  	[smem:$0x3FAD] =	sst s0;
	s0 =	simm.s32 @!p1 $0x0  }
0x14: {  	s2 =	sld [smem:$0x3F91];
	s0 =	simm.s32 @p1 $0x1  }
0x15: {  	[smem:$0x3FAE] =	sst s0;
	s0 =	simm.s32 @!p2 $0x0  }
0x16: {  	s3 =	sld [smem:$0x3FDB];
	s0 =	simm.s32 @p2 $0x1  }
0x17: {  	s4 =	simm.s32 $0x1BF5;
	[smem:$0x3FB0] =	sst s0  }
0x18: {  	s0 =	sld [smem:$0x3F93];
	_ =	swait.ge [sflag:s4], $0x0  }
0x19: {  	s7 =	sld [smem:$0x3F94]  }
0x1a: {  	s8 =	sadd.s32 $0xFFFFE003, lr  }
0x1b: {  	s9 =	sadd.s32 $0xFFFFFEF7, lr;
	s5 =	simm.s32 $0xFFFFFFFF;
	p2 =	slt.u32 s8, $0xFFFFF086  }
0x1c: {  	p1 =	slt.u32 s9, $0xF7A;
	s5 =	simm.s32 @!p2 $0x0  }
0x1d: {  	s5 =	simm.s32 @p1 $0x1;
	p0 =	seq.s32 s7, s2  }
0x1e: {  	s7 =	smul.u32 @!p0 $0xF7A, s2;
	p2 =	seq.s32 @!p0 s5, $0x0  }
0x1f: {  	s9 =	smul.u32 $0xF7A, s1;
	s8 =	simm.s32 @!p0 $0x1BF5;
	p2 =	por !p2, p0  }
0x20: {  	[sflag:s8] =	ssyncset.s32 @!p0 $0xFFFFF086;
	s6 =	sadd.s32 @!p0 s3, s7;
	s7 =	simm.s32 @!p0 $0x108  }
0x21: {  	s3 =	sadd.s32 s3, s9;
	s6 =	sadd.s32 @!p0 $0x88, s6;
	s7 =	simm.s32 @p2 $0x1082  }
0x22: {  	[simem:s7], [sflag:s8] =	dma.local @!p0 [hbm:s6], $0xF7A  }
0x23: {  	s9 =	sor.u32 $0xD0000000, s2;
	s6 =	simm.s32 $0x108;
	_ =	swait.ge @!p0 [sflag:s8], $0x0  }
0x24: {  	s3 =	sadd.s32 $0x88, s3;
	s6 =	simm.s32 @!p1 $0x1082;
	[sflag:s4] =	ssyncset.s32 $0xFFFFF086  }
0x25: {  	[simem:s6], [sflag:s4] =	dma.local [hbm:s3], $0xF7A  }
0x26: {  	[smem:$0x3F94] =	sst s1;
	(tag) =	ssettag s2;
	_ =	strace s9  }
0x27: {  	s1 =	sld [smem:$0x3FA4]  }
0x28: {  	s2 =	sld [smem:$0x3FA5]  }
0x29: {  	s4 =	sld [smem:$0x3FA7]  }
0x2a: {  	p0 =	seq.s32 s5, $0x0;
	s5 =	sld [smem:$0x3FA8]  }
0x2b: {  	s6 =	sld [smem:$0x3FA9]  }
0x2c: {  	s7 =	sld [smem:$0x3FAA]  }
0x2d: {  	s3 =	simm.s32 $0x108;
	s8 =	sld [smem:$0x3FAB]  }
0x2e: {  	s3 =	simm.s32 @!p0 $0x1082;
	s9 =	sld [smem:$0x3FAC]  }
0x2f: {  	lr =	sadd.s32 s0, s3;
	s0 =	sld [smem:$0x3FA3]  }
0x30: {  	s3 =	sld [smem:$0x3FA6]  }
0x31: {  	[smem:$0x3FAF] =	sst s10  }
0x32: {  	s10 =	sld [smem:$0x3FAD];
	_ =	sdelay $0x3  }
0x33: {  	p0 =	seq.s32 s10, $0x1;
	s10 =	sld [smem:$0x3FAF];
	_ =	sdelay $0x3  }
0x34: {  	[smem:$0x3FAF] =	sst s10  }
0x35: {  	s10 =	sld [smem:$0x3FAE];
	_ =	sdelay $0x3  }
0x36: {  	p1 =	seq.s32 s10, $0x1;
	s10 =	sld [smem:$0x3FAF];
	_ =	sdelay $0x3  }
0x37: {  	[smem:$0x3FAF] =	sst s10  }
0x38: {  	s10 =	sld [smem:$0x3FB0]  }
0x39: {  	_ = 	snop;
	(pc) =	sbr.ind lr, $3  }
0x3a: {  	_ = 	snop  }
0x3b: {  	_ = 	snop  }
0x3c: {  	p2 =	seq.s32 s10, $0x1;
	s10 =	sld [smem:$0x3FAF]  }
0x3d: {  	_ =	shalt  }
0x3e: {  	_ =	shalt  }
0x3f: {  	_ =	shalt  }
0x40: {  	_ =	shalt  }
0x41: {  	_ =	shalt  }
0x42: {  	_ =	shalt  }
0x43: {  	_ =	shalt  }
0x44: {  	_ =	shalt  }
0x45: {  	_ =	shalt  }
0x46: {  	_ =	shalt  }
0x47: {  	_ =	shalt  }
0x48: {  	_ =	shalt  }
0x49: {  	_ =	shalt  }
0x4a: {  	_ =	shalt  }
0x4b: {  	_ =	shalt  }
0x4c: {  	_ =	shalt  }
0x4d: {  	_ =	shalt  }
0x4e: {  	_ =	shalt  }
0x4f: {  	_ =	shalt  }
0x50: {  	_ =	shalt  }
0x51: {  	_ =	shalt  }
0x52: {  	_ =	shalt  }
0x53: {  	_ =	shalt  }
0x54: {  	_ =	shalt  }
0x55: {  	_ =	shalt  }
0x56: {  	_ =	shalt  }
0x57: {  	_ =	shalt  }
0x58: {  	_ =	shalt  }
0x59: {  	_ =	shalt  }
0x5a: {  	_ =	shalt  }
0x5b: {  	_ =	shalt  }
0x5c: {  	_ =	shalt  }
0x5d: {  	_ =	shalt  }
0x5e: {  	_ =	shalt  }
0x5f: {  	_ =	shalt  }
0x60: {  	_ =	shalt  }
0x61: {  	_ =	shalt  }
0x62: {  	_ =	shalt  }
0x63: {  	_ =	shalt  }
0x64: {  	_ =	shalt  }
0x65: {  	_ =	shalt  }
0x66: {  	_ =	shalt  }
0x67: {  	_ =	shalt  }
0x68: {  	_ =	shalt  }
0x69: {  	_ =	shalt  }
0x6a: {  	_ =	shalt  }
0x6b: {  	_ =	shalt  }
0x6c: {  	_ =	shalt  }
0x6d: {  	_ =	shalt  }
0x6e: {  	_ =	shalt  }
0x6f: {  	_ =	shalt  }
0x70: {  	_ =	shalt  }
0x71: {  	_ =	shalt  }
0x72: {  	_ =	shalt  }
0x73: {  	_ =	shalt  }
0x74: {  	_ =	shalt  }
0x75: {  	_ =	shalt  }
0x76: {  	_ =	shalt  }
0x77: {  	_ =	shalt  }
0x78: {  	_ =	shalt  }
0x79: {  	_ =	shalt  }
0x7a: {  	_ =	shalt  }
0x7b: {  	_ =	shalt  }
0x7c: {  	_ =	shalt  }
0x7d: {  	_ =	shalt  }
0x7e: {  	_ =	shalt  }
0x7f: {  	_ =	shalt  }
0x80: {  	_ =	shalt  }
0x81: {  	_ =	shalt  }
0x82: {  	_ =	shalt  }
0x83: {  	_ =	shalt  }
0x84: {  	_ =	shalt  }
0x85: {  	_ =	shalt  }
0x86: {  	_ =	shalt  }
0x87: {  	_ =	shalt  }
.Lfunc_end0:
.L_simem_size_0:
called_computation.4_lowered:
.L_overlay_start_0:
0x88: {  	s2 =	sld [smem:$0x3FD9]  }
0x89: {  	s3 =	sld [smem:$0x3FFE];
	_ =	sdelay $0x1  }
0x8a: {  	s1 =	srdreg.scid  }
0x8b: {  	s0 =	sand.u32 $0x1, s1  }
0x8c: {  	s17 =	sshll.u32 s0, $0xA;
	s2 =	sadd.s32 s3, s2  }
0x8d: {  	s2 =	sadd.s32 s2, s17  }
0x8e: {  	[smem:$0x3FBB] =	sst s2  }
0x8f: {  	_ = 	snop  }
0x90: {  	s2 =	sld [smem:$0x3FD0];
	(tm) =	ssettm $0x1  }
0x91: {  	s18 =	sld [smem:$0x3FFB];
	_ =	sdelay $0x3  }
0x92: {  	_ =	strace s18  }
0x93: {  	s3 =	sld [smem:$0x3FFC];
	_ =	sdelay $0x3  }
0x94: {  	_ =	strace s3  }
0x95: {  	s3 =	sld [smem:$0x3FFD];
	_ =	sdelay $0x3  }
0x96: {  	_ =	strace s3  }
0x97: {  	_ =	strace $0x8FFFFFFF  }
0x98: {  	s19 =	sld [smem:$0x3FDB];
	_ =	sdelay $0x1  }
0x99: {  	s4 =	simm.s32 $_scs_section_size  }
0x9a: {  	s5 =	simm.s32 $_size__tile_overlayer_lowered;
	s6 =	simm.s32 $_tile_overlayer_lowered  }
0x9b: {  	s22 =	simm.s32 $0x1BFF;
	s21 =	sshll.u32 s6, $0x1;
	s3 =	sadd.s32 s4, s19  }
0x9c: {  	s7 =	simm.s32 $0x0;
	s20 =	sshll.u32 s5, $0x1;
	s5 =	sadd.s32 s21, s3  }
0x9d: {  	[timem:s7], [sflag:s22] =	dma.local [hbm:s5], s20  }
0x9e: {  	_ =	swait.ge [sflag:s22], s20  }
0x9f: {  	s4 =	ssub.s32 $0x0, s20;
	[sflag:s22] =	ssyncset.done $0x0  }
0xa0: {  	[sflag:s22] =	ssyncadd.s32 s4;
	_ =	sdelay $0x1  }
0xa1: {  	s23 =	simm.s32 $0x1B8B  }
0xa2: {  	_ =	swait.ge [sflag:s23], $0x1  }
0xa3: {  	[sflag:s23] =	ssyncset.done $0x0  }
0xa4: {  	s25 =	simm.s32 $0x1B8E;
	s24 =	sld [smem:$0x3FFE];
	[sflag:s23] =	ssyncadd.s32 $0xFFFFFFFF  }
0xa5: {  	s26 =	simm.s32 $execute0_lowered;
	[smem:$0x3FD2] =	sst s25  }
0xa6: {  	s5 =	sshll.u32 s26, $0x1;
	_ =	strace $0x80000052;
	[dreg:$0x1] =	wrdreg $0xFFFFFFFF  }
0xa7: {  	s28 =	simm.s32 $_size_execute0_lowered;
	s3 =	sadd.s32 s3, s5;
	[dreg:$0x0] =	wrdreg $0x0  }
0xa8: {  	s5 =	sshll.u32 s28, $0x1;
	[dreg:$0x2] =	wrdreg s3  }
0xa9: {  	[dreg:$0x3] =	wrdreg s5  }
0xaa: {  	[dreg:$0x4] =	wrdreg $0xC0  }
0xab: {  	_ =	task [dreg:s7], $0x5FFFF  }
0xac: {  	[dreg:$0x1] =	wrdreg $0xFFFFFFFF  }
0xad: {  	[dreg:$0x0] =	wrdreg $0x60  }
0xae: {  	[dreg:$0x2] =	wrdreg s24  }
0xaf: {  	[dreg:$0x3] =	wrdreg s2  }
0xb0: {  	[dreg:$0x4] =	wrdreg $0x82000  }
0xb1: {  	[dreg:$0x5] =	wrdreg $0x8A400  }
0xb2: {  	[dreg:$0x6] =	wrdreg $0x9  }
0xb3: {  	_ =	task.clear_ibuf [dreg:s7], $0x7FFFF;
	_ =	strace $0x90000052  }
0xb4: {  	s29 =	simm.s32 $0x9;
	_ =	strace $0x80000054  }
0xb5: {  	_ =	swait.ge [sflag:s29], $0x1  }
0xb6: {  	[sflag:s29] =	ssyncadd.s32 $0xFFFFFFFF  }
0xb7: {  	_ =	strace $0x90000054  }
0xb8: {  	_ =	sfence  }
0xb9: {  	s30 =	sld [smem:$0x0];
	_ =	sdelay $0x2  }
0xba: {  	s31 =	sshll.u32 s1, $0xD;
	s1 =	sshrl.u32 s1, $0x2  }
0xbb: {  	s3 =	sand.u32 $0x4000, s31;
	s1 =	sadd.s32 s1, s30  }
0xbc: {  	s0 =	sor.u32 s3, s0;
	s1 =	sshll.u32 s1, $0x11  }
0xbd: {  	s0 =	sor.u32 s1, s0  }
0xbe: {  	s0 =	sadd.s32 $0x8F2B, s0  }
0xbf: {  	[sflag:s0] =	ssyncadd.remote.s32 $0x1  }
0xc0: {  	_ =	sfence.sel $0xFFFF  }
0xc1: {  	[dreg:$0x0] =	wrdreg $0xFFFFFFFF;
	(pc) =	sbr.abs _section_cstart, $3  }
0xc2: {  	[dreg:$0x1] =	wrdreg $0xFFFFFFFF  }
0xc3: {  	_ =	task.clear_ibuf [dreg:s7], $0x2FFFF;
	_ =	strace $0x9FFFFFFF  }
0xc4: {  	(tm) =	ssettm $0x7FFFFFFF  }
0xc5: {  	_ =	shalt  }
tec
execute0_lowered:
.L_overlay_start_1:
0x0: {  	(tag) =	ssettag $0x1  }
0x1: {  	s5 =	rddreg [dreg:$0x0]  }
0x2: {  	s1 =	rddreg [dreg:$0x1]  }
0x3: {  	s2 =	rddreg [dreg:$0x2]  }
0x4: {  	s3 =	rddreg [dreg:$0x3]  }
0x5: {  	s0 =	rddreg [dreg:$0x4]  }
0x6: {  	s4 =	simm.s32 $0x0;
	s6 =	srdreg.scid;
	s18 =	simm.s32 $0x1  }
0x7: {  	s22 =	simm.s32 $0x200;
	s23 =	simm.s32 $0x80;
	[smem:$0x7FF] =	sst s4  }
0x8: {  	s21 =	sand.u32 $0x1, s6;
	s12 =	sadd.s32 $0x18E00, s5;
	s11 =	sadd.s32 $0x90E00, s5  }
0x9: {  	s6 =	sadd.s32 $0x18600, s5;
	s19 =	sadd.s32 $0x4000, s3;
	s20 =	sadd.s32 $0x8000, s3  }
0xa: {  	s24 =	sadd.s32 $0x4000, s2;
	_ =	strace $0x80000053;
	s7 =	sshll.u32 s21, $0xC  }
0xb: {  	s25 =	ssub.s32 $0x2, s21;
	s9 =	sshll.u32 s21, $0x4;
	s19 =	sshrl.u32 s19, $0x3  }
0xc: {  	s20 =	sshrl.u32 s20, $0x3;
	p2 =	sne.s32 s21, $0x0;
	s21 =	simm.s32 $0x4200  }
0xd: {  	s14 =	sadd.s32 s7, s5;
	s5 =	stileid.u32;
	s8 =	sshrl.u32 s25, $0x1  }
0xe: {  	s24 =	sshrl.u32 s24, $0x3;
	s15 =	ssub.s32 s25, s8;
	s26 =	sor.u32 s5, s9  }
0xf: {  	p0 =	sne.s32 s5, $0x0;
	s29 =	sshll.u32 s5, $0x7;
	s25 =	sadd.s32 $0x8000, s2  }
0x10: {  	p1 =	seq.s32 s5, $0x1;
	s28 =	sshll.u32 s26, $0x7;
	s10 =	sand.u32 $0x380, s29  }
0x11: {  	s13 =	sor.u32 $0x20, s26;
	s16 =	sor.u32 $0x40, s26;
	s8 =	sshll.u32 s26, $0xB  }
0x12: {  	s15 =	smax.u32 s15, $0x1;
	s25 =	sshrl.u32 s25, $0x3;
	s26 =	simm.s32 $0x1C01  }
0x13: {  	s7 =	sand.u32 $0xC00, s28;
	s30 =	sshll.u32 s13, $0x7;
	s17 =	sshll.u32 s16, $0x7  }
0x14: {  	s8 =	sadd.s32 s12, s8;
	s13 =	sshll.u32 s13, $0xB;
	s16 =	sshll.u32 s16, $0xB  }
0x15: {  	s7 =	sor.u32 s10, s7;
	s9 =	sand.u32 $0x1C00, s30;
	s17 =	sand.u32 $0x2400, s17  }
.Ltmp0:
0x16: {  	s7 =	sshrl.u32 s7, $0x3;
	s9 =	sor.u32 s10, s9;
	(pc) =	sbr.rel .LBB2_1-.Ltmp0, $4  }
0x17: {  	s17 =	sor.u32 s10, s17;
	s10 =	sadd.s32 s12, s13;
	s12 =	sadd.s32 s12, s16  }
0x18: {  	s13 =	sadd.s32 $0x4600, s14;
	s14 =	sadd.s32 $0x6600, s14;
	s16 =	sshrl.u32 s3, $0x3  }
0x19: {  	s7 =	sadd.s32 s11, s7;
	s9 =	sshrl.u32 s9, $0x3;
	s31 =	sshrl.u32 s17, $0x3  }
0x1a: {  	s17 =	simm.s32 $0x1C41;
	s9 =	sadd.s32 s11, s9;
	s11 =	sadd.s32 s11, s31  }
.LBB2_4:
0x1b: {  	[spmem:s16], [sflag:s17] =	dma.local [hbm:s6], $0x800  }
0x1c: {  	_ =	swait.ge [sflag:s18], $0x800  }
0x1d: {  	[sflag:s18] =	ssyncset.done $0x0  }
0x1e: {  	[sflag:s18] =	ssyncadd.s32 $0xFFFFF800  }
0x1f: {  	[spmem:s19], [sflag:s17] =	dma.local [hbm:s6], $0x800  }
0x20: {  	_ =	swait.ge [sflag:s18], $0x800  }
0x21: {  	[sflag:s18] =	ssyncset.done $0x0  }
0x22: {  	[sflag:s18] =	ssyncadd.s32 $0xFFFFF800  }
0x23: {  	[spmem:s20], [sflag:s17] =	dma.local [hbm:s6], $0x80  }
.LBB2_5:
0x24: {  	_ =	swait.ge [sflag:s18], $0x80  }
0x25: {  	[sflag:s18] =	ssyncset.done $0x0  }
0x26: {  	p3 =	por p0, p0;
	[sflag:s18] =	ssyncadd.s32 $0xFFFFFF80  }
.LBB2_6:
0x27: {  	[tilespmem:s21], [sflag:$0x1] =	stream.linear.gather [hbm4b:s1+s4], $0x4000, $0x38;
	[tilespmem:$0x9280] =	vst v63  }
0x28: {  	_ =	swait.ge [sflag:s18], $0x4000  }
0x29: {  	[sflag:s18] =	ssyncset.done $0x0  }
0x2a: {  	[sflag:s18] =	ssyncadd.s32 $0xFFFFC000  }
0x2b: {  	[bflag:$0x0] =	sbarrier.arrive $0xFFFF  }
0x2c: {  	[tilespmem:s4], [sflag:$0x1] =	stream.linear.gather [hbm4b:s7+s4], $0x80, $0x38;
	[tilespmem:$0x9280] =	vst v63  }
0x2d: {  	_ =	swait.ge [sflag:s18], $0x80  }
0x2e: {  	[sflag:s18] =	ssyncset.done $0x0  }
0x2f: {  	[sflag:s18] =	ssyncadd.s32 $0xFFFFFF80  }
0x30: {  	[tilespmem:s22], [sflag:$0x1] =	stream.linear.gather [hbm4b:s8+s4], $0x4000, $0x38;
	[tilespmem:$0x9280] =	vst v63  }
0x31: {  	_ =	swait.ge [sflag:s18], $0x4000  }
0x32: {  	[sflag:s18] =	ssyncset.done $0x0  }
0x33: {  	[sflag:s18] =	ssyncadd.s32 $0xFFFFC000  }
0x34: {  	[spmem:s2] =	stream.indirect.scatter.add.f32 [tilespmem:s22], [sflag:$0x1], $0x80, s4, s23, $0xb8;
	[tilespmem:$0x9280] =	vst v63  }
0x35: {  	_ =	swait.ge [sflag:s18], $0x4000  }
0x36: {  	[sflag:s18] =	ssyncset.done $0x0  }
0x37: {  	[sflag:s18] =	ssyncadd.s32 $0xFFFFC000  }
0x38: {  	[spmem:s3] =	stream.indirect.scatter.add.f32 [tilespmem:s21], [sflag:$0x1], $0x80, s4, s23, $0xb8;
	[tilespmem:$0x9280] =	vst v63  }
0x39: {  	_ =	swait.ge [sflag:s18], $0x4000  }
0x3a: {  	[sflag:s18] =	ssyncset.done $0x0  }
0x3b: {  	[sflag:s18] =	ssyncadd.s32 $0xFFFFC000  }
0x3c: {  	[tilespmem:s23], [sflag:$0x1] =	stream.linear.gather [hbm4b:s9+s4], $0x80, $0x38;
	[tilespmem:$0x9280] =	vst v63  }
0x3d: {  	_ =	swait.ge [sflag:s18], $0x80  }
0x3e: {  	[sflag:s18] =	ssyncset.done $0x0  }
0x3f: {  	[sflag:s18] =	ssyncadd.s32 $0xFFFFFF80  }
0x40: {  	[tilespmem:s22], [sflag:$0x1] =	stream.linear.gather [hbm4b:s10+s4], $0x4000, $0x38;
	[tilespmem:$0x9280] =	vst v63  }
0x41: {  	_ =	swait.ge [sflag:s18], $0x4000  }
0x42: {  	[sflag:s18] =	ssyncset.done $0x0  }
0x43: {  	[sflag:s18] =	ssyncadd.s32 $0xFFFFC000  }
0x44: {  	[spmem:s2] =	stream.indirect.scatter.add.f32 [tilespmem:s22], [sflag:$0x1], $0x80, s23, s23, $0xb8;
	[tilespmem:$0x9280] =	vst v63  }
0x45: {  	_ =	swait.ge [sflag:s18], $0x4000  }
0x46: {  	[sflag:s18] =	ssyncset.done $0x0  }
0x47: {  	[sflag:s18] =	ssyncadd.s32 $0xFFFFC000  }
0x48: {  	[spmem:s3] =	stream.indirect.scatter.add.f32 [tilespmem:s21], [sflag:$0x1], $0x80, s23, s23, $0xb8;
	[tilespmem:$0x9280] =	vst v63  }
0x49: {  	_ =	swait.ge [sflag:s18], $0x4000  }
0x4a: {  	s28 =	simm.s32 @!p2 $0x0;
	[sflag:s18] =	ssyncset.done $0x0  }
0x4b: {  	s29 =	simm.s32 @!p2 $0x100;
	s30 =	simm.s32 @!p2 $0x1;
	[sflag:s18] =	ssyncadd.s32 $0xFFFFC000  }
0x4c: {  	[tilespmem:s29], [sflag:$0x1] =	stream.linear.gather @!p2 [hbm4b:s11+s28], $0x80, $0x38;
	[tilespmem:$0x9280] =	vst v63  }
0x4d: {  	_ =	swait.ge @!p2 [sflag:s30], $0x80  }
0x4e: {  	[sflag:s30] =	ssyncset.done @!p2 $0x0  }
0x4f: {  	s31 =	simm.s32 @!p2 $0x200;
	[sflag:s30] =	ssyncadd.s32 @!p2 $0xFFFFFF80  }
0x50: {  	[tilespmem:s31], [sflag:$0x1] =	stream.linear.gather @!p2 [hbm4b:s12+s28], $0x4000, $0x38;
	[tilespmem:$0x9280] =	vst v63  }
0x51: {  	_ =	swait.ge @!p2 [sflag:s30], $0x4000  }
0x52: {  	[sflag:s30] =	ssyncset.done @!p2 $0x0  }
0x53: {  	s28 =	simm.s32 @!p2 $0x80;
	[sflag:s30] =	ssyncadd.s32 @!p2 $0xFFFFC000  }
0x54: {  	[spmem:s2] =	stream.indirect.scatter.add.f32 @!p2 [tilespmem:s31], [sflag:$0x1], $0x80, s29, s28, $0xb8;
	[tilespmem:$0x9280] =	vst v63  }
0x55: {  	_ =	swait.ge @!p2 [sflag:s30], $0x4000  }
0x56: {  	[sflag:s30] =	ssyncset.done @!p2 $0x0  }
0x57: {  	s31 =	simm.s32 @!p2 $0x4200;
	[sflag:s30] =	ssyncadd.s32 @!p2 $0xFFFFC000  }
0x58: {  	[spmem:s3] =	stream.indirect.scatter.add.f32 @!p2 [tilespmem:s31], [sflag:$0x1], $0x80, s29, s28, $0xb8;
	[tilespmem:$0x9280] =	vst v63  }
0x59: {  	_ =	swait.ge @!p2 [sflag:s30], $0x4000  }
0x5a: {  	[sflag:s30] =	ssyncset.done @!p2 $0x0  }
0x5b: {  	[sflag:s30] =	ssyncadd.s32 @!p2 $0xFFFFC000  }
0x5c: {  	s28 =	sshrl.u32 @!p0 s2, $0x3;
	s29 =	simm.s32 @!p0 $0x1C01;
	[bflag:$0x0] =	sbarrier.arrive $0xFFFF  }
0x5d: {  	[hbm:s13], [sflag:s29] =	dma.local @!p0 [spmem:s28], $0x1000  }
0x5e: {  	s28 =	simm.s32 @!p0 $0x1  }
0x5f: {  	s15 =	sadd.s32 $0xFFFFFFFF, s15;
	_ =	swait.ge @!p0 [sflag:s28], $0x1000  }
0x60: {  	p4 =	sne.s32 s15, $0x0;
	s29 =	sshll.u32 @p3 s5, $0x6;
	[sflag:s28] =	ssyncset.done @!p0 $0x0  }
0x61: {  	[sflag:s28] =	ssyncadd.s32 @!p0 $0xFFFFF000;
	s28 =	sor.u32 @p3 $0x1C01, s29;
	s29 =	sshrl.u32 @p3 s3, $0x3  }
0x62: {  	[hbm:s14], [sflag:s28] =	dma.local @p3 [spmem:s29], $0x1000  }
.Ltmp1:
0x63: {  	_ = 	snop;
	(pc) =	sbr.rel @!p4 .LBB2_7-.Ltmp1, $4  }
0x64: {  	s28 =	simm.s32 @p3 $0x1  }
0x65: {  	_ =	swait.ge @p3 [sflag:s28], $0x1000  }
0x66: {  	[sflag:s28] =	ssyncset.done @p3 $0x0  }
0x67: {  	[sflag:s28] =	ssyncadd.s32 @p3 $0xFFFFF000  }
.LBB2_1:
.Ltmp2:
0x68: {  	(pc) =	sbr.rel @p1 .LBB2_4-.Ltmp2, $1  }
0x69: {  	_ =	sdelay $0x3  }
.Ltmp3:
0x6a: {  	(pc) =	sbr.rel @p0 .LBB2_6-.Ltmp3, $2  }
0x6b: {  	_ =	sdelay $0x2  }
0x6c: {  	p3 =	por $0x0, $0x0  }
0x6d: {  	s28 =	sshrl.u32 s2, $0x3  }
0x6e: {  	[spmem:s28], [sflag:s26] =	dma.local [hbm:s6], $0x800  }
0x6f: {  	_ =	swait.ge [sflag:s18], $0x800  }
0x70: {  	[sflag:s18] =	ssyncset.done $0x0  }
0x71: {  	[sflag:s18] =	ssyncadd.s32 $0xFFFFF800  }
0x72: {  	[spmem:s24], [sflag:s26] =	dma.local [hbm:s6], $0x800  }
.Ltmp4:
0x73: {  	_ = 	snop;
	(pc) =	sbr.rel .LBB2_5-.Ltmp4, $4  }
0x74: {  	_ =	swait.ge [sflag:s18], $0x800  }
0x75: {  	[sflag:s18] =	ssyncset.done $0x0  }
0x76: {  	[sflag:s18] =	ssyncadd.s32 $0xFFFFF800  }
0x77: {  	[spmem:s25], [sflag:s26] =	dma.local [hbm:s6], $0x80  }
.LBB2_7:
0x78: {  	_ =	sfence.sel $0x180000  }
0x79: {  	[bflag:$0x0] =	sbarrier.arrive $0xFFFF  }
0x7a: {  	p0 =	sne.s32 s5, $0x0;
	_ =	strace $0x90000053  }
0x7b: {  	s0 =	sadd.s32 @!p0 $0x100000, s0;
	[bflag:$0x2] =	sbarrier.arrive $0xFFFF  }
0x7c: {  	[sflag:s0] =	ssyncadd.tile.s32 @!p0 $0x1;
	_ =	shalt  }
.Lfunc_end2:
_tile_overlayer_lowered:
.L_overlay_start_2:
0x7d: {  	(tag) =	ssettag $0x2  }
0x7e: {  	s0 =	rddreg [dreg:$0x0];
	s2 =	stileid.u32  }
0x7f: {  	s1 =	rddreg [dreg:$0x1];
	p0 =	sne.s32 s2, $0x0  }
0x80: {  	s3 =	rddreg [dreg:$0x2];
	[bflag:$0x3] =	sbarrier.arrive $0xFFFF;
	s2 =	simm.s32 @!p0 $0x1C01  }
0x81: {  	[timem:s3], [sflag:s2] =	dma.local @!p0 [hbm:s0], s1  }
0x82: {  	s0 =	simm.s32 @!p0 $0x1  }
0x83: {  	_ =	swait.ge @!p0 [sflag:s0], s1  }
0x84: {  	s1 =	ssub.s32 @!p0 $0x0, s1;
	[sflag:s0] =	ssyncset.done @!p0 $0x0  }
0x85: {  	[sflag:s0] =	ssyncadd.s32 @!p0 s1  }
0x86: {  	[bflag:$0x3] =	sbarrier.arrive $0xFFFF  }
0x87: {  	_ =	shalt  }

</sc_bundles>
